<compile_context>
chip_gen: v7x
topology: tpu7x:2x2x1
jax: 0.10.2.dev20260603
libtpu: 0.0.44.dev20260713+nightly
codegen_flags: <defaults>
</compile_context>

<pallas_src>
import functools

import jax
import jax.numpy as jnp
from jax import lax
from jax.experimental import pallas as pl
from jax.experimental.pallas import tpu as pltpu
from jax.experimental.pallas import tpu_sc as plsc

N = 10000
E = 320000
D = 128
NG = 16

NC = 2
NS = 16
NW = NC * NS

NPAD = 10240
ROWS_PT = NPAD // NS

B = 64
NBUF = 4
NCHUNK = 160
EPW = NCHUNK * B
EPAD = EPW * NW
NGROUP = NCHUNK // NBUF
CW = 128
BD = 128
NCHUNK_D = EPW // BD
DEG_WIN = 8

_mesh = plsc.VectorSubcoreMesh(core_axis_name="c", subcore_axis_name="s")



@functools.partial(
    pl.kernel,
    out_type=jax.ShapeDtypeStruct((NC, NPAD, CW), jnp.float32),
    mesh=_mesh,
    scratch_types=[
        pltpu.VMEM((NCHUNK_D, BD), jnp.int32),
        pltpu.VMEM((BD, CW), jnp.float32),
        pltpu.VMEM_SHARED((NPAD, CW), jnp.float32),
        pltpu.SemaphoreType.DMA,
    ],
)
def _deg_kernel(col_hbm, ones_hbm, zeros_hbm, out_hbm, coli_v, ones_v, cnt_sh, sem):
    c = lax.axis_index("c")
    s = lax.axis_index("s")
    wid = c * NS + s
    r0 = s * ROWS_PT
    pltpu.sync_copy(zeros_hbm.at[pl.ds(r0, ROWS_PT)], cnt_sh.at[pl.ds(r0, ROWS_PT)])
    pltpu.sync_copy(col_hbm.at[wid], coli_v)
    pltpu.sync_copy(ones_hbm, ones_v)
    plsc.subcore_barrier()

    def fire(j):
        pltpu.async_copy(ones_v, cnt_sh.at[coli_v.at[j]], sem, add=True)

    def drain_one():
        pltpu.make_async_copy(ones_v, cnt_sh.at[coli_v.at[0]], sem).wait()

    for j in range(DEG_WIN):
        fire(j)

    def body(j, carry):
        drain_one()
        fire(j)
        return carry

    lax.fori_loop(DEG_WIN, NCHUNK_D, body, 0)
    for _ in range(DEG_WIN):
        drain_one()
    plsc.subcore_barrier()
    pltpu.sync_copy(cnt_sh.at[pl.ds(r0, ROWS_PT)], out_hbm.at[c, pl.ds(r0, ROWS_PT)])


@functools.partial(
    pl.kernel,
    out_type=jax.ShapeDtypeStruct((NC, NPAD, D), jnp.float32),
    mesh=_mesh,
    scratch_types=[
        pltpu.VMEM((2, NBUF, B), jnp.int32),
        pltpu.VMEM((2, NBUF, B), jnp.int32),
        pltpu.VMEM((NBUF, B, D), jnp.float32),
        pltpu.VMEM_SHARED((NPAD, D), jnp.float32),
        pltpu.SemaphoreType.DMA((NBUF,)),
        pltpu.SemaphoreType.DMA((NBUF,)),
        pltpu.SemaphoreType.DMA,
    ],
)
def _agg_kernel(y_hbm, row_hbm, col_hbm, zeros_hbm, out_hbm,
                rowi_v, coli_v, bufs_v, acc_sh, gsem, ssem, isem):
    c = lax.axis_index("c")
    s = lax.axis_index("s")
    wid = c * NS + s
    r0 = s * ROWS_PT

    def idx_load(g_src, p, sync=False):
        if sync:
            pltpu.sync_copy(row_hbm.at[wid, g_src], rowi_v.at[p])
            pltpu.sync_copy(col_hbm.at[wid, g_src], coli_v.at[p])
        else:
            pltpu.async_copy(row_hbm.at[wid, g_src], rowi_v.at[p], isem)
            pltpu.async_copy(col_hbm.at[wid, g_src], coli_v.at[p], isem)

    def idx_wait():
        pltpu.make_async_copy(row_hbm.at[wid, 0], rowi_v.at[0], isem).wait()
        pltpu.make_async_copy(col_hbm.at[wid, 0], coli_v.at[0], isem).wait()

    def gather_start(p, b):
        pltpu.async_copy(y_hbm.at[rowi_v.at[p, b]], bufs_v.at[b], gsem.at[b])

    def gather_wait(b):
        pltpu.make_async_copy(y_hbm.at[rowi_v.at[0, 0]], bufs_v.at[b],
                              gsem.at[b]).wait()

    def scatter_start(p, b):
        pltpu.async_copy(bufs_v.at[b], acc_sh.at[coli_v.at[p, b]], ssem.at[b],
                         add=True)

    def scatter_wait(b):
        pltpu.make_async_copy(bufs_v.at[b], acc_sh.at[coli_v.at[0, 0]],
                              ssem.at[b]).wait()

    idx_load(0, 0, sync=True)
    for b in range(NBUF):
        gather_start(0, b)
    idx_load(1, 1)
    pltpu.sync_copy(zeros_hbm.at[pl.ds(r0, ROWS_PT)], acc_sh.at[pl.ds(r0, ROWS_PT)])
    plsc.subcore_barrier()

    def group(g, carry):
        p = lax.rem(g, 2)
        for b in range(NBUF):
            gather_wait(b)
            scatter_start(p, b)
        idx_wait()
        for b in range(NBUF):
            scatter_wait(b)
            gather_start(1 - p, b)
        idx_load(jnp.minimum(g + 2, NGROUP - 1), p)
        return carry

    lax.fori_loop(0, NGROUP - 1, group, 0)
    plast = (NGROUP - 1) % 2
    for b in range(NBUF):
        gather_wait(b)
        scatter_start(plast, b)
    idx_wait()
    for b in range(NBUF):
        scatter_wait(b)
    plsc.subcore_barrier()
    pltpu.sync_copy(acc_sh.at[pl.ds(r0, ROWS_PT)], out_hbm.at[c, pl.ds(r0, ROWS_PT)])



GRID = 8
RB = NPAD // GRID


def _dis_from_cnt(cnt_t_ref):
    deg = cnt_t_ref[:, 0:1] + cnt_t_ref[:, 1:2] + 1.0
    return lax.rsqrt(deg)


def _row_spec(minor=D):
    return pl.BlockSpec((RB, minor), lambda i: (i, 0))


def _full_spec(shape):
    nd = len(shape)
    return pl.BlockSpec(shape, lambda i, _n=nd: (0,) * _n)


def _tc_xw_body(x_ref, w1_ref, xw_ref):
    xw_ref[...] = jnp.dot(x_ref[...], w1_ref[...],
                          preferred_element_type=jnp.float32)


_tc_xw = pl.pallas_call(
    _tc_xw_body,
    grid=(GRID,),
    in_specs=[_row_spec(), _full_spec((D, D))],
    out_specs=_row_spec(),
    out_shape=jax.ShapeDtypeStruct((NPAD, D), jnp.float32),
)


def _tc_scale_body(cnt_t_ref, xw_ref, y_ref):
    y_ref[...] = xw_ref[...] * _dis_from_cnt(cnt_t_ref)


_tc_scale = pl.pallas_call(
    _tc_scale_body,
    grid=(GRID,),
    in_specs=[_row_spec(2), _row_spec()],
    out_specs=_row_spec(),
    out_shape=jax.ShapeDtypeStruct((NPAD, D), jnp.float32),
)


def _tc_mid_body(acc_ref, cnt_t_ref, xw_ref, b1_ref, w2_ref, y2_ref, xw2_ref):
    dis = _dis_from_cnt(cnt_t_ref)
    agg = acc_ref[0] + acc_ref[1]
    h = jax.nn.relu(dis * agg + (dis * dis) * xw_ref[...] + b1_ref[...])
    xw2 = jnp.dot(h, w2_ref[...], preferred_element_type=jnp.float32)
    xw2_ref[...] = xw2
    y2_ref[...] = xw2 * dis


_tc_mid = pl.pallas_call(
    _tc_mid_body,
    grid=(GRID,),
    in_specs=[
        pl.BlockSpec((NC, RB, D), lambda i: (0, i, 0)),
        _row_spec(2),
        _row_spec(),
        _full_spec((1, D)),
        _full_spec((D, D)),
    ],
    out_specs=[_row_spec(), _row_spec()],
    out_shape=[
        jax.ShapeDtypeStruct((NPAD, D), jnp.float32),
        jax.ShapeDtypeStruct((NPAD, D), jnp.float32),
    ],
)


def _tc_fin_body(acc_ref, cnt_t_ref, xw_ref, b2_ref, batch_ref,
                 wl1_ref, bl1_ref, wl2_ref, bl2_ref, out_ref,
                 sums_scr, cnts_scr):
    i = pl.program_id(0)

    @pl.when(i == 0)
    def _init():
        sums_scr[...] = jnp.zeros((NG, D), jnp.float32)
        cnts_scr[...] = jnp.zeros((NG, CW), jnp.float32)

    dis = _dis_from_cnt(cnt_t_ref)
    agg = acc_ref[0] + acc_ref[1]
    h = jax.nn.relu(dis * agg + (dis * dis) * xw_ref[...] + b2_ref[...])
    gidx = lax.broadcasted_iota(jnp.int32, (NG, RB), 0)
    mask = (jnp.broadcast_to(batch_ref[...], (NG, RB)) == gidx).astype(jnp.float32)
    sums_scr[...] += jnp.dot(mask, h, preferred_element_type=jnp.float32)
    cnts_scr[...] += jnp.broadcast_to(
        jnp.sum(mask, axis=1, keepdims=True), (NG, CW))

    @pl.when(i == GRID - 1)
    def _head():
        cnt = jnp.maximum(cnts_scr[:, 0:1], 1.0)
        g = sums_scr[...] / cnt
        g = jax.nn.relu(jnp.dot(g, wl1_ref[...],
                                preferred_element_type=jnp.float32)
                        + bl1_ref[...])
        out_ref[...] = (jnp.dot(g, wl2_ref[...],
                                preferred_element_type=jnp.float32)
                        + bl2_ref[...])


_tc_fin = pl.pallas_call(
    _tc_fin_body,
    grid=(GRID,),
    in_specs=[
        pl.BlockSpec((NC, RB, D), lambda i: (0, i, 0)),
        _row_spec(2),
        _row_spec(),
        _full_spec((1, D)),
        pl.BlockSpec((1, RB), lambda i: (0, i)),
        _full_spec((D, D)),
        _full_spec((1, D)),
        _full_spec((D, 16)),
        _full_spec((1, 16)),
    ],
    out_specs=_full_spec((NG, 16)),
    out_shape=jax.ShapeDtypeStruct((NG, 16), jnp.float32),
    scratch_shapes=[
        pltpu.VMEM((NG, D), jnp.float32),
        pltpu.VMEM((NG, CW), jnp.float32),
    ],
)



def kernel(x, edge_index, batch, W1, b1, W2, b2, Wl1, bl1, Wl2, bl2):
    row = edge_index[0].astype(jnp.int32)
    col = edge_index[1].astype(jnp.int32)
    npadrows = NPAD - N
    kpad = jnp.arange(EPAD - E, dtype=jnp.int32)
    pad_col = N + kpad % npadrows
    pad_row = kpad % N
    row_p = jnp.concatenate([row, pad_row])
    col_p = jnp.concatenate([col, pad_col])
    row_w = row_p.reshape(EPW, NW).T
    col_w = col_p.reshape(EPW, NW).T
    row_g = row_w.reshape(NW, NGROUP, NBUF, B)
    col_g = col_w.reshape(NW, NGROUP, NBUF, B)
    col_c = col_w.reshape(NW, NCHUNK_D, BD)

    x_p = jnp.pad(x, ((0, NPAD - N), (0, 0)))
    batch_p = jnp.pad(batch.astype(jnp.int32), (0, NPAD - N),
                      constant_values=NG).reshape(1, NPAD)

    zeros2d = jnp.zeros((NPAD, D), jnp.float32)
    ones_c = jnp.ones((BD, CW), jnp.float32)

    cnt = _deg_kernel(col_c, ones_c, zeros2d)
    cnt_t = cnt[:, :, 0].T

    xw1 = _tc_xw(x_p, W1)
    y1 = _tc_scale(cnt_t, xw1)
    acc1 = _agg_kernel(y1, row_g, col_g, zeros2d)
    y2, xw2 = _tc_mid(acc1, cnt_t, xw1, b1.reshape(1, D), W2)
    acc2 = _agg_kernel(y2, row_g, col_g, zeros2d)
    out = _tc_fin(acc2, cnt_t, xw2, b2.reshape(1, D), batch_p,
                  Wl1, bl1.reshape(1, D), Wl2, bl2.reshape(1, 16))
    return out

# --- scband reference (transcript-rebuilt; emitter-appended) ---
"""Pipeline reference for scband-basic-gcn-30949534335547 (READ-ONLY COPY).

The authoritative reference and input builder live on the scoring server;
editing this copy changes nothing except your own understanding.
"""

import jax, jax.numpy as jnp
import numpy as np

N = 10000
E = 320000
D_IN = 128
D_H = 128
D_OUT = 16
N_GRAPHS = 16


def setup_inputs(seed: int = 0) -> dict:
    key = jax.random.key(seed)
    ks = jax.random.split(key, 12)
    x = jax.random.normal(ks[0], (N, D_IN), dtype=jnp.float32)
    edge_index = jax.random.randint(ks[1], (2, E), 0, N, dtype=jnp.int64)
    batch = jnp.sort(jax.random.randint(ks[2], (N,), 0, N_GRAPHS, dtype=jnp.int64))
    def lin(k, fan_in, fan_out):
        s = 1.0 / np.sqrt(fan_in)
        kw, kb = jax.random.split(k)
        W = jax.random.uniform(kw, (fan_in, fan_out), minval=-s, maxval=s, dtype=jnp.float32)
        b = jax.random.uniform(kb, (fan_out,), minval=-s, maxval=s, dtype=jnp.float32)
        return W, b
    W1, b1 = lin(ks[3], D_IN, D_H)
    W2, b2 = lin(ks[4], D_H, D_H)
    Wl1, bl1 = lin(ks[5], D_H, D_H)
    Wl2, bl2 = lin(ks[6], D_H, D_OUT)
    return {"x": x, "edge_index": edge_index, "batch": batch,
            "W1": W1, "b1": b1, "W2": W2, "b2": b2,
            "Wl1": Wl1, "bl1": bl1, "Wl2": Wl2, "bl2": bl2}


def _gcn_conv(x, edge_index, W, b):
    n = x.shape[0]
    loops = jnp.arange(n, dtype=edge_index.dtype)
    ei = jnp.concatenate([edge_index, jnp.stack([loops, loops], axis=0)], axis=1)
    row, col = ei[0], ei[1]
    ew = jnp.ones((ei.shape[1],), dtype=x.dtype)
    deg = jax.ops.segment_sum(ew, col, num_segments=n)
    deg_inv_sqrt = jnp.where(deg > 0, jax.lax.rsqrt(jnp.maximum(deg, 1e-12)), 0.0)
    norm = deg_inv_sqrt[row] * deg_inv_sqrt[col]
    xw = x @ W
    msgs = jnp.take(xw, row, axis=0) * norm[:, None]
    out = jax.ops.segment_sum(msgs, col, num_segments=n)
    return out + b


def _global_mean_pool(x, batch, num_graphs):
    s = jax.ops.segment_sum(x, batch, num_segments=num_graphs)
    cnt = jax.ops.segment_sum(jnp.ones((x.shape[0],), dtype=x.dtype), batch, num_segments=num_graphs)
    return s / jnp.maximum(cnt, 1.0)[:, None]


def reference(x, edge_index, batch, W1, b1, W2, b2, Wl1, bl1, Wl2, bl2):
    h = _gcn_conv(x, edge_index, W1, b1)
    h = jax.nn.relu(h)
    h = _gcn_conv(h, edge_index, W2, b2)
    h = jax.nn.relu(h)
    g = _global_mean_pool(h, batch, N_GRAPHS)
    g = jax.nn.relu(g @ Wl1 + bl1)
    out = g @ Wl2 + bl2
    return out

if __name__ == "__main__":
    import jax
    _d = setup_inputs()
    print(jax.jit(kernel)(*tuple(_d.values())))

</pallas_src>

<mosaic_0001>
#map = affine_map<(d0, d1) -> (0, 0, 0)>
#map1 = affine_map<(d0, d1) -> (0, 0)>
module attributes {stable_mosaic.version = 14 : i64} {
  func.func @_deg_kernel(%arg0: i32, %arg1: i32, %arg2: memref<32x80x128xi32, #tpu.memory_space<hbm>>, %arg3: memref<128x128xf32, #tpu.memory_space<hbm>>, %arg4: memref<10240x128xf32, #tpu.memory_space<hbm>>, %arg5: memref<2x10240x128xf32, #tpu.memory_space<hbm>>, %arg6: memref<80x128xi32, #tpu.memory_space<vmem>>, %arg7: memref<128x128xf32, #tpu.memory_space<vmem>>, %arg8: memref<10240x128xf32, #tpu.memory_space<vmem_shared>>, %arg9: memref<!tpu.dma_semaphore, #tpu.memory_space<semaphore_mem>>) attributes {dimension_semantics = [#tpu.dimension_semantics<core_parallel>, #tpu.dimension_semantics<subcore_parallel>], iteration_bounds = array<i64: 2, 16>, scalar_prefetch = 0 : i64, scratch_operands = 4 : i64, tpu.core_type = #tpu.core_type<sc_vector_subcore>, window_params = [{transform_indices = #map}, {transform_indices = #map1}, {transform_indices = #map1}, {transform_indices = #map}]} {
    %mul3A = arith.constant 16 : i32
    %mul3A_0 = arith.muli %arg0, %mul3A : i32
    %add3A = arith.addi %mul3A_0, %arg1 : i32
    %mul3A_1 = arith.constant 640 : i32
    %mul3A_2 = arith.muli %arg1, %mul3A_1 : i32
    "tpu.region"() ({
      %run_scoped3A = tpu.sem_alloc : memref<!tpu.dma_semaphore, #tpu.memory_space<semaphore_mem>>
      %dma_start3A_119 = arith.constant 0 : i32
      %dma_start3A_120 = tpu.memref_slice %arg8[%mul3A_2, %dma_start3A_119] : memref<10240x128xf32, #tpu.memory_space<vmem_shared>> -> memref<640x128xf32, #tpu.memory_space<vmem_shared>>
      %dma_start3A_121 = arith.constant 0 : i32
      %dma_start3A_122 = tpu.memref_slice %arg4[%mul3A_2, %dma_start3A_121] : memref<10240x128xf32, #tpu.memory_space<hbm>> -> memref<640x128xf32, #tpu.memory_space<hbm>>
      tpu.enqueue_dma source(%dma_start3A_122 : memref<640x128xf32, #tpu.memory_space<hbm>>) target(%dma_start3A_120 : memref<640x128xf32, #tpu.memory_space<vmem_shared>>) target_semaphore(%run_scoped3A : memref<!tpu.dma_semaphore, #tpu.memory_space<semaphore_mem>>)
      %dma_wait3A_123 = arith.constant 0 : i32
      %dma_wait3A_124 = tpu.memref_slice %arg8[%mul3A_2, %dma_wait3A_123] : memref<10240x128xf32, #tpu.memory_space<vmem_shared>> -> memref<640x128xf32, #tpu.memory_space<vmem_shared>>
      %dma_wait3A_125 = arith.constant 0 : i32
      %dma_wait3A_126 = tpu.memref_slice %arg4[%mul3A_2, %dma_wait3A_125] : memref<10240x128xf32, #tpu.memory_space<hbm>> -> memref<640x128xf32, #tpu.memory_space<hbm>>
      tpu.wait_dma2 semaphore(%run_scoped3A : memref<!tpu.dma_semaphore, #tpu.memory_space<semaphore_mem>>) src(%dma_wait3A_126 : memref<640x128xf32, #tpu.memory_space<hbm>>) dst(%dma_wait3A_124 : memref<640x128xf32, #tpu.memory_space<vmem_shared>>)
      tpu.yield
    }) : () -> ()
    "tpu.region"() ({
      %run_scoped3A = tpu.sem_alloc : memref<!tpu.dma_semaphore, #tpu.memory_space<semaphore_mem>>
      %dma_start3A_119 = arith.constant 0 : i32
      %dma_start3A_120 = arith.constant 0 : i32
      %dma_start3A_121 = tpu.memref_slice %arg2[%add3A, %dma_start3A_119, %dma_start3A_120] : memref<32x80x128xi32, #tpu.memory_space<hbm>> -> memref<1x80x128xi32, #tpu.memory_space<hbm>>
      %dma_start3A_122 = tpu.memref_squeeze %dma_start3A_121 : memref<1x80x128xi32, #tpu.memory_space<hbm>> -> memref<80x128xi32, #tpu.memory_space<hbm>>
      %dma_start3A_123 = arith.constant 0 : i32
      %dma_start3A_124 = arith.constant 0 : i32
      %dma_start3A_125 = tpu.memref_slice %arg2[%add3A, %dma_start3A_123, %dma_start3A_124] : memref<32x80x128xi32, #tpu.memory_space<hbm>> -> memref<1x80x128xi32, #tpu.memory_space<hbm>>
      %dma_start3A_126 = tpu.memref_squeeze %dma_start3A_125 : memref<1x80x128xi32, #tpu.memory_space<hbm>> -> memref<80x128xi32, #tpu.memory_space<hbm>>
      tpu.enqueue_dma source(%dma_start3A_126 : memref<80x128xi32, #tpu.memory_space<hbm>>) target(%arg6 : memref<80x128xi32, #tpu.memory_space<vmem>>) target_semaphore(%run_scoped3A : memref<!tpu.dma_semaphore, #tpu.memory_space<semaphore_mem>>)
      %dma_wait3A_127 = arith.constant 0 : i32
      %dma_wait3A_128 = arith.constant 0 : i32
      %dma_wait3A_129 = tpu.memref_slice %arg2[%add3A, %dma_wait3A_127, %dma_wait3A_128] : memref<32x80x128xi32, #tpu.memory_space<hbm>> -> memref<1x80x128xi32, #tpu.memory_space<hbm>>
      %dma_wait3A_130 = tpu.memref_squeeze %dma_wait3A_129 : memref<1x80x128xi32, #tpu.memory_space<hbm>> -> memref<80x128xi32, #tpu.memory_space<hbm>>
      %dma_wait3A_131 = arith.constant 0 : i32
      %dma_wait3A_132 = arith.constant 0 : i32
      %dma_wait3A_133 = tpu.memref_slice %arg2[%add3A, %dma_wait3A_131, %dma_wait3A_132] : memref<32x80x128xi32, #tpu.memory_space<hbm>> -> memref<1x80x128xi32, #tpu.memory_space<hbm>>
      %dma_wait3A_134 = tpu.memref_squeeze %dma_wait3A_133 : memref<1x80x128xi32, #tpu.memory_space<hbm>> -> memref<80x128xi32, #tpu.memory_space<hbm>>
      tpu.wait_dma2 semaphore(%run_scoped3A : memref<!tpu.dma_semaphore, #tpu.memory_space<semaphore_mem>>) src(%dma_wait3A_134 : memref<80x128xi32, #tpu.memory_space<hbm>>) dst(%arg6 : memref<80x128xi32, #tpu.memory_space<vmem>>)
      tpu.yield
    }) : () -> ()
    "tpu.region"() ({
      %run_scoped3A = tpu.sem_alloc : memref<!tpu.dma_semaphore, #tpu.memory_space<semaphore_mem>>
      tpu.enqueue_dma source(%arg3 : memref<128x128xf32, #tpu.memory_space<hbm>>) target(%arg7 : memref<128x128xf32, #tpu.memory_space<vmem>>) target_semaphore(%run_scoped3A : memref<!tpu.dma_semaphore, #tpu.memory_space<semaphore_mem>>)
      tpu.wait_dma2 semaphore(%run_scoped3A : memref<!tpu.dma_semaphore, #tpu.memory_space<semaphore_mem>>) src(%arg3 : memref<128x128xf32, #tpu.memory_space<hbm>>) dst(%arg7 : memref<128x128xf32, #tpu.memory_space<vmem>>)
      tpu.yield
    }) : () -> ()
    %barrier3A = arith.constant 0 : index
    tpu.barrier barrier_id(%barrier3A)
    %dma_start3A = arith.constant 0 : i32
    %dma_start3A_3 = arith.constant 0 : i32
    %dma_start3A_4 = tpu.memref_slice %arg6[%dma_start3A, %dma_start3A_3] : memref<80x128xi32, #tpu.memory_space<vmem>> -> memref<1x128xi32, #tpu.memory_space<vmem>>
    %dma_start3A_5 = tpu.memref_squeeze %dma_start3A_4 : memref<1x128xi32, #tpu.memory_space<vmem>> -> memref<128xi32, #tpu.memory_space<vmem>>
    %dma_start3A_6 = arith.constant 0 : i32
    %dma_start3A_7 = arith.constant 0 : i32
    %dma_start3A_8 = tpu.memref_slice %arg8[%dma_start3A_6, %dma_start3A_7] : memref<10240x128xf32, #tpu.memory_space<vmem_shared>> -> memref<10240x128xf32, #tpu.memory_space<vmem_shared>>
    tpu.enqueue_indirect_dma source(%arg7 : memref<128x128xf32, #tpu.memory_space<vmem>>) target(%dma_start3A_8 : memref<10240x128xf32, #tpu.memory_space<vmem_shared>>) offsets(%dma_start3A_5 : memref<128xi32, #tpu.memory_space<vmem>>) semaphore(%arg9 : memref<!tpu.dma_semaphore, #tpu.memory_space<semaphore_mem>>) {add = true}
    %dma_start3A_9 = arith.constant 1 : i32
    %dma_start3A_10 = arith.constant 0 : i32
    %dma_start3A_11 = tpu.memref_slice %arg6[%dma_start3A_9, %dma_start3A_10] : memref<80x128xi32, #tpu.memory_space<vmem>> -> memref<1x128xi32, #tpu.memory_space<vmem>>
    %dma_start3A_12 = tpu.memref_squeeze %dma_start3A_11 : memref<1x128xi32, #tpu.memory_space<vmem>> -> memref<128xi32, #tpu.memory_space<vmem>>
    %dma_start3A_13 = arith.constant 0 : i32
    %dma_start3A_14 = arith.constant 0 : i32
    %dma_start3A_15 = tpu.memref_slice %arg8[%dma_start3A_13, %dma_start3A_14] : memref<10240x128xf32, #tpu.memory_space<vmem_shared>> -> memref<10240x128xf32, #tpu.memory_space<vmem_shared>>
    tpu.enqueue_indirect_dma source(%arg7 : memref<128x128xf32, #tpu.memory_space<vmem>>) target(%dma_start3A_15 : memref<10240x128xf32, #tpu.memory_space<vmem_shared>>) offsets(%dma_start3A_12 : memref<128xi32, #tpu.memory_space<vmem>>) semaphore(%arg9 : memref<!tpu.dma_semaphore, #tpu.memory_space<semaphore_mem>>) {add = true}
    %dma_start3A_16 = arith.constant 2 : i32
    %dma_start3A_17 = arith.constant 0 : i32
    %dma_start3A_18 = tpu.memref_slice %arg6[%dma_start3A_16, %dma_start3A_17] : memref<80x128xi32, #tpu.memory_space<vmem>> -> memref<1x128xi32, #tpu.memory_space<vmem>>
    %dma_start3A_19 = tpu.memref_squeeze %dma_start3A_18 : memref<1x128xi32, #tpu.memory_space<vmem>> -> memref<128xi32, #tpu.memory_space<vmem>>
    %dma_start3A_20 = arith.constant 0 : i32
    %dma_start3A_21 = arith.constant 0 : i32
    %dma_start3A_22 = tpu.memref_slice %arg8[%dma_start3A_20, %dma_start3A_21] : memref<10240x128xf32, #tpu.memory_space<vmem_shared>> -> memref<10240x128xf32, #tpu.memory_space<vmem_shared>>
    tpu.enqueue_indirect_dma source(%arg7 : memref<128x128xf32, #tpu.memory_space<vmem>>) target(%dma_start3A_22 : memref<10240x128xf32, #tpu.memory_space<vmem_shared>>) offsets(%dma_start3A_19 : memref<128xi32, #tpu.memory_space<vmem>>) semaphore(%arg9 : memref<!tpu.dma_semaphore, #tpu.memory_space<semaphore_mem>>) {add = true}
    %dma_start3A_23 = arith.constant 3 : i32
    %dma_start3A_24 = arith.constant 0 : i32
    %dma_start3A_25 = tpu.memref_slice %arg6[%dma_start3A_23, %dma_start3A_24] : memref<80x128xi32, #tpu.memory_space<vmem>> -> memref<1x128xi32, #tpu.memory_space<vmem>>
    %dma_start3A_26 = tpu.memref_squeeze %dma_start3A_25 : memref<1x128xi32, #tpu.memory_space<vmem>> -> memref<128xi32, #tpu.memory_space<vmem>>
    %dma_start3A_27 = arith.constant 0 : i32
    %dma_start3A_28 = arith.constant 0 : i32
    %dma_start3A_29 = tpu.memref_slice %arg8[%dma_start3A_27, %dma_start3A_28] : memref<10240x128xf32, #tpu.memory_space<vmem_shared>> -> memref<10240x128xf32, #tpu.memory_space<vmem_shared>>
    tpu.enqueue_indirect_dma source(%arg7 : memref<128x128xf32, #tpu.memory_space<vmem>>) target(%dma_start3A_29 : memref<10240x128xf32, #tpu.memory_space<vmem_shared>>) offsets(%dma_start3A_26 : memref<128xi32, #tpu.memory_space<vmem>>) semaphore(%arg9 : memref<!tpu.dma_semaphore, #tpu.memory_space<semaphore_mem>>) {add = true}
    %dma_start3A_30 = arith.constant 4 : i32
    %dma_start3A_31 = arith.constant 0 : i32
    %dma_start3A_32 = tpu.memref_slice %arg6[%dma_start3A_30, %dma_start3A_31] : memref<80x128xi32, #tpu.memory_space<vmem>> -> memref<1x128xi32, #tpu.memory_space<vmem>>
    %dma_start3A_33 = tpu.memref_squeeze %dma_start3A_32 : memref<1x128xi32, #tpu.memory_space<vmem>> -> memref<128xi32, #tpu.memory_space<vmem>>
    %dma_start3A_34 = arith.constant 0 : i32
    %dma_start3A_35 = arith.constant 0 : i32
    %dma_start3A_36 = tpu.memref_slice %arg8[%dma_start3A_34, %dma_start3A_35] : memref<10240x128xf32, #tpu.memory_space<vmem_shared>> -> memref<10240x128xf32, #tpu.memory_space<vmem_shared>>
    tpu.enqueue_indirect_dma source(%arg7 : memref<128x128xf32, #tpu.memory_space<vmem>>) target(%dma_start3A_36 : memref<10240x128xf32, #tpu.memory_space<vmem_shared>>) offsets(%dma_start3A_33 : memref<128xi32, #tpu.memory_space<vmem>>) semaphore(%arg9 : memref<!tpu.dma_semaphore, #tpu.memory_space<semaphore_mem>>) {add = true}
    %dma_start3A_37 = arith.constant 5 : i32
    %dma_start3A_38 = arith.constant 0 : i32
    %dma_start3A_39 = tpu.memref_slice %arg6[%dma_start3A_37, %dma_start3A_38] : memref<80x128xi32, #tpu.memory_space<vmem>> -> memref<1x128xi32, #tpu.memory_space<vmem>>
    %dma_start3A_40 = tpu.memref_squeeze %dma_start3A_39 : memref<1x128xi32, #tpu.memory_space<vmem>> -> memref<128xi32, #tpu.memory_space<vmem>>
    %dma_start3A_41 = arith.constant 0 : i32
    %dma_start3A_42 = arith.constant 0 : i32
    %dma_start3A_43 = tpu.memref_slice %arg8[%dma_start3A_41, %dma_start3A_42] : memref<10240x128xf32, #tpu.memory_space<vmem_shared>> -> memref<10240x128xf32, #tpu.memory_space<vmem_shared>>
    tpu.enqueue_indirect_dma source(%arg7 : memref<128x128xf32, #tpu.memory_space<vmem>>) target(%dma_start3A_43 : memref<10240x128xf32, #tpu.memory_space<vmem_shared>>) offsets(%dma_start3A_40 : memref<128xi32, #tpu.memory_space<vmem>>) semaphore(%arg9 : memref<!tpu.dma_semaphore, #tpu.memory_space<semaphore_mem>>) {add = true}
    %dma_start3A_44 = arith.constant 6 : i32
    %dma_start3A_45 = arith.constant 0 : i32
    %dma_start3A_46 = tpu.memref_slice %arg6[%dma_start3A_44, %dma_start3A_45] : memref<80x128xi32, #tpu.memory_space<vmem>> -> memref<1x128xi32, #tpu.memory_space<vmem>>
    %dma_start3A_47 = tpu.memref_squeeze %dma_start3A_46 : memref<1x128xi32, #tpu.memory_space<vmem>> -> memref<128xi32, #tpu.memory_space<vmem>>
    %dma_start3A_48 = arith.constant 0 : i32
    %dma_start3A_49 = arith.constant 0 : i32
    %dma_start3A_50 = tpu.memref_slice %arg8[%dma_start3A_48, %dma_start3A_49] : memref<10240x128xf32, #tpu.memory_space<vmem_shared>> -> memref<10240x128xf32, #tpu.memory_space<vmem_shared>>
    tpu.enqueue_indirect_dma source(%arg7 : memref<128x128xf32, #tpu.memory_space<vmem>>) target(%dma_start3A_50 : memref<10240x128xf32, #tpu.memory_space<vmem_shared>>) offsets(%dma_start3A_47 : memref<128xi32, #tpu.memory_space<vmem>>) semaphore(%arg9 : memref<!tpu.dma_semaphore, #tpu.memory_space<semaphore_mem>>) {add = true}
    %dma_start3A_51 = arith.constant 7 : i32
    %dma_start3A_52 = arith.constant 0 : i32
    %dma_start3A_53 = tpu.memref_slice %arg6[%dma_start3A_51, %dma_start3A_52] : memref<80x128xi32, #tpu.memory_space<vmem>> -> memref<1x128xi32, #tpu.memory_space<vmem>>
    %dma_start3A_54 = tpu.memref_squeeze %dma_start3A_53 : memref<1x128xi32, #tpu.memory_space<vmem>> -> memref<128xi32, #tpu.memory_space<vmem>>
    %dma_start3A_55 = arith.constant 0 : i32
    %dma_start3A_56 = arith.constant 0 : i32
    %dma_start3A_57 = tpu.memref_slice %arg8[%dma_start3A_55, %dma_start3A_56] : memref<10240x128xf32, #tpu.memory_space<vmem_shared>> -> memref<10240x128xf32, #tpu.memory_space<vmem_shared>>
    tpu.enqueue_indirect_dma source(%arg7 : memref<128x128xf32, #tpu.memory_space<vmem>>) target(%dma_start3A_57 : memref<10240x128xf32, #tpu.memory_space<vmem_shared>>) offsets(%dma_start3A_54 : memref<128xi32, #tpu.memory_space<vmem>>) semaphore(%arg9 : memref<!tpu.dma_semaphore, #tpu.memory_space<semaphore_mem>>) {add = true}
    %scan3A = arith.constant 0 : i32
    %scan3A_58 = arith.constant 8 : i32
    %scan3A_59 = arith.constant 72 : i32
    %scan3A_60 = arith.addi %scan3A_58, %scan3A_59 : i32
    %scan3A_61 = arith.constant 1 : i32
    scf.for %scan3A_119 = %scan3A_58 to %scan3A_60 step %scan3A_61  : i32 {
      %dma_wait3A_120 = arith.constant 0 : i32
      %dma_wait3A_121 = arith.constant 0 : i32
      %dma_wait3A_122 = tpu.memref_slice %arg6[%dma_wait3A_120, %dma_wait3A_121] : memref<80x128xi32, #tpu.memory_space<vmem>> -> memref<1x128xi32, #tpu.memory_space<vmem>>
      %dma_wait3A_123 = tpu.memref_squeeze %dma_wait3A_122 : memref<1x128xi32, #tpu.memory_space<vmem>> -> memref<128xi32, #tpu.memory_space<vmem>>
      %dma_wait3A_124 = arith.constant 0 : i32
      %dma_wait3A_125 = arith.constant 0 : i32
      %dma_wait3A_126 = tpu.memref_slice %arg8[%dma_wait3A_124, %dma_wait3A_125] : memref<10240x128xf32, #tpu.memory_space<vmem_shared>> -> memref<10240x128xf32, #tpu.memory_space<vmem_shared>>
      tpu.wait_indirect_dma semaphore(%arg9 : memref<!tpu.dma_semaphore, #tpu.memory_space<semaphore_mem>>) src(%arg7 : memref<128x128xf32, #tpu.memory_space<vmem>>) dst(%dma_wait3A_126 : memref<10240x128xf32, #tpu.memory_space<vmem_shared>>)
      %dma_start3A_127 = arith.constant 0 : i32
      %dma_start3A_128 = tpu.memref_slice %arg6[%scan3A_119, %dma_start3A_127] : memref<80x128xi32, #tpu.memory_space<vmem>> -> memref<1x128xi32, #tpu.memory_space<vmem>>
      %dma_start3A_129 = tpu.memref_squeeze %dma_start3A_128 : memref<1x128xi32, #tpu.memory_space<vmem>> -> memref<128xi32, #tpu.memory_space<vmem>>
      %dma_start3A_130 = arith.constant 0 : i32
      %dma_start3A_131 = arith.constant 0 : i32
      %dma_start3A_132 = tpu.memref_slice %arg8[%dma_start3A_130, %dma_start3A_131] : memref<10240x128xf32, #tpu.memory_space<vmem_shared>> -> memref<10240x128xf32, #tpu.memory_space<vmem_shared>>
      tpu.enqueue_indirect_dma source(%arg7 : memref<128x128xf32, #tpu.memory_space<vmem>>) target(%dma_start3A_132 : memref<10240x128xf32, #tpu.memory_space<vmem_shared>>) offsets(%dma_start3A_129 : memref<128xi32, #tpu.memory_space<vmem>>) semaphore(%arg9 : memref<!tpu.dma_semaphore, #tpu.memory_space<semaphore_mem>>) {add = true}
    }
    %scan3A_62 = arith.constant 72 : i32
    %dma_wait3A = arith.constant 0 : i32
    %dma_wait3A_63 = arith.constant 0 : i32
    %dma_wait3A_64 = tpu.memref_slice %arg6[%dma_wait3A, %dma_wait3A_63] : memref<80x128xi32, #tpu.memory_space<vmem>> -> memref<1x128xi32, #tpu.memory_space<vmem>>
    %dma_wait3A_65 = tpu.memref_squeeze %dma_wait3A_64 : memref<1x128xi32, #tpu.memory_space<vmem>> -> memref<128xi32, #tpu.memory_space<vmem>>
    %dma_wait3A_66 = arith.constant 0 : i32
    %dma_wait3A_67 = arith.constant 0 : i32
    %dma_wait3A_68 = tpu.memref_slice %arg8[%dma_wait3A_66, %dma_wait3A_67] : memref<10240x128xf32, #tpu.memory_space<vmem_shared>> -> memref<10240x128xf32, #tpu.memory_space<vmem_shared>>
    tpu.wait_indirect_dma semaphore(%arg9 : memref<!tpu.dma_semaphore, #tpu.memory_space<semaphore_mem>>) src(%arg7 : memref<128x128xf32, #tpu.memory_space<vmem>>) dst(%dma_wait3A_68 : memref<10240x128xf32, #tpu.memory_space<vmem_shared>>)
    %dma_wait3A_69 = arith.constant 0 : i32
    %dma_wait3A_70 = arith.constant 0 : i32
    %dma_wait3A_71 = tpu.memref_slice %arg6[%dma_wait3A_69, %dma_wait3A_70] : memref<80x128xi32, #tpu.memory_space<vmem>> -> memref<1x128xi32, #tpu.memory_space<vmem>>
    %dma_wait3A_72 = tpu.memref_squeeze %dma_wait3A_71 : memref<1x128xi32, #tpu.memory_space<vmem>> -> memref<128xi32, #tpu.memory_space<vmem>>
    %dma_wait3A_73 = arith.constant 0 : i32
    %dma_wait3A_74 = arith.constant 0 : i32
    %dma_wait3A_75 = tpu.memref_slice %arg8[%dma_wait3A_73, %dma_wait3A_74] : memref<10240x128xf32, #tpu.memory_space<vmem_shared>> -> memref<10240x128xf32, #tpu.memory_space<vmem_shared>>
    tpu.wait_indirect_dma semaphore(%arg9 : memref<!tpu.dma_semaphore, #tpu.memory_space<semaphore_mem>>) src(%arg7 : memref<128x128xf32, #tpu.memory_space<vmem>>) dst(%dma_wait3A_75 : memref<10240x128xf32, #tpu.memory_space<vmem_shared>>)
    %dma_wait3A_76 = arith.constant 0 : i32
    %dma_wait3A_77 = arith.constant 0 : i32
    %dma_wait3A_78 = tpu.memref_slice %arg6[%dma_wait3A_76, %dma_wait3A_77] : memref<80x128xi32, #tpu.memory_space<vmem>> -> memref<1x128xi32, #tpu.memory_space<vmem>>
    %dma_wait3A_79 = tpu.memref_squeeze %dma_wait3A_78 : memref<1x128xi32, #tpu.memory_space<vmem>> -> memref<128xi32, #tpu.memory_space<vmem>>
    %dma_wait3A_80 = arith.constant 0 : i32
    %dma_wait3A_81 = arith.constant 0 : i32
    %dma_wait3A_82 = tpu.memref_slice %arg8[%dma_wait3A_80, %dma_wait3A_81] : memref<10240x128xf32, #tpu.memory_space<vmem_shared>> -> memref<10240x128xf32, #tpu.memory_space<vmem_shared>>
    tpu.wait_indirect_dma semaphore(%arg9 : memref<!tpu.dma_semaphore, #tpu.memory_space<semaphore_mem>>) src(%arg7 : memref<128x128xf32, #tpu.memory_space<vmem>>) dst(%dma_wait3A_82 : memref<10240x128xf32, #tpu.memory_space<vmem_shared>>)
    %dma_wait3A_83 = arith.constant 0 : i32
    %dma_wait3A_84 = arith.constant 0 : i32
    %dma_wait3A_85 = tpu.memref_slice %arg6[%dma_wait3A_83, %dma_wait3A_84] : memref<80x128xi32, #tpu.memory_space<vmem>> -> memref<1x128xi32, #tpu.memory_space<vmem>>
    %dma_wait3A_86 = tpu.memref_squeeze %dma_wait3A_85 : memref<1x128xi32, #tpu.memory_space<vmem>> -> memref<128xi32, #tpu.memory_space<vmem>>
    %dma_wait3A_87 = arith.constant 0 : i32
    %dma_wait3A_88 = arith.constant 0 : i32
    %dma_wait3A_89 = tpu.memref_slice %arg8[%dma_wait3A_87, %dma_wait3A_88] : memref<10240x128xf32, #tpu.memory_space<vmem_shared>> -> memref<10240x128xf32, #tpu.memory_space<vmem_shared>>
    tpu.wait_indirect_dma semaphore(%arg9 : memref<!tpu.dma_semaphore, #tpu.memory_space<semaphore_mem>>) src(%arg7 : memref<128x128xf32, #tpu.memory_space<vmem>>) dst(%dma_wait3A_89 : memref<10240x128xf32, #tpu.memory_space<vmem_shared>>)
    %dma_wait3A_90 = arith.constant 0 : i32
    %dma_wait3A_91 = arith.constant 0 : i32
    %dma_wait3A_92 = tpu.memref_slice %arg6[%dma_wait3A_90, %dma_wait3A_91] : memref<80x128xi32, #tpu.memory_space<vmem>> -> memref<1x128xi32, #tpu.memory_space<vmem>>
    %dma_wait3A_93 = tpu.memref_squeeze %dma_wait3A_92 : memref<1x128xi32, #tpu.memory_space<vmem>> -> memref<128xi32, #tpu.memory_space<vmem>>
    %dma_wait3A_94 = arith.constant 0 : i32
    %dma_wait3A_95 = arith.constant 0 : i32
    %dma_wait3A_96 = tpu.memref_slice %arg8[%dma_wait3A_94, %dma_wait3A_95] : memref<10240x128xf32, #tpu.memory_space<vmem_shared>> -> memref<10240x128xf32, #tpu.memory_space<vmem_shared>>
    tpu.wait_indirect_dma semaphore(%arg9 : memref<!tpu.dma_semaphore, #tpu.memory_space<semaphore_mem>>) src(%arg7 : memref<128x128xf32, #tpu.memory_space<vmem>>) dst(%dma_wait3A_96 : memref<10240x128xf32, #tpu.memory_space<vmem_shared>>)
    %dma_wait3A_97 = arith.constant 0 : i32
    %dma_wait3A_98 = arith.constant 0 : i32
    %dma_wait3A_99 = tpu.memref_slice %arg6[%dma_wait3A_97, %dma_wait3A_98] : memref<80x128xi32, #tpu.memory_space<vmem>> -> memref<1x128xi32, #tpu.memory_space<vmem>>
    %dma_wait3A_100 = tpu.memref_squeeze %dma_wait3A_99 : memref<1x128xi32, #tpu.memory_space<vmem>> -> memref<128xi32, #tpu.memory_space<vmem>>
    %dma_wait3A_101 = arith.constant 0 : i32
    %dma_wait3A_102 = arith.constant 0 : i32
    %dma_wait3A_103 = tpu.memref_slice %arg8[%dma_wait3A_101, %dma_wait3A_102] : memref<10240x128xf32, #tpu.memory_space<vmem_shared>> -> memref<10240x128xf32, #tpu.memory_space<vmem_shared>>
    tpu.wait_indirect_dma semaphore(%arg9 : memref<!tpu.dma_semaphore, #tpu.memory_space<semaphore_mem>>) src(%arg7 : memref<128x128xf32, #tpu.memory_space<vmem>>) dst(%dma_wait3A_103 : memref<10240x128xf32, #tpu.memory_space<vmem_shared>>)
    %dma_wait3A_104 = arith.constant 0 : i32
    %dma_wait3A_105 = arith.constant 0 : i32
    %dma_wait3A_106 = tpu.memref_slice %arg6[%dma_wait3A_104, %dma_wait3A_105] : memref<80x128xi32, #tpu.memory_space<vmem>> -> memref<1x128xi32, #tpu.memory_space<vmem>>
    %dma_wait3A_107 = tpu.memref_squeeze %dma_wait3A_106 : memref<1x128xi32, #tpu.memory_space<vmem>> -> memref<128xi32, #tpu.memory_space<vmem>>
    %dma_wait3A_108 = arith.constant 0 : i32
    %dma_wait3A_109 = arith.constant 0 : i32
    %dma_wait3A_110 = tpu.memref_slice %arg8[%dma_wait3A_108, %dma_wait3A_109] : memref<10240x128xf32, #tpu.memory_space<vmem_shared>> -> memref<10240x128xf32, #tpu.memory_space<vmem_shared>>
    tpu.wait_indirect_dma semaphore(%arg9 : memref<!tpu.dma_semaphore, #tpu.memory_space<semaphore_mem>>) src(%arg7 : memref<128x128xf32, #tpu.memory_space<vmem>>) dst(%dma_wait3A_110 : memref<10240x128xf32, #tpu.memory_space<vmem_shared>>)
    %dma_wait3A_111 = arith.constant 0 : i32
    %dma_wait3A_112 = arith.constant 0 : i32
    %dma_wait3A_113 = tpu.memref_slice %arg6[%dma_wait3A_111, %dma_wait3A_112] : memref<80x128xi32, #tpu.memory_space<vmem>> -> memref<1x128xi32, #tpu.memory_space<vmem>>
    %dma_wait3A_114 = tpu.memref_squeeze %dma_wait3A_113 : memref<1x128xi32, #tpu.memory_space<vmem>> -> memref<128xi32, #tpu.memory_space<vmem>>
    %dma_wait3A_115 = arith.constant 0 : i32
    %dma_wait3A_116 = arith.constant 0 : i32
    %dma_wait3A_117 = tpu.memref_slice %arg8[%dma_wait3A_115, %dma_wait3A_116] : memref<10240x128xf32, #tpu.memory_space<vmem_shared>> -> memref<10240x128xf32, #tpu.memory_space<vmem_shared>>
    tpu.wait_indirect_dma semaphore(%arg9 : memref<!tpu.dma_semaphore, #tpu.memory_space<semaphore_mem>>) src(%arg7 : memref<128x128xf32, #tpu.memory_space<vmem>>) dst(%dma_wait3A_117 : memref<10240x128xf32, #tpu.memory_space<vmem_shared>>)
    %barrier3A_118 = arith.constant 0 : index
    tpu.barrier barrier_id(%barrier3A_118)
    "tpu.region"() ({
      %run_scoped3A = tpu.sem_alloc : memref<!tpu.dma_semaphore, #tpu.memory_space<semaphore_mem>>
      %dma_start3A_119 = arith.constant 0 : i32
      %dma_start3A_120 = tpu.memref_slice %arg5[%arg0, %mul3A_2, %dma_start3A_119] : memref<2x10240x128xf32, #tpu.memory_space<hbm>> -> memref<1x640x128xf32, #tpu.memory_space<hbm>>
      %dma_start3A_121 = tpu.memref_squeeze %dma_start3A_120 : memref<1x640x128xf32, #tpu.memory_space<hbm>> -> memref<640x128xf32, #tpu.memory_space<hbm>>
      %dma_start3A_122 = arith.constant 0 : i32
      %dma_start3A_123 = tpu.memref_slice %arg8[%mul3A_2, %dma_start3A_122] : memref<10240x128xf32, #tpu.memory_space<vmem_shared>> -> memref<640x128xf32, #tpu.memory_space<vmem_shared>>
      tpu.enqueue_dma source(%dma_start3A_123 : memref<640x128xf32, #tpu.memory_space<vmem_shared>>) target(%dma_start3A_121 : memref<640x128xf32, #tpu.memory_space<hbm>>) target_semaphore(%run_scoped3A : memref<!tpu.dma_semaphore, #tpu.memory_space<semaphore_mem>>)
      %dma_wait3A_124 = arith.constant 0 : i32
      %dma_wait3A_125 = tpu.memref_slice %arg5[%arg0, %mul3A_2, %dma_wait3A_124] : memref<2x10240x128xf32, #tpu.memory_space<hbm>> -> memref<1x640x128xf32, #tpu.memory_space<hbm>>
      %dma_wait3A_126 = tpu.memref_squeeze %dma_wait3A_125 : memref<1x640x128xf32, #tpu.memory_space<hbm>> -> memref<640x128xf32, #tpu.memory_space<hbm>>
      %dma_wait3A_127 = arith.constant 0 : i32
      %dma_wait3A_128 = tpu.memref_slice %arg8[%mul3A_2, %dma_wait3A_127] : memref<10240x128xf32, #tpu.memory_space<vmem_shared>> -> memref<640x128xf32, #tpu.memory_space<vmem_shared>>
      tpu.wait_dma2 semaphore(%run_scoped3A : memref<!tpu.dma_semaphore, #tpu.memory_space<semaphore_mem>>) src(%dma_wait3A_128 : memref<640x128xf32, #tpu.memory_space<vmem_shared>>) dst(%dma_wait3A_126 : memref<640x128xf32, #tpu.memory_space<hbm>>)
      tpu.yield
    }) : () -> ()
    return
  }
}

#map = affine_map<(d0, d1) -> (0, 0)>
#map1 = affine_map<(d0, d1) -> (0, 0, 0, 0)>
#map2 = affine_map<(d0, d1) -> (0, 0, 0)>
module attributes {stable_mosaic.version = 14 : i64} {
  func.func @_agg_kernel(%arg0: i32, %arg1: i32, %arg2: memref<10240x128xf32, #tpu.memory_space<hbm>>, %arg3: memref<32x40x4x64xi32, #tpu.memory_space<hbm>>, %arg4: memref<32x40x4x64xi32, #tpu.memory_space<hbm>>, %arg5: memref<10240x128xf32, #tpu.memory_space<hbm>>, %arg6: memref<2x10240x128xf32, #tpu.memory_space<hbm>>, %arg7: memref<2x4x64xi32, #tpu.memory_space<vmem>>, %arg8: memref<2x4x64xi32, #tpu.memory_space<vmem>>, %arg9: memref<4x64x128xf32, #tpu.memory_space<vmem>>, %arg10: memref<10240x128xf32, #tpu.memory_space<vmem_shared>>, %arg11: memref<4x!tpu.dma_semaphore, #tpu.memory_space<semaphore_mem>>, %arg12: memref<4x!tpu.dma_semaphore, #tpu.memory_space<semaphore_mem>>, %arg13: memref<!tpu.dma_semaphore, #tpu.memory_space<semaphore_mem>>) attributes {dimension_semantics = [#tpu.dimension_semantics<core_parallel>, #tpu.dimension_semantics<subcore_parallel>], iteration_bounds = array<i64: 2, 16>, scalar_prefetch = 0 : i64, scratch_operands = 7 : i64, tpu.core_type = #tpu.core_type<sc_vector_subcore>, window_params = [{transform_indices = #map}, {transform_indices = #map1}, {transform_indices = #map1}, {transform_indices = #map}, {transform_indices = #map2}]} {
    %mul3A = arith.constant 16 : i32
    %mul3A_0 = arith.muli %arg0, %mul3A : i32
    %add3A = arith.addi %mul3A_0, %arg1 : i32
    %mul3A_1 = arith.constant 640 : i32
    %mul3A_2 = arith.muli %arg1, %mul3A_1 : i32
    %run_scoped3A = arith.constant 0 : i32
    %run_scoped3A_3 = arith.constant 0 : i32
    "tpu.region"() ({
      %run_scoped3A_338 = tpu.sem_alloc : memref<!tpu.dma_semaphore, #tpu.memory_space<semaphore_mem>>
      %dma_start3A_339 = arith.constant 0 : i32
      %dma_start3A_340 = arith.constant 0 : i32
      %dma_start3A_341 = tpu.memref_slice %arg7[%run_scoped3A_3, %dma_start3A_339, %dma_start3A_340] : memref<2x4x64xi32, #tpu.memory_space<vmem>> -> memref<1x4x64xi32, #tpu.memory_space<vmem>>
      %dma_start3A_342 = tpu.memref_squeeze %dma_start3A_341 : memref<1x4x64xi32, #tpu.memory_space<vmem>> -> memref<4x64xi32, #tpu.memory_space<vmem>>
      %dma_start3A_343 = arith.constant 0 : i32
      %dma_start3A_344 = arith.constant 0 : i32
      %dma_start3A_345 = tpu.memref_slice %arg3[%add3A, %run_scoped3A, %dma_start3A_343, %dma_start3A_344] : memref<32x40x4x64xi32, #tpu.memory_space<hbm>> -> memref<1x1x4x64xi32, #tpu.memory_space<hbm>>
      %dma_start3A_346 = tpu.memref_squeeze %dma_start3A_345 : memref<1x1x4x64xi32, #tpu.memory_space<hbm>> -> memref<4x64xi32, #tpu.memory_space<hbm>>
      %dma_start3A_347 = arith.constant 0 : i32
      %dma_start3A_348 = arith.constant 0 : i32
      %dma_start3A_349 = tpu.memref_slice %arg7[%run_scoped3A_3, %dma_start3A_347, %dma_start3A_348] : memref<2x4x64xi32, #tpu.memory_space<vmem>> -> memref<1x4x64xi32, #tpu.memory_space<vmem>>
      %dma_start3A_350 = tpu.memref_squeeze %dma_start3A_349 : memref<1x4x64xi32, #tpu.memory_space<vmem>> -> memref<4x64xi32, #tpu.memory_space<vmem>>
      %dma_start3A_351 = arith.constant 0 : i32
      %dma_start3A_352 = arith.constant 0 : i32
      %dma_start3A_353 = tpu.memref_slice %arg3[%add3A, %run_scoped3A, %dma_start3A_351, %dma_start3A_352] : memref<32x40x4x64xi32, #tpu.memory_space<hbm>> -> memref<1x1x4x64xi32, #tpu.memory_space<hbm>>
      %dma_start3A_354 = tpu.memref_squeeze %dma_start3A_353 : memref<1x1x4x64xi32, #tpu.memory_space<hbm>> -> memref<4x64xi32, #tpu.memory_space<hbm>>
      tpu.enqueue_dma source(%dma_start3A_354 : memref<4x64xi32, #tpu.memory_space<hbm>>) target(%dma_start3A_350 : memref<4x64xi32, #tpu.memory_space<vmem>>) target_semaphore(%run_scoped3A_338 : memref<!tpu.dma_semaphore, #tpu.memory_space<semaphore_mem>>)
      %dma_wait3A_355 = arith.constant 0 : i32
      %dma_wait3A_356 = arith.constant 0 : i32
      %dma_wait3A_357 = tpu.memref_slice %arg7[%run_scoped3A_3, %dma_wait3A_355, %dma_wait3A_356] : memref<2x4x64xi32, #tpu.memory_space<vmem>> -> memref<1x4x64xi32, #tpu.memory_space<vmem>>
      %dma_wait3A_358 = tpu.memref_squeeze %dma_wait3A_357 : memref<1x4x64xi32, #tpu.memory_space<vmem>> -> memref<4x64xi32, #tpu.memory_space<vmem>>
      %dma_wait3A_359 = arith.constant 0 : i32
      %dma_wait3A_360 = arith.constant 0 : i32
      %dma_wait3A_361 = tpu.memref_slice %arg3[%add3A, %run_scoped3A, %dma_wait3A_359, %dma_wait3A_360] : memref<32x40x4x64xi32, #tpu.memory_space<hbm>> -> memref<1x1x4x64xi32, #tpu.memory_space<hbm>>
      %dma_wait3A_362 = tpu.memref_squeeze %dma_wait3A_361 : memref<1x1x4x64xi32, #tpu.memory_space<hbm>> -> memref<4x64xi32, #tpu.memory_space<hbm>>
      %dma_wait3A_363 = arith.constant 0 : i32
      %dma_wait3A_364 = arith.constant 0 : i32
      %dma_wait3A_365 = tpu.memref_slice %arg7[%run_scoped3A_3, %dma_wait3A_363, %dma_wait3A_364] : memref<2x4x64xi32, #tpu.memory_space<vmem>> -> memref<1x4x64xi32, #tpu.memory_space<vmem>>
      %dma_wait3A_366 = tpu.memref_squeeze %dma_wait3A_365 : memref<1x4x64xi32, #tpu.memory_space<vmem>> -> memref<4x64xi32, #tpu.memory_space<vmem>>
      %dma_wait3A_367 = arith.constant 0 : i32
      %dma_wait3A_368 = arith.constant 0 : i32
      %dma_wait3A_369 = tpu.memref_slice %arg3[%add3A, %run_scoped3A, %dma_wait3A_367, %dma_wait3A_368] : memref<32x40x4x64xi32, #tpu.memory_space<hbm>> -> memref<1x1x4x64xi32, #tpu.memory_space<hbm>>
      %dma_wait3A_370 = tpu.memref_squeeze %dma_wait3A_369 : memref<1x1x4x64xi32, #tpu.memory_space<hbm>> -> memref<4x64xi32, #tpu.memory_space<hbm>>
      tpu.wait_dma2 semaphore(%run_scoped3A_338 : memref<!tpu.dma_semaphore, #tpu.memory_space<semaphore_mem>>) src(%dma_wait3A_370 : memref<4x64xi32, #tpu.memory_space<hbm>>) dst(%dma_wait3A_366 : memref<4x64xi32, #tpu.memory_space<vmem>>)
      tpu.yield
    }) : () -> ()
    %run_scoped3A_4 = arith.constant 0 : i32
    %run_scoped3A_5 = arith.constant 0 : i32
    "tpu.region"() ({
      %run_scoped3A_338 = tpu.sem_alloc : memref<!tpu.dma_semaphore, #tpu.memory_space<semaphore_mem>>
      %dma_start3A_339 = arith.constant 0 : i32
      %dma_start3A_340 = arith.constant 0 : i32
      %dma_start3A_341 = tpu.memref_slice %arg8[%run_scoped3A_5, %dma_start3A_339, %dma_start3A_340] : memref<2x4x64xi32, #tpu.memory_space<vmem>> -> memref<1x4x64xi32, #tpu.memory_space<vmem>>
      %dma_start3A_342 = tpu.memref_squeeze %dma_start3A_341 : memref<1x4x64xi32, #tpu.memory_space<vmem>> -> memref<4x64xi32, #tpu.memory_space<vmem>>
      %dma_start3A_343 = arith.constant 0 : i32
      %dma_start3A_344 = arith.constant 0 : i32
      %dma_start3A_345 = tpu.memref_slice %arg4[%add3A, %run_scoped3A_4, %dma_start3A_343, %dma_start3A_344] : memref<32x40x4x64xi32, #tpu.memory_space<hbm>> -> memref<1x1x4x64xi32, #tpu.memory_space<hbm>>
      %dma_start3A_346 = tpu.memref_squeeze %dma_start3A_345 : memref<1x1x4x64xi32, #tpu.memory_space<hbm>> -> memref<4x64xi32, #tpu.memory_space<hbm>>
      %dma_start3A_347 = arith.constant 0 : i32
      %dma_start3A_348 = arith.constant 0 : i32
      %dma_start3A_349 = tpu.memref_slice %arg8[%run_scoped3A_5, %dma_start3A_347, %dma_start3A_348] : memref<2x4x64xi32, #tpu.memory_space<vmem>> -> memref<1x4x64xi32, #tpu.memory_space<vmem>>
      %dma_start3A_350 = tpu.memref_squeeze %dma_start3A_349 : memref<1x4x64xi32, #tpu.memory_space<vmem>> -> memref<4x64xi32, #tpu.memory_space<vmem>>
      %dma_start3A_351 = arith.constant 0 : i32
      %dma_start3A_352 = arith.constant 0 : i32
      %dma_start3A_353 = tpu.memref_slice %arg4[%add3A, %run_scoped3A_4, %dma_start3A_351, %dma_start3A_352] : memref<32x40x4x64xi32, #tpu.memory_space<hbm>> -> memref<1x1x4x64xi32, #tpu.memory_space<hbm>>
      %dma_start3A_354 = tpu.memref_squeeze %dma_start3A_353 : memref<1x1x4x64xi32, #tpu.memory_space<hbm>> -> memref<4x64xi32, #tpu.memory_space<hbm>>
      tpu.enqueue_dma source(%dma_start3A_354 : memref<4x64xi32, #tpu.memory_space<hbm>>) target(%dma_start3A_350 : memref<4x64xi32, #tpu.memory_space<vmem>>) target_semaphore(%run_scoped3A_338 : memref<!tpu.dma_semaphore, #tpu.memory_space<semaphore_mem>>)
      %dma_wait3A_355 = arith.constant 0 : i32
      %dma_wait3A_356 = arith.constant 0 : i32
      %dma_wait3A_357 = tpu.memref_slice %arg8[%run_scoped3A_5, %dma_wait3A_355, %dma_wait3A_356] : memref<2x4x64xi32, #tpu.memory_space<vmem>> -> memref<1x4x64xi32, #tpu.memory_space<vmem>>
      %dma_wait3A_358 = tpu.memref_squeeze %dma_wait3A_357 : memref<1x4x64xi32, #tpu.memory_space<vmem>> -> memref<4x64xi32, #tpu.memory_space<vmem>>
      %dma_wait3A_359 = arith.constant 0 : i32
      %dma_wait3A_360 = arith.constant 0 : i32
      %dma_wait3A_361 = tpu.memref_slice %arg4[%add3A, %run_scoped3A_4, %dma_wait3A_359, %dma_wait3A_360] : memref<32x40x4x64xi32, #tpu.memory_space<hbm>> -> memref<1x1x4x64xi32, #tpu.memory_space<hbm>>
      %dma_wait3A_362 = tpu.memref_squeeze %dma_wait3A_361 : memref<1x1x4x64xi32, #tpu.memory_space<hbm>> -> memref<4x64xi32, #tpu.memory_space<hbm>>
      %dma_wait3A_363 = arith.constant 0 : i32
      %dma_wait3A_364 = arith.constant 0 : i32
      %dma_wait3A_365 = tpu.memref_slice %arg8[%run_scoped3A_5, %dma_wait3A_363, %dma_wait3A_364] : memref<2x4x64xi32, #tpu.memory_space<vmem>> -> memref<1x4x64xi32, #tpu.memory_space<vmem>>
      %dma_wait3A_366 = tpu.memref_squeeze %dma_wait3A_365 : memref<1x4x64xi32, #tpu.memory_space<vmem>> -> memref<4x64xi32, #tpu.memory_space<vmem>>
      %dma_wait3A_367 = arith.constant 0 : i32
      %dma_wait3A_368 = arith.constant 0 : i32
      %dma_wait3A_369 = tpu.memref_slice %arg4[%add3A, %run_scoped3A_4, %dma_wait3A_367, %dma_wait3A_368] : memref<32x40x4x64xi32, #tpu.memory_space<hbm>> -> memref<1x1x4x64xi32, #tpu.memory_space<hbm>>
      %dma_wait3A_370 = tpu.memref_squeeze %dma_wait3A_369 : memref<1x1x4x64xi32, #tpu.memory_space<hbm>> -> memref<4x64xi32, #tpu.memory_space<hbm>>
      tpu.wait_dma2 semaphore(%run_scoped3A_338 : memref<!tpu.dma_semaphore, #tpu.memory_space<semaphore_mem>>) src(%dma_wait3A_370 : memref<4x64xi32, #tpu.memory_space<hbm>>) dst(%dma_wait3A_366 : memref<4x64xi32, #tpu.memory_space<vmem>>)
      tpu.yield
    }) : () -> ()
    %dma_start3A = arith.constant 0 : i32
    %dma_start3A_6 = arith.constant 0 : i32
    %dma_start3A_7 = arith.constant 0 : i32
    %dma_start3A_8 = arith.constant 0 : i32
    %dma_start3A_9 = arith.constant 0 : i32
    %dma_start3A_10 = arith.constant 0 : i32
    %dma_start3A_11 = tpu.memref_slice %arg9[%dma_start3A_7, %dma_start3A_9, %dma_start3A_10] : memref<4x64x128xf32, #tpu.memory_space<vmem>> -> memref<1x64x128xf32, #tpu.memory_space<vmem>>
    %dma_start3A_12 = tpu.memref_squeeze %dma_start3A_11 : memref<1x64x128xf32, #tpu.memory_space<vmem>> -> memref<64x128xf32, #tpu.memory_space<vmem>>
    %dma_start3A_13 = arith.constant 0 : i32
    %dma_start3A_14 = tpu.memref_slice %arg7[%dma_start3A, %dma_start3A_6, %dma_start3A_13] : memref<2x4x64xi32, #tpu.memory_space<vmem>> -> memref<1x1x64xi32, #tpu.memory_space<vmem>>
    %dma_start3A_15 = tpu.memref_squeeze %dma_start3A_14 : memref<1x1x64xi32, #tpu.memory_space<vmem>> -> memref<64xi32, #tpu.memory_space<vmem>>
    %dma_start3A_16 = arith.constant 0 : i32
    %dma_start3A_17 = arith.constant 0 : i32
    %dma_start3A_18 = tpu.memref_slice %arg2[%dma_start3A_16, %dma_start3A_17] : memref<10240x128xf32, #tpu.memory_space<hbm>> -> memref<10240x128xf32, #tpu.memory_space<hbm>>
    %dma_start3A_19 = tpu.memref_slice %arg11[%dma_start3A_8] : memref<4x!tpu.dma_semaphore, #tpu.memory_space<semaphore_mem>> -> memref<1x!tpu.dma_semaphore, #tpu.memory_space<semaphore_mem>>
    %dma_start3A_20 = tpu.memref_squeeze %dma_start3A_19 : memref<1x!tpu.dma_semaphore, #tpu.memory_space<semaphore_mem>> -> memref<!tpu.dma_semaphore, #tpu.memory_space<semaphore_mem>>
    tpu.enqueue_indirect_dma source(%dma_start3A_18 : memref<10240x128xf32, #tpu.memory_space<hbm>>) target(%dma_start3A_12 : memref<64x128xf32, #tpu.memory_space<vmem>>) offsets(%dma_start3A_15 : memref<64xi32, #tpu.memory_space<vmem>>) semaphore(%dma_start3A_20 : memref<!tpu.dma_semaphore, #tpu.memory_space<semaphore_mem>>)
    %dma_start3A_21 = arith.constant 0 : i32
    %dma_start3A_22 = arith.constant 1 : i32
    %dma_start3A_23 = arith.constant 1 : i32
    %dma_start3A_24 = arith.constant 1 : i32
    %dma_start3A_25 = arith.constant 0 : i32
    %dma_start3A_26 = arith.constant 0 : i32
    %dma_start3A_27 = tpu.memref_slice %arg9[%dma_start3A_23, %dma_start3A_25, %dma_start3A_26] : memref<4x64x128xf32, #tpu.memory_space<vmem>> -> memref<1x64x128xf32, #tpu.memory_space<vmem>>
    %dma_start3A_28 = tpu.memref_squeeze %dma_start3A_27 : memref<1x64x128xf32, #tpu.memory_space<vmem>> -> memref<64x128xf32, #tpu.memory_space<vmem>>
    %dma_start3A_29 = arith.constant 0 : i32
    %dma_start3A_30 = tpu.memref_slice %arg7[%dma_start3A_21, %dma_start3A_22, %dma_start3A_29] : memref<2x4x64xi32, #tpu.memory_space<vmem>> -> memref<1x1x64xi32, #tpu.memory_space<vmem>>
    %dma_start3A_31 = tpu.memref_squeeze %dma_start3A_30 : memref<1x1x64xi32, #tpu.memory_space<vmem>> -> memref<64xi32, #tpu.memory_space<vmem>>
    %dma_start3A_32 = arith.constant 0 : i32
    %dma_start3A_33 = arith.constant 0 : i32
    %dma_start3A_34 = tpu.memref_slice %arg2[%dma_start3A_32, %dma_start3A_33] : memref<10240x128xf32, #tpu.memory_space<hbm>> -> memref<10240x128xf32, #tpu.memory_space<hbm>>
    %dma_start3A_35 = tpu.memref_slice %arg11[%dma_start3A_24] : memref<4x!tpu.dma_semaphore, #tpu.memory_space<semaphore_mem>> -> memref<1x!tpu.dma_semaphore, #tpu.memory_space<semaphore_mem>>
    %dma_start3A_36 = tpu.memref_squeeze %dma_start3A_35 : memref<1x!tpu.dma_semaphore, #tpu.memory_space<semaphore_mem>> -> memref<!tpu.dma_semaphore, #tpu.memory_space<semaphore_mem>>
    tpu.enqueue_indirect_dma source(%dma_start3A_34 : memref<10240x128xf32, #tpu.memory_space<hbm>>) target(%dma_start3A_28 : memref<64x128xf32, #tpu.memory_space<vmem>>) offsets(%dma_start3A_31 : memref<64xi32, #tpu.memory_space<vmem>>) semaphore(%dma_start3A_36 : memref<!tpu.dma_semaphore, #tpu.memory_space<semaphore_mem>>)
    %dma_start3A_37 = arith.constant 0 : i32
    %dma_start3A_38 = arith.constant 2 : i32
    %dma_start3A_39 = arith.constant 2 : i32
    %dma_start3A_40 = arith.constant 2 : i32
    %dma_start3A_41 = arith.constant 0 : i32
    %dma_start3A_42 = arith.constant 0 : i32
    %dma_start3A_43 = tpu.memref_slice %arg9[%dma_start3A_39, %dma_start3A_41, %dma_start3A_42] : memref<4x64x128xf32, #tpu.memory_space<vmem>> -> memref<1x64x128xf32, #tpu.memory_space<vmem>>
    %dma_start3A_44 = tpu.memref_squeeze %dma_start3A_43 : memref<1x64x128xf32, #tpu.memory_space<vmem>> -> memref<64x128xf32, #tpu.memory_space<vmem>>
    %dma_start3A_45 = arith.constant 0 : i32
    %dma_start3A_46 = tpu.memref_slice %arg7[%dma_start3A_37, %dma_start3A_38, %dma_start3A_45] : memref<2x4x64xi32, #tpu.memory_space<vmem>> -> memref<1x1x64xi32, #tpu.memory_space<vmem>>
    %dma_start3A_47 = tpu.memref_squeeze %dma_start3A_46 : memref<1x1x64xi32, #tpu.memory_space<vmem>> -> memref<64xi32, #tpu.memory_space<vmem>>
    %dma_start3A_48 = arith.constant 0 : i32
    %dma_start3A_49 = arith.constant 0 : i32
    %dma_start3A_50 = tpu.memref_slice %arg2[%dma_start3A_48, %dma_start3A_49] : memref<10240x128xf32, #tpu.memory_space<hbm>> -> memref<10240x128xf32, #tpu.memory_space<hbm>>
    %dma_start3A_51 = tpu.memref_slice %arg11[%dma_start3A_40] : memref<4x!tpu.dma_semaphore, #tpu.memory_space<semaphore_mem>> -> memref<1x!tpu.dma_semaphore, #tpu.memory_space<semaphore_mem>>
    %dma_start3A_52 = tpu.memref_squeeze %dma_start3A_51 : memref<1x!tpu.dma_semaphore, #tpu.memory_space<semaphore_mem>> -> memref<!tpu.dma_semaphore, #tpu.memory_space<semaphore_mem>>
    tpu.enqueue_indirect_dma source(%dma_start3A_50 : memref<10240x128xf32, #tpu.memory_space<hbm>>) target(%dma_start3A_44 : memref<64x128xf32, #tpu.memory_space<vmem>>) offsets(%dma_start3A_47 : memref<64xi32, #tpu.memory_space<vmem>>) semaphore(%dma_start3A_52 : memref<!tpu.dma_semaphore, #tpu.memory_space<semaphore_mem>>)
    %dma_start3A_53 = arith.constant 0 : i32
    %dma_start3A_54 = arith.constant 3 : i32
    %dma_start3A_55 = arith.constant 3 : i32
    %dma_start3A_56 = arith.constant 3 : i32
    %dma_start3A_57 = arith.constant 0 : i32
    %dma_start3A_58 = arith.constant 0 : i32
    %dma_start3A_59 = tpu.memref_slice %arg9[%dma_start3A_55, %dma_start3A_57, %dma_start3A_58] : memref<4x64x128xf32, #tpu.memory_space<vmem>> -> memref<1x64x128xf32, #tpu.memory_space<vmem>>
    %dma_start3A_60 = tpu.memref_squeeze %dma_start3A_59 : memref<1x64x128xf32, #tpu.memory_space<vmem>> -> memref<64x128xf32, #tpu.memory_space<vmem>>
    %dma_start3A_61 = arith.constant 0 : i32
    %dma_start3A_62 = tpu.memref_slice %arg7[%dma_start3A_53, %dma_start3A_54, %dma_start3A_61] : memref<2x4x64xi32, #tpu.memory_space<vmem>> -> memref<1x1x64xi32, #tpu.memory_space<vmem>>
    %dma_start3A_63 = tpu.memref_squeeze %dma_start3A_62 : memref<1x1x64xi32, #tpu.memory_space<vmem>> -> memref<64xi32, #tpu.memory_space<vmem>>
    %dma_start3A_64 = arith.constant 0 : i32
    %dma_start3A_65 = arith.constant 0 : i32
    %dma_start3A_66 = tpu.memref_slice %arg2[%dma_start3A_64, %dma_start3A_65] : memref<10240x128xf32, #tpu.memory_space<hbm>> -> memref<10240x128xf32, #tpu.memory_space<hbm>>
    %dma_start3A_67 = tpu.memref_slice %arg11[%dma_start3A_56] : memref<4x!tpu.dma_semaphore, #tpu.memory_space<semaphore_mem>> -> memref<1x!tpu.dma_semaphore, #tpu.memory_space<semaphore_mem>>
    %dma_start3A_68 = tpu.memref_squeeze %dma_start3A_67 : memref<1x!tpu.dma_semaphore, #tpu.memory_space<semaphore_mem>> -> memref<!tpu.dma_semaphore, #tpu.memory_space<semaphore_mem>>
    tpu.enqueue_indirect_dma source(%dma_start3A_66 : memref<10240x128xf32, #tpu.memory_space<hbm>>) target(%dma_start3A_60 : memref<64x128xf32, #tpu.memory_space<vmem>>) offsets(%dma_start3A_63 : memref<64xi32, #tpu.memory_space<vmem>>) semaphore(%dma_start3A_68 : memref<!tpu.dma_semaphore, #tpu.memory_space<semaphore_mem>>)
    %dma_start3A_69 = arith.constant 1 : i32
    %dma_start3A_70 = arith.constant 1 : i32
    %dma_start3A_71 = arith.constant 0 : i32
    %dma_start3A_72 = arith.constant 0 : i32
    %dma_start3A_73 = tpu.memref_slice %arg7[%dma_start3A_70, %dma_start3A_71, %dma_start3A_72] : memref<2x4x64xi32, #tpu.memory_space<vmem>> -> memref<1x4x64xi32, #tpu.memory_space<vmem>>
    %dma_start3A_74 = tpu.memref_squeeze %dma_start3A_73 : memref<1x4x64xi32, #tpu.memory_space<vmem>> -> memref<4x64xi32, #tpu.memory_space<vmem>>
    %dma_start3A_75 = arith.constant 0 : i32
    %dma_start3A_76 = arith.constant 0 : i32
    %dma_start3A_77 = tpu.memref_slice %arg3[%add3A, %dma_start3A_69, %dma_start3A_75, %dma_start3A_76] : memref<32x40x4x64xi32, #tpu.memory_space<hbm>> -> memref<1x1x4x64xi32, #tpu.memory_space<hbm>>
    %dma_start3A_78 = tpu.memref_squeeze %dma_start3A_77 : memref<1x1x4x64xi32, #tpu.memory_space<hbm>> -> memref<4x64xi32, #tpu.memory_space<hbm>>
    %dma_start3A_79 = arith.constant 0 : i32
    %dma_start3A_80 = arith.constant 0 : i32
    %dma_start3A_81 = tpu.memref_slice %arg7[%dma_start3A_70, %dma_start3A_79, %dma_start3A_80] : memref<2x4x64xi32, #tpu.memory_space<vmem>> -> memref<1x4x64xi32, #tpu.memory_space<vmem>>
    %dma_start3A_82 = tpu.memref_squeeze %dma_start3A_81 : memref<1x4x64xi32, #tpu.memory_space<vmem>> -> memref<4x64xi32, #tpu.memory_space<vmem>>
    %dma_start3A_83 = arith.constant 0 : i32
    %dma_start3A_84 = arith.constant 0 : i32
    %dma_start3A_85 = tpu.memref_slice %arg3[%add3A, %dma_start3A_69, %dma_start3A_83, %dma_start3A_84] : memref<32x40x4x64xi32, #tpu.memory_space<hbm>> -> memref<1x1x4x64xi32, #tpu.memory_space<hbm>>
    %dma_start3A_86 = tpu.memref_squeeze %dma_start3A_85 : memref<1x1x4x64xi32, #tpu.memory_space<hbm>> -> memref<4x64xi32, #tpu.memory_space<hbm>>
    tpu.enqueue_dma source(%dma_start3A_86 : memref<4x64xi32, #tpu.memory_space<hbm>>) target(%dma_start3A_82 : memref<4x64xi32, #tpu.memory_space<vmem>>) target_semaphore(%arg13 : memref<!tpu.dma_semaphore, #tpu.memory_space<semaphore_mem>>)
    %dma_start3A_87 = arith.constant 1 : i32
    %dma_start3A_88 = arith.constant 1 : i32
    %dma_start3A_89 = arith.constant 0 : i32
    %dma_start3A_90 = arith.constant 0 : i32
    %dma_start3A_91 = tpu.memref_slice %arg8[%dma_start3A_88, %dma_start3A_89, %dma_start3A_90] : memref<2x4x64xi32, #tpu.memory_space<vmem>> -> memref<1x4x64xi32, #tpu.memory_space<vmem>>
    %dma_start3A_92 = tpu.memref_squeeze %dma_start3A_91 : memref<1x4x64xi32, #tpu.memory_space<vmem>> -> memref<4x64xi32, #tpu.memory_space<vmem>>
    %dma_start3A_93 = arith.constant 0 : i32
    %dma_start3A_94 = arith.constant 0 : i32
    %dma_start3A_95 = tpu.memref_slice %arg4[%add3A, %dma_start3A_87, %dma_start3A_93, %dma_start3A_94] : memref<32x40x4x64xi32, #tpu.memory_space<hbm>> -> memref<1x1x4x64xi32, #tpu.memory_space<hbm>>
    %dma_start3A_96 = tpu.memref_squeeze %dma_start3A_95 : memref<1x1x4x64xi32, #tpu.memory_space<hbm>> -> memref<4x64xi32, #tpu.memory_space<hbm>>
    %dma_start3A_97 = arith.constant 0 : i32
    %dma_start3A_98 = arith.constant 0 : i32
    %dma_start3A_99 = tpu.memref_slice %arg8[%dma_start3A_88, %dma_start3A_97, %dma_start3A_98] : memref<2x4x64xi32, #tpu.memory_space<vmem>> -> memref<1x4x64xi32, #tpu.memory_space<vmem>>
    %dma_start3A_100 = tpu.memref_squeeze %dma_start3A_99 : memref<1x4x64xi32, #tpu.memory_space<vmem>> -> memref<4x64xi32, #tpu.memory_space<vmem>>
    %dma_start3A_101 = arith.constant 0 : i32
    %dma_start3A_102 = arith.constant 0 : i32
    %dma_start3A_103 = tpu.memref_slice %arg4[%add3A, %dma_start3A_87, %dma_start3A_101, %dma_start3A_102] : memref<32x40x4x64xi32, #tpu.memory_space<hbm>> -> memref<1x1x4x64xi32, #tpu.memory_space<hbm>>
    %dma_start3A_104 = tpu.memref_squeeze %dma_start3A_103 : memref<1x1x4x64xi32, #tpu.memory_space<hbm>> -> memref<4x64xi32, #tpu.memory_space<hbm>>
    tpu.enqueue_dma source(%dma_start3A_104 : memref<4x64xi32, #tpu.memory_space<hbm>>) target(%dma_start3A_100 : memref<4x64xi32, #tpu.memory_space<vmem>>) target_semaphore(%arg13 : memref<!tpu.dma_semaphore, #tpu.memory_space<semaphore_mem>>)
    "tpu.region"() ({
      %run_scoped3A_338 = tpu.sem_alloc : memref<!tpu.dma_semaphore, #tpu.memory_space<semaphore_mem>>
      %dma_start3A_339 = arith.constant 0 : i32
      %dma_start3A_340 = tpu.memref_slice %arg10[%mul3A_2, %dma_start3A_339] : memref<10240x128xf32, #tpu.memory_space<vmem_shared>> -> memref<640x128xf32, #tpu.memory_space<vmem_shared>>
      %dma_start3A_341 = arith.constant 0 : i32
      %dma_start3A_342 = tpu.memref_slice %arg5[%mul3A_2, %dma_start3A_341] : memref<10240x128xf32, #tpu.memory_space<hbm>> -> memref<640x128xf32, #tpu.memory_space<hbm>>
      tpu.enqueue_dma source(%dma_start3A_342 : memref<640x128xf32, #tpu.memory_space<hbm>>) target(%dma_start3A_340 : memref<640x128xf32, #tpu.memory_space<vmem_shared>>) target_semaphore(%run_scoped3A_338 : memref<!tpu.dma_semaphore, #tpu.memory_space<semaphore_mem>>)
      %dma_wait3A_343 = arith.constant 0 : i32
      %dma_wait3A_344 = tpu.memref_slice %arg10[%mul3A_2, %dma_wait3A_343] : memref<10240x128xf32, #tpu.memory_space<vmem_shared>> -> memref<640x128xf32, #tpu.memory_space<vmem_shared>>
      %dma_wait3A_345 = arith.constant 0 : i32
      %dma_wait3A_346 = tpu.memref_slice %arg5[%mul3A_2, %dma_wait3A_345] : memref<10240x128xf32, #tpu.memory_space<hbm>> -> memref<640x128xf32, #tpu.memory_space<hbm>>
      tpu.wait_dma2 semaphore(%run_scoped3A_338 : memref<!tpu.dma_semaphore, #tpu.memory_space<semaphore_mem>>) src(%dma_wait3A_346 : memref<640x128xf32, #tpu.memory_space<hbm>>) dst(%dma_wait3A_344 : memref<640x128xf32, #tpu.memory_space<vmem_shared>>)
      tpu.yield
    }) : () -> ()
    %barrier3A = arith.constant 0 : index
    tpu.barrier barrier_id(%barrier3A)
    %scan3A = arith.constant 0 : i32
    %scan3A_105 = arith.constant 0 : i32
    %scan3A_106 = arith.constant 39 : i32
    %scan3A_107 = arith.addi %scan3A_105, %scan3A_106 : i32
    %scan3A_108 = arith.constant 1 : i32
    scf.for %scan3A_338 = %scan3A_105 to %scan3A_107 step %scan3A_108  : i32 {
      %rem3A = arith.constant 2 : i32
      %rem3A_339 = arith.remsi %scan3A_338, %rem3A : i32
      %dma_wait3A_340 = arith.constant 0 : i32
      %dma_wait3A_341 = arith.constant 0 : i32
      %dma_wait3A_342 = arith.constant 0 : i32
      %dma_wait3A_343 = arith.constant 0 : i32
      %dma_wait3A_344 = arith.constant 0 : i32
      %dma_wait3A_345 = arith.constant 0 : i32
      %dma_wait3A_346 = tpu.memref_slice %arg9[%dma_wait3A_342, %dma_wait3A_344, %dma_wait3A_345] : memref<4x64x128xf32, #tpu.memory_space<vmem>> -> memref<1x64x128xf32, #tpu.memory_space<vmem>>
      %dma_wait3A_347 = tpu.memref_squeeze %dma_wait3A_346 : memref<1x64x128xf32, #tpu.memory_space<vmem>> -> memref<64x128xf32, #tpu.memory_space<vmem>>
      %dma_wait3A_348 = arith.constant 0 : i32
      %dma_wait3A_349 = tpu.memref_slice %arg7[%dma_wait3A_340, %dma_wait3A_341, %dma_wait3A_348] : memref<2x4x64xi32, #tpu.memory_space<vmem>> -> memref<1x1x64xi32, #tpu.memory_space<vmem>>
      %dma_wait3A_350 = tpu.memref_squeeze %dma_wait3A_349 : memref<1x1x64xi32, #tpu.memory_space<vmem>> -> memref<64xi32, #tpu.memory_space<vmem>>
      %dma_wait3A_351 = arith.constant 0 : i32
      %dma_wait3A_352 = arith.constant 0 : i32
      %dma_wait3A_353 = tpu.memref_slice %arg2[%dma_wait3A_351, %dma_wait3A_352] : memref<10240x128xf32, #tpu.memory_space<hbm>> -> memref<10240x128xf32, #tpu.memory_space<hbm>>
      %dma_wait3A_354 = tpu.memref_slice %arg11[%dma_wait3A_343] : memref<4x!tpu.dma_semaphore, #tpu.memory_space<semaphore_mem>> -> memref<1x!tpu.dma_semaphore, #tpu.memory_space<semaphore_mem>>
      %dma_wait3A_355 = tpu.memref_squeeze %dma_wait3A_354 : memref<1x!tpu.dma_semaphore, #tpu.memory_space<semaphore_mem>> -> memref<!tpu.dma_semaphore, #tpu.memory_space<semaphore_mem>>
      tpu.wait_indirect_dma semaphore(%dma_wait3A_355 : memref<!tpu.dma_semaphore, #tpu.memory_space<semaphore_mem>>) src(%dma_wait3A_353 : memref<10240x128xf32, #tpu.memory_space<hbm>>) dst(%dma_wait3A_347 : memref<64x128xf32, #tpu.memory_space<vmem>>)
      %dma_start3A_356 = arith.constant 0 : i32
      %dma_start3A_357 = arith.constant 0 : i32
      %dma_start3A_358 = arith.constant 0 : i32
      %dma_start3A_359 = arith.constant 0 : i32
      %dma_start3A_360 = arith.constant 0 : i32
      %dma_start3A_361 = tpu.memref_slice %arg9[%dma_start3A_356, %dma_start3A_359, %dma_start3A_360] : memref<4x64x128xf32, #tpu.memory_space<vmem>> -> memref<1x64x128xf32, #tpu.memory_space<vmem>>
      %dma_start3A_362 = tpu.memref_squeeze %dma_start3A_361 : memref<1x64x128xf32, #tpu.memory_space<vmem>> -> memref<64x128xf32, #tpu.memory_space<vmem>>
      %dma_start3A_363 = arith.constant 0 : i32
      %dma_start3A_364 = tpu.memref_slice %arg8[%rem3A_339, %dma_start3A_357, %dma_start3A_363] : memref<2x4x64xi32, #tpu.memory_space<vmem>> -> memref<1x1x64xi32, #tpu.memory_space<vmem>>
      %dma_start3A_365 = tpu.memref_squeeze %dma_start3A_364 : memref<1x1x64xi32, #tpu.memory_space<vmem>> -> memref<64xi32, #tpu.memory_space<vmem>>
      %dma_start3A_366 = arith.constant 0 : i32
      %dma_start3A_367 = arith.constant 0 : i32
      %dma_start3A_368 = tpu.memref_slice %arg10[%dma_start3A_366, %dma_start3A_367] : memref<10240x128xf32, #tpu.memory_space<vmem_shared>> -> memref<10240x128xf32, #tpu.memory_space<vmem_shared>>
      %dma_start3A_369 = tpu.memref_slice %arg12[%dma_start3A_358] : memref<4x!tpu.dma_semaphore, #tpu.memory_space<semaphore_mem>> -> memref<1x!tpu.dma_semaphore, #tpu.memory_space<semaphore_mem>>
      %dma_start3A_370 = tpu.memref_squeeze %dma_start3A_369 : memref<1x!tpu.dma_semaphore, #tpu.memory_space<semaphore_mem>> -> memref<!tpu.dma_semaphore, #tpu.memory_space<semaphore_mem>>
      tpu.enqueue_indirect_dma source(%dma_start3A_362 : memref<64x128xf32, #tpu.memory_space<vmem>>) target(%dma_start3A_368 : memref<10240x128xf32, #tpu.memory_space<vmem_shared>>) offsets(%dma_start3A_365 : memref<64xi32, #tpu.memory_space<vmem>>) semaphore(%dma_start3A_370 : memref<!tpu.dma_semaphore, #tpu.memory_space<semaphore_mem>>) {add = true}
      %dma_wait3A_371 = arith.constant 0 : i32
      %dma_wait3A_372 = arith.constant 0 : i32
      %dma_wait3A_373 = arith.constant 1 : i32
      %dma_wait3A_374 = arith.constant 1 : i32
      %dma_wait3A_375 = arith.constant 0 : i32
      %dma_wait3A_376 = arith.constant 0 : i32
      %dma_wait3A_377 = tpu.memref_slice %arg9[%dma_wait3A_373, %dma_wait3A_375, %dma_wait3A_376] : memref<4x64x128xf32, #tpu.memory_space<vmem>> -> memref<1x64x128xf32, #tpu.memory_space<vmem>>
      %dma_wait3A_378 = tpu.memref_squeeze %dma_wait3A_377 : memref<1x64x128xf32, #tpu.memory_space<vmem>> -> memref<64x128xf32, #tpu.memory_space<vmem>>
      %dma_wait3A_379 = arith.constant 0 : i32
      %dma_wait3A_380 = tpu.memref_slice %arg7[%dma_wait3A_371, %dma_wait3A_372, %dma_wait3A_379] : memref<2x4x64xi32, #tpu.memory_space<vmem>> -> memref<1x1x64xi32, #tpu.memory_space<vmem>>
      %dma_wait3A_381 = tpu.memref_squeeze %dma_wait3A_380 : memref<1x1x64xi32, #tpu.memory_space<vmem>> -> memref<64xi32, #tpu.memory_space<vmem>>
      %dma_wait3A_382 = arith.constant 0 : i32
      %dma_wait3A_383 = arith.constant 0 : i32
      %dma_wait3A_384 = tpu.memref_slice %arg2[%dma_wait3A_382, %dma_wait3A_383] : memref<10240x128xf32, #tpu.memory_space<hbm>> -> memref<10240x128xf32, #tpu.memory_space<hbm>>
      %dma_wait3A_385 = tpu.memref_slice %arg11[%dma_wait3A_374] : memref<4x!tpu.dma_semaphore, #tpu.memory_space<semaphore_mem>> -> memref<1x!tpu.dma_semaphore, #tpu.memory_space<semaphore_mem>>
      %dma_wait3A_386 = tpu.memref_squeeze %dma_wait3A_385 : memref<1x!tpu.dma_semaphore, #tpu.memory_space<semaphore_mem>> -> memref<!tpu.dma_semaphore, #tpu.memory_space<semaphore_mem>>
      tpu.wait_indirect_dma semaphore(%dma_wait3A_386 : memref<!tpu.dma_semaphore, #tpu.memory_space<semaphore_mem>>) src(%dma_wait3A_384 : memref<10240x128xf32, #tpu.memory_space<hbm>>) dst(%dma_wait3A_378 : memref<64x128xf32, #tpu.memory_space<vmem>>)
      %dma_start3A_387 = arith.constant 1 : i32
      %dma_start3A_388 = arith.constant 1 : i32
      %dma_start3A_389 = arith.constant 1 : i32
      %dma_start3A_390 = arith.constant 0 : i32
      %dma_start3A_391 = arith.constant 0 : i32
      %dma_start3A_392 = tpu.memref_slice %arg9[%dma_start3A_387, %dma_start3A_390, %dma_start3A_391] : memref<4x64x128xf32, #tpu.memory_space<vmem>> -> memref<1x64x128xf32, #tpu.memory_space<vmem>>
      %dma_start3A_393 = tpu.memref_squeeze %dma_start3A_392 : memref<1x64x128xf32, #tpu.memory_space<vmem>> -> memref<64x128xf32, #tpu.memory_space<vmem>>
      %dma_start3A_394 = arith.constant 0 : i32
      %dma_start3A_395 = tpu.memref_slice %arg8[%rem3A_339, %dma_start3A_388, %dma_start3A_394] : memref<2x4x64xi32, #tpu.memory_space<vmem>> -> memref<1x1x64xi32, #tpu.memory_space<vmem>>
      %dma_start3A_396 = tpu.memref_squeeze %dma_start3A_395 : memref<1x1x64xi32, #tpu.memory_space<vmem>> -> memref<64xi32, #tpu.memory_space<vmem>>
      %dma_start3A_397 = arith.constant 0 : i32
      %dma_start3A_398 = arith.constant 0 : i32
      %dma_start3A_399 = tpu.memref_slice %arg10[%dma_start3A_397, %dma_start3A_398] : memref<10240x128xf32, #tpu.memory_space<vmem_shared>> -> memref<10240x128xf32, #tpu.memory_space<vmem_shared>>
      %dma_start3A_400 = tpu.memref_slice %arg12[%dma_start3A_389] : memref<4x!tpu.dma_semaphore, #tpu.memory_space<semaphore_mem>> -> memref<1x!tpu.dma_semaphore, #tpu.memory_space<semaphore_mem>>
      %dma_start3A_401 = tpu.memref_squeeze %dma_start3A_400 : memref<1x!tpu.dma_semaphore, #tpu.memory_space<semaphore_mem>> -> memref<!tpu.dma_semaphore, #tpu.memory_space<semaphore_mem>>
      tpu.enqueue_indirect_dma source(%dma_start3A_393 : memref<64x128xf32, #tpu.memory_space<vmem>>) target(%dma_start3A_399 : memref<10240x128xf32, #tpu.memory_space<vmem_shared>>) offsets(%dma_start3A_396 : memref<64xi32, #tpu.memory_space<vmem>>) semaphore(%dma_start3A_401 : memref<!tpu.dma_semaphore, #tpu.memory_space<semaphore_mem>>) {add = true}
      %dma_wait3A_402 = arith.constant 0 : i32
      %dma_wait3A_403 = arith.constant 0 : i32
      %dma_wait3A_404 = arith.constant 2 : i32
      %dma_wait3A_405 = arith.constant 2 : i32
      %dma_wait3A_406 = arith.constant 0 : i32
      %dma_wait3A_407 = arith.constant 0 : i32
      %dma_wait3A_408 = tpu.memref_slice %arg9[%dma_wait3A_404, %dma_wait3A_406, %dma_wait3A_407] : memref<4x64x128xf32, #tpu.memory_space<vmem>> -> memref<1x64x128xf32, #tpu.memory_space<vmem>>
      %dma_wait3A_409 = tpu.memref_squeeze %dma_wait3A_408 : memref<1x64x128xf32, #tpu.memory_space<vmem>> -> memref<64x128xf32, #tpu.memory_space<vmem>>
      %dma_wait3A_410 = arith.constant 0 : i32
      %dma_wait3A_411 = tpu.memref_slice %arg7[%dma_wait3A_402, %dma_wait3A_403, %dma_wait3A_410] : memref<2x4x64xi32, #tpu.memory_space<vmem>> -> memref<1x1x64xi32, #tpu.memory_space<vmem>>
      %dma_wait3A_412 = tpu.memref_squeeze %dma_wait3A_411 : memref<1x1x64xi32, #tpu.memory_space<vmem>> -> memref<64xi32, #tpu.memory_space<vmem>>
      %dma_wait3A_413 = arith.constant 0 : i32
      %dma_wait3A_414 = arith.constant 0 : i32
      %dma_wait3A_415 = tpu.memref_slice %arg2[%dma_wait3A_413, %dma_wait3A_414] : memref<10240x128xf32, #tpu.memory_space<hbm>> -> memref<10240x128xf32, #tpu.memory_space<hbm>>
      %dma_wait3A_416 = tpu.memref_slice %arg11[%dma_wait3A_405] : memref<4x!tpu.dma_semaphore, #tpu.memory_space<semaphore_mem>> -> memref<1x!tpu.dma_semaphore, #tpu.memory_space<semaphore_mem>>
      %dma_wait3A_417 = tpu.memref_squeeze %dma_wait3A_416 : memref<1x!tpu.dma_semaphore, #tpu.memory_space<semaphore_mem>> -> memref<!tpu.dma_semaphore, #tpu.memory_space<semaphore_mem>>
      tpu.wait_indirect_dma semaphore(%dma_wait3A_417 : memref<!tpu.dma_semaphore, #tpu.memory_space<semaphore_mem>>) src(%dma_wait3A_415 : memref<10240x128xf32, #tpu.memory_space<hbm>>) dst(%dma_wait3A_409 : memref<64x128xf32, #tpu.memory_space<vmem>>)
      %dma_start3A_418 = arith.constant 2 : i32
      %dma_start3A_419 = arith.constant 2 : i32
      %dma_start3A_420 = arith.constant 2 : i32
      %dma_start3A_421 = arith.constant 0 : i32
      %dma_start3A_422 = arith.constant 0 : i32
      %dma_start3A_423 = tpu.memref_slice %arg9[%dma_start3A_418, %dma_start3A_421, %dma_start3A_422] : memref<4x64x128xf32, #tpu.memory_space<vmem>> -> memref<1x64x128xf32, #tpu.memory_space<vmem>>
      %dma_start3A_424 = tpu.memref_squeeze %dma_start3A_423 : memref<1x64x128xf32, #tpu.memory_space<vmem>> -> memref<64x128xf32, #tpu.memory_space<vmem>>
      %dma_start3A_425 = arith.constant 0 : i32
      %dma_start3A_426 = tpu.memref_slice %arg8[%rem3A_339, %dma_start3A_419, %dma_start3A_425] : memref<2x4x64xi32, #tpu.memory_space<vmem>> -> memref<1x1x64xi32, #tpu.memory_space<vmem>>
      %dma_start3A_427 = tpu.memref_squeeze %dma_start3A_426 : memref<1x1x64xi32, #tpu.memory_space<vmem>> -> memref<64xi32, #tpu.memory_space<vmem>>
      %dma_start3A_428 = arith.constant 0 : i32
      %dma_start3A_429 = arith.constant 0 : i32
      %dma_start3A_430 = tpu.memref_slice %arg10[%dma_start3A_428, %dma_start3A_429] : memref<10240x128xf32, #tpu.memory_space<vmem_shared>> -> memref<10240x128xf32, #tpu.memory_space<vmem_shared>>
      %dma_start3A_431 = tpu.memref_slice %arg12[%dma_start3A_420] : memref<4x!tpu.dma_semaphore, #tpu.memory_space<semaphore_mem>> -> memref<1x!tpu.dma_semaphore, #tpu.memory_space<semaphore_mem>>
      %dma_start3A_432 = tpu.memref_squeeze %dma_start3A_431 : memref<1x!tpu.dma_semaphore, #tpu.memory_space<semaphore_mem>> -> memref<!tpu.dma_semaphore, #tpu.memory_space<semaphore_mem>>
      tpu.enqueue_indirect_dma source(%dma_start3A_424 : memref<64x128xf32, #tpu.memory_space<vmem>>) target(%dma_start3A_430 : memref<10240x128xf32, #tpu.memory_space<vmem_shared>>) offsets(%dma_start3A_427 : memref<64xi32, #tpu.memory_space<vmem>>) semaphore(%dma_start3A_432 : memref<!tpu.dma_semaphore, #tpu.memory_space<semaphore_mem>>) {add = true}
      %dma_wait3A_433 = arith.constant 0 : i32
      %dma_wait3A_434 = arith.constant 0 : i32
      %dma_wait3A_435 = arith.constant 3 : i32
      %dma_wait3A_436 = arith.constant 3 : i32
      %dma_wait3A_437 = arith.constant 0 : i32
      %dma_wait3A_438 = arith.constant 0 : i32
      %dma_wait3A_439 = tpu.memref_slice %arg9[%dma_wait3A_435, %dma_wait3A_437, %dma_wait3A_438] : memref<4x64x128xf32, #tpu.memory_space<vmem>> -> memref<1x64x128xf32, #tpu.memory_space<vmem>>
      %dma_wait3A_440 = tpu.memref_squeeze %dma_wait3A_439 : memref<1x64x128xf32, #tpu.memory_space<vmem>> -> memref<64x128xf32, #tpu.memory_space<vmem>>
      %dma_wait3A_441 = arith.constant 0 : i32
      %dma_wait3A_442 = tpu.memref_slice %arg7[%dma_wait3A_433, %dma_wait3A_434, %dma_wait3A_441] : memref<2x4x64xi32, #tpu.memory_space<vmem>> -> memref<1x1x64xi32, #tpu.memory_space<vmem>>
      %dma_wait3A_443 = tpu.memref_squeeze %dma_wait3A_442 : memref<1x1x64xi32, #tpu.memory_space<vmem>> -> memref<64xi32, #tpu.memory_space<vmem>>
      %dma_wait3A_444 = arith.constant 0 : i32
      %dma_wait3A_445 = arith.constant 0 : i32
      %dma_wait3A_446 = tpu.memref_slice %arg2[%dma_wait3A_444, %dma_wait3A_445] : memref<10240x128xf32, #tpu.memory_space<hbm>> -> memref<10240x128xf32, #tpu.memory_space<hbm>>
      %dma_wait3A_447 = tpu.memref_slice %arg11[%dma_wait3A_436] : memref<4x!tpu.dma_semaphore, #tpu.memory_space<semaphore_mem>> -> memref<1x!tpu.dma_semaphore, #tpu.memory_space<semaphore_mem>>
      %dma_wait3A_448 = tpu.memref_squeeze %dma_wait3A_447 : memref<1x!tpu.dma_semaphore, #tpu.memory_space<semaphore_mem>> -> memref<!tpu.dma_semaphore, #tpu.memory_space<semaphore_mem>>
      tpu.wait_indirect_dma semaphore(%dma_wait3A_448 : memref<!tpu.dma_semaphore, #tpu.memory_space<semaphore_mem>>) src(%dma_wait3A_446 : memref<10240x128xf32, #tpu.memory_space<hbm>>) dst(%dma_wait3A_440 : memref<64x128xf32, #tpu.memory_space<vmem>>)
      %dma_start3A_449 = arith.constant 3 : i32
      %dma_start3A_450 = arith.constant 3 : i32
      %dma_start3A_451 = arith.constant 3 : i32
      %dma_start3A_452 = arith.constant 0 : i32
      %dma_start3A_453 = arith.constant 0 : i32
      %dma_start3A_454 = tpu.memref_slice %arg9[%dma_start3A_449, %dma_start3A_452, %dma_start3A_453] : memref<4x64x128xf32, #tpu.memory_space<vmem>> -> memref<1x64x128xf32, #tpu.memory_space<vmem>>
      %dma_start3A_455 = tpu.memref_squeeze %dma_start3A_454 : memref<1x64x128xf32, #tpu.memory_space<vmem>> -> memref<64x128xf32, #tpu.memory_space<vmem>>
      %dma_start3A_456 = arith.constant 0 : i32
      %dma_start3A_457 = tpu.memref_slice %arg8[%rem3A_339, %dma_start3A_450, %dma_start3A_456] : memref<2x4x64xi32, #tpu.memory_space<vmem>> -> memref<1x1x64xi32, #tpu.memory_space<vmem>>
      %dma_start3A_458 = tpu.memref_squeeze %dma_start3A_457 : memref<1x1x64xi32, #tpu.memory_space<vmem>> -> memref<64xi32, #tpu.memory_space<vmem>>
      %dma_start3A_459 = arith.constant 0 : i32
      %dma_start3A_460 = arith.constant 0 : i32
      %dma_start3A_461 = tpu.memref_slice %arg10[%dma_start3A_459, %dma_start3A_460] : memref<10240x128xf32, #tpu.memory_space<vmem_shared>> -> memref<10240x128xf32, #tpu.memory_space<vmem_shared>>
      %dma_start3A_462 = tpu.memref_slice %arg12[%dma_start3A_451] : memref<4x!tpu.dma_semaphore, #tpu.memory_space<semaphore_mem>> -> memref<1x!tpu.dma_semaphore, #tpu.memory_space<semaphore_mem>>
      %dma_start3A_463 = tpu.memref_squeeze %dma_start3A_462 : memref<1x!tpu.dma_semaphore, #tpu.memory_space<semaphore_mem>> -> memref<!tpu.dma_semaphore, #tpu.memory_space<semaphore_mem>>
      tpu.enqueue_indirect_dma source(%dma_start3A_455 : memref<64x128xf32, #tpu.memory_space<vmem>>) target(%dma_start3A_461 : memref<10240x128xf32, #tpu.memory_space<vmem_shared>>) offsets(%dma_start3A_458 : memref<64xi32, #tpu.memory_space<vmem>>) semaphore(%dma_start3A_463 : memref<!tpu.dma_semaphore, #tpu.memory_space<semaphore_mem>>) {add = true}
      %dma_wait3A_464 = arith.constant 0 : i32
      %dma_wait3A_465 = arith.constant 0 : i32
      %dma_wait3A_466 = arith.constant 0 : i32
      %dma_wait3A_467 = arith.constant 0 : i32
      %dma_wait3A_468 = tpu.memref_slice %arg7[%dma_wait3A_465, %dma_wait3A_466, %dma_wait3A_467] : memref<2x4x64xi32, #tpu.memory_space<vmem>> -> memref<1x4x64xi32, #tpu.memory_space<vmem>>
      %dma_wait3A_469 = tpu.memref_squeeze %dma_wait3A_468 : memref<1x4x64xi32, #tpu.memory_space<vmem>> -> memref<4x64xi32, #tpu.memory_space<vmem>>
      %dma_wait3A_470 = arith.constant 0 : i32
      %dma_wait3A_471 = arith.constant 0 : i32
      %dma_wait3A_472 = tpu.memref_slice %arg3[%add3A, %dma_wait3A_464, %dma_wait3A_470, %dma_wait3A_471] : memref<32x40x4x64xi32, #tpu.memory_space<hbm>> -> memref<1x1x4x64xi32, #tpu.memory_space<hbm>>
      %dma_wait3A_473 = tpu.memref_squeeze %dma_wait3A_472 : memref<1x1x4x64xi32, #tpu.memory_space<hbm>> -> memref<4x64xi32, #tpu.memory_space<hbm>>
      %dma_wait3A_474 = arith.constant 0 : i32
      %dma_wait3A_475 = arith.constant 0 : i32
      %dma_wait3A_476 = tpu.memref_slice %arg7[%dma_wait3A_465, %dma_wait3A_474, %dma_wait3A_475] : memref<2x4x64xi32, #tpu.memory_space<vmem>> -> memref<1x4x64xi32, #tpu.memory_space<vmem>>
      %dma_wait3A_477 = tpu.memref_squeeze %dma_wait3A_476 : memref<1x4x64xi32, #tpu.memory_space<vmem>> -> memref<4x64xi32, #tpu.memory_space<vmem>>
      %dma_wait3A_478 = arith.constant 0 : i32
      %dma_wait3A_479 = arith.constant 0 : i32
      %dma_wait3A_480 = tpu.memref_slice %arg3[%add3A, %dma_wait3A_464, %dma_wait3A_478, %dma_wait3A_479] : memref<32x40x4x64xi32, #tpu.memory_space<hbm>> -> memref<1x1x4x64xi32, #tpu.memory_space<hbm>>
      %dma_wait3A_481 = tpu.memref_squeeze %dma_wait3A_480 : memref<1x1x4x64xi32, #tpu.memory_space<hbm>> -> memref<4x64xi32, #tpu.memory_space<hbm>>
      tpu.wait_dma2 semaphore(%arg13 : memref<!tpu.dma_semaphore, #tpu.memory_space<semaphore_mem>>) src(%dma_wait3A_481 : memref<4x64xi32, #tpu.memory_space<hbm>>) dst(%dma_wait3A_477 : memref<4x64xi32, #tpu.memory_space<vmem>>)
      %dma_wait3A_482 = arith.constant 0 : i32
      %dma_wait3A_483 = arith.constant 0 : i32
      %dma_wait3A_484 = arith.constant 0 : i32
      %dma_wait3A_485 = arith.constant 0 : i32
      %dma_wait3A_486 = tpu.memref_slice %arg8[%dma_wait3A_483, %dma_wait3A_484, %dma_wait3A_485] : memref<2x4x64xi32, #tpu.memory_space<vmem>> -> memref<1x4x64xi32, #tpu.memory_space<vmem>>
      %dma_wait3A_487 = tpu.memref_squeeze %dma_wait3A_486 : memref<1x4x64xi32, #tpu.memory_space<vmem>> -> memref<4x64xi32, #tpu.memory_space<vmem>>
      %dma_wait3A_488 = arith.constant 0 : i32
      %dma_wait3A_489 = arith.constant 0 : i32
      %dma_wait3A_490 = tpu.memref_slice %arg4[%add3A, %dma_wait3A_482, %dma_wait3A_488, %dma_wait3A_489] : memref<32x40x4x64xi32, #tpu.memory_space<hbm>> -> memref<1x1x4x64xi32, #tpu.memory_space<hbm>>
      %dma_wait3A_491 = tpu.memref_squeeze %dma_wait3A_490 : memref<1x1x4x64xi32, #tpu.memory_space<hbm>> -> memref<4x64xi32, #tpu.memory_space<hbm>>
      %dma_wait3A_492 = arith.constant 0 : i32
      %dma_wait3A_493 = arith.constant 0 : i32
      %dma_wait3A_494 = tpu.memref_slice %arg8[%dma_wait3A_483, %dma_wait3A_492, %dma_wait3A_493] : memref<2x4x64xi32, #tpu.memory_space<vmem>> -> memref<1x4x64xi32, #tpu.memory_space<vmem>>
      %dma_wait3A_495 = tpu.memref_squeeze %dma_wait3A_494 : memref<1x4x64xi32, #tpu.memory_space<vmem>> -> memref<4x64xi32, #tpu.memory_space<vmem>>
      %dma_wait3A_496 = arith.constant 0 : i32
      %dma_wait3A_497 = arith.constant 0 : i32
      %dma_wait3A_498 = tpu.memref_slice %arg4[%add3A, %dma_wait3A_482, %dma_wait3A_496, %dma_wait3A_497] : memref<32x40x4x64xi32, #tpu.memory_space<hbm>> -> memref<1x1x4x64xi32, #tpu.memory_space<hbm>>
      %dma_wait3A_499 = tpu.memref_squeeze %dma_wait3A_498 : memref<1x1x4x64xi32, #tpu.memory_space<hbm>> -> memref<4x64xi32, #tpu.memory_space<hbm>>
      tpu.wait_dma2 semaphore(%arg13 : memref<!tpu.dma_semaphore, #tpu.memory_space<semaphore_mem>>) src(%dma_wait3A_499 : memref<4x64xi32, #tpu.memory_space<hbm>>) dst(%dma_wait3A_495 : memref<4x64xi32, #tpu.memory_space<vmem>>)
      %dma_wait3A_500 = arith.constant 0 : i32
      %dma_wait3A_501 = arith.constant 0 : i32
      %dma_wait3A_502 = arith.constant 0 : i32
      %dma_wait3A_503 = arith.constant 0 : i32
      %dma_wait3A_504 = arith.constant 0 : i32
      %dma_wait3A_505 = arith.constant 0 : i32
      %dma_wait3A_506 = tpu.memref_slice %arg9[%dma_wait3A_500, %dma_wait3A_504, %dma_wait3A_505] : memref<4x64x128xf32, #tpu.memory_space<vmem>> -> memref<1x64x128xf32, #tpu.memory_space<vmem>>
      %dma_wait3A_507 = tpu.memref_squeeze %dma_wait3A_506 : memref<1x64x128xf32, #tpu.memory_space<vmem>> -> memref<64x128xf32, #tpu.memory_space<vmem>>
      %dma_wait3A_508 = arith.constant 0 : i32
      %dma_wait3A_509 = tpu.memref_slice %arg8[%dma_wait3A_501, %dma_wait3A_502, %dma_wait3A_508] : memref<2x4x64xi32, #tpu.memory_space<vmem>> -> memref<1x1x64xi32, #tpu.memory_space<vmem>>
      %dma_wait3A_510 = tpu.memref_squeeze %dma_wait3A_509 : memref<1x1x64xi32, #tpu.memory_space<vmem>> -> memref<64xi32, #tpu.memory_space<vmem>>
      %dma_wait3A_511 = arith.constant 0 : i32
      %dma_wait3A_512 = arith.constant 0 : i32
      %dma_wait3A_513 = tpu.memref_slice %arg10[%dma_wait3A_511, %dma_wait3A_512] : memref<10240x128xf32, #tpu.memory_space<vmem_shared>> -> memref<10240x128xf32, #tpu.memory_space<vmem_shared>>
      %dma_wait3A_514 = tpu.memref_slice %arg12[%dma_wait3A_503] : memref<4x!tpu.dma_semaphore, #tpu.memory_space<semaphore_mem>> -> memref<1x!tpu.dma_semaphore, #tpu.memory_space<semaphore_mem>>
      %dma_wait3A_515 = tpu.memref_squeeze %dma_wait3A_514 : memref<1x!tpu.dma_semaphore, #tpu.memory_space<semaphore_mem>> -> memref<!tpu.dma_semaphore, #tpu.memory_space<semaphore_mem>>
      tpu.wait_indirect_dma semaphore(%dma_wait3A_515 : memref<!tpu.dma_semaphore, #tpu.memory_space<semaphore_mem>>) src(%dma_wait3A_507 : memref<64x128xf32, #tpu.memory_space<vmem>>) dst(%dma_wait3A_513 : memref<10240x128xf32, #tpu.memory_space<vmem_shared>>)
      %sub3A = arith.constant 1 : i32
      %sub3A_516 = arith.subi %sub3A, %rem3A_339 : i32
      %dma_start3A_517 = arith.constant 0 : i32
      %dma_start3A_518 = arith.constant 0 : i32
      %dma_start3A_519 = arith.constant 0 : i32
      %dma_start3A_520 = arith.constant 0 : i32
      %dma_start3A_521 = arith.constant 0 : i32
      %dma_start3A_522 = tpu.memref_slice %arg9[%dma_start3A_518, %dma_start3A_520, %dma_start3A_521] : memref<4x64x128xf32, #tpu.memory_space<vmem>> -> memref<1x64x128xf32, #tpu.memory_space<vmem>>
      %dma_start3A_523 = tpu.memref_squeeze %dma_start3A_522 : memref<1x64x128xf32, #tpu.memory_space<vmem>> -> memref<64x128xf32, #tpu.memory_space<vmem>>
      %dma_start3A_524 = arith.constant 0 : i32
      %dma_start3A_525 = tpu.memref_slice %arg7[%sub3A_516, %dma_start3A_517, %dma_start3A_524] : memref<2x4x64xi32, #tpu.memory_space<vmem>> -> memref<1x1x64xi32, #tpu.memory_space<vmem>>
      %dma_start3A_526 = tpu.memref_squeeze %dma_start3A_525 : memref<1x1x64xi32, #tpu.memory_space<vmem>> -> memref<64xi32, #tpu.memory_space<vmem>>
      %dma_start3A_527 = arith.constant 0 : i32
      %dma_start3A_528 = arith.constant 0 : i32
      %dma_start3A_529 = tpu.memref_slice %arg2[%dma_start3A_527, %dma_start3A_528] : memref<10240x128xf32, #tpu.memory_space<hbm>> -> memref<10240x128xf32, #tpu.memory_space<hbm>>
      %dma_start3A_530 = tpu.memref_slice %arg11[%dma_start3A_519] : memref<4x!tpu.dma_semaphore, #tpu.memory_space<semaphore_mem>> -> memref<1x!tpu.dma_semaphore, #tpu.memory_space<semaphore_mem>>
      %dma_start3A_531 = tpu.memref_squeeze %dma_start3A_530 : memref<1x!tpu.dma_semaphore, #tpu.memory_space<semaphore_mem>> -> memref<!tpu.dma_semaphore, #tpu.memory_space<semaphore_mem>>
      tpu.enqueue_indirect_dma source(%dma_start3A_529 : memref<10240x128xf32, #tpu.memory_space<hbm>>) target(%dma_start3A_523 : memref<64x128xf32, #tpu.memory_space<vmem>>) offsets(%dma_start3A_526 : memref<64xi32, #tpu.memory_space<vmem>>) semaphore(%dma_start3A_531 : memref<!tpu.dma_semaphore, #tpu.memory_space<semaphore_mem>>)
      %dma_wait3A_532 = arith.constant 1 : i32
      %dma_wait3A_533 = arith.constant 0 : i32
      %dma_wait3A_534 = arith.constant 0 : i32
      %dma_wait3A_535 = arith.constant 1 : i32
      %dma_wait3A_536 = arith.constant 0 : i32
      %dma_wait3A_537 = arith.constant 0 : i32
      %dma_wait3A_538 = tpu.memref_slice %arg9[%dma_wait3A_532, %dma_wait3A_536, %dma_wait3A_537] : memref<4x64x128xf32, #tpu.memory_space<vmem>> -> memref<1x64x128xf32, #tpu.memory_space<vmem>>
      %dma_wait3A_539 = tpu.memref_squeeze %dma_wait3A_538 : memref<1x64x128xf32, #tpu.memory_space<vmem>> -> memref<64x128xf32, #tpu.memory_space<vmem>>
      %dma_wait3A_540 = arith.constant 0 : i32
      %dma_wait3A_541 = tpu.memref_slice %arg8[%dma_wait3A_533, %dma_wait3A_534, %dma_wait3A_540] : memref<2x4x64xi32, #tpu.memory_space<vmem>> -> memref<1x1x64xi32, #tpu.memory_space<vmem>>
      %dma_wait3A_542 = tpu.memref_squeeze %dma_wait3A_541 : memref<1x1x64xi32, #tpu.memory_space<vmem>> -> memref<64xi32, #tpu.memory_space<vmem>>
      %dma_wait3A_543 = arith.constant 0 : i32
      %dma_wait3A_544 = arith.constant 0 : i32
      %dma_wait3A_545 = tpu.memref_slice %arg10[%dma_wait3A_543, %dma_wait3A_544] : memref<10240x128xf32, #tpu.memory_space<vmem_shared>> -> memref<10240x128xf32, #tpu.memory_space<vmem_shared>>
      %dma_wait3A_546 = tpu.memref_slice %arg12[%dma_wait3A_535] : memref<4x!tpu.dma_semaphore, #tpu.memory_space<semaphore_mem>> -> memref<1x!tpu.dma_semaphore, #tpu.memory_space<semaphore_mem>>
      %dma_wait3A_547 = tpu.memref_squeeze %dma_wait3A_546 : memref<1x!tpu.dma_semaphore, #tpu.memory_space<semaphore_mem>> -> memref<!tpu.dma_semaphore, #tpu.memory_space<semaphore_mem>>
      tpu.wait_indirect_dma semaphore(%dma_wait3A_547 : memref<!tpu.dma_semaphore, #tpu.memory_space<semaphore_mem>>) src(%dma_wait3A_539 : memref<64x128xf32, #tpu.memory_space<vmem>>) dst(%dma_wait3A_545 : memref<10240x128xf32, #tpu.memory_space<vmem_shared>>)
      %sub3A_548 = arith.constant 1 : i32
      %sub3A_549 = arith.subi %sub3A_548, %rem3A_339 : i32
      %dma_start3A_550 = arith.constant 1 : i32
      %dma_start3A_551 = arith.constant 1 : i32
      %dma_start3A_552 = arith.constant 1 : i32
      %dma_start3A_553 = arith.constant 0 : i32
      %dma_start3A_554 = arith.constant 0 : i32
      %dma_start3A_555 = tpu.memref_slice %arg9[%dma_start3A_551, %dma_start3A_553, %dma_start3A_554] : memref<4x64x128xf32, #tpu.memory_space<vmem>> -> memref<1x64x128xf32, #tpu.memory_space<vmem>>
      %dma_start3A_556 = tpu.memref_squeeze %dma_start3A_555 : memref<1x64x128xf32, #tpu.memory_space<vmem>> -> memref<64x128xf32, #tpu.memory_space<vmem>>
      %dma_start3A_557 = arith.constant 0 : i32
      %dma_start3A_558 = tpu.memref_slice %arg7[%sub3A_549, %dma_start3A_550, %dma_start3A_557] : memref<2x4x64xi32, #tpu.memory_space<vmem>> -> memref<1x1x64xi32, #tpu.memory_space<vmem>>
      %dma_start3A_559 = tpu.memref_squeeze %dma_start3A_558 : memref<1x1x64xi32, #tpu.memory_space<vmem>> -> memref<64xi32, #tpu.memory_space<vmem>>
      %dma_start3A_560 = arith.constant 0 : i32
      %dma_start3A_561 = arith.constant 0 : i32
      %dma_start3A_562 = tpu.memref_slice %arg2[%dma_start3A_560, %dma_start3A_561] : memref<10240x128xf32, #tpu.memory_space<hbm>> -> memref<10240x128xf32, #tpu.memory_space<hbm>>
      %dma_start3A_563 = tpu.memref_slice %arg11[%dma_start3A_552] : memref<4x!tpu.dma_semaphore, #tpu.memory_space<semaphore_mem>> -> memref<1x!tpu.dma_semaphore, #tpu.memory_space<semaphore_mem>>
      %dma_start3A_564 = tpu.memref_squeeze %dma_start3A_563 : memref<1x!tpu.dma_semaphore, #tpu.memory_space<semaphore_mem>> -> memref<!tpu.dma_semaphore, #tpu.memory_space<semaphore_mem>>
      tpu.enqueue_indirect_dma source(%dma_start3A_562 : memref<10240x128xf32, #tpu.memory_space<hbm>>) target(%dma_start3A_556 : memref<64x128xf32, #tpu.memory_space<vmem>>) offsets(%dma_start3A_559 : memref<64xi32, #tpu.memory_space<vmem>>) semaphore(%dma_start3A_564 : memref<!tpu.dma_semaphore, #tpu.memory_space<semaphore_mem>>)
      %dma_wait3A_565 = arith.constant 2 : i32
      %dma_wait3A_566 = arith.constant 0 : i32
      %dma_wait3A_567 = arith.constant 0 : i32
      %dma_wait3A_568 = arith.constant 2 : i32
      %dma_wait3A_569 = arith.constant 0 : i32
      %dma_wait3A_570 = arith.constant 0 : i32
      %dma_wait3A_571 = tpu.memref_slice %arg9[%dma_wait3A_565, %dma_wait3A_569, %dma_wait3A_570] : memref<4x64x128xf32, #tpu.memory_space<vmem>> -> memref<1x64x128xf32, #tpu.memory_space<vmem>>
      %dma_wait3A_572 = tpu.memref_squeeze %dma_wait3A_571 : memref<1x64x128xf32, #tpu.memory_space<vmem>> -> memref<64x128xf32, #tpu.memory_space<vmem>>
      %dma_wait3A_573 = arith.constant 0 : i32
      %dma_wait3A_574 = tpu.memref_slice %arg8[%dma_wait3A_566, %dma_wait3A_567, %dma_wait3A_573] : memref<2x4x64xi32, #tpu.memory_space<vmem>> -> memref<1x1x64xi32, #tpu.memory_space<vmem>>
      %dma_wait3A_575 = tpu.memref_squeeze %dma_wait3A_574 : memref<1x1x64xi32, #tpu.memory_space<vmem>> -> memref<64xi32, #tpu.memory_space<vmem>>
      %dma_wait3A_576 = arith.constant 0 : i32
      %dma_wait3A_577 = arith.constant 0 : i32
      %dma_wait3A_578 = tpu.memref_slice %arg10[%dma_wait3A_576, %dma_wait3A_577] : memref<10240x128xf32, #tpu.memory_space<vmem_shared>> -> memref<10240x128xf32, #tpu.memory_space<vmem_shared>>
      %dma_wait3A_579 = tpu.memref_slice %arg12[%dma_wait3A_568] : memref<4x!tpu.dma_semaphore, #tpu.memory_space<semaphore_mem>> -> memref<1x!tpu.dma_semaphore, #tpu.memory_space<semaphore_mem>>
      %dma_wait3A_580 = tpu.memref_squeeze %dma_wait3A_579 : memref<1x!tpu.dma_semaphore, #tpu.memory_space<semaphore_mem>> -> memref<!tpu.dma_semaphore, #tpu.memory_space<semaphore_mem>>
      tpu.wait_indirect_dma semaphore(%dma_wait3A_580 : memref<!tpu.dma_semaphore, #tpu.memory_space<semaphore_mem>>) src(%dma_wait3A_572 : memref<64x128xf32, #tpu.memory_space<vmem>>) dst(%dma_wait3A_578 : memref<10240x128xf32, #tpu.memory_space<vmem_shared>>)
      %sub3A_581 = arith.constant 1 : i32
      %sub3A_582 = arith.subi %sub3A_581, %rem3A_339 : i32
      %dma_start3A_583 = arith.constant 2 : i32
      %dma_start3A_584 = arith.constant 2 : i32
      %dma_start3A_585 = arith.constant 2 : i32
      %dma_start3A_586 = arith.constant 0 : i32
      %dma_start3A_587 = arith.constant 0 : i32
      %dma_start3A_588 = tpu.memref_slice %arg9[%dma_start3A_584, %dma_start3A_586, %dma_start3A_587] : memref<4x64x128xf32, #tpu.memory_space<vmem>> -> memref<1x64x128xf32, #tpu.memory_space<vmem>>
      %dma_start3A_589 = tpu.memref_squeeze %dma_start3A_588 : memref<1x64x128xf32, #tpu.memory_space<vmem>> -> memref<64x128xf32, #tpu.memory_space<vmem>>
      %dma_start3A_590 = arith.constant 0 : i32
      %dma_start3A_591 = tpu.memref_slice %arg7[%sub3A_582, %dma_start3A_583, %dma_start3A_590] : memref<2x4x64xi32, #tpu.memory_space<vmem>> -> memref<1x1x64xi32, #tpu.memory_space<vmem>>
      %dma_start3A_592 = tpu.memref_squeeze %dma_start3A_591 : memref<1x1x64xi32, #tpu.memory_space<vmem>> -> memref<64xi32, #tpu.memory_space<vmem>>
      %dma_start3A_593 = arith.constant 0 : i32
      %dma_start3A_594 = arith.constant 0 : i32
      %dma_start3A_595 = tpu.memref_slice %arg2[%dma_start3A_593, %dma_start3A_594] : memref<10240x128xf32, #tpu.memory_space<hbm>> -> memref<10240x128xf32, #tpu.memory_space<hbm>>
      %dma_start3A_596 = tpu.memref_slice %arg11[%dma_start3A_585] : memref<4x!tpu.dma_semaphore, #tpu.memory_space<semaphore_mem>> -> memref<1x!tpu.dma_semaphore, #tpu.memory_space<semaphore_mem>>
      %dma_start3A_597 = tpu.memref_squeeze %dma_start3A_596 : memref<1x!tpu.dma_semaphore, #tpu.memory_space<semaphore_mem>> -> memref<!tpu.dma_semaphore, #tpu.memory_space<semaphore_mem>>
      tpu.enqueue_indirect_dma source(%dma_start3A_595 : memref<10240x128xf32, #tpu.memory_space<hbm>>) target(%dma_start3A_589 : memref<64x128xf32, #tpu.memory_space<vmem>>) offsets(%dma_start3A_592 : memref<64xi32, #tpu.memory_space<vmem>>) semaphore(%dma_start3A_597 : memref<!tpu.dma_semaphore, #tpu.memory_space<semaphore_mem>>)
      %dma_wait3A_598 = arith.constant 3 : i32
      %dma_wait3A_599 = arith.constant 0 : i32
      %dma_wait3A_600 = arith.constant 0 : i32
      %dma_wait3A_601 = arith.constant 3 : i32
      %dma_wait3A_602 = arith.constant 0 : i32
      %dma_wait3A_603 = arith.constant 0 : i32
      %dma_wait3A_604 = tpu.memref_slice %arg9[%dma_wait3A_598, %dma_wait3A_602, %dma_wait3A_603] : memref<4x64x128xf32, #tpu.memory_space<vmem>> -> memref<1x64x128xf32, #tpu.memory_space<vmem>>
      %dma_wait3A_605 = tpu.memref_squeeze %dma_wait3A_604 : memref<1x64x128xf32, #tpu.memory_space<vmem>> -> memref<64x128xf32, #tpu.memory_space<vmem>>
      %dma_wait3A_606 = arith.constant 0 : i32
      %dma_wait3A_607 = tpu.memref_slice %arg8[%dma_wait3A_599, %dma_wait3A_600, %dma_wait3A_606] : memref<2x4x64xi32, #tpu.memory_space<vmem>> -> memref<1x1x64xi32, #tpu.memory_space<vmem>>
      %dma_wait3A_608 = tpu.memref_squeeze %dma_wait3A_607 : memref<1x1x64xi32, #tpu.memory_space<vmem>> -> memref<64xi32, #tpu.memory_space<vmem>>
      %dma_wait3A_609 = arith.constant 0 : i32
      %dma_wait3A_610 = arith.constant 0 : i32
      %dma_wait3A_611 = tpu.memref_slice %arg10[%dma_wait3A_609, %dma_wait3A_610] : memref<10240x128xf32, #tpu.memory_space<vmem_shared>> -> memref<10240x128xf32, #tpu.memory_space<vmem_shared>>
      %dma_wait3A_612 = tpu.memref_slice %arg12[%dma_wait3A_601] : memref<4x!tpu.dma_semaphore, #tpu.memory_space<semaphore_mem>> -> memref<1x!tpu.dma_semaphore, #tpu.memory_space<semaphore_mem>>
      %dma_wait3A_613 = tpu.memref_squeeze %dma_wait3A_612 : memref<1x!tpu.dma_semaphore, #tpu.memory_space<semaphore_mem>> -> memref<!tpu.dma_semaphore, #tpu.memory_space<semaphore_mem>>
      tpu.wait_indirect_dma semaphore(%dma_wait3A_613 : memref<!tpu.dma_semaphore, #tpu.memory_space<semaphore_mem>>) src(%dma_wait3A_605 : memref<64x128xf32, #tpu.memory_space<vmem>>) dst(%dma_wait3A_611 : memref<10240x128xf32, #tpu.memory_space<vmem_shared>>)
      %sub3A_614 = arith.constant 1 : i32
      %sub3A_615 = arith.subi %sub3A_614, %rem3A_339 : i32
      %dma_start3A_616 = arith.constant 3 : i32
      %dma_start3A_617 = arith.constant 3 : i32
      %dma_start3A_618 = arith.constant 3 : i32
      %dma_start3A_619 = arith.constant 0 : i32
      %dma_start3A_620 = arith.constant 0 : i32
      %dma_start3A_621 = tpu.memref_slice %arg9[%dma_start3A_617, %dma_start3A_619, %dma_start3A_620] : memref<4x64x128xf32, #tpu.memory_space<vmem>> -> memref<1x64x128xf32, #tpu.memory_space<vmem>>
      %dma_start3A_622 = tpu.memref_squeeze %dma_start3A_621 : memref<1x64x128xf32, #tpu.memory_space<vmem>> -> memref<64x128xf32, #tpu.memory_space<vmem>>
      %dma_start3A_623 = arith.constant 0 : i32
      %dma_start3A_624 = tpu.memref_slice %arg7[%sub3A_615, %dma_start3A_616, %dma_start3A_623] : memref<2x4x64xi32, #tpu.memory_space<vmem>> -> memref<1x1x64xi32, #tpu.memory_space<vmem>>
      %dma_start3A_625 = tpu.memref_squeeze %dma_start3A_624 : memref<1x1x64xi32, #tpu.memory_space<vmem>> -> memref<64xi32, #tpu.memory_space<vmem>>
      %dma_start3A_626 = arith.constant 0 : i32
      %dma_start3A_627 = arith.constant 0 : i32
      %dma_start3A_628 = tpu.memref_slice %arg2[%dma_start3A_626, %dma_start3A_627] : memref<10240x128xf32, #tpu.memory_space<hbm>> -> memref<10240x128xf32, #tpu.memory_space<hbm>>
      %dma_start3A_629 = tpu.memref_slice %arg11[%dma_start3A_618] : memref<4x!tpu.dma_semaphore, #tpu.memory_space<semaphore_mem>> -> memref<1x!tpu.dma_semaphore, #tpu.memory_space<semaphore_mem>>
      %dma_start3A_630 = tpu.memref_squeeze %dma_start3A_629 : memref<1x!tpu.dma_semaphore, #tpu.memory_space<semaphore_mem>> -> memref<!tpu.dma_semaphore, #tpu.memory_space<semaphore_mem>>
      tpu.enqueue_indirect_dma source(%dma_start3A_628 : memref<10240x128xf32, #tpu.memory_space<hbm>>) target(%dma_start3A_622 : memref<64x128xf32, #tpu.memory_space<vmem>>) offsets(%dma_start3A_625 : memref<64xi32, #tpu.memory_space<vmem>>) semaphore(%dma_start3A_630 : memref<!tpu.dma_semaphore, #tpu.memory_space<semaphore_mem>>)
      %add3A_631 = arith.constant 2 : i32
      %add3A_632 = arith.addi %scan3A_338, %add3A_631 : i32
      %min3A = arith.constant 39 : i32
      %min3A_633 = arith.minsi %add3A_632, %min3A : i32
      %dma_start3A_634 = arith.constant 0 : i32
      %dma_start3A_635 = arith.constant 0 : i32
      %dma_start3A_636 = tpu.memref_slice %arg7[%rem3A_339, %dma_start3A_634, %dma_start3A_635] : memref<2x4x64xi32, #tpu.memory_space<vmem>> -> memref<1x4x64xi32, #tpu.memory_space<vmem>>
      %dma_start3A_637 = tpu.memref_squeeze %dma_start3A_636 : memref<1x4x64xi32, #tpu.memory_space<vmem>> -> memref<4x64xi32, #tpu.memory_space<vmem>>
      %dma_start3A_638 = arith.constant 0 : i32
      %dma_start3A_639 = arith.constant 0 : i32
      %dma_start3A_640 = tpu.memref_slice %arg3[%add3A, %min3A_633, %dma_start3A_638, %dma_start3A_639] : memref<32x40x4x64xi32, #tpu.memory_space<hbm>> -> memref<1x1x4x64xi32, #tpu.memory_space<hbm>>
      %dma_start3A_641 = tpu.memref_squeeze %dma_start3A_640 : memref<1x1x4x64xi32, #tpu.memory_space<hbm>> -> memref<4x64xi32, #tpu.memory_space<hbm>>
      %dma_start3A_642 = arith.constant 0 : i32
      %dma_start3A_643 = arith.constant 0 : i32
      %dma_start3A_644 = tpu.memref_slice %arg7[%rem3A_339, %dma_start3A_642, %dma_start3A_643] : memref<2x4x64xi32, #tpu.memory_space<vmem>> -> memref<1x4x64xi32, #tpu.memory_space<vmem>>
      %dma_start3A_645 = tpu.memref_squeeze %dma_start3A_644 : memref<1x4x64xi32, #tpu.memory_space<vmem>> -> memref<4x64xi32, #tpu.memory_space<vmem>>
      %dma_start3A_646 = arith.constant 0 : i32
      %dma_start3A_647 = arith.constant 0 : i32
      %dma_start3A_648 = tpu.memref_slice %arg3[%add3A, %min3A_633, %dma_start3A_646, %dma_start3A_647] : memref<32x40x4x64xi32, #tpu.memory_space<hbm>> -> memref<1x1x4x64xi32, #tpu.memory_space<hbm>>
      %dma_start3A_649 = tpu.memref_squeeze %dma_start3A_648 : memref<1x1x4x64xi32, #tpu.memory_space<hbm>> -> memref<4x64xi32, #tpu.memory_space<hbm>>
      tpu.enqueue_dma source(%dma_start3A_649 : memref<4x64xi32, #tpu.memory_space<hbm>>) target(%dma_start3A_645 : memref<4x64xi32, #tpu.memory_space<vmem>>) target_semaphore(%arg13 : memref<!tpu.dma_semaphore, #tpu.memory_space<semaphore_mem>>)
      %dma_start3A_650 = arith.constant 0 : i32
      %dma_start3A_651 = arith.constant 0 : i32
      %dma_start3A_652 = tpu.memref_slice %arg8[%rem3A_339, %dma_start3A_650, %dma_start3A_651] : memref<2x4x64xi32, #tpu.memory_space<vmem>> -> memref<1x4x64xi32, #tpu.memory_space<vmem>>
      %dma_start3A_653 = tpu.memref_squeeze %dma_start3A_652 : memref<1x4x64xi32, #tpu.memory_space<vmem>> -> memref<4x64xi32, #tpu.memory_space<vmem>>
      %dma_start3A_654 = arith.constant 0 : i32
      %dma_start3A_655 = arith.constant 0 : i32
      %dma_start3A_656 = tpu.memref_slice %arg4[%add3A, %min3A_633, %dma_start3A_654, %dma_start3A_655] : memref<32x40x4x64xi32, #tpu.memory_space<hbm>> -> memref<1x1x4x64xi32, #tpu.memory_space<hbm>>
      %dma_start3A_657 = tpu.memref_squeeze %dma_start3A_656 : memref<1x1x4x64xi32, #tpu.memory_space<hbm>> -> memref<4x64xi32, #tpu.memory_space<hbm>>
      %dma_start3A_658 = arith.constant 0 : i32
      %dma_start3A_659 = arith.constant 0 : i32
      %dma_start3A_660 = tpu.memref_slice %arg8[%rem3A_339, %dma_start3A_658, %dma_start3A_659] : memref<2x4x64xi32, #tpu.memory_space<vmem>> -> memref<1x4x64xi32, #tpu.memory_space<vmem>>
      %dma_start3A_661 = tpu.memref_squeeze %dma_start3A_660 : memref<1x4x64xi32, #tpu.memory_space<vmem>> -> memref<4x64xi32, #tpu.memory_space<vmem>>
      %dma_start3A_662 = arith.constant 0 : i32
      %dma_start3A_663 = arith.constant 0 : i32
      %dma_start3A_664 = tpu.memref_slice %arg4[%add3A, %min3A_633, %dma_start3A_662, %dma_start3A_663] : memref<32x40x4x64xi32, #tpu.memory_space<hbm>> -> memref<1x1x4x64xi32, #tpu.memory_space<hbm>>
      %dma_start3A_665 = tpu.memref_squeeze %dma_start3A_664 : memref<1x1x4x64xi32, #tpu.memory_space<hbm>> -> memref<4x64xi32, #tpu.memory_space<hbm>>
      tpu.enqueue_dma source(%dma_start3A_665 : memref<4x64xi32, #tpu.memory_space<hbm>>) target(%dma_start3A_661 : memref<4x64xi32, #tpu.memory_space<vmem>>) target_semaphore(%arg13 : memref<!tpu.dma_semaphore, #tpu.memory_space<semaphore_mem>>)
    }
    %scan3A_109 = arith.constant 39 : i32
    %dma_wait3A = arith.constant 0 : i32
    %dma_wait3A_110 = arith.constant 0 : i32
    %dma_wait3A_111 = arith.constant 0 : i32
    %dma_wait3A_112 = arith.constant 0 : i32
    %dma_wait3A_113 = arith.constant 0 : i32
    %dma_wait3A_114 = arith.constant 0 : i32
    %dma_wait3A_115 = tpu.memref_slice %arg9[%dma_wait3A_111, %dma_wait3A_113, %dma_wait3A_114] : memref<4x64x128xf32, #tpu.memory_space<vmem>> -> memref<1x64x128xf32, #tpu.memory_space<vmem>>
    %dma_wait3A_116 = tpu.memref_squeeze %dma_wait3A_115 : memref<1x64x128xf32, #tpu.memory_space<vmem>> -> memref<64x128xf32, #tpu.memory_space<vmem>>
    %dma_wait3A_117 = arith.constant 0 : i32
    %dma_wait3A_118 = tpu.memref_slice %arg7[%dma_wait3A, %dma_wait3A_110, %dma_wait3A_117] : memref<2x4x64xi32, #tpu.memory_space<vmem>> -> memref<1x1x64xi32, #tpu.memory_space<vmem>>
    %dma_wait3A_119 = tpu.memref_squeeze %dma_wait3A_118 : memref<1x1x64xi32, #tpu.memory_space<vmem>> -> memref<64xi32, #tpu.memory_space<vmem>>
    %dma_wait3A_120 = arith.constant 0 : i32
    %dma_wait3A_121 = arith.constant 0 : i32
    %dma_wait3A_122 = tpu.memref_slice %arg2[%dma_wait3A_120, %dma_wait3A_121] : memref<10240x128xf32, #tpu.memory_space<hbm>> -> memref<10240x128xf32, #tpu.memory_space<hbm>>
    %dma_wait3A_123 = tpu.memref_slice %arg11[%dma_wait3A_112] : memref<4x!tpu.dma_semaphore, #tpu.memory_space<semaphore_mem>> -> memref<1x!tpu.dma_semaphore, #tpu.memory_space<semaphore_mem>>
    %dma_wait3A_124 = tpu.memref_squeeze %dma_wait3A_123 : memref<1x!tpu.dma_semaphore, #tpu.memory_space<semaphore_mem>> -> memref<!tpu.dma_semaphore, #tpu.memory_space<semaphore_mem>>
    tpu.wait_indirect_dma semaphore(%dma_wait3A_124 : memref<!tpu.dma_semaphore, #tpu.memory_space<semaphore_mem>>) src(%dma_wait3A_122 : memref<10240x128xf32, #tpu.memory_space<hbm>>) dst(%dma_wait3A_116 : memref<64x128xf32, #tpu.memory_space<vmem>>)
    %dma_start3A_125 = arith.constant 0 : i32
    %dma_start3A_126 = arith.constant 1 : i32
    %dma_start3A_127 = arith.constant 0 : i32
    %dma_start3A_128 = arith.constant 0 : i32
    %dma_start3A_129 = arith.constant 0 : i32
    %dma_start3A_130 = arith.constant 0 : i32
    %dma_start3A_131 = tpu.memref_slice %arg9[%dma_start3A_125, %dma_start3A_129, %dma_start3A_130] : memref<4x64x128xf32, #tpu.memory_space<vmem>> -> memref<1x64x128xf32, #tpu.memory_space<vmem>>
    %dma_start3A_132 = tpu.memref_squeeze %dma_start3A_131 : memref<1x64x128xf32, #tpu.memory_space<vmem>> -> memref<64x128xf32, #tpu.memory_space<vmem>>
    %dma_start3A_133 = arith.constant 0 : i32
    %dma_start3A_134 = tpu.memref_slice %arg8[%dma_start3A_126, %dma_start3A_127, %dma_start3A_133] : memref<2x4x64xi32, #tpu.memory_space<vmem>> -> memref<1x1x64xi32, #tpu.memory_space<vmem>>
    %dma_start3A_135 = tpu.memref_squeeze %dma_start3A_134 : memref<1x1x64xi32, #tpu.memory_space<vmem>> -> memref<64xi32, #tpu.memory_space<vmem>>
    %dma_start3A_136 = arith.constant 0 : i32
    %dma_start3A_137 = arith.constant 0 : i32
    %dma_start3A_138 = tpu.memref_slice %arg10[%dma_start3A_136, %dma_start3A_137] : memref<10240x128xf32, #tpu.memory_space<vmem_shared>> -> memref<10240x128xf32, #tpu.memory_space<vmem_shared>>
    %dma_start3A_139 = tpu.memref_slice %arg12[%dma_start3A_128] : memref<4x!tpu.dma_semaphore, #tpu.memory_space<semaphore_mem>> -> memref<1x!tpu.dma_semaphore, #tpu.memory_space<semaphore_mem>>
    %dma_start3A_140 = tpu.memref_squeeze %dma_start3A_139 : memref<1x!tpu.dma_semaphore, #tpu.memory_space<semaphore_mem>> -> memref<!tpu.dma_semaphore, #tpu.memory_space<semaphore_mem>>
    tpu.enqueue_indirect_dma source(%dma_start3A_132 : memref<64x128xf32, #tpu.memory_space<vmem>>) target(%dma_start3A_138 : memref<10240x128xf32, #tpu.memory_space<vmem_shared>>) offsets(%dma_start3A_135 : memref<64xi32, #tpu.memory_space<vmem>>) semaphore(%dma_start3A_140 : memref<!tpu.dma_semaphore, #tpu.memory_space<semaphore_mem>>) {add = true}
    %dma_wait3A_141 = arith.constant 0 : i32
    %dma_wait3A_142 = arith.constant 0 : i32
    %dma_wait3A_143 = arith.constant 1 : i32
    %dma_wait3A_144 = arith.constant 1 : i32
    %dma_wait3A_145 = arith.constant 0 : i32
    %dma_wait3A_146 = arith.constant 0 : i32
    %dma_wait3A_147 = tpu.memref_slice %arg9[%dma_wait3A_143, %dma_wait3A_145, %dma_wait3A_146] : memref<4x64x128xf32, #tpu.memory_space<vmem>> -> memref<1x64x128xf32, #tpu.memory_space<vmem>>
    %dma_wait3A_148 = tpu.memref_squeeze %dma_wait3A_147 : memref<1x64x128xf32, #tpu.memory_space<vmem>> -> memref<64x128xf32, #tpu.memory_space<vmem>>
    %dma_wait3A_149 = arith.constant 0 : i32
    %dma_wait3A_150 = tpu.memref_slice %arg7[%dma_wait3A_141, %dma_wait3A_142, %dma_wait3A_149] : memref<2x4x64xi32, #tpu.memory_space<vmem>> -> memref<1x1x64xi32, #tpu.memory_space<vmem>>
    %dma_wait3A_151 = tpu.memref_squeeze %dma_wait3A_150 : memref<1x1x64xi32, #tpu.memory_space<vmem>> -> memref<64xi32, #tpu.memory_space<vmem>>
    %dma_wait3A_152 = arith.constant 0 : i32
    %dma_wait3A_153 = arith.constant 0 : i32
    %dma_wait3A_154 = tpu.memref_slice %arg2[%dma_wait3A_152, %dma_wait3A_153] : memref<10240x128xf32, #tpu.memory_space<hbm>> -> memref<10240x128xf32, #tpu.memory_space<hbm>>
    %dma_wait3A_155 = tpu.memref_slice %arg11[%dma_wait3A_144] : memref<4x!tpu.dma_semaphore, #tpu.memory_space<semaphore_mem>> -> memref<1x!tpu.dma_semaphore, #tpu.memory_space<semaphore_mem>>
    %dma_wait3A_156 = tpu.memref_squeeze %dma_wait3A_155 : memref<1x!tpu.dma_semaphore, #tpu.memory_space<semaphore_mem>> -> memref<!tpu.dma_semaphore, #tpu.memory_space<semaphore_mem>>
    tpu.wait_indirect_dma semaphore(%dma_wait3A_156 : memref<!tpu.dma_semaphore, #tpu.memory_space<semaphore_mem>>) src(%dma_wait3A_154 : memref<10240x128xf32, #tpu.memory_space<hbm>>) dst(%dma_wait3A_148 : memref<64x128xf32, #tpu.memory_space<vmem>>)
    %dma_start3A_157 = arith.constant 1 : i32
    %dma_start3A_158 = arith.constant 1 : i32
    %dma_start3A_159 = arith.constant 1 : i32
    %dma_start3A_160 = arith.constant 1 : i32
    %dma_start3A_161 = arith.constant 0 : i32
    %dma_start3A_162 = arith.constant 0 : i32
    %dma_start3A_163 = tpu.memref_slice %arg9[%dma_start3A_157, %dma_start3A_161, %dma_start3A_162] : memref<4x64x128xf32, #tpu.memory_space<vmem>> -> memref<1x64x128xf32, #tpu.memory_space<vmem>>
    %dma_start3A_164 = tpu.memref_squeeze %dma_start3A_163 : memref<1x64x128xf32, #tpu.memory_space<vmem>> -> memref<64x128xf32, #tpu.memory_space<vmem>>
    %dma_start3A_165 = arith.constant 0 : i32
    %dma_start3A_166 = tpu.memref_slice %arg8[%dma_start3A_158, %dma_start3A_159, %dma_start3A_165] : memref<2x4x64xi32, #tpu.memory_space<vmem>> -> memref<1x1x64xi32, #tpu.memory_space<vmem>>
    %dma_start3A_167 = tpu.memref_squeeze %dma_start3A_166 : memref<1x1x64xi32, #tpu.memory_space<vmem>> -> memref<64xi32, #tpu.memory_space<vmem>>
    %dma_start3A_168 = arith.constant 0 : i32
    %dma_start3A_169 = arith.constant 0 : i32
    %dma_start3A_170 = tpu.memref_slice %arg10[%dma_start3A_168, %dma_start3A_169] : memref<10240x128xf32, #tpu.memory_space<vmem_shared>> -> memref<10240x128xf32, #tpu.memory_space<vmem_shared>>
    %dma_start3A_171 = tpu.memref_slice %arg12[%dma_start3A_160] : memref<4x!tpu.dma_semaphore, #tpu.memory_space<semaphore_mem>> -> memref<1x!tpu.dma_semaphore, #tpu.memory_space<semaphore_mem>>
    %dma_start3A_172 = tpu.memref_squeeze %dma_start3A_171 : memref<1x!tpu.dma_semaphore, #tpu.memory_space<semaphore_mem>> -> memref<!tpu.dma_semaphore, #tpu.memory_space<semaphore_mem>>
    tpu.enqueue_indirect_dma source(%dma_start3A_164 : memref<64x128xf32, #tpu.memory_space<vmem>>) target(%dma_start3A_170 : memref<10240x128xf32, #tpu.memory_space<vmem_shared>>) offsets(%dma_start3A_167 : memref<64xi32, #tpu.memory_space<vmem>>) semaphore(%dma_start3A_172 : memref<!tpu.dma_semaphore, #tpu.memory_space<semaphore_mem>>) {add = true}
    %dma_wait3A_173 = arith.constant 0 : i32
    %dma_wait3A_174 = arith.constant 0 : i32
    %dma_wait3A_175 = arith.constant 2 : i32
    %dma_wait3A_176 = arith.constant 2 : i32
    %dma_wait3A_177 = arith.constant 0 : i32
    %dma_wait3A_178 = arith.constant 0 : i32
    %dma_wait3A_179 = tpu.memref_slice %arg9[%dma_wait3A_175, %dma_wait3A_177, %dma_wait3A_178] : memref<4x64x128xf32, #tpu.memory_space<vmem>> -> memref<1x64x128xf32, #tpu.memory_space<vmem>>
    %dma_wait3A_180 = tpu.memref_squeeze %dma_wait3A_179 : memref<1x64x128xf32, #tpu.memory_space<vmem>> -> memref<64x128xf32, #tpu.memory_space<vmem>>
    %dma_wait3A_181 = arith.constant 0 : i32
    %dma_wait3A_182 = tpu.memref_slice %arg7[%dma_wait3A_173, %dma_wait3A_174, %dma_wait3A_181] : memref<2x4x64xi32, #tpu.memory_space<vmem>> -> memref<1x1x64xi32, #tpu.memory_space<vmem>>
    %dma_wait3A_183 = tpu.memref_squeeze %dma_wait3A_182 : memref<1x1x64xi32, #tpu.memory_space<vmem>> -> memref<64xi32, #tpu.memory_space<vmem>>
    %dma_wait3A_184 = arith.constant 0 : i32
    %dma_wait3A_185 = arith.constant 0 : i32
    %dma_wait3A_186 = tpu.memref_slice %arg2[%dma_wait3A_184, %dma_wait3A_185] : memref<10240x128xf32, #tpu.memory_space<hbm>> -> memref<10240x128xf32, #tpu.memory_space<hbm>>
    %dma_wait3A_187 = tpu.memref_slice %arg11[%dma_wait3A_176] : memref<4x!tpu.dma_semaphore, #tpu.memory_space<semaphore_mem>> -> memref<1x!tpu.dma_semaphore, #tpu.memory_space<semaphore_mem>>
    %dma_wait3A_188 = tpu.memref_squeeze %dma_wait3A_187 : memref<1x!tpu.dma_semaphore, #tpu.memory_space<semaphore_mem>> -> memref<!tpu.dma_semaphore, #tpu.memory_space<semaphore_mem>>
    tpu.wait_indirect_dma semaphore(%dma_wait3A_188 : memref<!tpu.dma_semaphore, #tpu.memory_space<semaphore_mem>>) src(%dma_wait3A_186 : memref<10240x128xf32, #tpu.memory_space<hbm>>) dst(%dma_wait3A_180 : memref<64x128xf32, #tpu.memory_space<vmem>>)
    %dma_start3A_189 = arith.constant 2 : i32
    %dma_start3A_190 = arith.constant 1 : i32
    %dma_start3A_191 = arith.constant 2 : i32
    %dma_start3A_192 = arith.constant 2 : i32
    %dma_start3A_193 = arith.constant 0 : i32
    %dma_start3A_194 = arith.constant 0 : i32
    %dma_start3A_195 = tpu.memref_slice %arg9[%dma_start3A_189, %dma_start3A_193, %dma_start3A_194] : memref<4x64x128xf32, #tpu.memory_space<vmem>> -> memref<1x64x128xf32, #tpu.memory_space<vmem>>
    %dma_start3A_196 = tpu.memref_squeeze %dma_start3A_195 : memref<1x64x128xf32, #tpu.memory_space<vmem>> -> memref<64x128xf32, #tpu.memory_space<vmem>>
    %dma_start3A_197 = arith.constant 0 : i32
    %dma_start3A_198 = tpu.memref_slice %arg8[%dma_start3A_190, %dma_start3A_191, %dma_start3A_197] : memref<2x4x64xi32, #tpu.memory_space<vmem>> -> memref<1x1x64xi32, #tpu.memory_space<vmem>>
    %dma_start3A_199 = tpu.memref_squeeze %dma_start3A_198 : memref<1x1x64xi32, #tpu.memory_space<vmem>> -> memref<64xi32, #tpu.memory_space<vmem>>
    %dma_start3A_200 = arith.constant 0 : i32
    %dma_start3A_201 = arith.constant 0 : i32
    %dma_start3A_202 = tpu.memref_slice %arg10[%dma_start3A_200, %dma_start3A_201] : memref<10240x128xf32, #tpu.memory_space<vmem_shared>> -> memref<10240x128xf32, #tpu.memory_space<vmem_shared>>
    %dma_start3A_203 = tpu.memref_slice %arg12[%dma_start3A_192] : memref<4x!tpu.dma_semaphore, #tpu.memory_space<semaphore_mem>> -> memref<1x!tpu.dma_semaphore, #tpu.memory_space<semaphore_mem>>
    %dma_start3A_204 = tpu.memref_squeeze %dma_start3A_203 : memref<1x!tpu.dma_semaphore, #tpu.memory_space<semaphore_mem>> -> memref<!tpu.dma_semaphore, #tpu.memory_space<semaphore_mem>>
    tpu.enqueue_indirect_dma source(%dma_start3A_196 : memref<64x128xf32, #tpu.memory_space<vmem>>) target(%dma_start3A_202 : memref<10240x128xf32, #tpu.memory_space<vmem_shared>>) offsets(%dma_start3A_199 : memref<64xi32, #tpu.memory_space<vmem>>) semaphore(%dma_start3A_204 : memref<!tpu.dma_semaphore, #tpu.memory_space<semaphore_mem>>) {add = true}
    %dma_wait3A_205 = arith.constant 0 : i32
    %dma_wait3A_206 = arith.constant 0 : i32
    %dma_wait3A_207 = arith.constant 3 : i32
    %dma_wait3A_208 = arith.constant 3 : i32
    %dma_wait3A_209 = arith.constant 0 : i32
    %dma_wait3A_210 = arith.constant 0 : i32
    %dma_wait3A_211 = tpu.memref_slice %arg9[%dma_wait3A_207, %dma_wait3A_209, %dma_wait3A_210] : memref<4x64x128xf32, #tpu.memory_space<vmem>> -> memref<1x64x128xf32, #tpu.memory_space<vmem>>
    %dma_wait3A_212 = tpu.memref_squeeze %dma_wait3A_211 : memref<1x64x128xf32, #tpu.memory_space<vmem>> -> memref<64x128xf32, #tpu.memory_space<vmem>>
    %dma_wait3A_213 = arith.constant 0 : i32
    %dma_wait3A_214 = tpu.memref_slice %arg7[%dma_wait3A_205, %dma_wait3A_206, %dma_wait3A_213] : memref<2x4x64xi32, #tpu.memory_space<vmem>> -> memref<1x1x64xi32, #tpu.memory_space<vmem>>
    %dma_wait3A_215 = tpu.memref_squeeze %dma_wait3A_214 : memref<1x1x64xi32, #tpu.memory_space<vmem>> -> memref<64xi32, #tpu.memory_space<vmem>>
    %dma_wait3A_216 = arith.constant 0 : i32
    %dma_wait3A_217 = arith.constant 0 : i32
    %dma_wait3A_218 = tpu.memref_slice %arg2[%dma_wait3A_216, %dma_wait3A_217] : memref<10240x128xf32, #tpu.memory_space<hbm>> -> memref<10240x128xf32, #tpu.memory_space<hbm>>
    %dma_wait3A_219 = tpu.memref_slice %arg11[%dma_wait3A_208] : memref<4x!tpu.dma_semaphore, #tpu.memory_space<semaphore_mem>> -> memref<1x!tpu.dma_semaphore, #tpu.memory_space<semaphore_mem>>
    %dma_wait3A_220 = tpu.memref_squeeze %dma_wait3A_219 : memref<1x!tpu.dma_semaphore, #tpu.memory_space<semaphore_mem>> -> memref<!tpu.dma_semaphore, #tpu.memory_space<semaphore_mem>>
    tpu.wait_indirect_dma semaphore(%dma_wait3A_220 : memref<!tpu.dma_semaphore, #tpu.memory_space<semaphore_mem>>) src(%dma_wait3A_218 : memref<10240x128xf32, #tpu.memory_space<hbm>>) dst(%dma_wait3A_212 : memref<64x128xf32, #tpu.memory_space<vmem>>)
    %dma_start3A_221 = arith.constant 3 : i32
    %dma_start3A_222 = arith.constant 1 : i32
    %dma_start3A_223 = arith.constant 3 : i32
    %dma_start3A_224 = arith.constant 3 : i32
    %dma_start3A_225 = arith.constant 0 : i32
    %dma_start3A_226 = arith.constant 0 : i32
    %dma_start3A_227 = tpu.memref_slice %arg9[%dma_start3A_221, %dma_start3A_225, %dma_start3A_226] : memref<4x64x128xf32, #tpu.memory_space<vmem>> -> memref<1x64x128xf32, #tpu.memory_space<vmem>>
    %dma_start3A_228 = tpu.memref_squeeze %dma_start3A_227 : memref<1x64x128xf32, #tpu.memory_space<vmem>> -> memref<64x128xf32, #tpu.memory_space<vmem>>
    %dma_start3A_229 = arith.constant 0 : i32
    %dma_start3A_230 = tpu.memref_slice %arg8[%dma_start3A_222, %dma_start3A_223, %dma_start3A_229] : memref<2x4x64xi32, #tpu.memory_space<vmem>> -> memref<1x1x64xi32, #tpu.memory_space<vmem>>
    %dma_start3A_231 = tpu.memref_squeeze %dma_start3A_230 : memref<1x1x64xi32, #tpu.memory_space<vmem>> -> memref<64xi32, #tpu.memory_space<vmem>>
    %dma_start3A_232 = arith.constant 0 : i32
    %dma_start3A_233 = arith.constant 0 : i32
    %dma_start3A_234 = tpu.memref_slice %arg10[%dma_start3A_232, %dma_start3A_233] : memref<10240x128xf32, #tpu.memory_space<vmem_shared>> -> memref<10240x128xf32, #tpu.memory_space<vmem_shared>>
    %dma_start3A_235 = tpu.memref_slice %arg12[%dma_start3A_224] : memref<4x!tpu.dma_semaphore, #tpu.memory_space<semaphore_mem>> -> memref<1x!tpu.dma_semaphore, #tpu.memory_space<semaphore_mem>>
    %dma_start3A_236 = tpu.memref_squeeze %dma_start3A_235 : memref<1x!tpu.dma_semaphore, #tpu.memory_space<semaphore_mem>> -> memref<!tpu.dma_semaphore, #tpu.memory_space<semaphore_mem>>
    tpu.enqueue_indirect_dma source(%dma_start3A_228 : memref<64x128xf32, #tpu.memory_space<vmem>>) target(%dma_start3A_234 : memref<10240x128xf32, #tpu.memory_space<vmem_shared>>) offsets(%dma_start3A_231 : memref<64xi32, #tpu.memory_space<vmem>>) semaphore(%dma_start3A_236 : memref<!tpu.dma_semaphore, #tpu.memory_space<semaphore_mem>>) {add = true}
    %dma_wait3A_237 = arith.constant 0 : i32
    %dma_wait3A_238 = arith.constant 0 : i32
    %dma_wait3A_239 = arith.constant 0 : i32
    %dma_wait3A_240 = arith.constant 0 : i32
    %dma_wait3A_241 = tpu.memref_slice %arg7[%dma_wait3A_238, %dma_wait3A_239, %dma_wait3A_240] : memref<2x4x64xi32, #tpu.memory_space<vmem>> -> memref<1x4x64xi32, #tpu.memory_space<vmem>>
    %dma_wait3A_242 = tpu.memref_squeeze %dma_wait3A_241 : memref<1x4x64xi32, #tpu.memory_space<vmem>> -> memref<4x64xi32, #tpu.memory_space<vmem>>
    %dma_wait3A_243 = arith.constant 0 : i32
    %dma_wait3A_244 = arith.constant 0 : i32
    %dma_wait3A_245 = tpu.memref_slice %arg3[%add3A, %dma_wait3A_237, %dma_wait3A_243, %dma_wait3A_244] : memref<32x40x4x64xi32, #tpu.memory_space<hbm>> -> memref<1x1x4x64xi32, #tpu.memory_space<hbm>>
    %dma_wait3A_246 = tpu.memref_squeeze %dma_wait3A_245 : memref<1x1x4x64xi32, #tpu.memory_space<hbm>> -> memref<4x64xi32, #tpu.memory_space<hbm>>
    %dma_wait3A_247 = arith.constant 0 : i32
    %dma_wait3A_248 = arith.constant 0 : i32
    %dma_wait3A_249 = tpu.memref_slice %arg7[%dma_wait3A_238, %dma_wait3A_247, %dma_wait3A_248] : memref<2x4x64xi32, #tpu.memory_space<vmem>> -> memref<1x4x64xi32, #tpu.memory_space<vmem>>
    %dma_wait3A_250 = tpu.memref_squeeze %dma_wait3A_249 : memref<1x4x64xi32, #tpu.memory_space<vmem>> -> memref<4x64xi32, #tpu.memory_space<vmem>>
    %dma_wait3A_251 = arith.constant 0 : i32
    %dma_wait3A_252 = arith.constant 0 : i32
    %dma_wait3A_253 = tpu.memref_slice %arg3[%add3A, %dma_wait3A_237, %dma_wait3A_251, %dma_wait3A_252] : memref<32x40x4x64xi32, #tpu.memory_space<hbm>> -> memref<1x1x4x64xi32, #tpu.memory_space<hbm>>
    %dma_wait3A_254 = tpu.memref_squeeze %dma_wait3A_253 : memref<1x1x4x64xi32, #tpu.memory_space<hbm>> -> memref<4x64xi32, #tpu.memory_space<hbm>>
    tpu.wait_dma2 semaphore(%arg13 : memref<!tpu.dma_semaphore, #tpu.memory_space<semaphore_mem>>) src(%dma_wait3A_254 : memref<4x64xi32, #tpu.memory_space<hbm>>) dst(%dma_wait3A_250 : memref<4x64xi32, #tpu.memory_space<vmem>>)
    %dma_wait3A_255 = arith.constant 0 : i32
    %dma_wait3A_256 = arith.constant 0 : i32
    %dma_wait3A_257 = arith.constant 0 : i32
    %dma_wait3A_258 = arith.constant 0 : i32
    %dma_wait3A_259 = tpu.memref_slice %arg8[%dma_wait3A_256, %dma_wait3A_257, %dma_wait3A_258] : memref<2x4x64xi32, #tpu.memory_space<vmem>> -> memref<1x4x64xi32, #tpu.memory_space<vmem>>
    %dma_wait3A_260 = tpu.memref_squeeze %dma_wait3A_259 : memref<1x4x64xi32, #tpu.memory_space<vmem>> -> memref<4x64xi32, #tpu.memory_space<vmem>>
    %dma_wait3A_261 = arith.constant 0 : i32
    %dma_wait3A_262 = arith.constant 0 : i32
    %dma_wait3A_263 = tpu.memref_slice %arg4[%add3A, %dma_wait3A_255, %dma_wait3A_261, %dma_wait3A_262] : memref<32x40x4x64xi32, #tpu.memory_space<hbm>> -> memref<1x1x4x64xi32, #tpu.memory_space<hbm>>
    %dma_wait3A_264 = tpu.memref_squeeze %dma_wait3A_263 : memref<1x1x4x64xi32, #tpu.memory_space<hbm>> -> memref<4x64xi32, #tpu.memory_space<hbm>>
    %dma_wait3A_265 = arith.constant 0 : i32
    %dma_wait3A_266 = arith.constant 0 : i32
    %dma_wait3A_267 = tpu.memref_slice %arg8[%dma_wait3A_256, %dma_wait3A_265, %dma_wait3A_266] : memref<2x4x64xi32, #tpu.memory_space<vmem>> -> memref<1x4x64xi32, #tpu.memory_space<vmem>>
    %dma_wait3A_268 = tpu.memref_squeeze %dma_wait3A_267 : memref<1x4x64xi32, #tpu.memory_space<vmem>> -> memref<4x64xi32, #tpu.memory_space<vmem>>
    %dma_wait3A_269 = arith.constant 0 : i32
    %dma_wait3A_270 = arith.constant 0 : i32
    %dma_wait3A_271 = tpu.memref_slice %arg4[%add3A, %dma_wait3A_255, %dma_wait3A_269, %dma_wait3A_270] : memref<32x40x4x64xi32, #tpu.memory_space<hbm>> -> memref<1x1x4x64xi32, #tpu.memory_space<hbm>>
    %dma_wait3A_272 = tpu.memref_squeeze %dma_wait3A_271 : memref<1x1x4x64xi32, #tpu.memory_space<hbm>> -> memref<4x64xi32, #tpu.memory_space<hbm>>
    tpu.wait_dma2 semaphore(%arg13 : memref<!tpu.dma_semaphore, #tpu.memory_space<semaphore_mem>>) src(%dma_wait3A_272 : memref<4x64xi32, #tpu.memory_space<hbm>>) dst(%dma_wait3A_268 : memref<4x64xi32, #tpu.memory_space<vmem>>)
    %dma_wait3A_273 = arith.constant 0 : i32
    %dma_wait3A_274 = arith.constant 0 : i32
    %dma_wait3A_275 = arith.constant 0 : i32
    %dma_wait3A_276 = arith.constant 0 : i32
    %dma_wait3A_277 = arith.constant 0 : i32
    %dma_wait3A_278 = arith.constant 0 : i32
    %dma_wait3A_279 = tpu.memref_slice %arg9[%dma_wait3A_273, %dma_wait3A_277, %dma_wait3A_278] : memref<4x64x128xf32, #tpu.memory_space<vmem>> -> memref<1x64x128xf32, #tpu.memory_space<vmem>>
    %dma_wait3A_280 = tpu.memref_squeeze %dma_wait3A_279 : memref<1x64x128xf32, #tpu.memory_space<vmem>> -> memref<64x128xf32, #tpu.memory_space<vmem>>
    %dma_wait3A_281 = arith.constant 0 : i32
    %dma_wait3A_282 = tpu.memref_slice %arg8[%dma_wait3A_274, %dma_wait3A_275, %dma_wait3A_281] : memref<2x4x64xi32, #tpu.memory_space<vmem>> -> memref<1x1x64xi32, #tpu.memory_space<vmem>>
    %dma_wait3A_283 = tpu.memref_squeeze %dma_wait3A_282 : memref<1x1x64xi32, #tpu.memory_space<vmem>> -> memref<64xi32, #tpu.memory_space<vmem>>
    %dma_wait3A_284 = arith.constant 0 : i32
    %dma_wait3A_285 = arith.constant 0 : i32
    %dma_wait3A_286 = tpu.memref_slice %arg10[%dma_wait3A_284, %dma_wait3A_285] : memref<10240x128xf32, #tpu.memory_space<vmem_shared>> -> memref<10240x128xf32, #tpu.memory_space<vmem_shared>>
    %dma_wait3A_287 = tpu.memref_slice %arg12[%dma_wait3A_276] : memref<4x!tpu.dma_semaphore, #tpu.memory_space<semaphore_mem>> -> memref<1x!tpu.dma_semaphore, #tpu.memory_space<semaphore_mem>>
    %dma_wait3A_288 = tpu.memref_squeeze %dma_wait3A_287 : memref<1x!tpu.dma_semaphore, #tpu.memory_space<semaphore_mem>> -> memref<!tpu.dma_semaphore, #tpu.memory_space<semaphore_mem>>
    tpu.wait_indirect_dma semaphore(%dma_wait3A_288 : memref<!tpu.dma_semaphore, #tpu.memory_space<semaphore_mem>>) src(%dma_wait3A_280 : memref<64x128xf32, #tpu.memory_space<vmem>>) dst(%dma_wait3A_286 : memref<10240x128xf32, #tpu.memory_space<vmem_shared>>)
    %dma_wait3A_289 = arith.constant 1 : i32
    %dma_wait3A_290 = arith.constant 0 : i32
    %dma_wait3A_291 = arith.constant 0 : i32
    %dma_wait3A_292 = arith.constant 1 : i32
    %dma_wait3A_293 = arith.constant 0 : i32
    %dma_wait3A_294 = arith.constant 0 : i32
    %dma_wait3A_295 = tpu.memref_slice %arg9[%dma_wait3A_289, %dma_wait3A_293, %dma_wait3A_294] : memref<4x64x128xf32, #tpu.memory_space<vmem>> -> memref<1x64x128xf32, #tpu.memory_space<vmem>>
    %dma_wait3A_296 = tpu.memref_squeeze %dma_wait3A_295 : memref<1x64x128xf32, #tpu.memory_space<vmem>> -> memref<64x128xf32, #tpu.memory_space<vmem>>
    %dma_wait3A_297 = arith.constant 0 : i32
    %dma_wait3A_298 = tpu.memref_slice %arg8[%dma_wait3A_290, %dma_wait3A_291, %dma_wait3A_297] : memref<2x4x64xi32, #tpu.memory_space<vmem>> -> memref<1x1x64xi32, #tpu.memory_space<vmem>>
    %dma_wait3A_299 = tpu.memref_squeeze %dma_wait3A_298 : memref<1x1x64xi32, #tpu.memory_space<vmem>> -> memref<64xi32, #tpu.memory_space<vmem>>
    %dma_wait3A_300 = arith.constant 0 : i32
    %dma_wait3A_301 = arith.constant 0 : i32
    %dma_wait3A_302 = tpu.memref_slice %arg10[%dma_wait3A_300, %dma_wait3A_301] : memref<10240x128xf32, #tpu.memory_space<vmem_shared>> -> memref<10240x128xf32, #tpu.memory_space<vmem_shared>>
    %dma_wait3A_303 = tpu.memref_slice %arg12[%dma_wait3A_292] : memref<4x!tpu.dma_semaphore, #tpu.memory_space<semaphore_mem>> -> memref<1x!tpu.dma_semaphore, #tpu.memory_space<semaphore_mem>>
    %dma_wait3A_304 = tpu.memref_squeeze %dma_wait3A_303 : memref<1x!tpu.dma_semaphore, #tpu.memory_space<semaphore_mem>> -> memref<!tpu.dma_semaphore, #tpu.memory_space<semaphore_mem>>
    tpu.wait_indirect_dma semaphore(%dma_wait3A_304 : memref<!tpu.dma_semaphore, #tpu.memory_space<semaphore_mem>>) src(%dma_wait3A_296 : memref<64x128xf32, #tpu.memory_space<vmem>>) dst(%dma_wait3A_302 : memref<10240x128xf32, #tpu.memory_space<vmem_shared>>)
    %dma_wait3A_305 = arith.constant 2 : i32
    %dma_wait3A_306 = arith.constant 0 : i32
    %dma_wait3A_307 = arith.constant 0 : i32
    %dma_wait3A_308 = arith.constant 2 : i32
    %dma_wait3A_309 = arith.constant 0 : i32
    %dma_wait3A_310 = arith.constant 0 : i32
    %dma_wait3A_311 = tpu.memref_slice %arg9[%dma_wait3A_305, %dma_wait3A_309, %dma_wait3A_310] : memref<4x64x128xf32, #tpu.memory_space<vmem>> -> memref<1x64x128xf32, #tpu.memory_space<vmem>>
    %dma_wait3A_312 = tpu.memref_squeeze %dma_wait3A_311 : memref<1x64x128xf32, #tpu.memory_space<vmem>> -> memref<64x128xf32, #tpu.memory_space<vmem>>
    %dma_wait3A_313 = arith.constant 0 : i32
    %dma_wait3A_314 = tpu.memref_slice %arg8[%dma_wait3A_306, %dma_wait3A_307, %dma_wait3A_313] : memref<2x4x64xi32, #tpu.memory_space<vmem>> -> memref<1x1x64xi32, #tpu.memory_space<vmem>>
    %dma_wait3A_315 = tpu.memref_squeeze %dma_wait3A_314 : memref<1x1x64xi32, #tpu.memory_space<vmem>> -> memref<64xi32, #tpu.memory_space<vmem>>
    %dma_wait3A_316 = arith.constant 0 : i32
    %dma_wait3A_317 = arith.constant 0 : i32
    %dma_wait3A_318 = tpu.memref_slice %arg10[%dma_wait3A_316, %dma_wait3A_317] : memref<10240x128xf32, #tpu.memory_space<vmem_shared>> -> memref<10240x128xf32, #tpu.memory_space<vmem_shared>>
    %dma_wait3A_319 = tpu.memref_slice %arg12[%dma_wait3A_308] : memref<4x!tpu.dma_semaphore, #tpu.memory_space<semaphore_mem>> -> memref<1x!tpu.dma_semaphore, #tpu.memory_space<semaphore_mem>>
    %dma_wait3A_320 = tpu.memref_squeeze %dma_wait3A_319 : memref<1x!tpu.dma_semaphore, #tpu.memory_space<semaphore_mem>> -> memref<!tpu.dma_semaphore, #tpu.memory_space<semaphore_mem>>
    tpu.wait_indirect_dma semaphore(%dma_wait3A_320 : memref<!tpu.dma_semaphore, #tpu.memory_space<semaphore_mem>>) src(%dma_wait3A_312 : memref<64x128xf32, #tpu.memory_space<vmem>>) dst(%dma_wait3A_318 : memref<10240x128xf32, #tpu.memory_space<vmem_shared>>)
    %dma_wait3A_321 = arith.constant 3 : i32
    %dma_wait3A_322 = arith.constant 0 : i32
    %dma_wait3A_323 = arith.constant 0 : i32
    %dma_wait3A_324 = arith.constant 3 : i32
    %dma_wait3A_325 = arith.constant 0 : i32
    %dma_wait3A_326 = arith.constant 0 : i32
    %dma_wait3A_327 = tpu.memref_slice %arg9[%dma_wait3A_321, %dma_wait3A_325, %dma_wait3A_326] : memref<4x64x128xf32, #tpu.memory_space<vmem>> -> memref<1x64x128xf32, #tpu.memory_space<vmem>>
    %dma_wait3A_328 = tpu.memref_squeeze %dma_wait3A_327 : memref<1x64x128xf32, #tpu.memory_space<vmem>> -> memref<64x128xf32, #tpu.memory_space<vmem>>
    %dma_wait3A_329 = arith.constant 0 : i32
    %dma_wait3A_330 = tpu.memref_slice %arg8[%dma_wait3A_322, %dma_wait3A_323, %dma_wait3A_329] : memref<2x4x64xi32, #tpu.memory_space<vmem>> -> memref<1x1x64xi32, #tpu.memory_space<vmem>>
    %dma_wait3A_331 = tpu.memref_squeeze %dma_wait3A_330 : memref<1x1x64xi32, #tpu.memory_space<vmem>> -> memref<64xi32, #tpu.memory_space<vmem>>
    %dma_wait3A_332 = arith.constant 0 : i32
    %dma_wait3A_333 = arith.constant 0 : i32
    %dma_wait3A_334 = tpu.memref_slice %arg10[%dma_wait3A_332, %dma_wait3A_333] : memref<10240x128xf32, #tpu.memory_space<vmem_shared>> -> memref<10240x128xf32, #tpu.memory_space<vmem_shared>>
    %dma_wait3A_335 = tpu.memref_slice %arg12[%dma_wait3A_324] : memref<4x!tpu.dma_semaphore, #tpu.memory_space<semaphore_mem>> -> memref<1x!tpu.dma_semaphore, #tpu.memory_space<semaphore_mem>>
    %dma_wait3A_336 = tpu.memref_squeeze %dma_wait3A_335 : memref<1x!tpu.dma_semaphore, #tpu.memory_space<semaphore_mem>> -> memref<!tpu.dma_semaphore, #tpu.memory_space<semaphore_mem>>
    tpu.wait_indirect_dma semaphore(%dma_wait3A_336 : memref<!tpu.dma_semaphore, #tpu.memory_space<semaphore_mem>>) src(%dma_wait3A_328 : memref<64x128xf32, #tpu.memory_space<vmem>>) dst(%dma_wait3A_334 : memref<10240x128xf32, #tpu.memory_space<vmem_shared>>)
    %barrier3A_337 = arith.constant 0 : index
    tpu.barrier barrier_id(%barrier3A_337)
    "tpu.region"() ({
      %run_scoped3A_338 = tpu.sem_alloc : memref<!tpu.dma_semaphore, #tpu.memory_space<semaphore_mem>>
      %dma_start3A_339 = arith.constant 0 : i32
      %dma_start3A_340 = tpu.memref_slice %arg6[%arg0, %mul3A_2, %dma_start3A_339] : memref<2x10240x128xf32, #tpu.memory_space<hbm>> -> memref<1x640x128xf32, #tpu.memory_space<hbm>>
      %dma_start3A_341 = tpu.memref_squeeze %dma_start3A_340 : memref<1x640x128xf32, #tpu.memory_space<hbm>> -> memref<640x128xf32, #tpu.memory_space<hbm>>
      %dma_start3A_342 = arith.constant 0 : i32
      %dma_start3A_343 = tpu.memref_slice %arg10[%mul3A_2, %dma_start3A_342] : memref<10240x128xf32, #tpu.memory_space<vmem_shared>> -> memref<640x128xf32, #tpu.memory_space<vmem_shared>>
      tpu.enqueue_dma source(%dma_start3A_343 : memref<640x128xf32, #tpu.memory_space<vmem_shared>>) target(%dma_start3A_341 : memref<640x128xf32, #tpu.memory_space<hbm>>) target_semaphore(%run_scoped3A_338 : memref<!tpu.dma_semaphore, #tpu.memory_space<semaphore_mem>>)
      %dma_wait3A_344 = arith.constant 0 : i32
      %dma_wait3A_345 = tpu.memref_slice %arg6[%arg0, %mul3A_2, %dma_wait3A_344] : memref<2x10240x128xf32, #tpu.memory_space<hbm>> -> memref<1x640x128xf32, #tpu.memory_space<hbm>>
      %dma_wait3A_346 = tpu.memref_squeeze %dma_wait3A_345 : memref<1x640x128xf32, #tpu.memory_space<hbm>> -> memref<640x128xf32, #tpu.memory_space<hbm>>
      %dma_wait3A_347 = arith.constant 0 : i32
      %dma_wait3A_348 = tpu.memref_slice %arg10[%mul3A_2, %dma_wait3A_347] : memref<10240x128xf32, #tpu.memory_space<vmem_shared>> -> memref<640x128xf32, #tpu.memory_space<vmem_shared>>
      tpu.wait_dma2 semaphore(%run_scoped3A_338 : memref<!tpu.dma_semaphore, #tpu.memory_space<semaphore_mem>>) src(%dma_wait3A_348 : memref<640x128xf32, #tpu.memory_space<vmem_shared>>) dst(%dma_wait3A_346 : memref<640x128xf32, #tpu.memory_space<hbm>>)
      tpu.yield
    }) : () -> ()
    return
  }
}

#map = affine_map<(d0, d1) -> (0, 0)>
#map1 = affine_map<(d0, d1) -> (0, 0, 0, 0)>
#map2 = affine_map<(d0, d1) -> (0, 0, 0)>
module attributes {stable_mosaic.version = 14 : i64} {
  func.func @_agg_kernel(%arg0: i32, %arg1: i32, %arg2: memref<10240x128xf32, #tpu.memory_space<hbm>>, %arg3: memref<32x40x4x64xi32, #tpu.memory_space<hbm>>, %arg4: memref<32x40x4x64xi32, #tpu.memory_space<hbm>>, %arg5: memref<10240x128xf32, #tpu.memory_space<hbm>>, %arg6: memref<2x10240x128xf32, #tpu.memory_space<hbm>>, %arg7: memref<2x4x64xi32, #tpu.memory_space<vmem>>, %arg8: memref<2x4x64xi32, #tpu.memory_space<vmem>>, %arg9: memref<4x64x128xf32, #tpu.memory_space<vmem>>, %arg10: memref<10240x128xf32, #tpu.memory_space<vmem_shared>>, %arg11: memref<4x!tpu.dma_semaphore, #tpu.memory_space<semaphore_mem>>, %arg12: memref<4x!tpu.dma_semaphore, #tpu.memory_space<semaphore_mem>>, %arg13: memref<!tpu.dma_semaphore, #tpu.memory_space<semaphore_mem>>) attributes {dimension_semantics = [#tpu.dimension_semantics<core_parallel>, #tpu.dimension_semantics<subcore_parallel>], iteration_bounds = array<i64: 2, 16>, scalar_prefetch = 0 : i64, scratch_operands = 7 : i64, tpu.core_type = #tpu.core_type<sc_vector_subcore>, window_params = [{transform_indices = #map}, {transform_indices = #map1}, {transform_indices = #map1}, {transform_indices = #map}, {transform_indices = #map2}]} {
    %mul3A = arith.constant 16 : i32
    %mul3A_0 = arith.muli %arg0, %mul3A : i32
    %add3A = arith.addi %mul3A_0, %arg1 : i32
    %mul3A_1 = arith.constant 640 : i32
    %mul3A_2 = arith.muli %arg1, %mul3A_1 : i32
    %run_scoped3A = arith.constant 0 : i32
    %run_scoped3A_3 = arith.constant 0 : i32
    "tpu.region"() ({
      %run_scoped3A_338 = tpu.sem_alloc : memref<!tpu.dma_semaphore, #tpu.memory_space<semaphore_mem>>
      %dma_start3A_339 = arith.constant 0 : i32
      %dma_start3A_340 = arith.constant 0 : i32
      %dma_start3A_341 = tpu.memref_slice %arg7[%run_scoped3A_3, %dma_start3A_339, %dma_start3A_340] : memref<2x4x64xi32, #tpu.memory_space<vmem>> -> memref<1x4x64xi32, #tpu.memory_space<vmem>>
      %dma_start3A_342 = tpu.memref_squeeze %dma_start3A_341 : memref<1x4x64xi32, #tpu.memory_space<vmem>> -> memref<4x64xi32, #tpu.memory_space<vmem>>
      %dma_start3A_343 = arith.constant 0 : i32
      %dma_start3A_344 = arith.constant 0 : i32
      %dma_start3A_345 = tpu.memref_slice %arg3[%add3A, %run_scoped3A, %dma_start3A_343, %dma_start3A_344] : memref<32x40x4x64xi32, #tpu.memory_space<hbm>> -> memref<1x1x4x64xi32, #tpu.memory_space<hbm>>
      %dma_start3A_346 = tpu.memref_squeeze %dma_start3A_345 : memref<1x1x4x64xi32, #tpu.memory_space<hbm>> -> memref<4x64xi32, #tpu.memory_space<hbm>>
      %dma_start3A_347 = arith.constant 0 : i32
      %dma_start3A_348 = arith.constant 0 : i32
      %dma_start3A_349 = tpu.memref_slice %arg7[%run_scoped3A_3, %dma_start3A_347, %dma_start3A_348] : memref<2x4x64xi32, #tpu.memory_space<vmem>> -> memref<1x4x64xi32, #tpu.memory_space<vmem>>
      %dma_start3A_350 = tpu.memref_squeeze %dma_start3A_349 : memref<1x4x64xi32, #tpu.memory_space<vmem>> -> memref<4x64xi32, #tpu.memory_space<vmem>>
      %dma_start3A_351 = arith.constant 0 : i32
      %dma_start3A_352 = arith.constant 0 : i32
      %dma_start3A_353 = tpu.memref_slice %arg3[%add3A, %run_scoped3A, %dma_start3A_351, %dma_start3A_352] : memref<32x40x4x64xi32, #tpu.memory_space<hbm>> -> memref<1x1x4x64xi32, #tpu.memory_space<hbm>>
      %dma_start3A_354 = tpu.memref_squeeze %dma_start3A_353 : memref<1x1x4x64xi32, #tpu.memory_space<hbm>> -> memref<4x64xi32, #tpu.memory_space<hbm>>
      tpu.enqueue_dma source(%dma_start3A_354 : memref<4x64xi32, #tpu.memory_space<hbm>>) target(%dma_start3A_350 : memref<4x64xi32, #tpu.memory_space<vmem>>) target_semaphore(%run_scoped3A_338 : memref<!tpu.dma_semaphore, #tpu.memory_space<semaphore_mem>>)
      %dma_wait3A_355 = arith.constant 0 : i32
      %dma_wait3A_356 = arith.constant 0 : i32
      %dma_wait3A_357 = tpu.memref_slice %arg7[%run_scoped3A_3, %dma_wait3A_355, %dma_wait3A_356] : memref<2x4x64xi32, #tpu.memory_space<vmem>> -> memref<1x4x64xi32, #tpu.memory_space<vmem>>
      %dma_wait3A_358 = tpu.memref_squeeze %dma_wait3A_357 : memref<1x4x64xi32, #tpu.memory_space<vmem>> -> memref<4x64xi32, #tpu.memory_space<vmem>>
      %dma_wait3A_359 = arith.constant 0 : i32
      %dma_wait3A_360 = arith.constant 0 : i32
      %dma_wait3A_361 = tpu.memref_slice %arg3[%add3A, %run_scoped3A, %dma_wait3A_359, %dma_wait3A_360] : memref<32x40x4x64xi32, #tpu.memory_space<hbm>> -> memref<1x1x4x64xi32, #tpu.memory_space<hbm>>
      %dma_wait3A_362 = tpu.memref_squeeze %dma_wait3A_361 : memref<1x1x4x64xi32, #tpu.memory_space<hbm>> -> memref<4x64xi32, #tpu.memory_space<hbm>>
      %dma_wait3A_363 = arith.constant 0 : i32
      %dma_wait3A_364 = arith.constant 0 : i32
      %dma_wait3A_365 = tpu.memref_slice %arg7[%run_scoped3A_3, %dma_wait3A_363, %dma_wait3A_364] : memref<2x4x64xi32, #tpu.memory_space<vmem>> -> memref<1x4x64xi32, #tpu.memory_space<vmem>>
      %dma_wait3A_366 = tpu.memref_squeeze %dma_wait3A_365 : memref<1x4x64xi32, #tpu.memory_space<vmem>> -> memref<4x64xi32, #tpu.memory_space<vmem>>
      %dma_wait3A_367 = arith.constant 0 : i32
      %dma_wait3A_368 = arith.constant 0 : i32
      %dma_wait3A_369 = tpu.memref_slice %arg3[%add3A, %run_scoped3A, %dma_wait3A_367, %dma_wait3A_368] : memref<32x40x4x64xi32, #tpu.memory_space<hbm>> -> memref<1x1x4x64xi32, #tpu.memory_space<hbm>>
      %dma_wait3A_370 = tpu.memref_squeeze %dma_wait3A_369 : memref<1x1x4x64xi32, #tpu.memory_space<hbm>> -> memref<4x64xi32, #tpu.memory_space<hbm>>
      tpu.wait_dma2 semaphore(%run_scoped3A_338 : memref<!tpu.dma_semaphore, #tpu.memory_space<semaphore_mem>>) src(%dma_wait3A_370 : memref<4x64xi32, #tpu.memory_space<hbm>>) dst(%dma_wait3A_366 : memref<4x64xi32, #tpu.memory_space<vmem>>)
      tpu.yield
    }) : () -> ()
    %run_scoped3A_4 = arith.constant 0 : i32
    %run_scoped3A_5 = arith.constant 0 : i32
    "tpu.region"() ({
      %run_scoped3A_338 = tpu.sem_alloc : memref<!tpu.dma_semaphore, #tpu.memory_space<semaphore_mem>>
      %dma_start3A_339 = arith.constant 0 : i32
      %dma_start3A_340 = arith.constant 0 : i32
      %dma_start3A_341 = tpu.memref_slice %arg8[%run_scoped3A_5, %dma_start3A_339, %dma_start3A_340] : memref<2x4x64xi32, #tpu.memory_space<vmem>> -> memref<1x4x64xi32, #tpu.memory_space<vmem>>
      %dma_start3A_342 = tpu.memref_squeeze %dma_start3A_341 : memref<1x4x64xi32, #tpu.memory_space<vmem>> -> memref<4x64xi32, #tpu.memory_space<vmem>>
      %dma_start3A_343 = arith.constant 0 : i32
      %dma_start3A_344 = arith.constant 0 : i32
      %dma_start3A_345 = tpu.memref_slice %arg4[%add3A, %run_scoped3A_4, %dma_start3A_343, %dma_start3A_344] : memref<32x40x4x64xi32, #tpu.memory_space<hbm>> -> memref<1x1x4x64xi32, #tpu.memory_space<hbm>>
      %dma_start3A_346 = tpu.memref_squeeze %dma_start3A_345 : memref<1x1x4x64xi32, #tpu.memory_space<hbm>> -> memref<4x64xi32, #tpu.memory_space<hbm>>
      %dma_start3A_347 = arith.constant 0 : i32
      %dma_start3A_348 = arith.constant 0 : i32
      %dma_start3A_349 = tpu.memref_slice %arg8[%run_scoped3A_5, %dma_start3A_347, %dma_start3A_348] : memref<2x4x64xi32, #tpu.memory_space<vmem>> -> memref<1x4x64xi32, #tpu.memory_space<vmem>>
      %dma_start3A_350 = tpu.memref_squeeze %dma_start3A_349 : memref<1x4x64xi32, #tpu.memory_space<vmem>> -> memref<4x64xi32, #tpu.memory_space<vmem>>
      %dma_start3A_351 = arith.constant 0 : i32
      %dma_start3A_352 = arith.constant 0 : i32
      %dma_start3A_353 = tpu.memref_slice %arg4[%add3A, %run_scoped3A_4, %dma_start3A_351, %dma_start3A_352] : memref<32x40x4x64xi32, #tpu.memory_space<hbm>> -> memref<1x1x4x64xi32, #tpu.memory_space<hbm>>
      %dma_start3A_354 = tpu.memref_squeeze %dma_start3A_353 : memref<1x1x4x64xi32, #tpu.memory_space<hbm>> -> memref<4x64xi32, #tpu.memory_space<hbm>>
      tpu.enqueue_dma source(%dma_start3A_354 : memref<4x64xi32, #tpu.memory_space<hbm>>) target(%dma_start3A_350 : memref<4x64xi32, #tpu.memory_space<vmem>>) target_semaphore(%run_scoped3A_338 : memref<!tpu.dma_semaphore, #tpu.memory_space<semaphore_mem>>)
      %dma_wait3A_355 = arith.constant 0 : i32
      %dma_wait3A_356 = arith.constant 0 : i32
      %dma_wait3A_357 = tpu.memref_slice %arg8[%run_scoped3A_5, %dma_wait3A_355, %dma_wait3A_356] : memref<2x4x64xi32, #tpu.memory_space<vmem>> -> memref<1x4x64xi32, #tpu.memory_space<vmem>>
      %dma_wait3A_358 = tpu.memref_squeeze %dma_wait3A_357 : memref<1x4x64xi32, #tpu.memory_space<vmem>> -> memref<4x64xi32, #tpu.memory_space<vmem>>
      %dma_wait3A_359 = arith.constant 0 : i32
      %dma_wait3A_360 = arith.constant 0 : i32
      %dma_wait3A_361 = tpu.memref_slice %arg4[%add3A, %run_scoped3A_4, %dma_wait3A_359, %dma_wait3A_360] : memref<32x40x4x64xi32, #tpu.memory_space<hbm>> -> memref<1x1x4x64xi32, #tpu.memory_space<hbm>>
      %dma_wait3A_362 = tpu.memref_squeeze %dma_wait3A_361 : memref<1x1x4x64xi32, #tpu.memory_space<hbm>> -> memref<4x64xi32, #tpu.memory_space<hbm>>
      %dma_wait3A_363 = arith.constant 0 : i32
      %dma_wait3A_364 = arith.constant 0 : i32
      %dma_wait3A_365 = tpu.memref_slice %arg8[%run_scoped3A_5, %dma_wait3A_363, %dma_wait3A_364] : memref<2x4x64xi32, #tpu.memory_space<vmem>> -> memref<1x4x64xi32, #tpu.memory_space<vmem>>
      %dma_wait3A_366 = tpu.memref_squeeze %dma_wait3A_365 : memref<1x4x64xi32, #tpu.memory_space<vmem>> -> memref<4x64xi32, #tpu.memory_space<vmem>>
      %dma_wait3A_367 = arith.constant 0 : i32
      %dma_wait3A_368 = arith.constant 0 : i32
      %dma_wait3A_369 = tpu.memref_slice %arg4[%add3A, %run_scoped3A_4, %dma_wait3A_367, %dma_wait3A_368] : memref<32x40x4x64xi32, #tpu.memory_space<hbm>> -> memref<1x1x4x64xi32, #tpu.memory_space<hbm>>
      %dma_wait3A_370 = tpu.memref_squeeze %dma_wait3A_369 : memref<1x1x4x64xi32, #tpu.memory_space<hbm>> -> memref<4x64xi32, #tpu.memory_space<hbm>>
      tpu.wait_dma2 semaphore(%run_scoped3A_338 : memref<!tpu.dma_semaphore, #tpu.memory_space<semaphore_mem>>) src(%dma_wait3A_370 : memref<4x64xi32, #tpu.memory_space<hbm>>) dst(%dma_wait3A_366 : memref<4x64xi32, #tpu.memory_space<vmem>>)
      tpu.yield
    }) : () -> ()
    %dma_start3A = arith.constant 0 : i32
    %dma_start3A_6 = arith.constant 0 : i32
    %dma_start3A_7 = arith.constant 0 : i32
    %dma_start3A_8 = arith.constant 0 : i32
    %dma_start3A_9 = arith.constant 0 : i32
    %dma_start3A_10 = arith.constant 0 : i32
    %dma_start3A_11 = tpu.memref_slice %arg9[%dma_start3A_7, %dma_start3A_9, %dma_start3A_10] : memref<4x64x128xf32, #tpu.memory_space<vmem>> -> memref<1x64x128xf32, #tpu.memory_space<vmem>>
    %dma_start3A_12 = tpu.memref_squeeze %dma_start3A_11 : memref<1x64x128xf32, #tpu.memory_space<vmem>> -> memref<64x128xf32, #tpu.memory_space<vmem>>
    %dma_start3A_13 = arith.constant 0 : i32
    %dma_start3A_14 = tpu.memref_slice %arg7[%dma_start3A, %dma_start3A_6, %dma_start3A_13] : memref<2x4x64xi32, #tpu.memory_space<vmem>> -> memref<1x1x64xi32, #tpu.memory_space<vmem>>
    %dma_start3A_15 = tpu.memref_squeeze %dma_start3A_14 : memref<1x1x64xi32, #tpu.memory_space<vmem>> -> memref<64xi32, #tpu.memory_space<vmem>>
    %dma_start3A_16 = arith.constant 0 : i32
    %dma_start3A_17 = arith.constant 0 : i32
    %dma_start3A_18 = tpu.memref_slice %arg2[%dma_start3A_16, %dma_start3A_17] : memref<10240x128xf32, #tpu.memory_space<hbm>> -> memref<10240x128xf32, #tpu.memory_space<hbm>>
    %dma_start3A_19 = tpu.memref_slice %arg11[%dma_start3A_8] : memref<4x!tpu.dma_semaphore, #tpu.memory_space<semaphore_mem>> -> memref<1x!tpu.dma_semaphore, #tpu.memory_space<semaphore_mem>>
    %dma_start3A_20 = tpu.memref_squeeze %dma_start3A_19 : memref<1x!tpu.dma_semaphore, #tpu.memory_space<semaphore_mem>> -> memref<!tpu.dma_semaphore, #tpu.memory_space<semaphore_mem>>
    tpu.enqueue_indirect_dma source(%dma_start3A_18 : memref<10240x128xf32, #tpu.memory_space<hbm>>) target(%dma_start3A_12 : memref<64x128xf32, #tpu.memory_space<vmem>>) offsets(%dma_start3A_15 : memref<64xi32, #tpu.memory_space<vmem>>) semaphore(%dma_start3A_20 : memref<!tpu.dma_semaphore, #tpu.memory_space<semaphore_mem>>)
    %dma_start3A_21 = arith.constant 0 : i32
    %dma_start3A_22 = arith.constant 1 : i32
    %dma_start3A_23 = arith.constant 1 : i32
    %dma_start3A_24 = arith.constant 1 : i32
    %dma_start3A_25 = arith.constant 0 : i32
    %dma_start3A_26 = arith.constant 0 : i32
    %dma_start3A_27 = tpu.memref_slice %arg9[%dma_start3A_23, %dma_start3A_25, %dma_start3A_26] : memref<4x64x128xf32, #tpu.memory_space<vmem>> -> memref<1x64x128xf32, #tpu.memory_space<vmem>>
    %dma_start3A_28 = tpu.memref_squeeze %dma_start3A_27 : memref<1x64x128xf32, #tpu.memory_space<vmem>> -> memref<64x128xf32, #tpu.memory_space<vmem>>
    %dma_start3A_29 = arith.constant 0 : i32
    %dma_start3A_30 = tpu.memref_slice %arg7[%dma_start3A_21, %dma_start3A_22, %dma_start3A_29] : memref<2x4x64xi32, #tpu.memory_space<vmem>> -> memref<1x1x64xi32, #tpu.memory_space<vmem>>
    %dma_start3A_31 = tpu.memref_squeeze %dma_start3A_30 : memref<1x1x64xi32, #tpu.memory_space<vmem>> -> memref<64xi32, #tpu.memory_space<vmem>>
    %dma_start3A_32 = arith.constant 0 : i32
    %dma_start3A_33 = arith.constant 0 : i32
    %dma_start3A_34 = tpu.memref_slice %arg2[%dma_start3A_32, %dma_start3A_33] : memref<10240x128xf32, #tpu.memory_space<hbm>> -> memref<10240x128xf32, #tpu.memory_space<hbm>>
    %dma_start3A_35 = tpu.memref_slice %arg11[%dma_start3A_24] : memref<4x!tpu.dma_semaphore, #tpu.memory_space<semaphore_mem>> -> memref<1x!tpu.dma_semaphore, #tpu.memory_space<semaphore_mem>>
    %dma_start3A_36 = tpu.memref_squeeze %dma_start3A_35 : memref<1x!tpu.dma_semaphore, #tpu.memory_space<semaphore_mem>> -> memref<!tpu.dma_semaphore, #tpu.memory_space<semaphore_mem>>
    tpu.enqueue_indirect_dma source(%dma_start3A_34 : memref<10240x128xf32, #tpu.memory_space<hbm>>) target(%dma_start3A_28 : memref<64x128xf32, #tpu.memory_space<vmem>>) offsets(%dma_start3A_31 : memref<64xi32, #tpu.memory_space<vmem>>) semaphore(%dma_start3A_36 : memref<!tpu.dma_semaphore, #tpu.memory_space<semaphore_mem>>)
    %dma_start3A_37 = arith.constant 0 : i32
    %dma_start3A_38 = arith.constant 2 : i32
    %dma_start3A_39 = arith.constant 2 : i32
    %dma_start3A_40 = arith.constant 2 : i32
    %dma_start3A_41 = arith.constant 0 : i32
    %dma_start3A_42 = arith.constant 0 : i32
    %dma_start3A_43 = tpu.memref_slice %arg9[%dma_start3A_39, %dma_start3A_41, %dma_start3A_42] : memref<4x64x128xf32, #tpu.memory_space<vmem>> -> memref<1x64x128xf32, #tpu.memory_space<vmem>>
    %dma_start3A_44 = tpu.memref_squeeze %dma_start3A_43 : memref<1x64x128xf32, #tpu.memory_space<vmem>> -> memref<64x128xf32, #tpu.memory_space<vmem>>
    %dma_start3A_45 = arith.constant 0 : i32
    %dma_start3A_46 = tpu.memref_slice %arg7[%dma_start3A_37, %dma_start3A_38, %dma_start3A_45] : memref<2x4x64xi32, #tpu.memory_space<vmem>> -> memref<1x1x64xi32, #tpu.memory_space<vmem>>
    %dma_start3A_47 = tpu.memref_squeeze %dma_start3A_46 : memref<1x1x64xi32, #tpu.memory_space<vmem>> -> memref<64xi32, #tpu.memory_space<vmem>>
    %dma_start3A_48 = arith.constant 0 : i32
    %dma_start3A_49 = arith.constant 0 : i32
    %dma_start3A_50 = tpu.memref_slice %arg2[%dma_start3A_48, %dma_start3A_49] : memref<10240x128xf32, #tpu.memory_space<hbm>> -> memref<10240x128xf32, #tpu.memory_space<hbm>>
    %dma_start3A_51 = tpu.memref_slice %arg11[%dma_start3A_40] : memref<4x!tpu.dma_semaphore, #tpu.memory_space<semaphore_mem>> -> memref<1x!tpu.dma_semaphore, #tpu.memory_space<semaphore_mem>>
    %dma_start3A_52 = tpu.memref_squeeze %dma_start3A_51 : memref<1x!tpu.dma_semaphore, #tpu.memory_space<semaphore_mem>> -> memref<!tpu.dma_semaphore, #tpu.memory_space<semaphore_mem>>
    tpu.enqueue_indirect_dma source(%dma_start3A_50 : memref<10240x128xf32, #tpu.memory_space<hbm>>) target(%dma_start3A_44 : memref<64x128xf32, #tpu.memory_space<vmem>>) offsets(%dma_start3A_47 : memref<64xi32, #tpu.memory_space<vmem>>) semaphore(%dma_start3A_52 : memref<!tpu.dma_semaphore, #tpu.memory_space<semaphore_mem>>)
    %dma_start3A_53 = arith.constant 0 : i32
    %dma_start3A_54 = arith.constant 3 : i32
    %dma_start3A_55 = arith.constant 3 : i32
    %dma_start3A_56 = arith.constant 3 : i32
    %dma_start3A_57 = arith.constant 0 : i32
    %dma_start3A_58 = arith.constant 0 : i32
    %dma_start3A_59 = tpu.memref_slice %arg9[%dma_start3A_55, %dma_start3A_57, %dma_start3A_58] : memref<4x64x128xf32, #tpu.memory_space<vmem>> -> memref<1x64x128xf32, #tpu.memory_space<vmem>>
    %dma_start3A_60 = tpu.memref_squeeze %dma_start3A_59 : memref<1x64x128xf32, #tpu.memory_space<vmem>> -> memref<64x128xf32, #tpu.memory_space<vmem>>
    %dma_start3A_61 = arith.constant 0 : i32
    %dma_start3A_62 = tpu.memref_slice %arg7[%dma_start3A_53, %dma_start3A_54, %dma_start3A_61] : memref<2x4x64xi32, #tpu.memory_space<vmem>> -> memref<1x1x64xi32, #tpu.memory_space<vmem>>
    %dma_start3A_63 = tpu.memref_squeeze %dma_start3A_62 : memref<1x1x64xi32, #tpu.memory_space<vmem>> -> memref<64xi32, #tpu.memory_space<vmem>>
    %dma_start3A_64 = arith.constant 0 : i32
    %dma_start3A_65 = arith.constant 0 : i32
    %dma_start3A_66 = tpu.memref_slice %arg2[%dma_start3A_64, %dma_start3A_65] : memref<10240x128xf32, #tpu.memory_space<hbm>> -> memref<10240x128xf32, #tpu.memory_space<hbm>>
    %dma_start3A_67 = tpu.memref_slice %arg11[%dma_start3A_56] : memref<4x!tpu.dma_semaphore, #tpu.memory_space<semaphore_mem>> -> memref<1x!tpu.dma_semaphore, #tpu.memory_space<semaphore_mem>>
    %dma_start3A_68 = tpu.memref_squeeze %dma_start3A_67 : memref<1x!tpu.dma_semaphore, #tpu.memory_space<semaphore_mem>> -> memref<!tpu.dma_semaphore, #tpu.memory_space<semaphore_mem>>
    tpu.enqueue_indirect_dma source(%dma_start3A_66 : memref<10240x128xf32, #tpu.memory_space<hbm>>) target(%dma_start3A_60 : memref<64x128xf32, #tpu.memory_space<vmem>>) offsets(%dma_start3A_63 : memref<64xi32, #tpu.memory_space<vmem>>) semaphore(%dma_start3A_68 : memref<!tpu.dma_semaphore, #tpu.memory_space<semaphore_mem>>)
    %dma_start3A_69 = arith.constant 1 : i32
    %dma_start3A_70 = arith.constant 1 : i32
    %dma_start3A_71 = arith.constant 0 : i32
    %dma_start3A_72 = arith.constant 0 : i32
    %dma_start3A_73 = tpu.memref_slice %arg7[%dma_start3A_70, %dma_start3A_71, %dma_start3A_72] : memref<2x4x64xi32, #tpu.memory_space<vmem>> -> memref<1x4x64xi32, #tpu.memory_space<vmem>>
    %dma_start3A_74 = tpu.memref_squeeze %dma_start3A_73 : memref<1x4x64xi32, #tpu.memory_space<vmem>> -> memref<4x64xi32, #tpu.memory_space<vmem>>
    %dma_start3A_75 = arith.constant 0 : i32
    %dma_start3A_76 = arith.constant 0 : i32
    %dma_start3A_77 = tpu.memref_slice %arg3[%add3A, %dma_start3A_69, %dma_start3A_75, %dma_start3A_76] : memref<32x40x4x64xi32, #tpu.memory_space<hbm>> -> memref<1x1x4x64xi32, #tpu.memory_space<hbm>>
    %dma_start3A_78 = tpu.memref_squeeze %dma_start3A_77 : memref<1x1x4x64xi32, #tpu.memory_space<hbm>> -> memref<4x64xi32, #tpu.memory_space<hbm>>
    %dma_start3A_79 = arith.constant 0 : i32
    %dma_start3A_80 = arith.constant 0 : i32
    %dma_start3A_81 = tpu.memref_slice %arg7[%dma_start3A_70, %dma_start3A_79, %dma_start3A_80] : memref<2x4x64xi32, #tpu.memory_space<vmem>> -> memref<1x4x64xi32, #tpu.memory_space<vmem>>
    %dma_start3A_82 = tpu.memref_squeeze %dma_start3A_81 : memref<1x4x64xi32, #tpu.memory_space<vmem>> -> memref<4x64xi32, #tpu.memory_space<vmem>>
    %dma_start3A_83 = arith.constant 0 : i32
    %dma_start3A_84 = arith.constant 0 : i32
    %dma_start3A_85 = tpu.memref_slice %arg3[%add3A, %dma_start3A_69, %dma_start3A_83, %dma_start3A_84] : memref<32x40x4x64xi32, #tpu.memory_space<hbm>> -> memref<1x1x4x64xi32, #tpu.memory_space<hbm>>
    %dma_start3A_86 = tpu.memref_squeeze %dma_start3A_85 : memref<1x1x4x64xi32, #tpu.memory_space<hbm>> -> memref<4x64xi32, #tpu.memory_space<hbm>>
    tpu.enqueue_dma source(%dma_start3A_86 : memref<4x64xi32, #tpu.memory_space<hbm>>) target(%dma_start3A_82 : memref<4x64xi32, #tpu.memory_space<vmem>>) target_semaphore(%arg13 : memref<!tpu.dma_semaphore, #tpu.memory_space<semaphore_mem>>)
    %dma_start3A_87 = arith.constant 1 : i32
    %dma_start3A_88 = arith.constant 1 : i32
    %dma_start3A_89 = arith.constant 0 : i32
    %dma_start3A_90 = arith.constant 0 : i32
    %dma_start3A_91 = tpu.memref_slice %arg8[%dma_start3A_88, %dma_start3A_89, %dma_start3A_90] : memref<2x4x64xi32, #tpu.memory_space<vmem>> -> memref<1x4x64xi32, #tpu.memory_space<vmem>>
    %dma_start3A_92 = tpu.memref_squeeze %dma_start3A_91 : memref<1x4x64xi32, #tpu.memory_space<vmem>> -> memref<4x64xi32, #tpu.memory_space<vmem>>
    %dma_start3A_93 = arith.constant 0 : i32
    %dma_start3A_94 = arith.constant 0 : i32
    %dma_start3A_95 = tpu.memref_slice %arg4[%add3A, %dma_start3A_87, %dma_start3A_93, %dma_start3A_94] : memref<32x40x4x64xi32, #tpu.memory_space<hbm>> -> memref<1x1x4x64xi32, #tpu.memory_space<hbm>>
    %dma_start3A_96 = tpu.memref_squeeze %dma_start3A_95 : memref<1x1x4x64xi32, #tpu.memory_space<hbm>> -> memref<4x64xi32, #tpu.memory_space<hbm>>
    %dma_start3A_97 = arith.constant 0 : i32
    %dma_start3A_98 = arith.constant 0 : i32
    %dma_start3A_99 = tpu.memref_slice %arg8[%dma_start3A_88, %dma_start3A_97, %dma_start3A_98] : memref<2x4x64xi32, #tpu.memory_space<vmem>> -> memref<1x4x64xi32, #tpu.memory_space<vmem>>
    %dma_start3A_100 = tpu.memref_squeeze %dma_start3A_99 : memref<1x4x64xi32, #tpu.memory_space<vmem>> -> memref<4x64xi32, #tpu.memory_space<vmem>>
    %dma_start3A_101 = arith.constant 0 : i32
    %dma_start3A_102 = arith.constant 0 : i32
    %dma_start3A_103 = tpu.memref_slice %arg4[%add3A, %dma_start3A_87, %dma_start3A_101, %dma_start3A_102] : memref<32x40x4x64xi32, #tpu.memory_space<hbm>> -> memref<1x1x4x64xi32, #tpu.memory_space<hbm>>
    %dma_start3A_104 = tpu.memref_squeeze %dma_start3A_103 : memref<1x1x4x64xi32, #tpu.memory_space<hbm>> -> memref<4x64xi32, #tpu.memory_space<hbm>>
    tpu.enqueue_dma source(%dma_start3A_104 : memref<4x64xi32, #tpu.memory_space<hbm>>) target(%dma_start3A_100 : memref<4x64xi32, #tpu.memory_space<vmem>>) target_semaphore(%arg13 : memref<!tpu.dma_semaphore, #tpu.memory_space<semaphore_mem>>)
    "tpu.region"() ({
      %run_scoped3A_338 = tpu.sem_alloc : memref<!tpu.dma_semaphore, #tpu.memory_space<semaphore_mem>>
      %dma_start3A_339 = arith.constant 0 : i32
      %dma_start3A_340 = tpu.memref_slice %arg10[%mul3A_2, %dma_start3A_339] : memref<10240x128xf32, #tpu.memory_space<vmem_shared>> -> memref<640x128xf32, #tpu.memory_space<vmem_shared>>
      %dma_start3A_341 = arith.constant 0 : i32
      %dma_start3A_342 = tpu.memref_slice %arg5[%mul3A_2, %dma_start3A_341] : memref<10240x128xf32, #tpu.memory_space<hbm>> -> memref<640x128xf32, #tpu.memory_space<hbm>>
      tpu.enqueue_dma source(%dma_start3A_342 : memref<640x128xf32, #tpu.memory_space<hbm>>) target(%dma_start3A_340 : memref<640x128xf32, #tpu.memory_space<vmem_shared>>) target_semaphore(%run_scoped3A_338 : memref<!tpu.dma_semaphore, #tpu.memory_space<semaphore_mem>>)
      %dma_wait3A_343 = arith.constant 0 : i32
      %dma_wait3A_344 = tpu.memref_slice %arg10[%mul3A_2, %dma_wait3A_343] : memref<10240x128xf32, #tpu.memory_space<vmem_shared>> -> memref<640x128xf32, #tpu.memory_space<vmem_shared>>
      %dma_wait3A_345 = arith.constant 0 : i32
      %dma_wait3A_346 = tpu.memref_slice %arg5[%mul3A_2, %dma_wait3A_345] : memref<10240x128xf32, #tpu.memory_space<hbm>> -> memref<640x128xf32, #tpu.memory_space<hbm>>
      tpu.wait_dma2 semaphore(%run_scoped3A_338 : memref<!tpu.dma_semaphore, #tpu.memory_space<semaphore_mem>>) src(%dma_wait3A_346 : memref<640x128xf32, #tpu.memory_space<hbm>>) dst(%dma_wait3A_344 : memref<640x128xf32, #tpu.memory_space<vmem_shared>>)
      tpu.yield
    }) : () -> ()
    %barrier3A = arith.constant 0 : index
    tpu.barrier barrier_id(%barrier3A)
    %scan3A = arith.constant 0 : i32
    %scan3A_105 = arith.constant 0 : i32
    %scan3A_106 = arith.constant 39 : i32
    %scan3A_107 = arith.addi %scan3A_105, %scan3A_106 : i32
    %scan3A_108 = arith.constant 1 : i32
    scf.for %scan3A_338 = %scan3A_105 to %scan3A_107 step %scan3A_108  : i32 {
      %rem3A = arith.constant 2 : i32
      %rem3A_339 = arith.remsi %scan3A_338, %rem3A : i32
      %dma_wait3A_340 = arith.constant 0 : i32
      %dma_wait3A_341 = arith.constant 0 : i32
      %dma_wait3A_342 = arith.constant 0 : i32
      %dma_wait3A_343 = arith.constant 0 : i32
      %dma_wait3A_344 = arith.constant 0 : i32
      %dma_wait3A_345 = arith.constant 0 : i32
      %dma_wait3A_346 = tpu.memref_slice %arg9[%dma_wait3A_342, %dma_wait3A_344, %dma_wait3A_345] : memref<4x64x128xf32, #tpu.memory_space<vmem>> -> memref<1x64x128xf32, #tpu.memory_space<vmem>>
      %dma_wait3A_347 = tpu.memref_squeeze %dma_wait3A_346 : memref<1x64x128xf32, #tpu.memory_space<vmem>> -> memref<64x128xf32, #tpu.memory_space<vmem>>
      %dma_wait3A_348 = arith.constant 0 : i32
      %dma_wait3A_349 = tpu.memref_slice %arg7[%dma_wait3A_340, %dma_wait3A_341, %dma_wait3A_348] : memref<2x4x64xi32, #tpu.memory_space<vmem>> -> memref<1x1x64xi32, #tpu.memory_space<vmem>>
      %dma_wait3A_350 = tpu.memref_squeeze %dma_wait3A_349 : memref<1x1x64xi32, #tpu.memory_space<vmem>> -> memref<64xi32, #tpu.memory_space<vmem>>
      %dma_wait3A_351 = arith.constant 0 : i32
      %dma_wait3A_352 = arith.constant 0 : i32
      %dma_wait3A_353 = tpu.memref_slice %arg2[%dma_wait3A_351, %dma_wait3A_352] : memref<10240x128xf32, #tpu.memory_space<hbm>> -> memref<10240x128xf32, #tpu.memory_space<hbm>>
      %dma_wait3A_354 = tpu.memref_slice %arg11[%dma_wait3A_343] : memref<4x!tpu.dma_semaphore, #tpu.memory_space<semaphore_mem>> -> memref<1x!tpu.dma_semaphore, #tpu.memory_space<semaphore_mem>>
      %dma_wait3A_355 = tpu.memref_squeeze %dma_wait3A_354 : memref<1x!tpu.dma_semaphore, #tpu.memory_space<semaphore_mem>> -> memref<!tpu.dma_semaphore, #tpu.memory_space<semaphore_mem>>
      tpu.wait_indirect_dma semaphore(%dma_wait3A_355 : memref<!tpu.dma_semaphore, #tpu.memory_space<semaphore_mem>>) src(%dma_wait3A_353 : memref<10240x128xf32, #tpu.memory_space<hbm>>) dst(%dma_wait3A_347 : memref<64x128xf32, #tpu.memory_space<vmem>>)
      %dma_start3A_356 = arith.constant 0 : i32
      %dma_start3A_357 = arith.constant 0 : i32
      %dma_start3A_358 = arith.constant 0 : i32
      %dma_start3A_359 = arith.constant 0 : i32
      %dma_start3A_360 = arith.constant 0 : i32
      %dma_start3A_361 = tpu.memref_slice %arg9[%dma_start3A_356, %dma_start3A_359, %dma_start3A_360] : memref<4x64x128xf32, #tpu.memory_space<vmem>> -> memref<1x64x128xf32, #tpu.memory_space<vmem>>
      %dma_start3A_362 = tpu.memref_squeeze %dma_start3A_361 : memref<1x64x128xf32, #tpu.memory_space<vmem>> -> memref<64x128xf32, #tpu.memory_space<vmem>>
      %dma_start3A_363 = arith.constant 0 : i32
      %dma_start3A_364 = tpu.memref_slice %arg8[%rem3A_339, %dma_start3A_357, %dma_start3A_363] : memref<2x4x64xi32, #tpu.memory_space<vmem>> -> memref<1x1x64xi32, #tpu.memory_space<vmem>>
      %dma_start3A_365 = tpu.memref_squeeze %dma_start3A_364 : memref<1x1x64xi32, #tpu.memory_space<vmem>> -> memref<64xi32, #tpu.memory_space<vmem>>
      %dma_start3A_366 = arith.constant 0 : i32
      %dma_start3A_367 = arith.constant 0 : i32
      %dma_start3A_368 = tpu.memref_slice %arg10[%dma_start3A_366, %dma_start3A_367] : memref<10240x128xf32, #tpu.memory_space<vmem_shared>> -> memref<10240x128xf32, #tpu.memory_space<vmem_shared>>
      %dma_start3A_369 = tpu.memref_slice %arg12[%dma_start3A_358] : memref<4x!tpu.dma_semaphore, #tpu.memory_space<semaphore_mem>> -> memref<1x!tpu.dma_semaphore, #tpu.memory_space<semaphore_mem>>
      %dma_start3A_370 = tpu.memref_squeeze %dma_start3A_369 : memref<1x!tpu.dma_semaphore, #tpu.memory_space<semaphore_mem>> -> memref<!tpu.dma_semaphore, #tpu.memory_space<semaphore_mem>>
      tpu.enqueue_indirect_dma source(%dma_start3A_362 : memref<64x128xf32, #tpu.memory_space<vmem>>) target(%dma_start3A_368 : memref<10240x128xf32, #tpu.memory_space<vmem_shared>>) offsets(%dma_start3A_365 : memref<64xi32, #tpu.memory_space<vmem>>) semaphore(%dma_start3A_370 : memref<!tpu.dma_semaphore, #tpu.memory_space<semaphore_mem>>) {add = true}
      %dma_wait3A_371 = arith.constant 0 : i32
      %dma_wait3A_372 = arith.constant 0 : i32
      %dma_wait3A_373 = arith.constant 1 : i32
      %dma_wait3A_374 = arith.constant 1 : i32
      %dma_wait3A_375 = arith.constant 0 : i32
      %dma_wait3A_376 = arith.constant 0 : i32
      %dma_wait3A_377 = tpu.memref_slice %arg9[%dma_wait3A_373, %dma_wait3A_375, %dma_wait3A_376] : memref<4x64x128xf32, #tpu.memory_space<vmem>> -> memref<1x64x128xf32, #tpu.memory_space<vmem>>
      %dma_wait3A_378 = tpu.memref_squeeze %dma_wait3A_377 : memref<1x64x128xf32, #tpu.memory_space<vmem>> -> memref<64x128xf32, #tpu.memory_space<vmem>>
      %dma_wait3A_379 = arith.constant 0 : i32
      %dma_wait3A_380 = tpu.memref_slice %arg7[%dma_wait3A_371, %dma_wait3A_372, %dma_wait3A_379] : memref<2x4x64xi32, #tpu.memory_space<vmem>> -> memref<1x1x64xi32, #tpu.memory_space<vmem>>
      %dma_wait3A_381 = tpu.memref_squeeze %dma_wait3A_380 : memref<1x1x64xi32, #tpu.memory_space<vmem>> -> memref<64xi32, #tpu.memory_space<vmem>>
      %dma_wait3A_382 = arith.constant 0 : i32
      %dma_wait3A_383 = arith.constant 0 : i32
      %dma_wait3A_384 = tpu.memref_slice %arg2[%dma_wait3A_382, %dma_wait3A_383] : memref<10240x128xf32, #tpu.memory_space<hbm>> -> memref<10240x128xf32, #tpu.memory_space<hbm>>
      %dma_wait3A_385 = tpu.memref_slice %arg11[%dma_wait3A_374] : memref<4x!tpu.dma_semaphore, #tpu.memory_space<semaphore_mem>> -> memref<1x!tpu.dma_semaphore, #tpu.memory_space<semaphore_mem>>
      %dma_wait3A_386 = tpu.memref_squeeze %dma_wait3A_385 : memref<1x!tpu.dma_semaphore, #tpu.memory_space<semaphore_mem>> -> memref<!tpu.dma_semaphore, #tpu.memory_space<semaphore_mem>>
      tpu.wait_indirect_dma semaphore(%dma_wait3A_386 : memref<!tpu.dma_semaphore, #tpu.memory_space<semaphore_mem>>) src(%dma_wait3A_384 : memref<10240x128xf32, #tpu.memory_space<hbm>>) dst(%dma_wait3A_378 : memref<64x128xf32, #tpu.memory_space<vmem>>)
      %dma_start3A_387 = arith.constant 1 : i32
      %dma_start3A_388 = arith.constant 1 : i32
      %dma_start3A_389 = arith.constant 1 : i32
      %dma_start3A_390 = arith.constant 0 : i32
      %dma_start3A_391 = arith.constant 0 : i32
      %dma_start3A_392 = tpu.memref_slice %arg9[%dma_start3A_387, %dma_start3A_390, %dma_start3A_391] : memref<4x64x128xf32, #tpu.memory_space<vmem>> -> memref<1x64x128xf32, #tpu.memory_space<vmem>>
      %dma_start3A_393 = tpu.memref_squeeze %dma_start3A_392 : memref<1x64x128xf32, #tpu.memory_space<vmem>> -> memref<64x128xf32, #tpu.memory_space<vmem>>
      %dma_start3A_394 = arith.constant 0 : i32
      %dma_start3A_395 = tpu.memref_slice %arg8[%rem3A_339, %dma_start3A_388, %dma_start3A_394] : memref<2x4x64xi32, #tpu.memory_space<vmem>> -> memref<1x1x64xi32, #tpu.memory_space<vmem>>
      %dma_start3A_396 = tpu.memref_squeeze %dma_start3A_395 : memref<1x1x64xi32, #tpu.memory_space<vmem>> -> memref<64xi32, #tpu.memory_space<vmem>>
      %dma_start3A_397 = arith.constant 0 : i32
      %dma_start3A_398 = arith.constant 0 : i32
      %dma_start3A_399 = tpu.memref_slice %arg10[%dma_start3A_397, %dma_start3A_398] : memref<10240x128xf32, #tpu.memory_space<vmem_shared>> -> memref<10240x128xf32, #tpu.memory_space<vmem_shared>>
      %dma_start3A_400 = tpu.memref_slice %arg12[%dma_start3A_389] : memref<4x!tpu.dma_semaphore, #tpu.memory_space<semaphore_mem>> -> memref<1x!tpu.dma_semaphore, #tpu.memory_space<semaphore_mem>>
      %dma_start3A_401 = tpu.memref_squeeze %dma_start3A_400 : memref<1x!tpu.dma_semaphore, #tpu.memory_space<semaphore_mem>> -> memref<!tpu.dma_semaphore, #tpu.memory_space<semaphore_mem>>
      tpu.enqueue_indirect_dma source(%dma_start3A_393 : memref<64x128xf32, #tpu.memory_space<vmem>>) target(%dma_start3A_399 : memref<10240x128xf32, #tpu.memory_space<vmem_shared>>) offsets(%dma_start3A_396 : memref<64xi32, #tpu.memory_space<vmem>>) semaphore(%dma_start3A_401 : memref<!tpu.dma_semaphore, #tpu.memory_space<semaphore_mem>>) {add = true}
      %dma_wait3A_402 = arith.constant 0 : i32
      %dma_wait3A_403 = arith.constant 0 : i32
      %dma_wait3A_404 = arith.constant 2 : i32
      %dma_wait3A_405 = arith.constant 2 : i32
      %dma_wait3A_406 = arith.constant 0 : i32
      %dma_wait3A_407 = arith.constant 0 : i32
      %dma_wait3A_408 = tpu.memref_slice %arg9[%dma_wait3A_404, %dma_wait3A_406, %dma_wait3A_407] : memref<4x64x128xf32, #tpu.memory_space<vmem>> -> memref<1x64x128xf32, #tpu.memory_space<vmem>>
      %dma_wait3A_409 = tpu.memref_squeeze %dma_wait3A_408 : memref<1x64x128xf32, #tpu.memory_space<vmem>> -> memref<64x128xf32, #tpu.memory_space<vmem>>
      %dma_wait3A_410 = arith.constant 0 : i32
      %dma_wait3A_411 = tpu.memref_slice %arg7[%dma_wait3A_402, %dma_wait3A_403, %dma_wait3A_410] : memref<2x4x64xi32, #tpu.memory_space<vmem>> -> memref<1x1x64xi32, #tpu.memory_space<vmem>>
      %dma_wait3A_412 = tpu.memref_squeeze %dma_wait3A_411 : memref<1x1x64xi32, #tpu.memory_space<vmem>> -> memref<64xi32, #tpu.memory_space<vmem>>
      %dma_wait3A_413 = arith.constant 0 : i32
      %dma_wait3A_414 = arith.constant 0 : i32
      %dma_wait3A_415 = tpu.memref_slice %arg2[%dma_wait3A_413, %dma_wait3A_414] : memref<10240x128xf32, #tpu.memory_space<hbm>> -> memref<10240x128xf32, #tpu.memory_space<hbm>>
      %dma_wait3A_416 = tpu.memref_slice %arg11[%dma_wait3A_405] : memref<4x!tpu.dma_semaphore, #tpu.memory_space<semaphore_mem>> -> memref<1x!tpu.dma_semaphore, #tpu.memory_space<semaphore_mem>>
      %dma_wait3A_417 = tpu.memref_squeeze %dma_wait3A_416 : memref<1x!tpu.dma_semaphore, #tpu.memory_space<semaphore_mem>> -> memref<!tpu.dma_semaphore, #tpu.memory_space<semaphore_mem>>
      tpu.wait_indirect_dma semaphore(%dma_wait3A_417 : memref<!tpu.dma_semaphore, #tpu.memory_space<semaphore_mem>>) src(%dma_wait3A_415 : memref<10240x128xf32, #tpu.memory_space<hbm>>) dst(%dma_wait3A_409 : memref<64x128xf32, #tpu.memory_space<vmem>>)
      %dma_start3A_418 = arith.constant 2 : i32
      %dma_start3A_419 = arith.constant 2 : i32
      %dma_start3A_420 = arith.constant 2 : i32
      %dma_start3A_421 = arith.constant 0 : i32
      %dma_start3A_422 = arith.constant 0 : i32
      %dma_start3A_423 = tpu.memref_slice %arg9[%dma_start3A_418, %dma_start3A_421, %dma_start3A_422] : memref<4x64x128xf32, #tpu.memory_space<vmem>> -> memref<1x64x128xf32, #tpu.memory_space<vmem>>
      %dma_start3A_424 = tpu.memref_squeeze %dma_start3A_423 : memref<1x64x128xf32, #tpu.memory_space<vmem>> -> memref<64x128xf32, #tpu.memory_space<vmem>>
      %dma_start3A_425 = arith.constant 0 : i32
      %dma_start3A_426 = tpu.memref_slice %arg8[%rem3A_339, %dma_start3A_419, %dma_start3A_425] : memref<2x4x64xi32, #tpu.memory_space<vmem>> -> memref<1x1x64xi32, #tpu.memory_space<vmem>>
      %dma_start3A_427 = tpu.memref_squeeze %dma_start3A_426 : memref<1x1x64xi32, #tpu.memory_space<vmem>> -> memref<64xi32, #tpu.memory_space<vmem>>
      %dma_start3A_428 = arith.constant 0 : i32
      %dma_start3A_429 = arith.constant 0 : i32
      %dma_start3A_430 = tpu.memref_slice %arg10[%dma_start3A_428, %dma_start3A_429] : memref<10240x128xf32, #tpu.memory_space<vmem_shared>> -> memref<10240x128xf32, #tpu.memory_space<vmem_shared>>
      %dma_start3A_431 = tpu.memref_slice %arg12[%dma_start3A_420] : memref<4x!tpu.dma_semaphore, #tpu.memory_space<semaphore_mem>> -> memref<1x!tpu.dma_semaphore, #tpu.memory_space<semaphore_mem>>
      %dma_start3A_432 = tpu.memref_squeeze %dma_start3A_431 : memref<1x!tpu.dma_semaphore, #tpu.memory_space<semaphore_mem>> -> memref<!tpu.dma_semaphore, #tpu.memory_space<semaphore_mem>>
      tpu.enqueue_indirect_dma source(%dma_start3A_424 : memref<64x128xf32, #tpu.memory_space<vmem>>) target(%dma_start3A_430 : memref<10240x128xf32, #tpu.memory_space<vmem_shared>>) offsets(%dma_start3A_427 : memref<64xi32, #tpu.memory_space<vmem>>) semaphore(%dma_start3A_432 : memref<!tpu.dma_semaphore, #tpu.memory_space<semaphore_mem>>) {add = true}
      %dma_wait3A_433 = arith.constant 0 : i32
      %dma_wait3A_434 = arith.constant 0 : i32
      %dma_wait3A_435 = arith.constant 3 : i32
      %dma_wait3A_436 = arith.constant 3 : i32
      %dma_wait3A_437 = arith.constant 0 : i32
      %dma_wait3A_438 = arith.constant 0 : i32
      %dma_wait3A_439 = tpu.memref_slice %arg9[%dma_wait3A_435, %dma_wait3A_437, %dma_wait3A_438] : memref<4x64x128xf32, #tpu.memory_space<vmem>> -> memref<1x64x128xf32, #tpu.memory_space<vmem>>
      %dma_wait3A_440 = tpu.memref_squeeze %dma_wait3A_439 : memref<1x64x128xf32, #tpu.memory_space<vmem>> -> memref<64x128xf32, #tpu.memory_space<vmem>>
      %dma_wait3A_441 = arith.constant 0 : i32
      %dma_wait3A_442 = tpu.memref_slice %arg7[%dma_wait3A_433, %dma_wait3A_434, %dma_wait3A_441] : memref<2x4x64xi32, #tpu.memory_space<vmem>> -> memref<1x1x64xi32, #tpu.memory_space<vmem>>
      %dma_wait3A_443 = tpu.memref_squeeze %dma_wait3A_442 : memref<1x1x64xi32, #tpu.memory_space<vmem>> -> memref<64xi32, #tpu.memory_space<vmem>>
      %dma_wait3A_444 = arith.constant 0 : i32
      %dma_wait3A_445 = arith.constant 0 : i32
      %dma_wait3A_446 = tpu.memref_slice %arg2[%dma_wait3A_444, %dma_wait3A_445] : memref<10240x128xf32, #tpu.memory_space<hbm>> -> memref<10240x128xf32, #tpu.memory_space<hbm>>
      %dma_wait3A_447 = tpu.memref_slice %arg11[%dma_wait3A_436] : memref<4x!tpu.dma_semaphore, #tpu.memory_space<semaphore_mem>> -> memref<1x!tpu.dma_semaphore, #tpu.memory_space<semaphore_mem>>
      %dma_wait3A_448 = tpu.memref_squeeze %dma_wait3A_447 : memref<1x!tpu.dma_semaphore, #tpu.memory_space<semaphore_mem>> -> memref<!tpu.dma_semaphore, #tpu.memory_space<semaphore_mem>>
      tpu.wait_indirect_dma semaphore(%dma_wait3A_448 : memref<!tpu.dma_semaphore, #tpu.memory_space<semaphore_mem>>) src(%dma_wait3A_446 : memref<10240x128xf32, #tpu.memory_space<hbm>>) dst(%dma_wait3A_440 : memref<64x128xf32, #tpu.memory_space<vmem>>)
      %dma_start3A_449 = arith.constant 3 : i32
      %dma_start3A_450 = arith.constant 3 : i32
      %dma_start3A_451 = arith.constant 3 : i32
      %dma_start3A_452 = arith.constant 0 : i32
      %dma_start3A_453 = arith.constant 0 : i32
      %dma_start3A_454 = tpu.memref_slice %arg9[%dma_start3A_449, %dma_start3A_452, %dma_start3A_453] : memref<4x64x128xf32, #tpu.memory_space<vmem>> -> memref<1x64x128xf32, #tpu.memory_space<vmem>>
      %dma_start3A_455 = tpu.memref_squeeze %dma_start3A_454 : memref<1x64x128xf32, #tpu.memory_space<vmem>> -> memref<64x128xf32, #tpu.memory_space<vmem>>
      %dma_start3A_456 = arith.constant 0 : i32
      %dma_start3A_457 = tpu.memref_slice %arg8[%rem3A_339, %dma_start3A_450, %dma_start3A_456] : memref<2x4x64xi32, #tpu.memory_space<vmem>> -> memref<1x1x64xi32, #tpu.memory_space<vmem>>
      %dma_start3A_458 = tpu.memref_squeeze %dma_start3A_457 : memref<1x1x64xi32, #tpu.memory_space<vmem>> -> memref<64xi32, #tpu.memory_space<vmem>>
      %dma_start3A_459 = arith.constant 0 : i32
      %dma_start3A_460 = arith.constant 0 : i32
      %dma_start3A_461 = tpu.memref_slice %arg10[%dma_start3A_459, %dma_start3A_460] : memref<10240x128xf32, #tpu.memory_space<vmem_shared>> -> memref<10240x128xf32, #tpu.memory_space<vmem_shared>>
      %dma_start3A_462 = tpu.memref_slice %arg12[%dma_start3A_451] : memref<4x!tpu.dma_semaphore, #tpu.memory_space<semaphore_mem>> -> memref<1x!tpu.dma_semaphore, #tpu.memory_space<semaphore_mem>>
      %dma_start3A_463 = tpu.memref_squeeze %dma_start3A_462 : memref<1x!tpu.dma_semaphore, #tpu.memory_space<semaphore_mem>> -> memref<!tpu.dma_semaphore, #tpu.memory_space<semaphore_mem>>
      tpu.enqueue_indirect_dma source(%dma_start3A_455 : memref<64x128xf32, #tpu.memory_space<vmem>>) target(%dma_start3A_461 : memref<10240x128xf32, #tpu.memory_space<vmem_shared>>) offsets(%dma_start3A_458 : memref<64xi32, #tpu.memory_space<vmem>>) semaphore(%dma_start3A_463 : memref<!tpu.dma_semaphore, #tpu.memory_space<semaphore_mem>>) {add = true}
      %dma_wait3A_464 = arith.constant 0 : i32
      %dma_wait3A_465 = arith.constant 0 : i32
      %dma_wait3A_466 = arith.constant 0 : i32
      %dma_wait3A_467 = arith.constant 0 : i32
      %dma_wait3A_468 = tpu.memref_slice %arg7[%dma_wait3A_465, %dma_wait3A_466, %dma_wait3A_467] : memref<2x4x64xi32, #tpu.memory_space<vmem>> -> memref<1x4x64xi32, #tpu.memory_space<vmem>>
      %dma_wait3A_469 = tpu.memref_squeeze %dma_wait3A_468 : memref<1x4x64xi32, #tpu.memory_space<vmem>> -> memref<4x64xi32, #tpu.memory_space<vmem>>
      %dma_wait3A_470 = arith.constant 0 : i32
      %dma_wait3A_471 = arith.constant 0 : i32
      %dma_wait3A_472 = tpu.memref_slice %arg3[%add3A, %dma_wait3A_464, %dma_wait3A_470, %dma_wait3A_471] : memref<32x40x4x64xi32, #tpu.memory_space<hbm>> -> memref<1x1x4x64xi32, #tpu.memory_space<hbm>>
      %dma_wait3A_473 = tpu.memref_squeeze %dma_wait3A_472 : memref<1x1x4x64xi32, #tpu.memory_space<hbm>> -> memref<4x64xi32, #tpu.memory_space<hbm>>
      %dma_wait3A_474 = arith.constant 0 : i32
      %dma_wait3A_475 = arith.constant 0 : i32
      %dma_wait3A_476 = tpu.memref_slice %arg7[%dma_wait3A_465, %dma_wait3A_474, %dma_wait3A_475] : memref<2x4x64xi32, #tpu.memory_space<vmem>> -> memref<1x4x64xi32, #tpu.memory_space<vmem>>
      %dma_wait3A_477 = tpu.memref_squeeze %dma_wait3A_476 : memref<1x4x64xi32, #tpu.memory_space<vmem>> -> memref<4x64xi32, #tpu.memory_space<vmem>>
      %dma_wait3A_478 = arith.constant 0 : i32
      %dma_wait3A_479 = arith.constant 0 : i32
      %dma_wait3A_480 = tpu.memref_slice %arg3[%add3A, %dma_wait3A_464, %dma_wait3A_478, %dma_wait3A_479] : memref<32x40x4x64xi32, #tpu.memory_space<hbm>> -> memref<1x1x4x64xi32, #tpu.memory_space<hbm>>
      %dma_wait3A_481 = tpu.memref_squeeze %dma_wait3A_480 : memref<1x1x4x64xi32, #tpu.memory_space<hbm>> -> memref<4x64xi32, #tpu.memory_space<hbm>>
      tpu.wait_dma2 semaphore(%arg13 : memref<!tpu.dma_semaphore, #tpu.memory_space<semaphore_mem>>) src(%dma_wait3A_481 : memref<4x64xi32, #tpu.memory_space<hbm>>) dst(%dma_wait3A_477 : memref<4x64xi32, #tpu.memory_space<vmem>>)
      %dma_wait3A_482 = arith.constant 0 : i32
      %dma_wait3A_483 = arith.constant 0 : i32
      %dma_wait3A_484 = arith.constant 0 : i32
      %dma_wait3A_485 = arith.constant 0 : i32
      %dma_wait3A_486 = tpu.memref_slice %arg8[%dma_wait3A_483, %dma_wait3A_484, %dma_wait3A_485] : memref<2x4x64xi32, #tpu.memory_space<vmem>> -> memref<1x4x64xi32, #tpu.memory_space<vmem>>
      %dma_wait3A_487 = tpu.memref_squeeze %dma_wait3A_486 : memref<1x4x64xi32, #tpu.memory_space<vmem>> -> memref<4x64xi32, #tpu.memory_space<vmem>>
      %dma_wait3A_488 = arith.constant 0 : i32
      %dma_wait3A_489 = arith.constant 0 : i32
      %dma_wait3A_490 = tpu.memref_slice %arg4[%add3A, %dma_wait3A_482, %dma_wait3A_488, %dma_wait3A_489] : memref<32x40x4x64xi32, #tpu.memory_space<hbm>> -> memref<1x1x4x64xi32, #tpu.memory_space<hbm>>
      %dma_wait3A_491 = tpu.memref_squeeze %dma_wait3A_490 : memref<1x1x4x64xi32, #tpu.memory_space<hbm>> -> memref<4x64xi32, #tpu.memory_space<hbm>>
      %dma_wait3A_492 = arith.constant 0 : i32
      %dma_wait3A_493 = arith.constant 0 : i32
      %dma_wait3A_494 = tpu.memref_slice %arg8[%dma_wait3A_483, %dma_wait3A_492, %dma_wait3A_493] : memref<2x4x64xi32, #tpu.memory_space<vmem>> -> memref<1x4x64xi32, #tpu.memory_space<vmem>>
      %dma_wait3A_495 = tpu.memref_squeeze %dma_wait3A_494 : memref<1x4x64xi32, #tpu.memory_space<vmem>> -> memref<4x64xi32, #tpu.memory_space<vmem>>
      %dma_wait3A_496 = arith.constant 0 : i32
      %dma_wait3A_497 = arith.constant 0 : i32
      %dma_wait3A_498 = tpu.memref_slice %arg4[%add3A, %dma_wait3A_482, %dma_wait3A_496, %dma_wait3A_497] : memref<32x40x4x64xi32, #tpu.memory_space<hbm>> -> memref<1x1x4x64xi32, #tpu.memory_space<hbm>>
      %dma_wait3A_499 = tpu.memref_squeeze %dma_wait3A_498 : memref<1x1x4x64xi32, #tpu.memory_space<hbm>> -> memref<4x64xi32, #tpu.memory_space<hbm>>
      tpu.wait_dma2 semaphore(%arg13 : memref<!tpu.dma_semaphore, #tpu.memory_space<semaphore_mem>>) src(%dma_wait3A_499 : memref<4x64xi32, #tpu.memory_space<hbm>>) dst(%dma_wait3A_495 : memref<4x64xi32, #tpu.memory_space<vmem>>)
      %dma_wait3A_500 = arith.constant 0 : i32
      %dma_wait3A_501 = arith.constant 0 : i32
      %dma_wait3A_502 = arith.constant 0 : i32
      %dma_wait3A_503 = arith.constant 0 : i32
      %dma_wait3A_504 = arith.constant 0 : i32
      %dma_wait3A_505 = arith.constant 0 : i32
      %dma_wait3A_506 = tpu.memref_slice %arg9[%dma_wait3A_500, %dma_wait3A_504, %dma_wait3A_505] : memref<4x64x128xf32, #tpu.memory_space<vmem>> -> memref<1x64x128xf32, #tpu.memory_space<vmem>>
      %dma_wait3A_507 = tpu.memref_squeeze %dma_wait3A_506 : memref<1x64x128xf32, #tpu.memory_space<vmem>> -> memref<64x128xf32, #tpu.memory_space<vmem>>
      %dma_wait3A_508 = arith.constant 0 : i32
      %dma_wait3A_509 = tpu.memref_slice %arg8[%dma_wait3A_501, %dma_wait3A_502, %dma_wait3A_508] : memref<2x4x64xi32, #tpu.memory_space<vmem>> -> memref<1x1x64xi32, #tpu.memory_space<vmem>>
      %dma_wait3A_510 = tpu.memref_squeeze %dma_wait3A_509 : memref<1x1x64xi32, #tpu.memory_space<vmem>> -> memref<64xi32, #tpu.memory_space<vmem>>
      %dma_wait3A_511 = arith.constant 0 : i32
      %dma_wait3A_512 = arith.constant 0 : i32
      %dma_wait3A_513 = tpu.memref_slice %arg10[%dma_wait3A_511, %dma_wait3A_512] : memref<10240x128xf32, #tpu.memory_space<vmem_shared>> -> memref<10240x128xf32, #tpu.memory_space<vmem_shared>>
      %dma_wait3A_514 = tpu.memref_slice %arg12[%dma_wait3A_503] : memref<4x!tpu.dma_semaphore, #tpu.memory_space<semaphore_mem>> -> memref<1x!tpu.dma_semaphore, #tpu.memory_space<semaphore_mem>>
      %dma_wait3A_515 = tpu.memref_squeeze %dma_wait3A_514 : memref<1x!tpu.dma_semaphore, #tpu.memory_space<semaphore_mem>> -> memref<!tpu.dma_semaphore, #tpu.memory_space<semaphore_mem>>
      tpu.wait_indirect_dma semaphore(%dma_wait3A_515 : memref<!tpu.dma_semaphore, #tpu.memory_space<semaphore_mem>>) src(%dma_wait3A_507 : memref<64x128xf32, #tpu.memory_space<vmem>>) dst(%dma_wait3A_513 : memref<10240x128xf32, #tpu.memory_space<vmem_shared>>)
      %sub3A = arith.constant 1 : i32
      %sub3A_516 = arith.subi %sub3A, %rem3A_339 : i32
      %dma_start3A_517 = arith.constant 0 : i32
      %dma_start3A_518 = arith.constant 0 : i32
      %dma_start3A_519 = arith.constant 0 : i32
      %dma_start3A_520 = arith.constant 0 : i32
      %dma_start3A_521 = arith.constant 0 : i32
      %dma_start3A_522 = tpu.memref_slice %arg9[%dma_start3A_518, %dma_start3A_520, %dma_start3A_521] : memref<4x64x128xf32, #tpu.memory_space<vmem>> -> memref<1x64x128xf32, #tpu.memory_space<vmem>>
      %dma_start3A_523 = tpu.memref_squeeze %dma_start3A_522 : memref<1x64x128xf32, #tpu.memory_space<vmem>> -> memref<64x128xf32, #tpu.memory_space<vmem>>
      %dma_start3A_524 = arith.constant 0 : i32
      %dma_start3A_525 = tpu.memref_slice %arg7[%sub3A_516, %dma_start3A_517, %dma_start3A_524] : memref<2x4x64xi32, #tpu.memory_space<vmem>> -> memref<1x1x64xi32, #tpu.memory_space<vmem>>
      %dma_start3A_526 = tpu.memref_squeeze %dma_start3A_525 : memref<1x1x64xi32, #tpu.memory_space<vmem>> -> memref<64xi32, #tpu.memory_space<vmem>>
      %dma_start3A_527 = arith.constant 0 : i32
      %dma_start3A_528 = arith.constant 0 : i32
      %dma_start3A_529 = tpu.memref_slice %arg2[%dma_start3A_527, %dma_start3A_528] : memref<10240x128xf32, #tpu.memory_space<hbm>> -> memref<10240x128xf32, #tpu.memory_space<hbm>>
      %dma_start3A_530 = tpu.memref_slice %arg11[%dma_start3A_519] : memref<4x!tpu.dma_semaphore, #tpu.memory_space<semaphore_mem>> -> memref<1x!tpu.dma_semaphore, #tpu.memory_space<semaphore_mem>>
      %dma_start3A_531 = tpu.memref_squeeze %dma_start3A_530 : memref<1x!tpu.dma_semaphore, #tpu.memory_space<semaphore_mem>> -> memref<!tpu.dma_semaphore, #tpu.memory_space<semaphore_mem>>
      tpu.enqueue_indirect_dma source(%dma_start3A_529 : memref<10240x128xf32, #tpu.memory_space<hbm>>) target(%dma_start3A_523 : memref<64x128xf32, #tpu.memory_space<vmem>>) offsets(%dma_start3A_526 : memref<64xi32, #tpu.memory_space<vmem>>) semaphore(%dma_start3A_531 : memref<!tpu.dma_semaphore, #tpu.memory_space<semaphore_mem>>)
      %dma_wait3A_532 = arith.constant 1 : i32
      %dma_wait3A_533 = arith.constant 0 : i32
      %dma_wait3A_534 = arith.constant 0 : i32
      %dma_wait3A_535 = arith.constant 1 : i32
      %dma_wait3A_536 = arith.constant 0 : i32
      %dma_wait3A_537 = arith.constant 0 : i32
      %dma_wait3A_538 = tpu.memref_slice %arg9[%dma_wait3A_532, %dma_wait3A_536, %dma_wait3A_537] : memref<4x64x128xf32, #tpu.memory_space<vmem>> -> memref<1x64x128xf32, #tpu.memory_space<vmem>>
      %dma_wait3A_539 = tpu.memref_squeeze %dma_wait3A_538 : memref<1x64x128xf32, #tpu.memory_space<vmem>> -> memref<64x128xf32, #tpu.memory_space<vmem>>
      %dma_wait3A_540 = arith.constant 0 : i32
      %dma_wait3A_541 = tpu.memref_slice %arg8[%dma_wait3A_533, %dma_wait3A_534, %dma_wait3A_540] : memref<2x4x64xi32, #tpu.memory_space<vmem>> -> memref<1x1x64xi32, #tpu.memory_space<vmem>>
      %dma_wait3A_542 = tpu.memref_squeeze %dma_wait3A_541 : memref<1x1x64xi32, #tpu.memory_space<vmem>> -> memref<64xi32, #tpu.memory_space<vmem>>
      %dma_wait3A_543 = arith.constant 0 : i32
      %dma_wait3A_544 = arith.constant 0 : i32
      %dma_wait3A_545 = tpu.memref_slice %arg10[%dma_wait3A_543, %dma_wait3A_544] : memref<10240x128xf32, #tpu.memory_space<vmem_shared>> -> memref<10240x128xf32, #tpu.memory_space<vmem_shared>>
      %dma_wait3A_546 = tpu.memref_slice %arg12[%dma_wait3A_535] : memref<4x!tpu.dma_semaphore, #tpu.memory_space<semaphore_mem>> -> memref<1x!tpu.dma_semaphore, #tpu.memory_space<semaphore_mem>>
      %dma_wait3A_547 = tpu.memref_squeeze %dma_wait3A_546 : memref<1x!tpu.dma_semaphore, #tpu.memory_space<semaphore_mem>> -> memref<!tpu.dma_semaphore, #tpu.memory_space<semaphore_mem>>
      tpu.wait_indirect_dma semaphore(%dma_wait3A_547 : memref<!tpu.dma_semaphore, #tpu.memory_space<semaphore_mem>>) src(%dma_wait3A_539 : memref<64x128xf32, #tpu.memory_space<vmem>>) dst(%dma_wait3A_545 : memref<10240x128xf32, #tpu.memory_space<vmem_shared>>)
      %sub3A_548 = arith.constant 1 : i32
      %sub3A_549 = arith.subi %sub3A_548, %rem3A_339 : i32
      %dma_start3A_550 = arith.constant 1 : i32
      %dma_start3A_551 = arith.constant 1 : i32
      %dma_start3A_552 = arith.constant 1 : i32
      %dma_start3A_553 = arith.constant 0 : i32
      %dma_start3A_554 = arith.constant 0 : i32
      %dma_start3A_555 = tpu.memref_slice %arg9[%dma_start3A_551, %dma_start3A_553, %dma_start3A_554] : memref<4x64x128xf32, #tpu.memory_space<vmem>> -> memref<1x64x128xf32, #tpu.memory_space<vmem>>
      %dma_start3A_556 = tpu.memref_squeeze %dma_start3A_555 : memref<1x64x128xf32, #tpu.memory_space<vmem>> -> memref<64x128xf32, #tpu.memory_space<vmem>>
      %dma_start3A_557 = arith.constant 0 : i32
      %dma_start3A_558 = tpu.memref_slice %arg7[%sub3A_549, %dma_start3A_550, %dma_start3A_557] : memref<2x4x64xi32, #tpu.memory_space<vmem>> -> memref<1x1x64xi32, #tpu.memory_space<vmem>>
      %dma_start3A_559 = tpu.memref_squeeze %dma_start3A_558 : memref<1x1x64xi32, #tpu.memory_space<vmem>> -> memref<64xi32, #tpu.memory_space<vmem>>
      %dma_start3A_560 = arith.constant 0 : i32
      %dma_start3A_561 = arith.constant 0 : i32
      %dma_start3A_562 = tpu.memref_slice %arg2[%dma_start3A_560, %dma_start3A_561] : memref<10240x128xf32, #tpu.memory_space<hbm>> -> memref<10240x128xf32, #tpu.memory_space<hbm>>
      %dma_start3A_563 = tpu.memref_slice %arg11[%dma_start3A_552] : memref<4x!tpu.dma_semaphore, #tpu.memory_space<semaphore_mem>> -> memref<1x!tpu.dma_semaphore, #tpu.memory_space<semaphore_mem>>
      %dma_start3A_564 = tpu.memref_squeeze %dma_start3A_563 : memref<1x!tpu.dma_semaphore, #tpu.memory_space<semaphore_mem>> -> memref<!tpu.dma_semaphore, #tpu.memory_space<semaphore_mem>>
      tpu.enqueue_indirect_dma source(%dma_start3A_562 : memref<10240x128xf32, #tpu.memory_space<hbm>>) target(%dma_start3A_556 : memref<64x128xf32, #tpu.memory_space<vmem>>) offsets(%dma_start3A_559 : memref<64xi32, #tpu.memory_space<vmem>>) semaphore(%dma_start3A_564 : memref<!tpu.dma_semaphore, #tpu.memory_space<semaphore_mem>>)
      %dma_wait3A_565 = arith.constant 2 : i32
      %dma_wait3A_566 = arith.constant 0 : i32
      %dma_wait3A_567 = arith.constant 0 : i32
      %dma_wait3A_568 = arith.constant 2 : i32
      %dma_wait3A_569 = arith.constant 0 : i32
      %dma_wait3A_570 = arith.constant 0 : i32
      %dma_wait3A_571 = tpu.memref_slice %arg9[%dma_wait3A_565, %dma_wait3A_569, %dma_wait3A_570] : memref<4x64x128xf32, #tpu.memory_space<vmem>> -> memref<1x64x128xf32, #tpu.memory_space<vmem>>
      %dma_wait3A_572 = tpu.memref_squeeze %dma_wait3A_571 : memref<1x64x128xf32, #tpu.memory_space<vmem>> -> memref<64x128xf32, #tpu.memory_space<vmem>>
      %dma_wait3A_573 = arith.constant 0 : i32
      %dma_wait3A_574 = tpu.memref_slice %arg8[%dma_wait3A_566, %dma_wait3A_567, %dma_wait3A_573] : memref<2x4x64xi32, #tpu.memory_space<vmem>> -> memref<1x1x64xi32, #tpu.memory_space<vmem>>
      %dma_wait3A_575 = tpu.memref_squeeze %dma_wait3A_574 : memref<1x1x64xi32, #tpu.memory_space<vmem>> -> memref<64xi32, #tpu.memory_space<vmem>>
      %dma_wait3A_576 = arith.constant 0 : i32
      %dma_wait3A_577 = arith.constant 0 : i32
      %dma_wait3A_578 = tpu.memref_slice %arg10[%dma_wait3A_576, %dma_wait3A_577] : memref<10240x128xf32, #tpu.memory_space<vmem_shared>> -> memref<10240x128xf32, #tpu.memory_space<vmem_shared>>
      %dma_wait3A_579 = tpu.memref_slice %arg12[%dma_wait3A_568] : memref<4x!tpu.dma_semaphore, #tpu.memory_space<semaphore_mem>> -> memref<1x!tpu.dma_semaphore, #tpu.memory_space<semaphore_mem>>
      %dma_wait3A_580 = tpu.memref_squeeze %dma_wait3A_579 : memref<1x!tpu.dma_semaphore, #tpu.memory_space<semaphore_mem>> -> memref<!tpu.dma_semaphore, #tpu.memory_space<semaphore_mem>>
      tpu.wait_indirect_dma semaphore(%dma_wait3A_580 : memref<!tpu.dma_semaphore, #tpu.memory_space<semaphore_mem>>) src(%dma_wait3A_572 : memref<64x128xf32, #tpu.memory_space<vmem>>) dst(%dma_wait3A_578 : memref<10240x128xf32, #tpu.memory_space<vmem_shared>>)
      %sub3A_581 = arith.constant 1 : i32
      %sub3A_582 = arith.subi %sub3A_581, %rem3A_339 : i32
      %dma_start3A_583 = arith.constant 2 : i32
      %dma_start3A_584 = arith.constant 2 : i32
      %dma_start3A_585 = arith.constant 2 : i32
      %dma_start3A_586 = arith.constant 0 : i32
      %dma_start3A_587 = arith.constant 0 : i32
      %dma_start3A_588 = tpu.memref_slice %arg9[%dma_start3A_584, %dma_start3A_586, %dma_start3A_587] : memref<4x64x128xf32, #tpu.memory_space<vmem>> -> memref<1x64x128xf32, #tpu.memory_space<vmem>>
      %dma_start3A_589 = tpu.memref_squeeze %dma_start3A_588 : memref<1x64x128xf32, #tpu.memory_space<vmem>> -> memref<64x128xf32, #tpu.memory_space<vmem>>
      %dma_start3A_590 = arith.constant 0 : i32
      %dma_start3A_591 = tpu.memref_slice %arg7[%sub3A_582, %dma_start3A_583, %dma_start3A_590] : memref<2x4x64xi32, #tpu.memory_space<vmem>> -> memref<1x1x64xi32, #tpu.memory_space<vmem>>
      %dma_start3A_592 = tpu.memref_squeeze %dma_start3A_591 : memref<1x1x64xi32, #tpu.memory_space<vmem>> -> memref<64xi32, #tpu.memory_space<vmem>>
      %dma_start3A_593 = arith.constant 0 : i32
      %dma_start3A_594 = arith.constant 0 : i32
      %dma_start3A_595 = tpu.memref_slice %arg2[%dma_start3A_593, %dma_start3A_594] : memref<10240x128xf32, #tpu.memory_space<hbm>> -> memref<10240x128xf32, #tpu.memory_space<hbm>>
      %dma_start3A_596 = tpu.memref_slice %arg11[%dma_start3A_585] : memref<4x!tpu.dma_semaphore, #tpu.memory_space<semaphore_mem>> -> memref<1x!tpu.dma_semaphore, #tpu.memory_space<semaphore_mem>>
      %dma_start3A_597 = tpu.memref_squeeze %dma_start3A_596 : memref<1x!tpu.dma_semaphore, #tpu.memory_space<semaphore_mem>> -> memref<!tpu.dma_semaphore, #tpu.memory_space<semaphore_mem>>
      tpu.enqueue_indirect_dma source(%dma_start3A_595 : memref<10240x128xf32, #tpu.memory_space<hbm>>) target(%dma_start3A_589 : memref<64x128xf32, #tpu.memory_space<vmem>>) offsets(%dma_start3A_592 : memref<64xi32, #tpu.memory_space<vmem>>) semaphore(%dma_start3A_597 : memref<!tpu.dma_semaphore, #tpu.memory_space<semaphore_mem>>)
      %dma_wait3A_598 = arith.constant 3 : i32
      %dma_wait3A_599 = arith.constant 0 : i32
      %dma_wait3A_600 = arith.constant 0 : i32
      %dma_wait3A_601 = arith.constant 3 : i32
      %dma_wait3A_602 = arith.constant 0 : i32
      %dma_wait3A_603 = arith.constant 0 : i32
      %dma_wait3A_604 = tpu.memref_slice %arg9[%dma_wait3A_598, %dma_wait3A_602, %dma_wait3A_603] : memref<4x64x128xf32, #tpu.memory_space<vmem>> -> memref<1x64x128xf32, #tpu.memory_space<vmem>>
      %dma_wait3A_605 = tpu.memref_squeeze %dma_wait3A_604 : memref<1x64x128xf32, #tpu.memory_space<vmem>> -> memref<64x128xf32, #tpu.memory_space<vmem>>
      %dma_wait3A_606 = arith.constant 0 : i32
      %dma_wait3A_607 = tpu.memref_slice %arg8[%dma_wait3A_599, %dma_wait3A_600, %dma_wait3A_606] : memref<2x4x64xi32, #tpu.memory_space<vmem>> -> memref<1x1x64xi32, #tpu.memory_space<vmem>>
      %dma_wait3A_608 = tpu.memref_squeeze %dma_wait3A_607 : memref<1x1x64xi32, #tpu.memory_space<vmem>> -> memref<64xi32, #tpu.memory_space<vmem>>
      %dma_wait3A_609 = arith.constant 0 : i32
      %dma_wait3A_610 = arith.constant 0 : i32
      %dma_wait3A_611 = tpu.memref_slice %arg10[%dma_wait3A_609, %dma_wait3A_610] : memref<10240x128xf32, #tpu.memory_space<vmem_shared>> -> memref<10240x128xf32, #tpu.memory_space<vmem_shared>>
      %dma_wait3A_612 = tpu.memref_slice %arg12[%dma_wait3A_601] : memref<4x!tpu.dma_semaphore, #tpu.memory_space<semaphore_mem>> -> memref<1x!tpu.dma_semaphore, #tpu.memory_space<semaphore_mem>>
      %dma_wait3A_613 = tpu.memref_squeeze %dma_wait3A_612 : memref<1x!tpu.dma_semaphore, #tpu.memory_space<semaphore_mem>> -> memref<!tpu.dma_semaphore, #tpu.memory_space<semaphore_mem>>
      tpu.wait_indirect_dma semaphore(%dma_wait3A_613 : memref<!tpu.dma_semaphore, #tpu.memory_space<semaphore_mem>>) src(%dma_wait3A_605 : memref<64x128xf32, #tpu.memory_space<vmem>>) dst(%dma_wait3A_611 : memref<10240x128xf32, #tpu.memory_space<vmem_shared>>)
      %sub3A_614 = arith.constant 1 : i32
      %sub3A_615 = arith.subi %sub3A_614, %rem3A_339 : i32
      %dma_start3A_616 = arith.constant 3 : i32
      %dma_start3A_617 = arith.constant 3 : i32
      %dma_start3A_618 = arith.constant 3 : i32
      %dma_start3A_619 = arith.constant 0 : i32
      %dma_start3A_620 = arith.constant 0 : i32
      %dma_start3A_621 = tpu.memref_slice %arg9[%dma_start3A_617, %dma_start3A_619, %dma_start3A_620] : memref<4x64x128xf32, #tpu.memory_space<vmem>> -> memref<1x64x128xf32, #tpu.memory_space<vmem>>
      %dma_start3A_622 = tpu.memref_squeeze %dma_start3A_621 : memref<1x64x128xf32, #tpu.memory_space<vmem>> -> memref<64x128xf32, #tpu.memory_space<vmem>>
      %dma_start3A_623 = arith.constant 0 : i32
      %dma_start3A_624 = tpu.memref_slice %arg7[%sub3A_615, %dma_start3A_616, %dma_start3A_623] : memref<2x4x64xi32, #tpu.memory_space<vmem>> -> memref<1x1x64xi32, #tpu.memory_space<vmem>>
      %dma_start3A_625 = tpu.memref_squeeze %dma_start3A_624 : memref<1x1x64xi32, #tpu.memory_space<vmem>> -> memref<64xi32, #tpu.memory_space<vmem>>
      %dma_start3A_626 = arith.constant 0 : i32
      %dma_start3A_627 = arith.constant 0 : i32
      %dma_start3A_628 = tpu.memref_slice %arg2[%dma_start3A_626, %dma_start3A_627] : memref<10240x128xf32, #tpu.memory_space<hbm>> -> memref<10240x128xf32, #tpu.memory_space<hbm>>
      %dma_start3A_629 = tpu.memref_slice %arg11[%dma_start3A_618] : memref<4x!tpu.dma_semaphore, #tpu.memory_space<semaphore_mem>> -> memref<1x!tpu.dma_semaphore, #tpu.memory_space<semaphore_mem>>
      %dma_start3A_630 = tpu.memref_squeeze %dma_start3A_629 : memref<1x!tpu.dma_semaphore, #tpu.memory_space<semaphore_mem>> -> memref<!tpu.dma_semaphore, #tpu.memory_space<semaphore_mem>>
      tpu.enqueue_indirect_dma source(%dma_start3A_628 : memref<10240x128xf32, #tpu.memory_space<hbm>>) target(%dma_start3A_622 : memref<64x128xf32, #tpu.memory_space<vmem>>) offsets(%dma_start3A_625 : memref<64xi32, #tpu.memory_space<vmem>>) semaphore(%dma_start3A_630 : memref<!tpu.dma_semaphore, #tpu.memory_space<semaphore_mem>>)
      %add3A_631 = arith.constant 2 : i32
      %add3A_632 = arith.addi %scan3A_338, %add3A_631 : i32
      %min3A = arith.constant 39 : i32
      %min3A_633 = arith.minsi %add3A_632, %min3A : i32
      %dma_start3A_634 = arith.constant 0 : i32
      %dma_start3A_635 = arith.constant 0 : i32
      %dma_start3A_636 = tpu.memref_slice %arg7[%rem3A_339, %dma_start3A_634, %dma_start3A_635] : memref<2x4x64xi32, #tpu.memory_space<vmem>> -> memref<1x4x64xi32, #tpu.memory_space<vmem>>
      %dma_start3A_637 = tpu.memref_squeeze %dma_start3A_636 : memref<1x4x64xi32, #tpu.memory_space<vmem>> -> memref<4x64xi32, #tpu.memory_space<vmem>>
      %dma_start3A_638 = arith.constant 0 : i32
      %dma_start3A_639 = arith.constant 0 : i32
      %dma_start3A_640 = tpu.memref_slice %arg3[%add3A, %min3A_633, %dma_start3A_638, %dma_start3A_639] : memref<32x40x4x64xi32, #tpu.memory_space<hbm>> -> memref<1x1x4x64xi32, #tpu.memory_space<hbm>>
      %dma_start3A_641 = tpu.memref_squeeze %dma_start3A_640 : memref<1x1x4x64xi32, #tpu.memory_space<hbm>> -> memref<4x64xi32, #tpu.memory_space<hbm>>
      %dma_start3A_642 = arith.constant 0 : i32
      %dma_start3A_643 = arith.constant 0 : i32
      %dma_start3A_644 = tpu.memref_slice %arg7[%rem3A_339, %dma_start3A_642, %dma_start3A_643] : memref<2x4x64xi32, #tpu.memory_space<vmem>> -> memref<1x4x64xi32, #tpu.memory_space<vmem>>
      %dma_start3A_645 = tpu.memref_squeeze %dma_start3A_644 : memref<1x4x64xi32, #tpu.memory_space<vmem>> -> memref<4x64xi32, #tpu.memory_space<vmem>>
      %dma_start3A_646 = arith.constant 0 : i32
      %dma_start3A_647 = arith.constant 0 : i32
      %dma_start3A_648 = tpu.memref_slice %arg3[%add3A, %min3A_633, %dma_start3A_646, %dma_start3A_647] : memref<32x40x4x64xi32, #tpu.memory_space<hbm>> -> memref<1x1x4x64xi32, #tpu.memory_space<hbm>>
      %dma_start3A_649 = tpu.memref_squeeze %dma_start3A_648 : memref<1x1x4x64xi32, #tpu.memory_space<hbm>> -> memref<4x64xi32, #tpu.memory_space<hbm>>
      tpu.enqueue_dma source(%dma_start3A_649 : memref<4x64xi32, #tpu.memory_space<hbm>>) target(%dma_start3A_645 : memref<4x64xi32, #tpu.memory_space<vmem>>) target_semaphore(%arg13 : memref<!tpu.dma_semaphore, #tpu.memory_space<semaphore_mem>>)
      %dma_start3A_650 = arith.constant 0 : i32
      %dma_start3A_651 = arith.constant 0 : i32
      %dma_start3A_652 = tpu.memref_slice %arg8[%rem3A_339, %dma_start3A_650, %dma_start3A_651] : memref<2x4x64xi32, #tpu.memory_space<vmem>> -> memref<1x4x64xi32, #tpu.memory_space<vmem>>
      %dma_start3A_653 = tpu.memref_squeeze %dma_start3A_652 : memref<1x4x64xi32, #tpu.memory_space<vmem>> -> memref<4x64xi32, #tpu.memory_space<vmem>>
      %dma_start3A_654 = arith.constant 0 : i32
      %dma_start3A_655 = arith.constant 0 : i32
      %dma_start3A_656 = tpu.memref_slice %arg4[%add3A, %min3A_633, %dma_start3A_654, %dma_start3A_655] : memref<32x40x4x64xi32, #tpu.memory_space<hbm>> -> memref<1x1x4x64xi32, #tpu.memory_space<hbm>>
      %dma_start3A_657 = tpu.memref_squeeze %dma_start3A_656 : memref<1x1x4x64xi32, #tpu.memory_space<hbm>> -> memref<4x64xi32, #tpu.memory_space<hbm>>
      %dma_start3A_658 = arith.constant 0 : i32
      %dma_start3A_659 = arith.constant 0 : i32
      %dma_start3A_660 = tpu.memref_slice %arg8[%rem3A_339, %dma_start3A_658, %dma_start3A_659] : memref<2x4x64xi32, #tpu.memory_space<vmem>> -> memref<1x4x64xi32, #tpu.memory_space<vmem>>
      %dma_start3A_661 = tpu.memref_squeeze %dma_start3A_660 : memref<1x4x64xi32, #tpu.memory_space<vmem>> -> memref<4x64xi32, #tpu.memory_space<vmem>>
      %dma_start3A_662 = arith.constant 0 : i32
      %dma_start3A_663 = arith.constant 0 : i32
      %dma_start3A_664 = tpu.memref_slice %arg4[%add3A, %min3A_633, %dma_start3A_662, %dma_start3A_663] : memref<32x40x4x64xi32, #tpu.memory_space<hbm>> -> memref<1x1x4x64xi32, #tpu.memory_space<hbm>>
      %dma_start3A_665 = tpu.memref_squeeze %dma_start3A_664 : memref<1x1x4x64xi32, #tpu.memory_space<hbm>> -> memref<4x64xi32, #tpu.memory_space<hbm>>
      tpu.enqueue_dma source(%dma_start3A_665 : memref<4x64xi32, #tpu.memory_space<hbm>>) target(%dma_start3A_661 : memref<4x64xi32, #tpu.memory_space<vmem>>) target_semaphore(%arg13 : memref<!tpu.dma_semaphore, #tpu.memory_space<semaphore_mem>>)
    }
    %scan3A_109 = arith.constant 39 : i32
    %dma_wait3A = arith.constant 0 : i32
    %dma_wait3A_110 = arith.constant 0 : i32
    %dma_wait3A_111 = arith.constant 0 : i32
    %dma_wait3A_112 = arith.constant 0 : i32
    %dma_wait3A_113 = arith.constant 0 : i32
    %dma_wait3A_114 = arith.constant 0 : i32
    %dma_wait3A_115 = tpu.memref_slice %arg9[%dma_wait3A_111, %dma_wait3A_113, %dma_wait3A_114] : memref<4x64x128xf32, #tpu.memory_space<vmem>> -> memref<1x64x128xf32, #tpu.memory_space<vmem>>
    %dma_wait3A_116 = tpu.memref_squeeze %dma_wait3A_115 : memref<1x64x128xf32, #tpu.memory_space<vmem>> -> memref<64x128xf32, #tpu.memory_space<vmem>>
    %dma_wait3A_117 = arith.constant 0 : i32
    %dma_wait3A_118 = tpu.memref_slice %arg7[%dma_wait3A, %dma_wait3A_110, %dma_wait3A_117] : memref<2x4x64xi32, #tpu.memory_space<vmem>> -> memref<1x1x64xi32, #tpu.memory_space<vmem>>
    %dma_wait3A_119 = tpu.memref_squeeze %dma_wait3A_118 : memref<1x1x64xi32, #tpu.memory_space<vmem>> -> memref<64xi32, #tpu.memory_space<vmem>>
    %dma_wait3A_120 = arith.constant 0 : i32
    %dma_wait3A_121 = arith.constant 0 : i32
    %dma_wait3A_122 = tpu.memref_slice %arg2[%dma_wait3A_120, %dma_wait3A_121] : memref<10240x128xf32, #tpu.memory_space<hbm>> -> memref<10240x128xf32, #tpu.memory_space<hbm>>
    %dma_wait3A_123 = tpu.memref_slice %arg11[%dma_wait3A_112] : memref<4x!tpu.dma_semaphore, #tpu.memory_space<semaphore_mem>> -> memref<1x!tpu.dma_semaphore, #tpu.memory_space<semaphore_mem>>
    %dma_wait3A_124 = tpu.memref_squeeze %dma_wait3A_123 : memref<1x!tpu.dma_semaphore, #tpu.memory_space<semaphore_mem>> -> memref<!tpu.dma_semaphore, #tpu.memory_space<semaphore_mem>>
    tpu.wait_indirect_dma semaphore(%dma_wait3A_124 : memref<!tpu.dma_semaphore, #tpu.memory_space<semaphore_mem>>) src(%dma_wait3A_122 : memref<10240x128xf32, #tpu.memory_space<hbm>>) dst(%dma_wait3A_116 : memref<64x128xf32, #tpu.memory_space<vmem>>)
    %dma_start3A_125 = arith.constant 0 : i32
    %dma_start3A_126 = arith.constant 1 : i32
    %dma_start3A_127 = arith.constant 0 : i32
    %dma_start3A_128 = arith.constant 0 : i32
    %dma_start3A_129 = arith.constant 0 : i32
    %dma_start3A_130 = arith.constant 0 : i32
    %dma_start3A_131 = tpu.memref_slice %arg9[%dma_start3A_125, %dma_start3A_129, %dma_start3A_130] : memref<4x64x128xf32, #tpu.memory_space<vmem>> -> memref<1x64x128xf32, #tpu.memory_space<vmem>>
    %dma_start3A_132 = tpu.memref_squeeze %dma_start3A_131 : memref<1x64x128xf32, #tpu.memory_space<vmem>> -> memref<64x128xf32, #tpu.memory_space<vmem>>
    %dma_start3A_133 = arith.constant 0 : i32
    %dma_start3A_134 = tpu.memref_slice %arg8[%dma_start3A_126, %dma_start3A_127, %dma_start3A_133] : memref<2x4x64xi32, #tpu.memory_space<vmem>> -> memref<1x1x64xi32, #tpu.memory_space<vmem>>
    %dma_start3A_135 = tpu.memref_squeeze %dma_start3A_134 : memref<1x1x64xi32, #tpu.memory_space<vmem>> -> memref<64xi32, #tpu.memory_space<vmem>>
    %dma_start3A_136 = arith.constant 0 : i32
    %dma_start3A_137 = arith.constant 0 : i32
    %dma_start3A_138 = tpu.memref_slice %arg10[%dma_start3A_136, %dma_start3A_137] : memref<10240x128xf32, #tpu.memory_space<vmem_shared>> -> memref<10240x128xf32, #tpu.memory_space<vmem_shared>>
    %dma_start3A_139 = tpu.memref_slice %arg12[%dma_start3A_128] : memref<4x!tpu.dma_semaphore, #tpu.memory_space<semaphore_mem>> -> memref<1x!tpu.dma_semaphore, #tpu.memory_space<semaphore_mem>>
    %dma_start3A_140 = tpu.memref_squeeze %dma_start3A_139 : memref<1x!tpu.dma_semaphore, #tpu.memory_space<semaphore_mem>> -> memref<!tpu.dma_semaphore, #tpu.memory_space<semaphore_mem>>
    tpu.enqueue_indirect_dma source(%dma_start3A_132 : memref<64x128xf32, #tpu.memory_space<vmem>>) target(%dma_start3A_138 : memref<10240x128xf32, #tpu.memory_space<vmem_shared>>) offsets(%dma_start3A_135 : memref<64xi32, #tpu.memory_space<vmem>>) semaphore(%dma_start3A_140 : memref<!tpu.dma_semaphore, #tpu.memory_space<semaphore_mem>>) {add = true}
    %dma_wait3A_141 = arith.constant 0 : i32
    %dma_wait3A_142 = arith.constant 0 : i32
    %dma_wait3A_143 = arith.constant 1 : i32
    %dma_wait3A_144 = arith.constant 1 : i32
    %dma_wait3A_145 = arith.constant 0 : i32
    %dma_wait3A_146 = arith.constant 0 : i32
    %dma_wait3A_147 = tpu.memref_slice %arg9[%dma_wait3A_143, %dma_wait3A_145, %dma_wait3A_146] : memref<4x64x128xf32, #tpu.memory_space<vmem>> -> memref<1x64x128xf32, #tpu.memory_space<vmem>>
    %dma_wait3A_148 = tpu.memref_squeeze %dma_wait3A_147 : memref<1x64x128xf32, #tpu.memory_space<vmem>> -> memref<64x128xf32, #tpu.memory_space<vmem>>
    %dma_wait3A_149 = arith.constant 0 : i32
    %dma_wait3A_150 = tpu.memref_slice %arg7[%dma_wait3A_141, %dma_wait3A_142, %dma_wait3A_149] : memref<2x4x64xi32, #tpu.memory_space<vmem>> -> memref<1x1x64xi32, #tpu.memory_space<vmem>>
    %dma_wait3A_151 = tpu.memref_squeeze %dma_wait3A_150 : memref<1x1x64xi32, #tpu.memory_space<vmem>> -> memref<64xi32, #tpu.memory_space<vmem>>
    %dma_wait3A_152 = arith.constant 0 : i32
    %dma_wait3A_153 = arith.constant 0 : i32
    %dma_wait3A_154 = tpu.memref_slice %arg2[%dma_wait3A_152, %dma_wait3A_153] : memref<10240x128xf32, #tpu.memory_space<hbm>> -> memref<10240x128xf32, #tpu.memory_space<hbm>>
    %dma_wait3A_155 = tpu.memref_slice %arg11[%dma_wait3A_144] : memref<4x!tpu.dma_semaphore, #tpu.memory_space<semaphore_mem>> -> memref<1x!tpu.dma_semaphore, #tpu.memory_space<semaphore_mem>>
    %dma_wait3A_156 = tpu.memref_squeeze %dma_wait3A_155 : memref<1x!tpu.dma_semaphore, #tpu.memory_space<semaphore_mem>> -> memref<!tpu.dma_semaphore, #tpu.memory_space<semaphore_mem>>
    tpu.wait_indirect_dma semaphore(%dma_wait3A_156 : memref<!tpu.dma_semaphore, #tpu.memory_space<semaphore_mem>>) src(%dma_wait3A_154 : memref<10240x128xf32, #tpu.memory_space<hbm>>) dst(%dma_wait3A_148 : memref<64x128xf32, #tpu.memory_space<vmem>>)
    %dma_start3A_157 = arith.constant 1 : i32
    %dma_start3A_158 = arith.constant 1 : i32
    %dma_start3A_159 = arith.constant 1 : i32
    %dma_start3A_160 = arith.constant 1 : i32
    %dma_start3A_161 = arith.constant 0 : i32
    %dma_start3A_162 = arith.constant 0 : i32
    %dma_start3A_163 = tpu.memref_slice %arg9[%dma_start3A_157, %dma_start3A_161, %dma_start3A_162] : memref<4x64x128xf32, #tpu.memory_space<vmem>> -> memref<1x64x128xf32, #tpu.memory_space<vmem>>
    %dma_start3A_164 = tpu.memref_squeeze %dma_start3A_163 : memref<1x64x128xf32, #tpu.memory_space<vmem>> -> memref<64x128xf32, #tpu.memory_space<vmem>>
    %dma_start3A_165 = arith.constant 0 : i32
    %dma_start3A_166 = tpu.memref_slice %arg8[%dma_start3A_158, %dma_start3A_159, %dma_start3A_165] : memref<2x4x64xi32, #tpu.memory_space<vmem>> -> memref<1x1x64xi32, #tpu.memory_space<vmem>>
    %dma_start3A_167 = tpu.memref_squeeze %dma_start3A_166 : memref<1x1x64xi32, #tpu.memory_space<vmem>> -> memref<64xi32, #tpu.memory_space<vmem>>
    %dma_start3A_168 = arith.constant 0 : i32
    %dma_start3A_169 = arith.constant 0 : i32
    %dma_start3A_170 = tpu.memref_slice %arg10[%dma_start3A_168, %dma_start3A_169] : memref<10240x128xf32, #tpu.memory_space<vmem_shared>> -> memref<10240x128xf32, #tpu.memory_space<vmem_shared>>
    %dma_start3A_171 = tpu.memref_slice %arg12[%dma_start3A_160] : memref<4x!tpu.dma_semaphore, #tpu.memory_space<semaphore_mem>> -> memref<1x!tpu.dma_semaphore, #tpu.memory_space<semaphore_mem>>
    %dma_start3A_172 = tpu.memref_squeeze %dma_start3A_171 : memref<1x!tpu.dma_semaphore, #tpu.memory_space<semaphore_mem>> -> memref<!tpu.dma_semaphore, #tpu.memory_space<semaphore_mem>>
    tpu.enqueue_indirect_dma source(%dma_start3A_164 : memref<64x128xf32, #tpu.memory_space<vmem>>) target(%dma_start3A_170 : memref<10240x128xf32, #tpu.memory_space<vmem_shared>>) offsets(%dma_start3A_167 : memref<64xi32, #tpu.memory_space<vmem>>) semaphore(%dma_start3A_172 : memref<!tpu.dma_semaphore, #tpu.memory_space<semaphore_mem>>) {add = true}
    %dma_wait3A_173 = arith.constant 0 : i32
    %dma_wait3A_174 = arith.constant 0 : i32
    %dma_wait3A_175 = arith.constant 2 : i32
    %dma_wait3A_176 = arith.constant 2 : i32
    %dma_wait3A_177 = arith.constant 0 : i32
    %dma_wait3A_178 = arith.constant 0 : i32
    %dma_wait3A_179 = tpu.memref_slice %arg9[%dma_wait3A_175, %dma_wait3A_177, %dma_wait3A_178] : memref<4x64x128xf32, #tpu.memory_space<vmem>> -> memref<1x64x128xf32, #tpu.memory_space<vmem>>
    %dma_wait3A_180 = tpu.memref_squeeze %dma_wait3A_179 : memref<1x64x128xf32, #tpu.memory_space<vmem>> -> memref<64x128xf32, #tpu.memory_space<vmem>>
    %dma_wait3A_181 = arith.constant 0 : i32
    %dma_wait3A_182 = tpu.memref_slice %arg7[%dma_wait3A_173, %dma_wait3A_174, %dma_wait3A_181] : memref<2x4x64xi32, #tpu.memory_space<vmem>> -> memref<1x1x64xi32, #tpu.memory_space<vmem>>
    %dma_wait3A_183 = tpu.memref_squeeze %dma_wait3A_182 : memref<1x1x64xi32, #tpu.memory_space<vmem>> -> memref<64xi32, #tpu.memory_space<vmem>>
    %dma_wait3A_184 = arith.constant 0 : i32
    %dma_wait3A_185 = arith.constant 0 : i32
    %dma_wait3A_186 = tpu.memref_slice %arg2[%dma_wait3A_184, %dma_wait3A_185] : memref<10240x128xf32, #tpu.memory_space<hbm>> -> memref<10240x128xf32, #tpu.memory_space<hbm>>
    %dma_wait3A_187 = tpu.memref_slice %arg11[%dma_wait3A_176] : memref<4x!tpu.dma_semaphore, #tpu.memory_space<semaphore_mem>> -> memref<1x!tpu.dma_semaphore, #tpu.memory_space<semaphore_mem>>
    %dma_wait3A_188 = tpu.memref_squeeze %dma_wait3A_187 : memref<1x!tpu.dma_semaphore, #tpu.memory_space<semaphore_mem>> -> memref<!tpu.dma_semaphore, #tpu.memory_space<semaphore_mem>>
    tpu.wait_indirect_dma semaphore(%dma_wait3A_188 : memref<!tpu.dma_semaphore, #tpu.memory_space<semaphore_mem>>) src(%dma_wait3A_186 : memref<10240x128xf32, #tpu.memory_space<hbm>>) dst(%dma_wait3A_180 : memref<64x128xf32, #tpu.memory_space<vmem>>)
    %dma_start3A_189 = arith.constant 2 : i32
    %dma_start3A_190 = arith.constant 1 : i32
    %dma_start3A_191 = arith.constant 2 : i32
    %dma_start3A_192 = arith.constant 2 : i32
    %dma_start3A_193 = arith.constant 0 : i32
    %dma_start3A_194 = arith.constant 0 : i32
    %dma_start3A_195 = tpu.memref_slice %arg9[%dma_start3A_189, %dma_start3A_193, %dma_start3A_194] : memref<4x64x128xf32, #tpu.memory_space<vmem>> -> memref<1x64x128xf32, #tpu.memory_space<vmem>>
    %dma_start3A_196 = tpu.memref_squeeze %dma_start3A_195 : memref<1x64x128xf32, #tpu.memory_space<vmem>> -> memref<64x128xf32, #tpu.memory_space<vmem>>
    %dma_start3A_197 = arith.constant 0 : i32
    %dma_start3A_198 = tpu.memref_slice %arg8[%dma_start3A_190, %dma_start3A_191, %dma_start3A_197] : memref<2x4x64xi32, #tpu.memory_space<vmem>> -> memref<1x1x64xi32, #tpu.memory_space<vmem>>
    %dma_start3A_199 = tpu.memref_squeeze %dma_start3A_198 : memref<1x1x64xi32, #tpu.memory_space<vmem>> -> memref<64xi32, #tpu.memory_space<vmem>>
    %dma_start3A_200 = arith.constant 0 : i32
    %dma_start3A_201 = arith.constant 0 : i32
    %dma_start3A_202 = tpu.memref_slice %arg10[%dma_start3A_200, %dma_start3A_201] : memref<10240x128xf32, #tpu.memory_space<vmem_shared>> -> memref<10240x128xf32, #tpu.memory_space<vmem_shared>>
    %dma_start3A_203 = tpu.memref_slice %arg12[%dma_start3A_192] : memref<4x!tpu.dma_semaphore, #tpu.memory_space<semaphore_mem>> -> memref<1x!tpu.dma_semaphore, #tpu.memory_space<semaphore_mem>>
    %dma_start3A_204 = tpu.memref_squeeze %dma_start3A_203 : memref<1x!tpu.dma_semaphore, #tpu.memory_space<semaphore_mem>> -> memref<!tpu.dma_semaphore, #tpu.memory_space<semaphore_mem>>
    tpu.enqueue_indirect_dma source(%dma_start3A_196 : memref<64x128xf32, #tpu.memory_space<vmem>>) target(%dma_start3A_202 : memref<10240x128xf32, #tpu.memory_space<vmem_shared>>) offsets(%dma_start3A_199 : memref<64xi32, #tpu.memory_space<vmem>>) semaphore(%dma_start3A_204 : memref<!tpu.dma_semaphore, #tpu.memory_space<semaphore_mem>>) {add = true}
    %dma_wait3A_205 = arith.constant 0 : i32
    %dma_wait3A_206 = arith.constant 0 : i32
    %dma_wait3A_207 = arith.constant 3 : i32
    %dma_wait3A_208 = arith.constant 3 : i32
    %dma_wait3A_209 = arith.constant 0 : i32
    %dma_wait3A_210 = arith.constant 0 : i32
    %dma_wait3A_211 = tpu.memref_slice %arg9[%dma_wait3A_207, %dma_wait3A_209, %dma_wait3A_210] : memref<4x64x128xf32, #tpu.memory_space<vmem>> -> memref<1x64x128xf32, #tpu.memory_space<vmem>>
    %dma_wait3A_212 = tpu.memref_squeeze %dma_wait3A_211 : memref<1x64x128xf32, #tpu.memory_space<vmem>> -> memref<64x128xf32, #tpu.memory_space<vmem>>
    %dma_wait3A_213 = arith.constant 0 : i32
    %dma_wait3A_214 = tpu.memref_slice %arg7[%dma_wait3A_205, %dma_wait3A_206, %dma_wait3A_213] : memref<2x4x64xi32, #tpu.memory_space<vmem>> -> memref<1x1x64xi32, #tpu.memory_space<vmem>>
    %dma_wait3A_215 = tpu.memref_squeeze %dma_wait3A_214 : memref<1x1x64xi32, #tpu.memory_space<vmem>> -> memref<64xi32, #tpu.memory_space<vmem>>
    %dma_wait3A_216 = arith.constant 0 : i32
    %dma_wait3A_217 = arith.constant 0 : i32
    %dma_wait3A_218 = tpu.memref_slice %arg2[%dma_wait3A_216, %dma_wait3A_217] : memref<10240x128xf32, #tpu.memory_space<hbm>> -> memref<10240x128xf32, #tpu.memory_space<hbm>>
    %dma_wait3A_219 = tpu.memref_slice %arg11[%dma_wait3A_208] : memref<4x!tpu.dma_semaphore, #tpu.memory_space<semaphore_mem>> -> memref<1x!tpu.dma_semaphore, #tpu.memory_space<semaphore_mem>>
    %dma_wait3A_220 = tpu.memref_squeeze %dma_wait3A_219 : memref<1x!tpu.dma_semaphore, #tpu.memory_space<semaphore_mem>> -> memref<!tpu.dma_semaphore, #tpu.memory_space<semaphore_mem>>
    tpu.wait_indirect_dma semaphore(%dma_wait3A_220 : memref<!tpu.dma_semaphore, #tpu.memory_space<semaphore_mem>>) src(%dma_wait3A_218 : memref<10240x128xf32, #tpu.memory_space<hbm>>) dst(%dma_wait3A_212 : memref<64x128xf32, #tpu.memory_space<vmem>>)
    %dma_start3A_221 = arith.constant 3 : i32
    %dma_start3A_222 = arith.constant 1 : i32
    %dma_start3A_223 = arith.constant 3 : i32
    %dma_start3A_224 = arith.constant 3 : i32
    %dma_start3A_225 = arith.constant 0 : i32
    %dma_start3A_226 = arith.constant 0 : i32
    %dma_start3A_227 = tpu.memref_slice %arg9[%dma_start3A_221, %dma_start3A_225, %dma_start3A_226] : memref<4x64x128xf32, #tpu.memory_space<vmem>> -> memref<1x64x128xf32, #tpu.memory_space<vmem>>
    %dma_start3A_228 = tpu.memref_squeeze %dma_start3A_227 : memref<1x64x128xf32, #tpu.memory_space<vmem>> -> memref<64x128xf32, #tpu.memory_space<vmem>>
    %dma_start3A_229 = arith.constant 0 : i32
    %dma_start3A_230 = tpu.memref_slice %arg8[%dma_start3A_222, %dma_start3A_223, %dma_start3A_229] : memref<2x4x64xi32, #tpu.memory_space<vmem>> -> memref<1x1x64xi32, #tpu.memory_space<vmem>>
    %dma_start3A_231 = tpu.memref_squeeze %dma_start3A_230 : memref<1x1x64xi32, #tpu.memory_space<vmem>> -> memref<64xi32, #tpu.memory_space<vmem>>
    %dma_start3A_232 = arith.constant 0 : i32
    %dma_start3A_233 = arith.constant 0 : i32
    %dma_start3A_234 = tpu.memref_slice %arg10[%dma_start3A_232, %dma_start3A_233] : memref<10240x128xf32, #tpu.memory_space<vmem_shared>> -> memref<10240x128xf32, #tpu.memory_space<vmem_shared>>
    %dma_start3A_235 = tpu.memref_slice %arg12[%dma_start3A_224] : memref<4x!tpu.dma_semaphore, #tpu.memory_space<semaphore_mem>> -> memref<1x!tpu.dma_semaphore, #tpu.memory_space<semaphore_mem>>
    %dma_start3A_236 = tpu.memref_squeeze %dma_start3A_235 : memref<1x!tpu.dma_semaphore, #tpu.memory_space<semaphore_mem>> -> memref<!tpu.dma_semaphore, #tpu.memory_space<semaphore_mem>>
    tpu.enqueue_indirect_dma source(%dma_start3A_228 : memref<64x128xf32, #tpu.memory_space<vmem>>) target(%dma_start3A_234 : memref<10240x128xf32, #tpu.memory_space<vmem_shared>>) offsets(%dma_start3A_231 : memref<64xi32, #tpu.memory_space<vmem>>) semaphore(%dma_start3A_236 : memref<!tpu.dma_semaphore, #tpu.memory_space<semaphore_mem>>) {add = true}
    %dma_wait3A_237 = arith.constant 0 : i32
    %dma_wait3A_238 = arith.constant 0 : i32
    %dma_wait3A_239 = arith.constant 0 : i32
    %dma_wait3A_240 = arith.constant 0 : i32
    %dma_wait3A_241 = tpu.memref_slice %arg7[%dma_wait3A_238, %dma_wait3A_239, %dma_wait3A_240] : memref<2x4x64xi32, #tpu.memory_space<vmem>> -> memref<1x4x64xi32, #tpu.memory_space<vmem>>
    %dma_wait3A_242 = tpu.memref_squeeze %dma_wait3A_241 : memref<1x4x64xi32, #tpu.memory_space<vmem>> -> memref<4x64xi32, #tpu.memory_space<vmem>>
    %dma_wait3A_243 = arith.constant 0 : i32
    %dma_wait3A_244 = arith.constant 0 : i32
    %dma_wait3A_245 = tpu.memref_slice %arg3[%add3A, %dma_wait3A_237, %dma_wait3A_243, %dma_wait3A_244] : memref<32x40x4x64xi32, #tpu.memory_space<hbm>> -> memref<1x1x4x64xi32, #tpu.memory_space<hbm>>
    %dma_wait3A_246 = tpu.memref_squeeze %dma_wait3A_245 : memref<1x1x4x64xi32, #tpu.memory_space<hbm>> -> memref<4x64xi32, #tpu.memory_space<hbm>>
    %dma_wait3A_247 = arith.constant 0 : i32
    %dma_wait3A_248 = arith.constant 0 : i32
    %dma_wait3A_249 = tpu.memref_slice %arg7[%dma_wait3A_238, %dma_wait3A_247, %dma_wait3A_248] : memref<2x4x64xi32, #tpu.memory_space<vmem>> -> memref<1x4x64xi32, #tpu.memory_space<vmem>>
    %dma_wait3A_250 = tpu.memref_squeeze %dma_wait3A_249 : memref<1x4x64xi32, #tpu.memory_space<vmem>> -> memref<4x64xi32, #tpu.memory_space<vmem>>
    %dma_wait3A_251 = arith.constant 0 : i32
    %dma_wait3A_252 = arith.constant 0 : i32
    %dma_wait3A_253 = tpu.memref_slice %arg3[%add3A, %dma_wait3A_237, %dma_wait3A_251, %dma_wait3A_252] : memref<32x40x4x64xi32, #tpu.memory_space<hbm>> -> memref<1x1x4x64xi32, #tpu.memory_space<hbm>>
    %dma_wait3A_254 = tpu.memref_squeeze %dma_wait3A_253 : memref<1x1x4x64xi32, #tpu.memory_space<hbm>> -> memref<4x64xi32, #tpu.memory_space<hbm>>
    tpu.wait_dma2 semaphore(%arg13 : memref<!tpu.dma_semaphore, #tpu.memory_space<semaphore_mem>>) src(%dma_wait3A_254 : memref<4x64xi32, #tpu.memory_space<hbm>>) dst(%dma_wait3A_250 : memref<4x64xi32, #tpu.memory_space<vmem>>)
    %dma_wait3A_255 = arith.constant 0 : i32
    %dma_wait3A_256 = arith.constant 0 : i32
    %dma_wait3A_257 = arith.constant 0 : i32
    %dma_wait3A_258 = arith.constant 0 : i32
    %dma_wait3A_259 = tpu.memref_slice %arg8[%dma_wait3A_256, %dma_wait3A_257, %dma_wait3A_258] : memref<2x4x64xi32, #tpu.memory_space<vmem>> -> memref<1x4x64xi32, #tpu.memory_space<vmem>>
    %dma_wait3A_260 = tpu.memref_squeeze %dma_wait3A_259 : memref<1x4x64xi32, #tpu.memory_space<vmem>> -> memref<4x64xi32, #tpu.memory_space<vmem>>
    %dma_wait3A_261 = arith.constant 0 : i32
    %dma_wait3A_262 = arith.constant 0 : i32
    %dma_wait3A_263 = tpu.memref_slice %arg4[%add3A, %dma_wait3A_255, %dma_wait3A_261, %dma_wait3A_262] : memref<32x40x4x64xi32, #tpu.memory_space<hbm>> -> memref<1x1x4x64xi32, #tpu.memory_space<hbm>>
    %dma_wait3A_264 = tpu.memref_squeeze %dma_wait3A_263 : memref<1x1x4x64xi32, #tpu.memory_space<hbm>> -> memref<4x64xi32, #tpu.memory_space<hbm>>
    %dma_wait3A_265 = arith.constant 0 : i32
    %dma_wait3A_266 = arith.constant 0 : i32
    %dma_wait3A_267 = tpu.memref_slice %arg8[%dma_wait3A_256, %dma_wait3A_265, %dma_wait3A_266] : memref<2x4x64xi32, #tpu.memory_space<vmem>> -> memref<1x4x64xi32, #tpu.memory_space<vmem>>
    %dma_wait3A_268 = tpu.memref_squeeze %dma_wait3A_267 : memref<1x4x64xi32, #tpu.memory_space<vmem>> -> memref<4x64xi32, #tpu.memory_space<vmem>>
    %dma_wait3A_269 = arith.constant 0 : i32
    %dma_wait3A_270 = arith.constant 0 : i32
    %dma_wait3A_271 = tpu.memref_slice %arg4[%add3A, %dma_wait3A_255, %dma_wait3A_269, %dma_wait3A_270] : memref<32x40x4x64xi32, #tpu.memory_space<hbm>> -> memref<1x1x4x64xi32, #tpu.memory_space<hbm>>
    %dma_wait3A_272 = tpu.memref_squeeze %dma_wait3A_271 : memref<1x1x4x64xi32, #tpu.memory_space<hbm>> -> memref<4x64xi32, #tpu.memory_space<hbm>>
    tpu.wait_dma2 semaphore(%arg13 : memref<!tpu.dma_semaphore, #tpu.memory_space<semaphore_mem>>) src(%dma_wait3A_272 : memref<4x64xi32, #tpu.memory_space<hbm>>) dst(%dma_wait3A_268 : memref<4x64xi32, #tpu.memory_space<vmem>>)
    %dma_wait3A_273 = arith.constant 0 : i32
    %dma_wait3A_274 = arith.constant 0 : i32
    %dma_wait3A_275 = arith.constant 0 : i32
    %dma_wait3A_276 = arith.constant 0 : i32
    %dma_wait3A_277 = arith.constant 0 : i32
    %dma_wait3A_278 = arith.constant 0 : i32
    %dma_wait3A_279 = tpu.memref_slice %arg9[%dma_wait3A_273, %dma_wait3A_277, %dma_wait3A_278] : memref<4x64x128xf32, #tpu.memory_space<vmem>> -> memref<1x64x128xf32, #tpu.memory_space<vmem>>
    %dma_wait3A_280 = tpu.memref_squeeze %dma_wait3A_279 : memref<1x64x128xf32, #tpu.memory_space<vmem>> -> memref<64x128xf32, #tpu.memory_space<vmem>>
    %dma_wait3A_281 = arith.constant 0 : i32
    %dma_wait3A_282 = tpu.memref_slice %arg8[%dma_wait3A_274, %dma_wait3A_275, %dma_wait3A_281] : memref<2x4x64xi32, #tpu.memory_space<vmem>> -> memref<1x1x64xi32, #tpu.memory_space<vmem>>
    %dma_wait3A_283 = tpu.memref_squeeze %dma_wait3A_282 : memref<1x1x64xi32, #tpu.memory_space<vmem>> -> memref<64xi32, #tpu.memory_space<vmem>>
    %dma_wait3A_284 = arith.constant 0 : i32
    %dma_wait3A_285 = arith.constant 0 : i32
    %dma_wait3A_286 = tpu.memref_slice %arg10[%dma_wait3A_284, %dma_wait3A_285] : memref<10240x128xf32, #tpu.memory_space<vmem_shared>> -> memref<10240x128xf32, #tpu.memory_space<vmem_shared>>
    %dma_wait3A_287 = tpu.memref_slice %arg12[%dma_wait3A_276] : memref<4x!tpu.dma_semaphore, #tpu.memory_space<semaphore_mem>> -> memref<1x!tpu.dma_semaphore, #tpu.memory_space<semaphore_mem>>
    %dma_wait3A_288 = tpu.memref_squeeze %dma_wait3A_287 : memref<1x!tpu.dma_semaphore, #tpu.memory_space<semaphore_mem>> -> memref<!tpu.dma_semaphore, #tpu.memory_space<semaphore_mem>>
    tpu.wait_indirect_dma semaphore(%dma_wait3A_288 : memref<!tpu.dma_semaphore, #tpu.memory_space<semaphore_mem>>) src(%dma_wait3A_280 : memref<64x128xf32, #tpu.memory_space<vmem>>) dst(%dma_wait3A_286 : memref<10240x128xf32, #tpu.memory_space<vmem_shared>>)
    %dma_wait3A_289 = arith.constant 1 : i32
    %dma_wait3A_290 = arith.constant 0 : i32
    %dma_wait3A_291 = arith.constant 0 : i32
    %dma_wait3A_292 = arith.constant 1 : i32
    %dma_wait3A_293 = arith.constant 0 : i32
    %dma_wait3A_294 = arith.constant 0 : i32
    %dma_wait3A_295 = tpu.memref_slice %arg9[%dma_wait3A_289, %dma_wait3A_293, %dma_wait3A_294] : memref<4x64x128xf32, #tpu.memory_space<vmem>> -> memref<1x64x128xf32, #tpu.memory_space<vmem>>
    %dma_wait3A_296 = tpu.memref_squeeze %dma_wait3A_295 : memref<1x64x128xf32, #tpu.memory_space<vmem>> -> memref<64x128xf32, #tpu.memory_space<vmem>>
    %dma_wait3A_297 = arith.constant 0 : i32
    %dma_wait3A_298 = tpu.memref_slice %arg8[%dma_wait3A_290, %dma_wait3A_291, %dma_wait3A_297] : memref<2x4x64xi32, #tpu.memory_space<vmem>> -> memref<1x1x64xi32, #tpu.memory_space<vmem>>
    %dma_wait3A_299 = tpu.memref_squeeze %dma_wait3A_298 : memref<1x1x64xi32, #tpu.memory_space<vmem>> -> memref<64xi32, #tpu.memory_space<vmem>>
    %dma_wait3A_300 = arith.constant 0 : i32
    %dma_wait3A_301 = arith.constant 0 : i32
    %dma_wait3A_302 = tpu.memref_slice %arg10[%dma_wait3A_300, %dma_wait3A_301] : memref<10240x128xf32, #tpu.memory_space<vmem_shared>> -> memref<10240x128xf32, #tpu.memory_space<vmem_shared>>
    %dma_wait3A_303 = tpu.memref_slice %arg12[%dma_wait3A_292] : memref<4x!tpu.dma_semaphore, #tpu.memory_space<semaphore_mem>> -> memref<1x!tpu.dma_semaphore, #tpu.memory_space<semaphore_mem>>
    %dma_wait3A_304 = tpu.memref_squeeze %dma_wait3A_303 : memref<1x!tpu.dma_semaphore, #tpu.memory_space<semaphore_mem>> -> memref<!tpu.dma_semaphore, #tpu.memory_space<semaphore_mem>>
    tpu.wait_indirect_dma semaphore(%dma_wait3A_304 : memref<!tpu.dma_semaphore, #tpu.memory_space<semaphore_mem>>) src(%dma_wait3A_296 : memref<64x128xf32, #tpu.memory_space<vmem>>) dst(%dma_wait3A_302 : memref<10240x128xf32, #tpu.memory_space<vmem_shared>>)
    %dma_wait3A_305 = arith.constant 2 : i32
    %dma_wait3A_306 = arith.constant 0 : i32
    %dma_wait3A_307 = arith.constant 0 : i32
    %dma_wait3A_308 = arith.constant 2 : i32
    %dma_wait3A_309 = arith.constant 0 : i32
    %dma_wait3A_310 = arith.constant 0 : i32
    %dma_wait3A_311 = tpu.memref_slice %arg9[%dma_wait3A_305, %dma_wait3A_309, %dma_wait3A_310] : memref<4x64x128xf32, #tpu.memory_space<vmem>> -> memref<1x64x128xf32, #tpu.memory_space<vmem>>
    %dma_wait3A_312 = tpu.memref_squeeze %dma_wait3A_311 : memref<1x64x128xf32, #tpu.memory_space<vmem>> -> memref<64x128xf32, #tpu.memory_space<vmem>>
    %dma_wait3A_313 = arith.constant 0 : i32
    %dma_wait3A_314 = tpu.memref_slice %arg8[%dma_wait3A_306, %dma_wait3A_307, %dma_wait3A_313] : memref<2x4x64xi32, #tpu.memory_space<vmem>> -> memref<1x1x64xi32, #tpu.memory_space<vmem>>
    %dma_wait3A_315 = tpu.memref_squeeze %dma_wait3A_314 : memref<1x1x64xi32, #tpu.memory_space<vmem>> -> memref<64xi32, #tpu.memory_space<vmem>>
    %dma_wait3A_316 = arith.constant 0 : i32
    %dma_wait3A_317 = arith.constant 0 : i32
    %dma_wait3A_318 = tpu.memref_slice %arg10[%dma_wait3A_316, %dma_wait3A_317] : memref<10240x128xf32, #tpu.memory_space<vmem_shared>> -> memref<10240x128xf32, #tpu.memory_space<vmem_shared>>
    %dma_wait3A_319 = tpu.memref_slice %arg12[%dma_wait3A_308] : memref<4x!tpu.dma_semaphore, #tpu.memory_space<semaphore_mem>> -> memref<1x!tpu.dma_semaphore, #tpu.memory_space<semaphore_mem>>
    %dma_wait3A_320 = tpu.memref_squeeze %dma_wait3A_319 : memref<1x!tpu.dma_semaphore, #tpu.memory_space<semaphore_mem>> -> memref<!tpu.dma_semaphore, #tpu.memory_space<semaphore_mem>>
    tpu.wait_indirect_dma semaphore(%dma_wait3A_320 : memref<!tpu.dma_semaphore, #tpu.memory_space<semaphore_mem>>) src(%dma_wait3A_312 : memref<64x128xf32, #tpu.memory_space<vmem>>) dst(%dma_wait3A_318 : memref<10240x128xf32, #tpu.memory_space<vmem_shared>>)
    %dma_wait3A_321 = arith.constant 3 : i32
    %dma_wait3A_322 = arith.constant 0 : i32
    %dma_wait3A_323 = arith.constant 0 : i32
    %dma_wait3A_324 = arith.constant 3 : i32
    %dma_wait3A_325 = arith.constant 0 : i32
    %dma_wait3A_326 = arith.constant 0 : i32
    %dma_wait3A_327 = tpu.memref_slice %arg9[%dma_wait3A_321, %dma_wait3A_325, %dma_wait3A_326] : memref<4x64x128xf32, #tpu.memory_space<vmem>> -> memref<1x64x128xf32, #tpu.memory_space<vmem>>
    %dma_wait3A_328 = tpu.memref_squeeze %dma_wait3A_327 : memref<1x64x128xf32, #tpu.memory_space<vmem>> -> memref<64x128xf32, #tpu.memory_space<vmem>>
    %dma_wait3A_329 = arith.constant 0 : i32
    %dma_wait3A_330 = tpu.memref_slice %arg8[%dma_wait3A_322, %dma_wait3A_323, %dma_wait3A_329] : memref<2x4x64xi32, #tpu.memory_space<vmem>> -> memref<1x1x64xi32, #tpu.memory_space<vmem>>
    %dma_wait3A_331 = tpu.memref_squeeze %dma_wait3A_330 : memref<1x1x64xi32, #tpu.memory_space<vmem>> -> memref<64xi32, #tpu.memory_space<vmem>>
    %dma_wait3A_332 = arith.constant 0 : i32
    %dma_wait3A_333 = arith.constant 0 : i32
    %dma_wait3A_334 = tpu.memref_slice %arg10[%dma_wait3A_332, %dma_wait3A_333] : memref<10240x128xf32, #tpu.memory_space<vmem_shared>> -> memref<10240x128xf32, #tpu.memory_space<vmem_shared>>
    %dma_wait3A_335 = tpu.memref_slice %arg12[%dma_wait3A_324] : memref<4x!tpu.dma_semaphore, #tpu.memory_space<semaphore_mem>> -> memref<1x!tpu.dma_semaphore, #tpu.memory_space<semaphore_mem>>
    %dma_wait3A_336 = tpu.memref_squeeze %dma_wait3A_335 : memref<1x!tpu.dma_semaphore, #tpu.memory_space<semaphore_mem>> -> memref<!tpu.dma_semaphore, #tpu.memory_space<semaphore_mem>>
    tpu.wait_indirect_dma semaphore(%dma_wait3A_336 : memref<!tpu.dma_semaphore, #tpu.memory_space<semaphore_mem>>) src(%dma_wait3A_328 : memref<64x128xf32, #tpu.memory_space<vmem>>) dst(%dma_wait3A_334 : memref<10240x128xf32, #tpu.memory_space<vmem_shared>>)
    %barrier3A_337 = arith.constant 0 : index
    tpu.barrier barrier_id(%barrier3A_337)
    "tpu.region"() ({
      %run_scoped3A_338 = tpu.sem_alloc : memref<!tpu.dma_semaphore, #tpu.memory_space<semaphore_mem>>
      %dma_start3A_339 = arith.constant 0 : i32
      %dma_start3A_340 = tpu.memref_slice %arg6[%arg0, %mul3A_2, %dma_start3A_339] : memref<2x10240x128xf32, #tpu.memory_space<hbm>> -> memref<1x640x128xf32, #tpu.memory_space<hbm>>
      %dma_start3A_341 = tpu.memref_squeeze %dma_start3A_340 : memref<1x640x128xf32, #tpu.memory_space<hbm>> -> memref<640x128xf32, #tpu.memory_space<hbm>>
      %dma_start3A_342 = arith.constant 0 : i32
      %dma_start3A_343 = tpu.memref_slice %arg10[%mul3A_2, %dma_start3A_342] : memref<10240x128xf32, #tpu.memory_space<vmem_shared>> -> memref<640x128xf32, #tpu.memory_space<vmem_shared>>
      tpu.enqueue_dma source(%dma_start3A_343 : memref<640x128xf32, #tpu.memory_space<vmem_shared>>) target(%dma_start3A_341 : memref<640x128xf32, #tpu.memory_space<hbm>>) target_semaphore(%run_scoped3A_338 : memref<!tpu.dma_semaphore, #tpu.memory_space<semaphore_mem>>)
      %dma_wait3A_344 = arith.constant 0 : i32
      %dma_wait3A_345 = tpu.memref_slice %arg6[%arg0, %mul3A_2, %dma_wait3A_344] : memref<2x10240x128xf32, #tpu.memory_space<hbm>> -> memref<1x640x128xf32, #tpu.memory_space<hbm>>
      %dma_wait3A_346 = tpu.memref_squeeze %dma_wait3A_345 : memref<1x640x128xf32, #tpu.memory_space<hbm>> -> memref<640x128xf32, #tpu.memory_space<hbm>>
      %dma_wait3A_347 = arith.constant 0 : i32
      %dma_wait3A_348 = tpu.memref_slice %arg10[%mul3A_2, %dma_wait3A_347] : memref<10240x128xf32, #tpu.memory_space<vmem_shared>> -> memref<640x128xf32, #tpu.memory_space<vmem_shared>>
      tpu.wait_dma2 semaphore(%run_scoped3A_338 : memref<!tpu.dma_semaphore, #tpu.memory_space<semaphore_mem>>) src(%dma_wait3A_348 : memref<640x128xf32, #tpu.memory_space<vmem_shared>>) dst(%dma_wait3A_346 : memref<640x128xf32, #tpu.memory_space<hbm>>)
      tpu.yield
    }) : () -> ()
    return
  }
}

module attributes {stable_mosaic.version = 14 : i64} {
  func.func @_tc_xw_body(%arg0: i32, %arg1: memref<1280x128xf32, #tpu.memory_space<vmem>>, %arg2: memref<128x128xf32, #tpu.memory_space<vmem>>, %arg3: memref<1280x128xf32, #tpu.memory_space<vmem>>) attributes {dimension_semantics = [#tpu.dimension_semantics<arbitrary>], iteration_bounds = array<i64: 8>, scalar_prefetch = 0 : i64, scratch_operands = 0 : i64, tpu.core_type = #tpu.core_type<tc>, window_params = [{transform_indices = @transform_0, window_bounds = array<i64: 1280, 128>}, {pipeline_mode = #tpu.pipeline_mode<synchronous>, transform_indices = @transform_1, window_bounds = array<i64: 128, 128>}, {transform_indices = @transform_2, window_bounds = array<i64: 1280, 128>}]} {
    %get3A = arith.constant 0 : index
    %get3A_0 = arith.constant 0 : index
    %get3A_1 = vector.load %arg1[%get3A, %get3A_0] : memref<1280x128xf32, #tpu.memory_space<vmem>>, vector<1280x128xf32>
    %get3A_2 = arith.constant 0 : index
    %get3A_3 = arith.constant 0 : index
    %get3A_4 = vector.load %arg2[%get3A_2, %get3A_3] : memref<128x128xf32, #tpu.memory_space<vmem>>, vector<128x128xf32>
    %dot_general3A = arith.constant dense<0.000000e+00> : vector<1280x128xf32>
    %dot_general3A_5 = tpu.matmul %get3A_1, %get3A_4, %dot_general3A {dimension_numbers = #tpu.dot_dimension_numbers<[1], [0], [0], [1], [0, 0, 1, 1], [], []>, transpose_lhs_hint = false} : vector<1280x128xf32>, vector<128x128xf32>, vector<1280x128xf32> -> vector<1280x128xf32>
    %swap3A = arith.constant 0 : index
    %swap3A_6 = arith.constant 0 : index
    %swap3A_7 = vector.load %arg3[%swap3A, %swap3A_6] : memref<1280x128xf32, #tpu.memory_space<vmem>>, vector<1280x128xf32>
    tpu.vector_store %arg3[%swap3A, %swap3A_6], %dot_general3A_5 {strides = array<i32>} : memref<1280x128xf32, #tpu.memory_space<vmem>>, vector<1280x128xf32>,
    return
  }
  func.func @transform_0(%arg0: i32) -> (i32, i32) {
    %c0_i32 = arith.constant 0 : i32
    %c0_i32_0 = arith.constant 0 : i32
    return %arg0, %c0_i32 : i32, i32
  }
  func.func @transform_1(%arg0: i32) -> (i32, i32) {
    %c0_i32 = arith.constant 0 : i32
    %c0_i32_0 = arith.constant 0 : i32
    %c0_i32_1 = arith.constant 0 : i32
    return %c0_i32, %c0_i32_0 : i32, i32
  }
  func.func @transform_2(%arg0: i32) -> (i32, i32) {
    %c0_i32 = arith.constant 0 : i32
    %c0_i32_0 = arith.constant 0 : i32
    return %arg0, %c0_i32 : i32, i32
  }
}

module attributes {stable_mosaic.version = 14 : i64} {
  func.func @_tc_scale_body(%arg0: i32, %arg1: memref<1280x2xf32, #tpu.memory_space<vmem>>, %arg2: memref<1280x128xf32, #tpu.memory_space<vmem>>, %arg3: memref<1280x128xf32, #tpu.memory_space<vmem>>) attributes {dimension_semantics = [#tpu.dimension_semantics<arbitrary>], iteration_bounds = array<i64: 8>, scalar_prefetch = 0 : i64, scratch_operands = 0 : i64, tpu.core_type = #tpu.core_type<tc>, window_params = [{transform_indices = @transform_0, window_bounds = array<i64: 1280, 2>}, {transform_indices = @transform_1, window_bounds = array<i64: 1280, 128>}, {transform_indices = @transform_2, window_bounds = array<i64: 1280, 128>}]} {
    %get3A = arith.constant 0 : index
    %get3A_0 = arith.constant 0 : index
    %get3A_1 = vector.load %arg2[%get3A, %get3A_0] : memref<1280x128xf32, #tpu.memory_space<vmem>>, vector<1280x128xf32>
    %get3A_2 = arith.constant 0 : index
    %get3A_3 = arith.constant 0 : index
    %get3A_4 = vector.load %arg1[%get3A_2, %get3A_3] : memref<1280x2xf32, #tpu.memory_space<vmem>>, vector<1280x1xf32>
    %get3A_5 = arith.constant 0 : index
    %get3A_6 = arith.constant 1 : index
    %get3A_7 = vector.load %arg1[%get3A_5, %get3A_6] : memref<1280x2xf32, #tpu.memory_space<vmem>>, vector<1280x1xf32>
    %add3A = arith.addf %get3A_4, %get3A_7 : vector<1280x1xf32>
    %add3A_8 = arith.constant 1.000000e+00 : f32
    %add3A_9 = vector.broadcast %add3A_8 : f32 to vector<1280x1xf32>
    %add3A_10 = arith.addf %add3A, %add3A_9 : vector<1280x1xf32>
    %rsqrt3A = math.rsqrt %add3A_10 : vector<1280x1xf32>
    %mul3A = vector.broadcast %rsqrt3A : vector<1280x1xf32> to vector<1280x128xf32>
    %mul3A_11 = arith.mulf %get3A_1, %mul3A : vector<1280x128xf32>
    %swap3A = arith.constant 0 : index
    %swap3A_12 = arith.constant 0 : index
    %swap3A_13 = vector.load %arg3[%swap3A, %swap3A_12] : memref<1280x128xf32, #tpu.memory_space<vmem>>, vector<1280x128xf32>
    tpu.vector_store %arg3[%swap3A, %swap3A_12], %mul3A_11 {strides = array<i32>} : memref<1280x128xf32, #tpu.memory_space<vmem>>, vector<1280x128xf32>,
    return
  }
  func.func @transform_0(%arg0: i32) -> (i32, i32) {
    %c0_i32 = arith.constant 0 : i32
    %c0_i32_0 = arith.constant 0 : i32
    return %arg0, %c0_i32 : i32, i32
  }
  func.func @transform_1(%arg0: i32) -> (i32, i32) {
    %c0_i32 = arith.constant 0 : i32
    %c0_i32_0 = arith.constant 0 : i32
    return %arg0, %c0_i32 : i32, i32
  }
  func.func @transform_2(%arg0: i32) -> (i32, i32) {
    %c0_i32 = arith.constant 0 : i32
    %c0_i32_0 = arith.constant 0 : i32
    return %arg0, %c0_i32 : i32, i32
  }
}

module attributes {stable_mosaic.version = 14 : i64} {
  func.func @_tc_mid_body(%arg0: i32, %arg1: memref<2x1280x128xf32, #tpu.memory_space<vmem>>, %arg2: memref<1280x2xf32, #tpu.memory_space<vmem>>, %arg3: memref<1280x128xf32, #tpu.memory_space<vmem>>, %arg4: memref<1x128xf32, #tpu.memory_space<vmem>>, %arg5: memref<128x128xf32, #tpu.memory_space<vmem>>, %arg6: memref<1280x128xf32, #tpu.memory_space<vmem>>, %arg7: memref<1280x128xf32, #tpu.memory_space<vmem>>) attributes {dimension_semantics = [#tpu.dimension_semantics<arbitrary>], iteration_bounds = array<i64: 8>, scalar_prefetch = 0 : i64, scratch_operands = 0 : i64, tpu.core_type = #tpu.core_type<tc>, window_params = [{transform_indices = @transform_0, window_bounds = array<i64: 2, 1280, 128>}, {transform_indices = @transform_1, window_bounds = array<i64: 1280, 2>}, {transform_indices = @transform_2, window_bounds = array<i64: 1280, 128>}, {pipeline_mode = #tpu.pipeline_mode<synchronous>, transform_indices = @transform_3, window_bounds = array<i64: 1, 128>}, {pipeline_mode = #tpu.pipeline_mode<synchronous>, transform_indices = @transform_4, window_bounds = array<i64: 128, 128>}, {transform_indices = @transform_5, window_bounds = array<i64: 1280, 128>}, {transform_indices = @transform_6, window_bounds = array<i64: 1280, 128>}]} {
    %get3A = arith.constant 0 : index
    %get3A_0 = arith.constant 0 : index
    %get3A_1 = vector.load %arg2[%get3A, %get3A_0] : memref<1280x2xf32, #tpu.memory_space<vmem>>, vector<1280x1xf32>
    %get3A_2 = arith.constant 0 : index
    %get3A_3 = arith.constant 1 : index
    %get3A_4 = vector.load %arg2[%get3A_2, %get3A_3] : memref<1280x2xf32, #tpu.memory_space<vmem>>, vector<1280x1xf32>
    %add3A = arith.addf %get3A_1, %get3A_4 : vector<1280x1xf32>
    %add3A_5 = arith.constant 1.000000e+00 : f32
    %add3A_6 = vector.broadcast %add3A_5 : f32 to vector<1280x1xf32>
    %add3A_7 = arith.addf %add3A, %add3A_6 : vector<1280x1xf32>
    %rsqrt3A = math.rsqrt %add3A_7 : vector<1280x1xf32>
    %get3A_8 = arith.constant 0 : index
    %get3A_9 = arith.constant 0 : index
    %get3A_10 = arith.constant 0 : index
    %get3A_11 = vector.load %arg1[%get3A_8, %get3A_9, %get3A_10] : memref<2x1280x128xf32, #tpu.memory_space<vmem>>, vector<1x1280x128xf32>
    %get3A_12 = vector.shape_cast %get3A_11 : vector<1x1280x128xf32> to vector<1280x128xf32>
    %get3A_13 = arith.constant 1 : index
    %get3A_14 = arith.constant 0 : index
    %get3A_15 = arith.constant 0 : index
    %get3A_16 = vector.load %arg1[%get3A_13, %get3A_14, %get3A_15] : memref<2x1280x128xf32, #tpu.memory_space<vmem>>, vector<1x1280x128xf32>
    %get3A_17 = vector.shape_cast %get3A_16 : vector<1x1280x128xf32> to vector<1280x128xf32>
    %add3A_18 = arith.addf %get3A_12, %get3A_17 : vector<1280x128xf32>
    %mul3A = vector.broadcast %rsqrt3A : vector<1280x1xf32> to vector<1280x128xf32>
    %mul3A_19 = arith.mulf %mul3A, %add3A_18 : vector<1280x128xf32>
    %mul3A_20 = arith.mulf %rsqrt3A, %rsqrt3A : vector<1280x1xf32>
    %get3A_21 = arith.constant 0 : index
    %get3A_22 = arith.constant 0 : index
    %get3A_23 = vector.load %arg3[%get3A_21, %get3A_22] : memref<1280x128xf32, #tpu.memory_space<vmem>>, vector<1280x128xf32>
    %mul3A_24 = vector.broadcast %mul3A_20 : vector<1280x1xf32> to vector<1280x128xf32>
    %mul3A_25 = arith.mulf %mul3A_24, %get3A_23 : vector<1280x128xf32>
    %add3A_26 = arith.addf %mul3A_19, %mul3A_25 : vector<1280x128xf32>
    %get3A_27 = arith.constant 0 : index
    %get3A_28 = arith.constant 0 : index
    %get3A_29 = vector.load %arg4[%get3A_27, %get3A_28] : memref<1x128xf32, #tpu.memory_space<vmem>>, vector<1x128xf32>
    %add3A_30 = vector.broadcast %get3A_29 : vector<1x128xf32> to vector<1280x128xf32>
    %add3A_31 = arith.addf %add3A_26, %add3A_30 : vector<1280x128xf32>
    %max3A = arith.constant 0.000000e+00 : f32
    %max3A_32 = vector.broadcast %max3A : f32 to vector<1280x128xf32>
    %max3A_33 = arith.maximumf %add3A_31, %max3A_32 : vector<1280x128xf32>
    %get3A_34 = arith.constant 0 : index
    %get3A_35 = arith.constant 0 : index
    %get3A_36 = vector.load %arg5[%get3A_34, %get3A_35] : memref<128x128xf32, #tpu.memory_space<vmem>>, vector<128x128xf32>
    %dot_general3A = arith.constant dense<0.000000e+00> : vector<1280x128xf32>
    %dot_general3A_37 = tpu.matmul %max3A_33, %get3A_36, %dot_general3A {dimension_numbers = #tpu.dot_dimension_numbers<[1], [0], [0], [1], [0, 0, 1, 1], [], []>, transpose_lhs_hint = false} : vector<1280x128xf32>, vector<128x128xf32>, vector<1280x128xf32> -> vector<1280x128xf32>
    %swap3A = arith.constant 0 : index
    %swap3A_38 = arith.constant 0 : index
    %swap3A_39 = vector.load %arg7[%swap3A, %swap3A_38] : memref<1280x128xf32, #tpu.memory_space<vmem>>, vector<1280x128xf32>
    tpu.vector_store %arg7[%swap3A, %swap3A_38], %dot_general3A_37 {strides = array<i32>} : memref<1280x128xf32, #tpu.memory_space<vmem>>, vector<1280x128xf32>,
    %mul3A_40 = vector.broadcast %rsqrt3A : vector<1280x1xf32> to vector<1280x128xf32>
    %mul3A_41 = arith.mulf %dot_general3A_37, %mul3A_40 : vector<1280x128xf32>
    %swap3A_42 = arith.constant 0 : index
    %swap3A_43 = arith.constant 0 : index
    %swap3A_44 = vector.load %arg6[%swap3A_42, %swap3A_43] : memref<1280x128xf32, #tpu.memory_space<vmem>>, vector<1280x128xf32>
    tpu.vector_store %arg6[%swap3A_42, %swap3A_43], %mul3A_41 {strides = array<i32>} : memref<1280x128xf32, #tpu.memory_space<vmem>>, vector<1280x128xf32>,
    return
  }
  func.func @transform_0(%arg0: i32) -> (i32, i32, i32) {
    %c0_i32 = arith.constant 0 : i32
    %c0_i32_0 = arith.constant 0 : i32
    %c0_i32_1 = arith.constant 0 : i32
    return %c0_i32, %arg0, %c0_i32_0 : i32, i32, i32
  }
  func.func @transform_1(%arg0: i32) -> (i32, i32) {
    %c0_i32 = arith.constant 0 : i32
    %c0_i32_0 = arith.constant 0 : i32
    return %arg0, %c0_i32 : i32, i32
  }
  func.func @transform_2(%arg0: i32) -> (i32, i32) {
    %c0_i32 = arith.constant 0 : i32
    %c0_i32_0 = arith.constant 0 : i32
    return %arg0, %c0_i32 : i32, i32
  }
  func.func @transform_3(%arg0: i32) -> (i32, i32) {
    %c0_i32 = arith.constant 0 : i32
    %c0_i32_0 = arith.constant 0 : i32
    %c0_i32_1 = arith.constant 0 : i32
    return %c0_i32, %c0_i32_0 : i32, i32
  }
  func.func @transform_4(%arg0: i32) -> (i32, i32) {
    %c0_i32 = arith.constant 0 : i32
    %c0_i32_0 = arith.constant 0 : i32
    %c0_i32_1 = arith.constant 0 : i32
    return %c0_i32, %c0_i32_0 : i32, i32
  }
  func.func @transform_5(%arg0: i32) -> (i32, i32) {
    %c0_i32 = arith.constant 0 : i32
    %c0_i32_0 = arith.constant 0 : i32
    return %arg0, %c0_i32 : i32, i32
  }
  func.func @transform_6(%arg0: i32) -> (i32, i32) {
    %c0_i32 = arith.constant 0 : i32
    %c0_i32_0 = arith.constant 0 : i32
    return %arg0, %c0_i32 : i32, i32
  }
}

module attributes {stable_mosaic.version = 14 : i64} {
  func.func @_tc_fin_body(%arg0: i32, %arg1: memref<2x1280x128xf32, #tpu.memory_space<vmem>>, %arg2: memref<1280x2xf32, #tpu.memory_space<vmem>>, %arg3: memref<1280x128xf32, #tpu.memory_space<vmem>>, %arg4: memref<1x128xf32, #tpu.memory_space<vmem>>, %arg5: memref<1x1280xi32, #tpu.memory_space<vmem>>, %arg6: memref<128x128xf32, #tpu.memory_space<vmem>>, %arg7: memref<1x128xf32, #tpu.memory_space<vmem>>, %arg8: memref<128x16xf32, #tpu.memory_space<vmem>>, %arg9: memref<1x16xf32, #tpu.memory_space<vmem>>, %arg10: memref<16x16xf32, #tpu.memory_space<vmem>>, %arg11: memref<16x128xf32, #tpu.memory_space<vmem>>, %arg12: memref<16x128xf32, #tpu.memory_space<vmem>>) attributes {dimension_semantics = [#tpu.dimension_semantics<arbitrary>], iteration_bounds = array<i64: 8>, scalar_prefetch = 0 : i64, scratch_operands = 2 : i64, tpu.core_type = #tpu.core_type<tc>, window_params = [{transform_indices = @transform_0, window_bounds = array<i64: 2, 1280, 128>}, {transform_indices = @transform_1, window_bounds = array<i64: 1280, 2>}, {transform_indices = @transform_2, window_bounds = array<i64: 1280, 128>}, {pipeline_mode = #tpu.pipeline_mode<synchronous>, transform_indices = @transform_3, window_bounds = array<i64: 1, 128>}, {transform_indices = @transform_4, window_bounds = array<i64: 1, 1280>}, {pipeline_mode = #tpu.pipeline_mode<synchronous>, transform_indices = @transform_5, window_bounds = array<i64: 128, 128>}, {pipeline_mode = #tpu.pipeline_mode<synchronous>, transform_indices = @transform_6, window_bounds = array<i64: 1, 128>}, {pipeline_mode = #tpu.pipeline_mode<synchronous>, transform_indices = @transform_7, window_bounds = array<i64: 128, 16>}, {pipeline_mode = #tpu.pipeline_mode<synchronous>, transform_indices = @transform_8, window_bounds = array<i64: 1, 16>}, {pipeline_mode = #tpu.pipeline_mode<synchronous>, transform_indices = @transform_9, window_bounds = array<i64: 16, 16>}]} {
    %eq3A = arith.constant 0 : i32
    %eq3A_0 = arith.cmpi eq, %arg0, %eq3A : i32
    %convert_element_type3A = arith.extui %eq3A_0 : i1 to i32
    %cond3A = arith.constant 0 : i32
    %cond3A_1 = arith.cmpi ne, %convert_element_type3A, %cond3A : i32
    scf.if %cond3A_1 {
      %broadcast_in_dim3A_66 = arith.constant 0.000000e+00 : f32
      %broadcast_in_dim3A_67 = vector.broadcast %broadcast_in_dim3A_66 : f32 to vector<16x128xf32>
      %swap3A_68 = arith.constant 0 : index
      %swap3A_69 = arith.constant 0 : index
      %swap3A_70 = vector.load %arg11[%swap3A_68, %swap3A_69] : memref<16x128xf32, #tpu.memory_space<vmem>>, vector<16x128xf32>
      tpu.vector_store %arg11[%swap3A_68, %swap3A_69], %broadcast_in_dim3A_67 {strides = array<i32>} : memref<16x128xf32, #tpu.memory_space<vmem>>, vector<16x128xf32>,
      %broadcast_in_dim3A_71 = arith.constant 0.000000e+00 : f32
      %broadcast_in_dim3A_72 = vector.broadcast %broadcast_in_dim3A_71 : f32 to vector<16x128xf32>
      %swap3A_73 = arith.constant 0 : index
      %swap3A_74 = arith.constant 0 : index
      %swap3A_75 = vector.load %arg12[%swap3A_73, %swap3A_74] : memref<16x128xf32, #tpu.memory_space<vmem>>, vector<16x128xf32>
      tpu.vector_store %arg12[%swap3A_73, %swap3A_74], %broadcast_in_dim3A_72 {strides = array<i32>} : memref<16x128xf32, #tpu.memory_space<vmem>>, vector<16x128xf32>,
    } else {
    }
    %get3A = arith.constant 0 : index
    %get3A_2 = arith.constant 0 : index
    %get3A_3 = vector.load %arg2[%get3A, %get3A_2] : memref<1280x2xf32, #tpu.memory_space<vmem>>, vector<1280x1xf32>
    %get3A_4 = arith.constant 0 : index
    %get3A_5 = arith.constant 1 : index
    %get3A_6 = vector.load %arg2[%get3A_4, %get3A_5] : memref<1280x2xf32, #tpu.memory_space<vmem>>, vector<1280x1xf32>
    %add3A = arith.addf %get3A_3, %get3A_6 : vector<1280x1xf32>
    %add3A_7 = arith.constant 1.000000e+00 : f32
    %add3A_8 = vector.broadcast %add3A_7 : f32 to vector<1280x1xf32>
    %add3A_9 = arith.addf %add3A, %add3A_8 : vector<1280x1xf32>
    %rsqrt3A = math.rsqrt %add3A_9 : vector<1280x1xf32>
    %get3A_10 = arith.constant 0 : index
    %get3A_11 = arith.constant 0 : index
    %get3A_12 = arith.constant 0 : index
    %get3A_13 = vector.load %arg1[%get3A_10, %get3A_11, %get3A_12] : memref<2x1280x128xf32, #tpu.memory_space<vmem>>, vector<1x1280x128xf32>
    %get3A_14 = vector.shape_cast %get3A_13 : vector<1x1280x128xf32> to vector<1280x128xf32>
    %get3A_15 = arith.constant 1 : index
    %get3A_16 = arith.constant 0 : index
    %get3A_17 = arith.constant 0 : index
    %get3A_18 = vector.load %arg1[%get3A_15, %get3A_16, %get3A_17] : memref<2x1280x128xf32, #tpu.memory_space<vmem>>, vector<1x1280x128xf32>
    %get3A_19 = vector.shape_cast %get3A_18 : vector<1x1280x128xf32> to vector<1280x128xf32>
    %add3A_20 = arith.addf %get3A_14, %get3A_19 : vector<1280x128xf32>
    %mul3A = vector.broadcast %rsqrt3A : vector<1280x1xf32> to vector<1280x128xf32>
    %mul3A_21 = arith.mulf %mul3A, %add3A_20 : vector<1280x128xf32>
    %mul3A_22 = arith.mulf %rsqrt3A, %rsqrt3A : vector<1280x1xf32>
    %get3A_23 = arith.constant 0 : index
    %get3A_24 = arith.constant 0 : index
    %get3A_25 = vector.load %arg3[%get3A_23, %get3A_24] : memref<1280x128xf32, #tpu.memory_space<vmem>>, vector<1280x128xf32>
    %mul3A_26 = vector.broadcast %mul3A_22 : vector<1280x1xf32> to vector<1280x128xf32>
    %mul3A_27 = arith.mulf %mul3A_26, %get3A_25 : vector<1280x128xf32>
    %add3A_28 = arith.addf %mul3A_21, %mul3A_27 : vector<1280x128xf32>
    %get3A_29 = arith.constant 0 : index
    %get3A_30 = arith.constant 0 : index
    %get3A_31 = vector.load %arg4[%get3A_29, %get3A_30] : memref<1x128xf32, #tpu.memory_space<vmem>>, vector<1x128xf32>
    %add3A_32 = vector.broadcast %get3A_31 : vector<1x128xf32> to vector<1280x128xf32>
    %add3A_33 = arith.addf %add3A_28, %add3A_32 : vector<1280x128xf32>
    %max3A = arith.constant 0.000000e+00 : f32
    %max3A_34 = vector.broadcast %max3A : f32 to vector<1280x128xf32>
    %max3A_35 = arith.maximumf %add3A_33, %max3A_34 : vector<1280x128xf32>
    %iota3A = tpu.iota {dimensions = array<i32: 0>} : vector<16x1280xi32>
    %get3A_36 = arith.constant 0 : index
    %get3A_37 = arith.constant 0 : index
    %get3A_38 = vector.load %arg5[%get3A_36, %get3A_37] : memref<1x1280xi32, #tpu.memory_space<vmem>>, vector<1x1280xi32>
    %broadcast_in_dim3A = vector.shape_cast %get3A_38 : vector<1x1280xi32> to vector<1x1280xi32>
    %broadcast_in_dim3A_39 = vector.broadcast %broadcast_in_dim3A : vector<1x1280xi32> to vector<16x1280xi32>
    %eq3A_40 = arith.cmpi eq, %broadcast_in_dim3A_39, %iota3A : vector<16x1280xi32>
    %convert_element_type3A_41 = arith.extui %eq3A_40 : vector<16x1280xi1> to vector<16x1280xi32>
    %convert_element_type3A_42 = arith.sitofp %convert_element_type3A_41 : vector<16x1280xi32> to vector<16x1280xf32>
    %get3A_43 = arith.constant 0 : index
    %get3A_44 = arith.constant 0 : index
    %get3A_45 = vector.load %arg11[%get3A_43, %get3A_44] : memref<16x128xf32, #tpu.memory_space<vmem>>, vector<16x128xf32>
    %dot_general3A = arith.constant dense<0.000000e+00> : vector<16x128xf32>
    %dot_general3A_46 = tpu.matmul %convert_element_type3A_42, %max3A_35, %dot_general3A {dimension_numbers = #tpu.dot_dimension_numbers<[1], [0], [0], [1], [0, 0, 1, 1], [], []>, transpose_lhs_hint = false} : vector<16x1280xf32>, vector<1280x128xf32>, vector<16x128xf32> -> vector<16x128xf32>
    %add3A_47 = arith.addf %get3A_45, %dot_general3A_46 : vector<16x128xf32>
    %swap3A = arith.constant 0 : index
    %swap3A_48 = arith.constant 0 : index
    %swap3A_49 = vector.load %arg11[%swap3A, %swap3A_48] : memref<16x128xf32, #tpu.memory_space<vmem>>, vector<16x128xf32>
    tpu.vector_store %arg11[%swap3A, %swap3A_48], %add3A_47 {strides = array<i32>} : memref<16x128xf32, #tpu.memory_space<vmem>>, vector<16x128xf32>,
    %get3A_50 = arith.constant 0 : index
    %get3A_51 = arith.constant 0 : index
    %get3A_52 = vector.load %arg12[%get3A_50, %get3A_51] : memref<16x128xf32, #tpu.memory_space<vmem>>, vector<16x128xf32>
    %reduce_sum3A = arith.constant dense<0.000000e+00> : vector<16xf32>
    %reduce_sum3A_53 = vector.multi_reduction <add>, %convert_element_type3A_42, %reduce_sum3A [1] : vector<16x1280xf32> to vector<16xf32>
    %broadcast_in_dim3A_54 = vector.shape_cast %reduce_sum3A_53 : vector<16xf32> to vector<16x1xf32>
    %broadcast_in_dim3A_55 = vector.shape_cast %broadcast_in_dim3A_54 : vector<16x1xf32> to vector<16x1xf32>
    %broadcast_in_dim3A_56 = vector.broadcast %broadcast_in_dim3A_55 : vector<16x1xf32> to vector<16x128xf32>
    %add3A_57 = arith.addf %get3A_52, %broadcast_in_dim3A_56 : vector<16x128xf32>
    %swap3A_58 = arith.constant 0 : index
    %swap3A_59 = arith.constant 0 : index
    %swap3A_60 = vector.load %arg12[%swap3A_58, %swap3A_59] : memref<16x128xf32, #tpu.memory_space<vmem>>, vector<16x128xf32>
    tpu.vector_store %arg12[%swap3A_58, %swap3A_59], %add3A_57 {strides = array<i32>} : memref<16x128xf32, #tpu.memory_space<vmem>>, vector<16x128xf32>,
    %eq3A_61 = arith.constant 7 : i32
    %eq3A_62 = arith.cmpi eq, %arg0, %eq3A_61 : i32
    %convert_element_type3A_63 = arith.extui %eq3A_62 : i1 to i32
    %cond3A_64 = arith.constant 0 : i32
    %cond3A_65 = arith.cmpi ne, %convert_element_type3A_63, %cond3A_64 : i32
    scf.if %cond3A_65 {
      %get3A_66 = arith.constant 0 : index
      %get3A_67 = arith.constant 0 : index
      %get3A_68 = vector.load %arg12[%get3A_66, %get3A_67] : memref<16x128xf32, #tpu.memory_space<vmem>>, vector<16x1xf32>
      %max3A_69 = arith.constant 1.000000e+00 : f32
      %max3A_70 = vector.broadcast %max3A_69 : f32 to vector<16x1xf32>
      %max3A_71 = arith.maximumf %get3A_68, %max3A_70 : vector<16x1xf32>
      %get3A_72 = arith.constant 0 : index
      %get3A_73 = arith.constant 0 : index
      %get3A_74 = vector.load %arg11[%get3A_72, %get3A_73] : memref<16x128xf32, #tpu.memory_space<vmem>>, vector<16x128xf32>
      %div3A = vector.broadcast %max3A_71 : vector<16x1xf32> to vector<16x128xf32>
      %div3A_75 = arith.divf %get3A_74, %div3A : vector<16x128xf32>
      %get3A_76 = arith.constant 0 : index
      %get3A_77 = arith.constant 0 : index
      %get3A_78 = vector.load %arg6[%get3A_76, %get3A_77] : memref<128x128xf32, #tpu.memory_space<vmem>>, vector<128x128xf32>
      %dot_general3A_79 = arith.constant dense<0.000000e+00> : vector<16x128xf32>
      %dot_general3A_80 = tpu.matmul %div3A_75, %get3A_78, %dot_general3A_79 {dimension_numbers = #tpu.dot_dimension_numbers<[1], [0], [0], [1], [0, 0, 1, 1], [], []>, transpose_lhs_hint = false} : vector<16x128xf32>, vector<128x128xf32>, vector<16x128xf32> -> vector<16x128xf32>
      %get3A_81 = arith.constant 0 : index
      %get3A_82 = arith.constant 0 : index
      %get3A_83 = vector.load %arg7[%get3A_81, %get3A_82] : memref<1x128xf32, #tpu.memory_space<vmem>>, vector<1x128xf32>
      %add3A_84 = vector.broadcast %get3A_83 : vector<1x128xf32> to vector<16x128xf32>
      %add3A_85 = arith.addf %dot_general3A_80, %add3A_84 : vector<16x128xf32>
      %max3A_86 = arith.constant 0.000000e+00 : f32
      %max3A_87 = vector.broadcast %max3A_86 : f32 to vector<16x128xf32>
      %max3A_88 = arith.maximumf %add3A_85, %max3A_87 : vector<16x128xf32>
      %get3A_89 = arith.constant 0 : index
      %get3A_90 = arith.constant 0 : index
      %get3A_91 = vector.load %arg8[%get3A_89, %get3A_90] : memref<128x16xf32, #tpu.memory_space<vmem>>, vector<128x16xf32>
      %dot_general3A_92 = arith.constant dense<0.000000e+00> : vector<16x16xf32>
      %dot_general3A_93 = tpu.matmul %max3A_88, %get3A_91, %dot_general3A_92 {dimension_numbers = #tpu.dot_dimension_numbers<[1], [0], [0], [1], [0, 0, 1, 1], [], []>, transpose_lhs_hint = false} : vector<16x128xf32>, vector<128x16xf32>, vector<16x16xf32> -> vector<16x16xf32>
      %get3A_94 = arith.constant 0 : index
      %get3A_95 = arith.constant 0 : index
      %get3A_96 = vector.load %arg9[%get3A_94, %get3A_95] : memref<1x16xf32, #tpu.memory_space<vmem>>, vector<1x16xf32>
      %add3A_97 = vector.broadcast %get3A_96 : vector<1x16xf32> to vector<16x16xf32>
      %add3A_98 = arith.addf %dot_general3A_93, %add3A_97 : vector<16x16xf32>
      %swap3A_99 = arith.constant 0 : index
      %swap3A_100 = arith.constant 0 : index
      %swap3A_101 = vector.load %arg10[%swap3A_99, %swap3A_100] : memref<16x16xf32, #tpu.memory_space<vmem>>, vector<16x16xf32>
      tpu.vector_store %arg10[%swap3A_99, %swap3A_100], %add3A_98 {strides = array<i32>} : memref<16x16xf32, #tpu.memory_space<vmem>>, vector<16x16xf32>,
    } else {
    }
    return
  }
  func.func @transform_0(%arg0: i32) -> (i32, i32, i32) {
    %c0_i32 = arith.constant 0 : i32
    %c0_i32_0 = arith.constant 0 : i32
    %c0_i32_1 = arith.constant 0 : i32
    return %c0_i32, %arg0, %c0_i32_0 : i32, i32, i32
  }
  func.func @transform_1(%arg0: i32) -> (i32, i32) {
    %c0_i32 = arith.constant 0 : i32
    %c0_i32_0 = arith.constant 0 : i32
    return %arg0, %c0_i32 : i32, i32
  }
  func.func @transform_2(%arg0: i32) -> (i32, i32) {
    %c0_i32 = arith.constant 0 : i32
    %c0_i32_0 = arith.constant 0 : i32
    return %arg0, %c0_i32 : i32, i32
  }
  func.func @transform_3(%arg0: i32) -> (i32, i32) {
    %c0_i32 = arith.constant 0 : i32
    %c0_i32_0 = arith.constant 0 : i32
    %c0_i32_1 = arith.constant 0 : i32
    return %c0_i32, %c0_i32_0 : i32, i32
  }
  func.func @transform_4(%arg0: i32) -> (i32, i32) {
    %c0_i32 = arith.constant 0 : i32
    %c0_i32_0 = arith.constant 0 : i32
    return %c0_i32, %arg0 : i32, i32
  }
  func.func @transform_5(%arg0: i32) -> (i32, i32) {
    %c0_i32 = arith.constant 0 : i32
    %c0_i32_0 = arith.constant 0 : i32
    %c0_i32_1 = arith.constant 0 : i32
    return %c0_i32, %c0_i32_0 : i32, i32
  }
  func.func @transform_6(%arg0: i32) -> (i32, i32) {
    %c0_i32 = arith.constant 0 : i32
    %c0_i32_0 = arith.constant 0 : i32
    %c0_i32_1 = arith.constant 0 : i32
    return %c0_i32, %c0_i32_0 : i32, i32
  }
  func.func @transform_7(%arg0: i32) -> (i32, i32) {
    %c0_i32 = arith.constant 0 : i32
    %c0_i32_0 = arith.constant 0 : i32
    %c0_i32_1 = arith.constant 0 : i32
    return %c0_i32, %c0_i32_0 : i32, i32
  }
  func.func @transform_8(%arg0: i32) -> (i32, i32) {
    %c0_i32 = arith.constant 0 : i32
    %c0_i32_0 = arith.constant 0 : i32
    %c0_i32_1 = arith.constant 0 : i32
    return %c0_i32, %c0_i32_0 : i32, i32
  }
  func.func @transform_9(%arg0: i32) -> (i32, i32) {
    %c0_i32 = arith.constant 0 : i32
    %c0_i32_0 = arith.constant 0 : i32
    %c0_i32_1 = arith.constant 0 : i32
    return %c0_i32, %c0_i32_0 : i32, i32
  }
}

</mosaic_0001>

<sc_bundles>
// kernel: kernel.12.cloned.1.call-start
scs
__scs_entry_jumppad:
0x0: {  	(pc) =	sbr.rel $0x88, $3  }
0x1: {  	(tag) =	ssettag $0x0;
	lr =	simm.s32 $0x1  }
0x2: {  	[smem:$0x3F96] =	sst lr;
	_ =	strace $0xD0000000  }
0x3: {  	_ = 	snop  }
0x4: {  	_ = 	snop  }
0x5: {  	_ = 	snop  }
0x6: {  	_ = 	snop  }
0x7: {  	_ = 	snop  }
__scs_overlays_trampoline_lowered:
0x8: {  	[smem:$0x3FA5] =	sst s0  }
0x9: {  	[smem:$0x3FA6] =	sst s1  }
0xa: {  	[smem:$0x3FA7] =	sst s2  }
0xb: {  	[smem:$0x3FA8] =	sst s3  }
0xc: {  	[smem:$0x3FA9] =	sst s4  }
0xd: {  	[smem:$0x3FAA] =	sst s5  }
0xe: {  	[smem:$0x3FAB] =	sst s6  }
0xf: {  	[smem:$0x3FAC] =	sst s7  }
0x10: {  	[smem:$0x3FAD] =	sst s8  }
0x11: {  	[smem:$0x3FAE] =	sst s9;
	s0 =	simm.s32 @!p0 $0x0  }
0x12: {  	s1 =	sld [smem:$0x3F94];
	s0 =	simm.s32 @p0 $0x1  }
0x13: {  	[smem:$0x3FAF] =	sst s0;
	s0 =	simm.s32 @!p1 $0x0  }
0x14: {  	s2 =	sld [smem:$0x3F93];
	s0 =	simm.s32 @p1 $0x1  }
0x15: {  	[smem:$0x3FB0] =	sst s0;
	s0 =	simm.s32 @!p2 $0x0  }
0x16: {  	s3 =	sld [smem:$0x3FDB];
	s0 =	simm.s32 @p2 $0x1  }
0x17: {  	s4 =	simm.s32 $0x1BF5;
	[smem:$0x3FB2] =	sst s0  }
0x18: {  	s0 =	sld [smem:$0x3F95];
	_ =	swait.ge [sflag:s4], $0x0  }
0x19: {  	s7 =	sld [smem:$0x3F96]  }
0x1a: {  	s8 =	sadd.s32 $0xFFFFE003, lr  }
0x1b: {  	s9 =	sadd.s32 $0xFFFFFEF7, lr;
	s5 =	simm.s32 $0xFFFFFFFF;
	p2 =	slt.u32 s8, $0xFFFFF086  }
0x1c: {  	p1 =	slt.u32 s9, $0xF7A;
	s5 =	simm.s32 @!p2 $0x0  }
0x1d: {  	s5 =	simm.s32 @p1 $0x1;
	p0 =	seq.s32 s7, s2  }
0x1e: {  	s7 =	smul.u32 @!p0 $0xF7A, s2;
	p2 =	seq.s32 @!p0 s5, $0x0  }
0x1f: {  	s9 =	smul.u32 $0xF7A, s1;
	s8 =	simm.s32 @!p0 $0x1BF5;
	p2 =	por !p2, p0  }
0x20: {  	[sflag:s8] =	ssyncset.s32 @!p0 $0xFFFFF086;
	s6 =	sadd.s32 @!p0 s3, s7;
	s7 =	simm.s32 @!p0 $0x108  }
0x21: {  	s3 =	sadd.s32 s3, s9;
	s6 =	sadd.s32 @!p0 $0x88, s6;
	s7 =	simm.s32 @p2 $0x1082  }
0x22: {  	[simem:s7], [sflag:s8] =	dma.local @!p0 [hbm:s6], $0xF7A  }
0x23: {  	s9 =	sor.u32 $0xD0000000, s2;
	s6 =	simm.s32 $0x108;
	_ =	swait.ge @!p0 [sflag:s8], $0x0  }
0x24: {  	s3 =	sadd.s32 $0x88, s3;
	s6 =	simm.s32 @!p1 $0x1082;
	[sflag:s4] =	ssyncset.s32 $0xFFFFF086  }
0x25: {  	[simem:s6], [sflag:s4] =	dma.local [hbm:s3], $0xF7A  }
0x26: {  	[smem:$0x3F96] =	sst s1;
	(tag) =	ssettag s2;
	_ =	strace s9  }
0x27: {  	s1 =	sld [smem:$0x3FA6]  }
0x28: {  	s2 =	sld [smem:$0x3FA7]  }
0x29: {  	s4 =	sld [smem:$0x3FA9]  }
0x2a: {  	p0 =	seq.s32 s5, $0x0;
	s5 =	sld [smem:$0x3FAA]  }
0x2b: {  	s6 =	sld [smem:$0x3FAB]  }
0x2c: {  	s7 =	sld [smem:$0x3FAC]  }
0x2d: {  	s3 =	simm.s32 $0x108;
	s8 =	sld [smem:$0x3FAD]  }
0x2e: {  	s3 =	simm.s32 @!p0 $0x1082;
	s9 =	sld [smem:$0x3FAE]  }
0x2f: {  	lr =	sadd.s32 s0, s3;
	s0 =	sld [smem:$0x3FA5]  }
0x30: {  	s3 =	sld [smem:$0x3FA8]  }
0x31: {  	[smem:$0x3FB1] =	sst s10  }
0x32: {  	s10 =	sld [smem:$0x3FAF];
	_ =	sdelay $0x3  }
0x33: {  	p0 =	seq.s32 s10, $0x1;
	s10 =	sld [smem:$0x3FB1];
	_ =	sdelay $0x3  }
0x34: {  	[smem:$0x3FB1] =	sst s10  }
0x35: {  	s10 =	sld [smem:$0x3FB0];
	_ =	sdelay $0x3  }
0x36: {  	p1 =	seq.s32 s10, $0x1;
	s10 =	sld [smem:$0x3FB1];
	_ =	sdelay $0x3  }
0x37: {  	[smem:$0x3FB1] =	sst s10  }
0x38: {  	s10 =	sld [smem:$0x3FB2]  }
0x39: {  	_ = 	snop;
	(pc) =	sbr.ind lr, $3  }
0x3a: {  	_ = 	snop  }
0x3b: {  	_ = 	snop  }
0x3c: {  	p2 =	seq.s32 s10, $0x1;
	s10 =	sld [smem:$0x3FB1]  }
0x3d: {  	_ =	shalt  }
0x3e: {  	_ =	shalt  }
0x3f: {  	_ =	shalt  }
0x40: {  	_ =	shalt  }
0x41: {  	_ =	shalt  }
0x42: {  	_ =	shalt  }
0x43: {  	_ =	shalt  }
0x44: {  	_ =	shalt  }
0x45: {  	_ =	shalt  }
0x46: {  	_ =	shalt  }
0x47: {  	_ =	shalt  }
0x48: {  	_ =	shalt  }
0x49: {  	_ =	shalt  }
0x4a: {  	_ =	shalt  }
0x4b: {  	_ =	shalt  }
0x4c: {  	_ =	shalt  }
0x4d: {  	_ =	shalt  }
0x4e: {  	_ =	shalt  }
0x4f: {  	_ =	shalt  }
0x50: {  	_ =	shalt  }
0x51: {  	_ =	shalt  }
0x52: {  	_ =	shalt  }
0x53: {  	_ =	shalt  }
0x54: {  	_ =	shalt  }
0x55: {  	_ =	shalt  }
0x56: {  	_ =	shalt  }
0x57: {  	_ =	shalt  }
0x58: {  	_ =	shalt  }
0x59: {  	_ =	shalt  }
0x5a: {  	_ =	shalt  }
0x5b: {  	_ =	shalt  }
0x5c: {  	_ =	shalt  }
0x5d: {  	_ =	shalt  }
0x5e: {  	_ =	shalt  }
0x5f: {  	_ =	shalt  }
0x60: {  	_ =	shalt  }
0x61: {  	_ =	shalt  }
0x62: {  	_ =	shalt  }
0x63: {  	_ =	shalt  }
0x64: {  	_ =	shalt  }
0x65: {  	_ =	shalt  }
0x66: {  	_ =	shalt  }
0x67: {  	_ =	shalt  }
0x68: {  	_ =	shalt  }
0x69: {  	_ =	shalt  }
0x6a: {  	_ =	shalt  }
0x6b: {  	_ =	shalt  }
0x6c: {  	_ =	shalt  }
0x6d: {  	_ =	shalt  }
0x6e: {  	_ =	shalt  }
0x6f: {  	_ =	shalt  }
0x70: {  	_ =	shalt  }
0x71: {  	_ =	shalt  }
0x72: {  	_ =	shalt  }
0x73: {  	_ =	shalt  }
0x74: {  	_ =	shalt  }
0x75: {  	_ =	shalt  }
0x76: {  	_ =	shalt  }
0x77: {  	_ =	shalt  }
0x78: {  	_ =	shalt  }
0x79: {  	_ =	shalt  }
0x7a: {  	_ =	shalt  }
0x7b: {  	_ =	shalt  }
0x7c: {  	_ =	shalt  }
0x7d: {  	_ =	shalt  }
0x7e: {  	_ =	shalt  }
0x7f: {  	_ =	shalt  }
0x80: {  	_ =	shalt  }
0x81: {  	_ =	shalt  }
0x82: {  	_ =	shalt  }
0x83: {  	_ =	shalt  }
0x84: {  	_ =	shalt  }
0x85: {  	_ =	shalt  }
0x86: {  	_ =	shalt  }
0x87: {  	_ =	shalt  }
.Lfunc_end0:
.L_simem_size_0:
called_computation.1_lowered:
.L_overlay_start_0:
0x88: {  	s2 =	sld [smem:$0x3FD9]  }
0x89: {  	s3 =	sld [smem:$0x3FFE];
	_ =	sdelay $0x1  }
0x8a: {  	s1 =	srdreg.scid  }
0x8b: {  	s0 =	sand.u32 $0x1, s1  }
0x8c: {  	s16 =	sshll.u32 s0, $0xA;
	s2 =	sadd.s32 s3, s2  }
0x8d: {  	s2 =	sadd.s32 s2, s16  }
0x8e: {  	[smem:$0x3FBD] =	sst s2  }
0x8f: {  	_ = 	snop  }
0x90: {  	(tm) =	ssettm $0x1  }
0x91: {  	s17 =	sld [smem:$0x3FFB];
	_ =	sdelay $0x3  }
0x92: {  	_ =	strace s17  }
0x93: {  	s2 =	sld [smem:$0x3FFC];
	_ =	sdelay $0x3  }
0x94: {  	_ =	strace s2  }
0x95: {  	s2 =	sld [smem:$0x3FFD];
	_ =	sdelay $0x3  }
0x96: {  	_ =	strace s2  }
0x97: {  	_ =	strace $0x8FFFFFFF  }
0x98: {  	s18 =	sld [smem:$0x3FDB];
	_ =	sdelay $0x1  }
0x99: {  	s19 =	simm.s32 $_scs_section_size  }
0x9a: {  	s4 =	simm.s32 $_size__tile_overlayer_lowered;
	s5 =	simm.s32 $_tile_overlayer_lowered  }
0x9b: {  	s22 =	simm.s32 $0x1BFF;
	s21 =	sshll.u32 s5, $0x1;
	s2 =	sadd.s32 s19, s18  }
0x9c: {  	s6 =	simm.s32 $0x0;
	s20 =	sshll.u32 s4, $0x1;
	s4 =	sadd.s32 s21, s2  }
0x9d: {  	[timem:s6], [sflag:s22] =	dma.local [hbm:s4], s20  }
0x9e: {  	_ =	swait.ge [sflag:s22], s20  }
0x9f: {  	s3 =	ssub.s32 $0x0, s20;
	[sflag:s22] =	ssyncset.done $0x0  }
0xa0: {  	[sflag:s22] =	ssyncadd.s32 s3;
	_ =	sdelay $0x1  }
0xa1: {  	s23 =	simm.s32 $0x1B8B  }
0xa2: {  	_ =	swait.ge [sflag:s23], $0x1  }
0xa3: {  	[sflag:s23] =	ssyncset.done $0x0  }
0xa4: {  	s25 =	simm.s32 $0x1B8E;
	s24 =	sld [smem:$0x3FFE];
	[sflag:s23] =	ssyncadd.s32 $0xFFFFFFFF  }
0xa5: {  	s26 =	simm.s32 $execute0_lowered;
	[smem:$0x3FD2] =	sst s25  }
0xa6: {  	s4 =	sshll.u32 s26, $0x1;
	_ =	strace $0x80000049;
	[dreg:$0x1] =	wrdreg $0xFFFFFFFF  }
0xa7: {  	s28 =	simm.s32 $_size_execute0_lowered;
	s2 =	sadd.s32 s2, s4;
	[dreg:$0x0] =	wrdreg $0x0  }
0xa8: {  	s4 =	sshll.u32 s28, $0x1;
	[dreg:$0x2] =	wrdreg s2  }
0xa9: {  	[dreg:$0x3] =	wrdreg s4  }
0xaa: {  	[dreg:$0x4] =	wrdreg $0xC0  }
0xab: {  	_ =	task [dreg:s6], $0x5FFFF  }
0xac: {  	[dreg:$0x1] =	wrdreg $0xFFFFFFFF  }
0xad: {  	[dreg:$0x0] =	wrdreg $0x60  }
0xae: {  	[dreg:$0x2] =	wrdreg s24  }
0xaf: {  	[dreg:$0x3] =	wrdreg $0x88000  }
0xb0: {  	[dreg:$0x4] =	wrdreg $0x9  }
0xb1: {  	_ =	task.clear_ibuf [dreg:s6], $0x5FFFF;
	_ =	strace $0x90000049  }
0xb2: {  	s29 =	simm.s32 $0x9;
	_ =	strace $0x8000004B  }
0xb3: {  	_ =	swait.ge [sflag:s29], $0x1  }
0xb4: {  	[sflag:s29] =	ssyncadd.s32 $0xFFFFFFFF  }
0xb5: {  	_ =	strace $0x9000004B  }
0xb6: {  	_ =	sfence  }
0xb7: {  	s30 =	sld [smem:$0x0];
	_ =	sdelay $0x2  }
0xb8: {  	s31 =	sshll.u32 s1, $0xD;
	s1 =	sshrl.u32 s1, $0x2  }
0xb9: {  	s3 =	sand.u32 $0x4000, s31;
	s1 =	sadd.s32 s1, s30  }
0xba: {  	s0 =	sor.u32 s3, s0;
	s1 =	sshll.u32 s1, $0x11  }
0xbb: {  	s0 =	sor.u32 s1, s0  }
0xbc: {  	s0 =	sadd.s32 $0x8F2B, s0  }
0xbd: {  	[sflag:s0] =	ssyncadd.remote.s32 $0x1  }
0xbe: {  	_ =	sfence.sel $0xFFFF  }
0xbf: {  	[dreg:$0x0] =	wrdreg $0xFFFFFFFF;
	(pc) =	sbr.abs _section_cstart, $3  }
0xc0: {  	[dreg:$0x1] =	wrdreg $0xFFFFFFFF  }
0xc1: {  	_ =	task.clear_ibuf [dreg:s6], $0x2FFFF;
	_ =	strace $0x9FFFFFFF  }
0xc2: {  	(tm) =	ssettm $0x7FFFFFFF  }
0xc3: {  	_ =	shalt  }
tec
execute0_lowered:
.L_overlay_start_1:
0x0: {  	(tag) =	ssettag $0x1  }
0x1: {  	s0 =	rddreg [dreg:$0x0]  }
0x2: {  	s2 =	rddreg [dreg:$0x1];
	s3 =	simm.s32 $0x0  }
0x3: {  	s11 =	stileid.u32;
	s1 =	srdreg.scid;
	s15 =	simm.s32 $0xA  }
0x4: {  	s17 =	simm.s32 $0x40;
	s28 =	simm.s32 $0x1;
	s29 =	simm.s32 $0x2  }
0x5: {  	s30 =	simm.s32 $0x3;
	s31 =	simm.s32 $0x4;
	s16 =	simm.s32 $0x6  }
0x6: {  	[smem:$0x7FF] =	sst s3;
	s7 =	smul.u32 $0x14000, s11;
	s1 =	sand.u32 $0x1, s1  }
0x7: {  	s4 =	sadd.s32 $0x34800, s0;
	s5 =	sadd.s32 $0x99000, s0;
	s6 =	sadd.s32 $0x85000, s0  }
0x8: {  	_ =	strace $0x8000004A;
	s8 =	smul.u32 $0x140000, s1;
	s9 =	sshll.u32 s1, $0x4  }
0x9: {  	s1 =	ssub.s32 $0x2, s1;
	s9 =	sor.u32 s11, s9;
	s10 =	sshrl.u32 s7, $0x3  }
0xa: {  	s20 =	sshrl.u32 s1, $0x1;
	s11 =	smul.u32 $0x50000, s11;
	s7 =	sadd.s32 s7, s8  }
0xb: {  	s18 =	smul.u32 $0x5000, s9;
	s19 =	sadd.s32 s10, s0;
	s1 =	ssub.s32 s1, s20  }
0xc: {  	s20 =	simm.s32 $0x2800;
	s7 =	sshrl.u32 s7, $0x3;
	s24 =	sshrl.u32 s11, $0x2  }
0xd: {  	s25 =	sadd.s32 $0xC800, s19;
	s26 =	smax.u32 s1, $0x1;
	s1 =	simm.s32 $0x5  }
0xe: {  	s19 =	simm.s32 $0x7;
	s0 =	sadd.s32 s7, s0;
	[dreg:$0x9] =	wrdreg s25  }
0xf: {  	s21 =	sshrl.u32 s18, $0x3;
	s8 =	sor.u32 $0x400, s18;
	[dreg:$0xb] =	wrdreg s26  }
0x10: {  	s18 =	simm.s32 $0x800;
	s12 =	sadd.s32 s5, s21;
	[dreg:$0x3] =	wrdreg s8  }
0x11: {  	s26 =	simm.s32 $0x600;
	s10 =	sadd.s32 s6, s21;
	[dreg:$0x4] =	wrdreg s12  }
0x12: {  	s22 =	sor.u32 $0x40, s21;
	s0 =	sadd.s32 $0xAD000, s0;
	[dreg:$0x5] =	wrdreg s10  }
0x13: {  	s25 =	simm.s32 $0x0;
	s23 =	sadd.s32 s5, s22;
	[dreg:$0xa] =	wrdreg s0  }
0x14: {  	s21 =	simm.s32 $0x8;
	s7 =	sadd.s32 s6, s22;
	[dreg:$0x6] =	wrdreg s23  }
0x15: {  	s22 =	simm.s32 $0x4800;
	[dreg:$0x7] =	wrdreg s7;
	s7 =	sadd.s32 s24, s2  }
0x16: {  	s0 =	simm.s32 $0x9;
	s24 =	simm.s32 $0x6800;
	[dreg:$0x8] =	wrdreg s7  }
.LBB2_1:
0x17: {  	s7 =	rddreg [dreg:$0x4]  }
0x18: {  	[tilespmem:s3], [sflag:$0xA] =	stream.linear.gather [hbm4b:s7+s3], $0x200, $0x38;
	[tilespmem:$0x1C800] =	vst v63  }
0x19: {  	_ =	swait.ge [sflag:s15], $0x200  }
0x1a: {  	[sflag:s15] =	ssyncset.done $0x0  }
0x1b: {  	s8 =	simm.s32 $0x400;
	s10 =	rddreg [dreg:$0x5];
	[sflag:s15] =	ssyncadd.s32 $0xFFFFFE00  }
0x1c: {  	[tilespmem:s8], [sflag:$0xA] =	stream.linear.gather [hbm4b:s10+s3], $0x200, $0x38;
	[tilespmem:$0x1C800] =	vst v63  }
0x1d: {  	_ =	swait.ge [sflag:s15], $0x200  }
0x1e: {  	[sflag:s15] =	ssyncset.done $0x0  }
0x1f: {  	[sflag:s15] =	ssyncadd.s32 $0xFFFFFE00  }
0x20: {  	[tilespmem:s18], [sflag:$0x1] =	stream.indirect.gather [hbm4b:s4+s17], $0x80, s3, s17, $0xb8;
	[tilespmem:$0x1C800] =	vst v63  }
0x21: {  	s11 =	simm.s32 $0x80  }
0x22: {  	[tilespmem:s20], [sflag:$0x2] =	stream.indirect.gather [hbm4b:s4+s17], $0x80, s11, s17, $0xb8;
	[tilespmem:$0x1C800] =	vst v63  }
0x23: {  	s12 =	simm.s32 $0x100;
	s14 =	rddreg [dreg:$0x6]  }
0x24: {  	[tilespmem:s22], [sflag:$0x3] =	stream.indirect.gather [hbm4b:s4+s17], $0x80, s12, s17, $0xb8;
	[tilespmem:$0x1C800] =	vst v63  }
0x25: {  	s13 =	simm.s32 $0x180;
	s10 =	stileid.u32;
	s9 =	rddreg [dreg:$0x7]  }
0x26: {  	[tilespmem:s24], [sflag:$0x4] =	stream.indirect.gather [hbm4b:s4+s17], $0x80, s13, s17, $0xb8;
	[tilespmem:$0x1C800] =	vst v63  }
0x27: {  	s23 =	simm.s32 $0x200;
	s7 =	sshll.u32 s10, $0x6;
	s11 =	rddreg [dreg:$0x8]  }
0x28: {  	[tilespmem:s23], [sflag:$0x9] =	stream.linear.gather [hbm4b:s14+s3], $0x200, $0x38;
	[tilespmem:$0x1C800] =	vst v63  }
0x29: {  	s12 =	rddreg [dreg:$0x9];
	s23 =	sor.u32 $0x1C0A, s7;
	s7 =	sshrl.u32 s11, $0x3  }
0x2a: {  	[tilespmem:s26], [sflag:$0x9] =	stream.linear.gather [hbm4b:s9+s3], $0x200, $0x38;
	[tilespmem:$0x1C800] =	vst v63  }
0x2b: {  	[spmem:s7], [sflag:s23] =	dma.local [hbm:s12], $0x2800  }
0x2c: {  	_ =	swait.ge [sflag:s15], $0x2800  }
0x2d: {  	[sflag:s15] =	ssyncset.done $0x0  }
0x2e: {  	[sflag:s15] =	ssyncadd.s32 $0xFFFFD800  }
0x2f: {  	[bflag:$0x0] =	sbarrier.arrive $0xFFFF  }
0x30: {  	_ =	swait.ge [sflag:s28], $0x2000  }
0x31: {  	s8 =	sand.u32 $0x200, s3;
	[sflag:s28] =	ssyncset.done $0x0  }
0x32: {  	s9 =	sor.u32 $0x400, s8;
	[sflag:s28] =	ssyncadd.s32 $0xFFFFE000  }
0x33: {  	[spmem:s2] =	stream.indirect.scatter.add.f32 [tilespmem:s18], [sflag:$0x5], $0x80, s9, s17, $0xb8;
	[tilespmem:$0x1C800] =	vst v63  }
0x34: {  	_ =	swait.ge [sflag:s29], $0x2000  }
0x35: {  	[sflag:s29] =	ssyncset.done $0x0  }
0x36: {  	s10 =	sor.u32 $0x480, s8;
	[sflag:s29] =	ssyncadd.s32 $0xFFFFE000  }
0x37: {  	[spmem:s2] =	stream.indirect.scatter.add.f32 [tilespmem:s20], [sflag:$0x6], $0x80, s10, s17, $0xb8;
	[tilespmem:$0x1C800] =	vst v63  }
0x38: {  	_ =	swait.ge [sflag:s30], $0x2000  }
0x39: {  	[sflag:s30] =	ssyncset.done $0x0  }
0x3a: {  	s13 =	sor.u32 $0x500, s8;
	[sflag:s30] =	ssyncadd.s32 $0xFFFFE000  }
0x3b: {  	[spmem:s2] =	stream.indirect.scatter.add.f32 [tilespmem:s22], [sflag:$0x7], $0x80, s13, s17, $0xb8;
	[tilespmem:$0x1C800] =	vst v63  }
0x3c: {  	_ =	swait.ge [sflag:s31], $0x2000  }
0x3d: {  	[sflag:s31] =	ssyncset.done $0x0  }
0x3e: {  	s14 =	sor.u32 $0x580, s8;
	[sflag:s31] =	ssyncadd.s32 $0xFFFFE000  }
0x3f: {  	[spmem:s2] =	stream.indirect.scatter.add.f32 [tilespmem:s24], [sflag:$0x8], $0x80, s14, s17, $0xb8;
	[tilespmem:$0x1C800] =	vst v63  }
0x40: {  	_ =	swait.ge [sflag:s0], $0x200  }
0x41: {  	[sflag:s0] =	ssyncset.done $0x0  }
0x42: {  	[sflag:s0] =	ssyncadd.s32 $0xFFFFFE00  }
0x43: {  	_ =	swait.ge [sflag:s0], $0x200  }
0x44: {  	[sflag:s0] =	ssyncset.done $0x0  }
0x45: {  	[sflag:s0] =	ssyncadd.s32 $0xFFFFFE00  }
0x46: {  	_ =	swait.ge [sflag:s1], $0x2000  }
0x47: {  	[sflag:s1] =	ssyncset.done $0x0  }
0x48: {  	s11 =	sxor.u32 $0x200, s8;
	[sflag:s1] =	ssyncadd.s32 $0xFFFFE000  }
0x49: {  	[tilespmem:s18], [sflag:$0x1] =	stream.indirect.gather [hbm4b:s4+s17], $0x80, s11, s17, $0xb8;
	[tilespmem:$0x1C800] =	vst v63  }
0x4a: {  	_ =	swait.ge [sflag:s16], $0x2000  }
0x4b: {  	[sflag:s16] =	ssyncset.done $0x0  }
0x4c: {  	s12 =	sxor.u32 $0x280, s8;
	[sflag:s16] =	ssyncadd.s32 $0xFFFFE000  }
0x4d: {  	[tilespmem:s20], [sflag:$0x2] =	stream.indirect.gather [hbm4b:s4+s17], $0x80, s12, s17, $0xb8;
	[tilespmem:$0x1C800] =	vst v63  }
0x4e: {  	_ =	swait.ge [sflag:s19], $0x2000  }
0x4f: {  	[sflag:s19] =	ssyncset.done $0x0  }
0x50: {  	s13 =	sxor.u32 $0x300, s8;
	[sflag:s19] =	ssyncadd.s32 $0xFFFFE000  }
0x51: {  	[tilespmem:s22], [sflag:$0x3] =	stream.indirect.gather [hbm4b:s4+s17], $0x80, s13, s17, $0xb8;
	[tilespmem:$0x1C800] =	vst v63  }
0x52: {  	s10 =	simm.s32 $0x1;
	s11 =	smin.u32 s3, $0x25;
	_ =	swait.ge [sflag:s21], $0x2000  }
0x53: {  	s14 =	sxor.u32 $0x380, s8;
	s12 =	sshll.u32 s11, $0x9;
	[sflag:s21] =	ssyncset.done $0x0  }
0x54: {  	s11 =	simm.s32 $0x0;
	s13 =	rddreg [dreg:$0x3];
	[sflag:s21] =	ssyncadd.s32 $0xFFFFE000  }
0x55: {  	[tilespmem:s24], [sflag:$0x4] =	stream.indirect.gather [hbm4b:s4+s17], $0x80, s14, s17, $0xb8;
	[tilespmem:$0x1C800] =	vst v63  }
.LBB2_2:
0x56: {  	s12 =	sadd.s32 s12, s13  }
0x57: {  	s13 =	sshrl.u32 s12, $0x3  }
0x58: {  	s14 =	sadd.s32 s5, s13  }
0x59: {  	[tilespmem:s8], [sflag:$0x9] =	stream.linear.gather [hbm4b:s14+s3], $0x200, $0x38;
	[tilespmem:$0x1C800] =	vst v63  }
0x5a: {  	s13 =	sadd.s32 s6, s13  }
0x5b: {  	[tilespmem:s9], [sflag:$0x9] =	stream.linear.gather [hbm4b:s13+s3], $0x200, $0x38;
	[tilespmem:$0x1C800] =	vst v63  }
0x5c: {  	s11 =	sadd.s32 $0x200, s11;
	_ =	swait.ge [sflag:s28], $0x2000  }
0x5d: {  	s8 =	sand.u32 $0x200, s11;
	[sflag:s28] =	ssyncset.done $0x0  }
0x5e: {  	s9 =	sor.u32 $0x400, s8;
	[sflag:s28] =	ssyncadd.s32 $0xFFFFE000  }
0x5f: {  	[spmem:s2] =	stream.indirect.scatter.add.f32 [tilespmem:s18], [sflag:$0x5], $0x80, s9, s17, $0xb8;
	[tilespmem:$0x1C800] =	vst v63  }
0x60: {  	_ =	swait.ge [sflag:s29], $0x2000  }
0x61: {  	[sflag:s29] =	ssyncset.done $0x0  }
0x62: {  	s14 =	sor.u32 $0x480, s8;
	[sflag:s29] =	ssyncadd.s32 $0xFFFFE000  }
0x63: {  	[spmem:s2] =	stream.indirect.scatter.add.f32 [tilespmem:s20], [sflag:$0x6], $0x80, s14, s17, $0xb8;
	[tilespmem:$0x1C800] =	vst v63  }
0x64: {  	_ =	swait.ge [sflag:s30], $0x2000  }
0x65: {  	[sflag:s30] =	ssyncset.done $0x0  }
0x66: {  	s14 =	sor.u32 $0x500, s8;
	[sflag:s30] =	ssyncadd.s32 $0xFFFFE000  }
0x67: {  	[spmem:s2] =	stream.indirect.scatter.add.f32 [tilespmem:s22], [sflag:$0x7], $0x80, s14, s17, $0xb8;
	[tilespmem:$0x1C800] =	vst v63  }
0x68: {  	_ =	swait.ge [sflag:s31], $0x2000  }
0x69: {  	[sflag:s31] =	ssyncset.done $0x0  }
0x6a: {  	s14 =	sor.u32 $0x580, s8;
	[sflag:s31] =	ssyncadd.s32 $0xFFFFE000  }
0x6b: {  	[spmem:s2] =	stream.indirect.scatter.add.f32 [tilespmem:s24], [sflag:$0x8], $0x80, s14, s17, $0xb8;
	[tilespmem:$0x1C800] =	vst v63  }
0x6c: {  	_ =	swait.ge [sflag:s0], $0x200  }
0x6d: {  	[sflag:s0] =	ssyncset.done $0x0  }
0x6e: {  	[sflag:s0] =	ssyncadd.s32 $0xFFFFFE00  }
0x6f: {  	_ =	swait.ge [sflag:s0], $0x200  }
0x70: {  	[sflag:s0] =	ssyncset.done $0x0  }
0x71: {  	[sflag:s0] =	ssyncadd.s32 $0xFFFFFE00  }
0x72: {  	_ =	swait.ge [sflag:s1], $0x2000  }
0x73: {  	[sflag:s1] =	ssyncset.done $0x0  }
0x74: {  	s14 =	sxor.u32 $0x200, s8;
	[sflag:s1] =	ssyncadd.s32 $0xFFFFE000  }
0x75: {  	[tilespmem:s18], [sflag:$0x1] =	stream.indirect.gather [hbm4b:s4+s17], $0x80, s14, s17, $0xb8;
	[tilespmem:$0x1C800] =	vst v63  }
0x76: {  	_ =	swait.ge [sflag:s16], $0x2000  }
0x77: {  	[sflag:s16] =	ssyncset.done $0x0  }
0x78: {  	s14 =	sxor.u32 $0x280, s8;
	[sflag:s16] =	ssyncadd.s32 $0xFFFFE000  }
0x79: {  	[tilespmem:s20], [sflag:$0x2] =	stream.indirect.gather [hbm4b:s4+s17], $0x80, s14, s17, $0xb8;
	[tilespmem:$0x1C800] =	vst v63  }
0x7a: {  	_ =	swait.ge [sflag:s19], $0x2000  }
0x7b: {  	[sflag:s19] =	ssyncset.done $0x0  }
0x7c: {  	p0 =	sne.s32 s10, $0x26;
	s14 =	sxor.u32 $0x300, s8;
	[sflag:s19] =	ssyncadd.s32 $0xFFFFE000  }
0x7d: {  	[tilespmem:s22], [sflag:$0x3] =	stream.indirect.gather [hbm4b:s4+s17], $0x80, s14, s17, $0xb8;
	[tilespmem:$0x1C800] =	vst v63  }
.Ltmp0:
0x7e: {  	s12 =	smov.u32 s10;
	(pc) =	sbr.rel @p0 .LBB2_2-.Ltmp0, $4  }
0x7f: {  	s12 =	smin.u32 s12, $0x25;
	_ =	swait.ge [sflag:s21], $0x2000  }
0x80: {  	s10 =	sadd.s32 $0x1, s10;
	s12 =	sshll.u32 s12, $0x9;
	[sflag:s21] =	ssyncset.done $0x0  }
0x81: {  	s14 =	sxor.u32 $0x380, s8;
	s13 =	rddreg [dreg:$0x3];
	[sflag:s21] =	ssyncadd.s32 $0xFFFFE000  }
0x82: {  	[tilespmem:s24], [sflag:$0x4] =	stream.indirect.gather [hbm4b:s4+s17], $0x80, s14, s17, $0xb8;
	[tilespmem:$0x1C800] =	vst v63  }
0x83: {  	s10 =	sadd.s32 s12, s13  }
0x84: {  	s10 =	sshrl.u32 s10, $0x3  }
0x85: {  	s11 =	sadd.s32 s5, s10  }
0x86: {  	[tilespmem:s8], [sflag:$0x9] =	stream.linear.gather [hbm4b:s11+s3], $0x200, $0x38;
	[tilespmem:$0x1C800] =	vst v63  }
0x87: {  	s10 =	sadd.s32 s6, s10  }
0x88: {  	[tilespmem:s9], [sflag:$0x9] =	stream.linear.gather [hbm4b:s10+s3], $0x200, $0x38;
	[tilespmem:$0x1C800] =	vst v63  }
0x89: {  	_ =	swait.ge [sflag:s28], $0x2000  }
0x8a: {  	[sflag:s28] =	ssyncset.done $0x0  }
0x8b: {  	[sflag:s28] =	ssyncadd.s32 $0xFFFFE000  }
0x8c: {  	[spmem:s2] =	stream.indirect.scatter.add.f32 [tilespmem:s18], [sflag:$0x5], $0x80, s26, s17, $0xb8;
	[tilespmem:$0x1C800] =	vst v63  }
0x8d: {  	_ =	swait.ge [sflag:s29], $0x2000  }
0x8e: {  	[sflag:s29] =	ssyncset.done $0x0  }
0x8f: {  	s11 =	simm.s32 $0x680;
	[sflag:s29] =	ssyncadd.s32 $0xFFFFE000  }
0x90: {  	[spmem:s2] =	stream.indirect.scatter.add.f32 [tilespmem:s20], [sflag:$0x6], $0x80, s11, s17, $0xb8;
	[tilespmem:$0x1C800] =	vst v63  }
0x91: {  	_ =	swait.ge [sflag:s30], $0x2000  }
0x92: {  	[sflag:s30] =	ssyncset.done $0x0  }
0x93: {  	s12 =	simm.s32 $0x700;
	[sflag:s30] =	ssyncadd.s32 $0xFFFFE000  }
0x94: {  	[spmem:s2] =	stream.indirect.scatter.add.f32 [tilespmem:s22], [sflag:$0x7], $0x80, s12, s17, $0xb8;
	[tilespmem:$0x1C800] =	vst v63  }
0x95: {  	_ =	swait.ge [sflag:s31], $0x2000  }
0x96: {  	[sflag:s31] =	ssyncset.done $0x0  }
0x97: {  	s13 =	simm.s32 $0x780;
	[sflag:s31] =	ssyncadd.s32 $0xFFFFE000  }
0x98: {  	[spmem:s2] =	stream.indirect.scatter.add.f32 [tilespmem:s24], [sflag:$0x8], $0x80, s13, s17, $0xb8;
	[tilespmem:$0x1C800] =	vst v63  }
0x99: {  	_ =	swait.ge [sflag:s0], $0x200  }
0x9a: {  	[sflag:s0] =	ssyncset.done $0x0  }
0x9b: {  	[sflag:s0] =	ssyncadd.s32 $0xFFFFFE00  }
0x9c: {  	_ =	swait.ge [sflag:s0], $0x200  }
0x9d: {  	[sflag:s0] =	ssyncset.done $0x0  }
0x9e: {  	[sflag:s0] =	ssyncadd.s32 $0xFFFFFE00  }
0x9f: {  	_ =	swait.ge [sflag:s1], $0x2000  }
0xa0: {  	[sflag:s1] =	ssyncset.done $0x0  }
0xa1: {  	[sflag:s1] =	ssyncadd.s32 $0xFFFFE000  }
0xa2: {  	_ =	swait.ge [sflag:s16], $0x2000  }
0xa3: {  	[sflag:s16] =	ssyncset.done $0x0  }
0xa4: {  	[sflag:s16] =	ssyncadd.s32 $0xFFFFE000  }
0xa5: {  	_ =	swait.ge [sflag:s19], $0x2000  }
0xa6: {  	[sflag:s19] =	ssyncset.done $0x0  }
0xa7: {  	[sflag:s19] =	ssyncadd.s32 $0xFFFFE000  }
0xa8: {  	_ =	swait.ge [sflag:s21], $0x2000  }
0xa9: {  	[sflag:s21] =	ssyncset.done $0x0  }
0xaa: {  	[sflag:s21] =	ssyncadd.s32 $0xFFFFE000  }
0xab: {  	[bflag:$0x0] =	sbarrier.arrive $0xFFFF  }
0xac: {  	s14 =	rddreg [dreg:$0xa]  }
0xad: {  	[hbm:s14], [sflag:s23] =	dma.local [spmem:s7], $0x2800  }
0xae: {  	_ =	swait.ge [sflag:s15], $0x2800  }
0xaf: {  	s25 =	sadd.s32 $0x1, s25;
	s23 =	rddreg [dreg:$0xb]  }
0xb0: {  	p0 =	sne.s32 s25, s23  }
.Ltmp1:
0xb1: {  	_ = 	snop;
	(pc) =	sbr.rel @p0 .LBB2_1-.Ltmp1, $3  }
0xb2: {  	_ =	sdelay $0x1  }
0xb3: {  	[sflag:s15] =	ssyncset.done $0x0  }
0xb4: {  	[sflag:s15] =	ssyncadd.s32 $0xFFFFD800  }
0xb5: {  	_ =	sfence.sel $0x180000  }
0xb6: {  	[bflag:$0x0] =	sbarrier.arrive $0xFFFF  }
0xb7: {  	_ =	strace $0x9000004A  }
0xb8: {  	s0 =	stileid.u32;
	[bflag:$0x2] =	sbarrier.arrive $0xFFFF  }
0xb9: {  	p0 =	sne.s32 s0, $0x0;
	s0 =	rddreg [dreg:$0x2]  }
0xba: {  	s0 =	sadd.s32 @!p0 $0x100000, s0  }
0xbb: {  	[sflag:s0] =	ssyncadd.tile.s32 @!p0 $0x1;
	_ =	shalt  }
.Lfunc_end2:
_tile_overlayer_lowered:
.L_overlay_start_2:
0xbc: {  	(tag) =	ssettag $0x2  }
0xbd: {  	s0 =	rddreg [dreg:$0x0];
	s2 =	stileid.u32  }
0xbe: {  	s1 =	rddreg [dreg:$0x1];
	p0 =	sne.s32 s2, $0x0  }
0xbf: {  	s3 =	rddreg [dreg:$0x2];
	[bflag:$0x3] =	sbarrier.arrive $0xFFFF;
	s2 =	simm.s32 @!p0 $0x1C0A  }
0xc0: {  	[timem:s3], [sflag:s2] =	dma.local @!p0 [hbm:s0], s1  }
0xc1: {  	s0 =	simm.s32 @!p0 $0xA  }
0xc2: {  	_ =	swait.ge @!p0 [sflag:s0], s1  }
0xc3: {  	s1 =	ssub.s32 @!p0 $0x0, s1;
	[sflag:s0] =	ssyncset.done @!p0 $0x0  }
0xc4: {  	[sflag:s0] =	ssyncadd.s32 @!p0 s1  }
0xc5: {  	[bflag:$0x3] =	sbarrier.arrive $0xFFFF  }
0xc6: {  	_ =	shalt  }

// kernel: kernel.15.cloned.1.call-start
scs
__scs_entry_jumppad:
0x0: {  	(pc) =	sbr.rel $0x88, $3  }
0x1: {  	(tag) =	ssettag $0x0;
	lr =	simm.s32 $0x1  }
0x2: {  	[smem:$0x3F96] =	sst lr;
	_ =	strace $0xD0000000  }
0x3: {  	_ = 	snop  }
0x4: {  	_ = 	snop  }
0x5: {  	_ = 	snop  }
0x6: {  	_ = 	snop  }
0x7: {  	_ = 	snop  }
__scs_overlays_trampoline_lowered:
0x8: {  	[smem:$0x3FA5] =	sst s0  }
0x9: {  	[smem:$0x3FA6] =	sst s1  }
0xa: {  	[smem:$0x3FA7] =	sst s2  }
0xb: {  	[smem:$0x3FA8] =	sst s3  }
0xc: {  	[smem:$0x3FA9] =	sst s4  }
0xd: {  	[smem:$0x3FAA] =	sst s5  }
0xe: {  	[smem:$0x3FAB] =	sst s6  }
0xf: {  	[smem:$0x3FAC] =	sst s7  }
0x10: {  	[smem:$0x3FAD] =	sst s8  }
0x11: {  	[smem:$0x3FAE] =	sst s9;
	s0 =	simm.s32 @!p0 $0x0  }
0x12: {  	s1 =	sld [smem:$0x3F94];
	s0 =	simm.s32 @p0 $0x1  }
0x13: {  	[smem:$0x3FAF] =	sst s0;
	s0 =	simm.s32 @!p1 $0x0  }
0x14: {  	s2 =	sld [smem:$0x3F93];
	s0 =	simm.s32 @p1 $0x1  }
0x15: {  	[smem:$0x3FB0] =	sst s0;
	s0 =	simm.s32 @!p2 $0x0  }
0x16: {  	s3 =	sld [smem:$0x3FDB];
	s0 =	simm.s32 @p2 $0x1  }
0x17: {  	s4 =	simm.s32 $0x1BF5;
	[smem:$0x3FB2] =	sst s0  }
0x18: {  	s0 =	sld [smem:$0x3F95];
	_ =	swait.ge [sflag:s4], $0x0  }
0x19: {  	s7 =	sld [smem:$0x3F96]  }
0x1a: {  	s8 =	sadd.s32 $0xFFFFE003, lr  }
0x1b: {  	s9 =	sadd.s32 $0xFFFFFEF7, lr;
	s5 =	simm.s32 $0xFFFFFFFF;
	p2 =	slt.u32 s8, $0xFFFFF086  }
0x1c: {  	p1 =	slt.u32 s9, $0xF7A;
	s5 =	simm.s32 @!p2 $0x0  }
0x1d: {  	s5 =	simm.s32 @p1 $0x1;
	p0 =	seq.s32 s7, s2  }
0x1e: {  	s7 =	smul.u32 @!p0 $0xF7A, s2;
	p2 =	seq.s32 @!p0 s5, $0x0  }
0x1f: {  	s9 =	smul.u32 $0xF7A, s1;
	s8 =	simm.s32 @!p0 $0x1BF5;
	p2 =	por !p2, p0  }
0x20: {  	[sflag:s8] =	ssyncset.s32 @!p0 $0xFFFFF086;
	s6 =	sadd.s32 @!p0 s3, s7;
	s7 =	simm.s32 @!p0 $0x108  }
0x21: {  	s3 =	sadd.s32 s3, s9;
	s6 =	sadd.s32 @!p0 $0x88, s6;
	s7 =	simm.s32 @p2 $0x1082  }
0x22: {  	[simem:s7], [sflag:s8] =	dma.local @!p0 [hbm:s6], $0xF7A  }
0x23: {  	s9 =	sor.u32 $0xD0000000, s2;
	s6 =	simm.s32 $0x108;
	_ =	swait.ge @!p0 [sflag:s8], $0x0  }
0x24: {  	s3 =	sadd.s32 $0x88, s3;
	s6 =	simm.s32 @!p1 $0x1082;
	[sflag:s4] =	ssyncset.s32 $0xFFFFF086  }
0x25: {  	[simem:s6], [sflag:s4] =	dma.local [hbm:s3], $0xF7A  }
0x26: {  	[smem:$0x3F96] =	sst s1;
	(tag) =	ssettag s2;
	_ =	strace s9  }
0x27: {  	s1 =	sld [smem:$0x3FA6]  }
0x28: {  	s2 =	sld [smem:$0x3FA7]  }
0x29: {  	s4 =	sld [smem:$0x3FA9]  }
0x2a: {  	p0 =	seq.s32 s5, $0x0;
	s5 =	sld [smem:$0x3FAA]  }
0x2b: {  	s6 =	sld [smem:$0x3FAB]  }
0x2c: {  	s7 =	sld [smem:$0x3FAC]  }
0x2d: {  	s3 =	simm.s32 $0x108;
	s8 =	sld [smem:$0x3FAD]  }
0x2e: {  	s3 =	simm.s32 @!p0 $0x1082;
	s9 =	sld [smem:$0x3FAE]  }
0x2f: {  	lr =	sadd.s32 s0, s3;
	s0 =	sld [smem:$0x3FA5]  }
0x30: {  	s3 =	sld [smem:$0x3FA8]  }
0x31: {  	[smem:$0x3FB1] =	sst s10  }
0x32: {  	s10 =	sld [smem:$0x3FAF];
	_ =	sdelay $0x3  }
0x33: {  	p0 =	seq.s32 s10, $0x1;
	s10 =	sld [smem:$0x3FB1];
	_ =	sdelay $0x3  }
0x34: {  	[smem:$0x3FB1] =	sst s10  }
0x35: {  	s10 =	sld [smem:$0x3FB0];
	_ =	sdelay $0x3  }
0x36: {  	p1 =	seq.s32 s10, $0x1;
	s10 =	sld [smem:$0x3FB1];
	_ =	sdelay $0x3  }
0x37: {  	[smem:$0x3FB1] =	sst s10  }
0x38: {  	s10 =	sld [smem:$0x3FB2]  }
0x39: {  	_ = 	snop;
	(pc) =	sbr.ind lr, $3  }
0x3a: {  	_ = 	snop  }
0x3b: {  	_ = 	snop  }
0x3c: {  	p2 =	seq.s32 s10, $0x1;
	s10 =	sld [smem:$0x3FB1]  }
0x3d: {  	_ =	shalt  }
0x3e: {  	_ =	shalt  }
0x3f: {  	_ =	shalt  }
0x40: {  	_ =	shalt  }
0x41: {  	_ =	shalt  }
0x42: {  	_ =	shalt  }
0x43: {  	_ =	shalt  }
0x44: {  	_ =	shalt  }
0x45: {  	_ =	shalt  }
0x46: {  	_ =	shalt  }
0x47: {  	_ =	shalt  }
0x48: {  	_ =	shalt  }
0x49: {  	_ =	shalt  }
0x4a: {  	_ =	shalt  }
0x4b: {  	_ =	shalt  }
0x4c: {  	_ =	shalt  }
0x4d: {  	_ =	shalt  }
0x4e: {  	_ =	shalt  }
0x4f: {  	_ =	shalt  }
0x50: {  	_ =	shalt  }
0x51: {  	_ =	shalt  }
0x52: {  	_ =	shalt  }
0x53: {  	_ =	shalt  }
0x54: {  	_ =	shalt  }
0x55: {  	_ =	shalt  }
0x56: {  	_ =	shalt  }
0x57: {  	_ =	shalt  }
0x58: {  	_ =	shalt  }
0x59: {  	_ =	shalt  }
0x5a: {  	_ =	shalt  }
0x5b: {  	_ =	shalt  }
0x5c: {  	_ =	shalt  }
0x5d: {  	_ =	shalt  }
0x5e: {  	_ =	shalt  }
0x5f: {  	_ =	shalt  }
0x60: {  	_ =	shalt  }
0x61: {  	_ =	shalt  }
0x62: {  	_ =	shalt  }
0x63: {  	_ =	shalt  }
0x64: {  	_ =	shalt  }
0x65: {  	_ =	shalt  }
0x66: {  	_ =	shalt  }
0x67: {  	_ =	shalt  }
0x68: {  	_ =	shalt  }
0x69: {  	_ =	shalt  }
0x6a: {  	_ =	shalt  }
0x6b: {  	_ =	shalt  }
0x6c: {  	_ =	shalt  }
0x6d: {  	_ =	shalt  }
0x6e: {  	_ =	shalt  }
0x6f: {  	_ =	shalt  }
0x70: {  	_ =	shalt  }
0x71: {  	_ =	shalt  }
0x72: {  	_ =	shalt  }
0x73: {  	_ =	shalt  }
0x74: {  	_ =	shalt  }
0x75: {  	_ =	shalt  }
0x76: {  	_ =	shalt  }
0x77: {  	_ =	shalt  }
0x78: {  	_ =	shalt  }
0x79: {  	_ =	shalt  }
0x7a: {  	_ =	shalt  }
0x7b: {  	_ =	shalt  }
0x7c: {  	_ =	shalt  }
0x7d: {  	_ =	shalt  }
0x7e: {  	_ =	shalt  }
0x7f: {  	_ =	shalt  }
0x80: {  	_ =	shalt  }
0x81: {  	_ =	shalt  }
0x82: {  	_ =	shalt  }
0x83: {  	_ =	shalt  }
0x84: {  	_ =	shalt  }
0x85: {  	_ =	shalt  }
0x86: {  	_ =	shalt  }
0x87: {  	_ =	shalt  }
.Lfunc_end0:
.L_simem_size_0:
called_computation.2_lowered:
.L_overlay_start_0:
0x88: {  	s2 =	sld [smem:$0x3FD9]  }
0x89: {  	s3 =	sld [smem:$0x3FFE];
	_ =	sdelay $0x1  }
0x8a: {  	s1 =	srdreg.scid  }
0x8b: {  	s0 =	sand.u32 $0x1, s1  }
0x8c: {  	s16 =	sshll.u32 s0, $0xA;
	s2 =	sadd.s32 s3, s2  }
0x8d: {  	s2 =	sadd.s32 s2, s16  }
0x8e: {  	[smem:$0x3FBD] =	sst s2  }
0x8f: {  	_ = 	snop  }
0x90: {  	(tm) =	ssettm $0x1  }
0x91: {  	s17 =	sld [smem:$0x3FFB];
	_ =	sdelay $0x3  }
0x92: {  	_ =	strace s17  }
0x93: {  	s2 =	sld [smem:$0x3FFC];
	_ =	sdelay $0x3  }
0x94: {  	_ =	strace s2  }
0x95: {  	s2 =	sld [smem:$0x3FFD];
	_ =	sdelay $0x3  }
0x96: {  	_ =	strace s2  }
0x97: {  	_ =	strace $0x8FFFFFFF  }
0x98: {  	s18 =	sld [smem:$0x3FDB];
	_ =	sdelay $0x1  }
0x99: {  	s19 =	simm.s32 $_scs_section_size  }
0x9a: {  	s4 =	simm.s32 $_size__tile_overlayer_lowered;
	s5 =	simm.s32 $_tile_overlayer_lowered  }
0x9b: {  	s22 =	simm.s32 $0x1BFF;
	s21 =	sshll.u32 s5, $0x1;
	s2 =	sadd.s32 s19, s18  }
0x9c: {  	s6 =	simm.s32 $0x0;
	s20 =	sshll.u32 s4, $0x1;
	s4 =	sadd.s32 s21, s2  }
0x9d: {  	[timem:s6], [sflag:s22] =	dma.local [hbm:s4], s20  }
0x9e: {  	_ =	swait.ge [sflag:s22], s20  }
0x9f: {  	s3 =	ssub.s32 $0x0, s20;
	[sflag:s22] =	ssyncset.done $0x0  }
0xa0: {  	[sflag:s22] =	ssyncadd.s32 s3;
	_ =	sdelay $0x1  }
0xa1: {  	s23 =	simm.s32 $0x1B8B  }
0xa2: {  	_ =	swait.ge [sflag:s23], $0x1  }
0xa3: {  	[sflag:s23] =	ssyncset.done $0x0  }
0xa4: {  	s25 =	simm.s32 $0x1B8E;
	s24 =	sld [smem:$0x3FFE];
	[sflag:s23] =	ssyncadd.s32 $0xFFFFFFFF  }
0xa5: {  	s26 =	simm.s32 $execute0_lowered;
	[smem:$0x3FD2] =	sst s25  }
0xa6: {  	s4 =	sshll.u32 s26, $0x1;
	_ =	strace $0x8000004C;
	[dreg:$0x1] =	wrdreg $0xFFFFFFFF  }
0xa7: {  	s28 =	simm.s32 $_size_execute0_lowered;
	s2 =	sadd.s32 s2, s4;
	[dreg:$0x0] =	wrdreg $0x0  }
0xa8: {  	s4 =	sshll.u32 s28, $0x1;
	[dreg:$0x2] =	wrdreg s2  }
0xa9: {  	[dreg:$0x3] =	wrdreg s4  }
0xaa: {  	[dreg:$0x4] =	wrdreg $0xC0  }
0xab: {  	_ =	task [dreg:s6], $0x5FFFF  }
0xac: {  	[dreg:$0x1] =	wrdreg $0xFFFFFFFF  }
0xad: {  	[dreg:$0x0] =	wrdreg $0x60  }
0xae: {  	[dreg:$0x2] =	wrdreg s24  }
0xaf: {  	[dreg:$0x3] =	wrdreg $0x88000  }
0xb0: {  	[dreg:$0x4] =	wrdreg $0x9  }
0xb1: {  	_ =	task.clear_ibuf [dreg:s6], $0x5FFFF;
	_ =	strace $0x9000004C  }
0xb2: {  	s29 =	simm.s32 $0x9;
	_ =	strace $0x8000004E  }
0xb3: {  	_ =	swait.ge [sflag:s29], $0x1  }
0xb4: {  	[sflag:s29] =	ssyncadd.s32 $0xFFFFFFFF  }
0xb5: {  	_ =	strace $0x9000004E  }
0xb6: {  	_ =	sfence  }
0xb7: {  	s30 =	sld [smem:$0x0];
	_ =	sdelay $0x2  }
0xb8: {  	s31 =	sshll.u32 s1, $0xD;
	s1 =	sshrl.u32 s1, $0x2  }
0xb9: {  	s3 =	sand.u32 $0x4000, s31;
	s1 =	sadd.s32 s1, s30  }
0xba: {  	s0 =	sor.u32 s3, s0;
	s1 =	sshll.u32 s1, $0x11  }
0xbb: {  	s0 =	sor.u32 s1, s0  }
0xbc: {  	s0 =	sadd.s32 $0x8F2B, s0  }
0xbd: {  	[sflag:s0] =	ssyncadd.remote.s32 $0x1  }
0xbe: {  	_ =	sfence.sel $0xFFFF  }
0xbf: {  	[dreg:$0x0] =	wrdreg $0xFFFFFFFF;
	(pc) =	sbr.abs _section_cstart, $3  }
0xc0: {  	[dreg:$0x1] =	wrdreg $0xFFFFFFFF  }
0xc1: {  	_ =	task.clear_ibuf [dreg:s6], $0x2FFFF;
	_ =	strace $0x9FFFFFFF  }
0xc2: {  	(tm) =	ssettm $0x7FFFFFFF  }
0xc3: {  	_ =	shalt  }
tec
execute0_lowered:
.L_overlay_start_1:
0x0: {  	(tag) =	ssettag $0x1  }
0x1: {  	s0 =	rddreg [dreg:$0x0]  }
0x2: {  	s2 =	rddreg [dreg:$0x1];
	s3 =	simm.s32 $0x0  }
0x3: {  	s11 =	stileid.u32;
	s1 =	srdreg.scid;
	s15 =	simm.s32 $0xA  }
0x4: {  	s17 =	simm.s32 $0x40;
	s28 =	simm.s32 $0x1;
	s29 =	simm.s32 $0x2  }
0x5: {  	s30 =	simm.s32 $0x3;
	s31 =	simm.s32 $0x4;
	s16 =	simm.s32 $0x6  }
0x6: {  	[smem:$0x7FF] =	sst s3;
	s7 =	smul.u32 $0x14000, s11;
	s1 =	sand.u32 $0x1, s1  }
0x7: {  	s4 =	sadd.s32 $0x34800, s0;
	s5 =	sadd.s32 $0x99000, s0;
	s6 =	sadd.s32 $0x85000, s0  }
0x8: {  	_ =	strace $0x8000004D;
	s8 =	smul.u32 $0x140000, s1;
	s9 =	sshll.u32 s1, $0x4  }
0x9: {  	s1 =	ssub.s32 $0x2, s1;
	s9 =	sor.u32 s11, s9;
	s10 =	sshrl.u32 s7, $0x3  }
0xa: {  	s20 =	sshrl.u32 s1, $0x1;
	s11 =	smul.u32 $0x50000, s11;
	s7 =	sadd.s32 s7, s8  }
0xb: {  	s18 =	smul.u32 $0x5000, s9;
	s19 =	sadd.s32 s10, s0;
	s1 =	ssub.s32 s1, s20  }
0xc: {  	s20 =	simm.s32 $0x2800;
	s7 =	sshrl.u32 s7, $0x3;
	s24 =	sshrl.u32 s11, $0x2  }
0xd: {  	s25 =	sadd.s32 $0xC800, s19;
	s26 =	smax.u32 s1, $0x1;
	s1 =	simm.s32 $0x5  }
0xe: {  	s19 =	simm.s32 $0x7;
	s0 =	sadd.s32 s7, s0;
	[dreg:$0x9] =	wrdreg s25  }
0xf: {  	s21 =	sshrl.u32 s18, $0x3;
	s8 =	sor.u32 $0x400, s18;
	[dreg:$0xb] =	wrdreg s26  }
0x10: {  	s18 =	simm.s32 $0x800;
	s12 =	sadd.s32 s5, s21;
	[dreg:$0x3] =	wrdreg s8  }
0x11: {  	s26 =	simm.s32 $0x600;
	s10 =	sadd.s32 s6, s21;
	[dreg:$0x4] =	wrdreg s12  }
0x12: {  	s22 =	sor.u32 $0x40, s21;
	s0 =	sadd.s32 $0xAD000, s0;
	[dreg:$0x5] =	wrdreg s10  }
0x13: {  	s25 =	simm.s32 $0x0;
	s23 =	sadd.s32 s5, s22;
	[dreg:$0xa] =	wrdreg s0  }
0x14: {  	s21 =	simm.s32 $0x8;
	s7 =	sadd.s32 s6, s22;
	[dreg:$0x6] =	wrdreg s23  }
0x15: {  	s22 =	simm.s32 $0x4800;
	[dreg:$0x7] =	wrdreg s7;
	s7 =	sadd.s32 s24, s2  }
0x16: {  	s0 =	simm.s32 $0x9;
	s24 =	simm.s32 $0x6800;
	[dreg:$0x8] =	wrdreg s7  }
.LBB2_1:
0x17: {  	s7 =	rddreg [dreg:$0x4]  }
0x18: {  	[tilespmem:s3], [sflag:$0xA] =	stream.linear.gather [hbm4b:s7+s3], $0x200, $0x38;
	[tilespmem:$0x1C800] =	vst v63  }
0x19: {  	_ =	swait.ge [sflag:s15], $0x200  }
0x1a: {  	[sflag:s15] =	ssyncset.done $0x0  }
0x1b: {  	s8 =	simm.s32 $0x400;
	s10 =	rddreg [dreg:$0x5];
	[sflag:s15] =	ssyncadd.s32 $0xFFFFFE00  }
0x1c: {  	[tilespmem:s8], [sflag:$0xA] =	stream.linear.gather [hbm4b:s10+s3], $0x200, $0x38;
	[tilespmem:$0x1C800] =	vst v63  }
0x1d: {  	_ =	swait.ge [sflag:s15], $0x200  }
0x1e: {  	[sflag:s15] =	ssyncset.done $0x0  }
0x1f: {  	[sflag:s15] =	ssyncadd.s32 $0xFFFFFE00  }
0x20: {  	[tilespmem:s18], [sflag:$0x1] =	stream.indirect.gather [hbm4b:s4+s17], $0x80, s3, s17, $0xb8;
	[tilespmem:$0x1C800] =	vst v63  }
0x21: {  	s11 =	simm.s32 $0x80  }
0x22: {  	[tilespmem:s20], [sflag:$0x2] =	stream.indirect.gather [hbm4b:s4+s17], $0x80, s11, s17, $0xb8;
	[tilespmem:$0x1C800] =	vst v63  }
0x23: {  	s12 =	simm.s32 $0x100;
	s14 =	rddreg [dreg:$0x6]  }
0x24: {  	[tilespmem:s22], [sflag:$0x3] =	stream.indirect.gather [hbm4b:s4+s17], $0x80, s12, s17, $0xb8;
	[tilespmem:$0x1C800] =	vst v63  }
0x25: {  	s13 =	simm.s32 $0x180;
	s10 =	stileid.u32;
	s9 =	rddreg [dreg:$0x7]  }
0x26: {  	[tilespmem:s24], [sflag:$0x4] =	stream.indirect.gather [hbm4b:s4+s17], $0x80, s13, s17, $0xb8;
	[tilespmem:$0x1C800] =	vst v63  }
0x27: {  	s23 =	simm.s32 $0x200;
	s7 =	sshll.u32 s10, $0x6;
	s11 =	rddreg [dreg:$0x8]  }
0x28: {  	[tilespmem:s23], [sflag:$0x9] =	stream.linear.gather [hbm4b:s14+s3], $0x200, $0x38;
	[tilespmem:$0x1C800] =	vst v63  }
0x29: {  	s12 =	rddreg [dreg:$0x9];
	s23 =	sor.u32 $0x1C0A, s7;
	s7 =	sshrl.u32 s11, $0x3  }
0x2a: {  	[tilespmem:s26], [sflag:$0x9] =	stream.linear.gather [hbm4b:s9+s3], $0x200, $0x38;
	[tilespmem:$0x1C800] =	vst v63  }
0x2b: {  	[spmem:s7], [sflag:s23] =	dma.local [hbm:s12], $0x2800  }
0x2c: {  	_ =	swait.ge [sflag:s15], $0x2800  }
0x2d: {  	[sflag:s15] =	ssyncset.done $0x0  }
0x2e: {  	[sflag:s15] =	ssyncadd.s32 $0xFFFFD800  }
0x2f: {  	[bflag:$0x0] =	sbarrier.arrive $0xFFFF  }
0x30: {  	_ =	swait.ge [sflag:s28], $0x2000  }
0x31: {  	s8 =	sand.u32 $0x200, s3;
	[sflag:s28] =	ssyncset.done $0x0  }
0x32: {  	s9 =	sor.u32 $0x400, s8;
	[sflag:s28] =	ssyncadd.s32 $0xFFFFE000  }
0x33: {  	[spmem:s2] =	stream.indirect.scatter.add.f32 [tilespmem:s18], [sflag:$0x5], $0x80, s9, s17, $0xb8;
	[tilespmem:$0x1C800] =	vst v63  }
0x34: {  	_ =	swait.ge [sflag:s29], $0x2000  }
0x35: {  	[sflag:s29] =	ssyncset.done $0x0  }
0x36: {  	s10 =	sor.u32 $0x480, s8;
	[sflag:s29] =	ssyncadd.s32 $0xFFFFE000  }
0x37: {  	[spmem:s2] =	stream.indirect.scatter.add.f32 [tilespmem:s20], [sflag:$0x6], $0x80, s10, s17, $0xb8;
	[tilespmem:$0x1C800] =	vst v63  }
0x38: {  	_ =	swait.ge [sflag:s30], $0x2000  }
0x39: {  	[sflag:s30] =	ssyncset.done $0x0  }
0x3a: {  	s13 =	sor.u32 $0x500, s8;
	[sflag:s30] =	ssyncadd.s32 $0xFFFFE000  }
0x3b: {  	[spmem:s2] =	stream.indirect.scatter.add.f32 [tilespmem:s22], [sflag:$0x7], $0x80, s13, s17, $0xb8;
	[tilespmem:$0x1C800] =	vst v63  }
0x3c: {  	_ =	swait.ge [sflag:s31], $0x2000  }
0x3d: {  	[sflag:s31] =	ssyncset.done $0x0  }
0x3e: {  	s14 =	sor.u32 $0x580, s8;
	[sflag:s31] =	ssyncadd.s32 $0xFFFFE000  }
0x3f: {  	[spmem:s2] =	stream.indirect.scatter.add.f32 [tilespmem:s24], [sflag:$0x8], $0x80, s14, s17, $0xb8;
	[tilespmem:$0x1C800] =	vst v63  }
0x40: {  	_ =	swait.ge [sflag:s0], $0x200  }
0x41: {  	[sflag:s0] =	ssyncset.done $0x0  }
0x42: {  	[sflag:s0] =	ssyncadd.s32 $0xFFFFFE00  }
0x43: {  	_ =	swait.ge [sflag:s0], $0x200  }
0x44: {  	[sflag:s0] =	ssyncset.done $0x0  }
0x45: {  	[sflag:s0] =	ssyncadd.s32 $0xFFFFFE00  }
0x46: {  	_ =	swait.ge [sflag:s1], $0x2000  }
0x47: {  	[sflag:s1] =	ssyncset.done $0x0  }
0x48: {  	s11 =	sxor.u32 $0x200, s8;
	[sflag:s1] =	ssyncadd.s32 $0xFFFFE000  }
0x49: {  	[tilespmem:s18], [sflag:$0x1] =	stream.indirect.gather [hbm4b:s4+s17], $0x80, s11, s17, $0xb8;
	[tilespmem:$0x1C800] =	vst v63  }
0x4a: {  	_ =	swait.ge [sflag:s16], $0x2000  }
0x4b: {  	[sflag:s16] =	ssyncset.done $0x0  }
0x4c: {  	s12 =	sxor.u32 $0x280, s8;
	[sflag:s16] =	ssyncadd.s32 $0xFFFFE000  }
0x4d: {  	[tilespmem:s20], [sflag:$0x2] =	stream.indirect.gather [hbm4b:s4+s17], $0x80, s12, s17, $0xb8;
	[tilespmem:$0x1C800] =	vst v63  }
0x4e: {  	_ =	swait.ge [sflag:s19], $0x2000  }
0x4f: {  	[sflag:s19] =	ssyncset.done $0x0  }
0x50: {  	s13 =	sxor.u32 $0x300, s8;
	[sflag:s19] =	ssyncadd.s32 $0xFFFFE000  }
0x51: {  	[tilespmem:s22], [sflag:$0x3] =	stream.indirect.gather [hbm4b:s4+s17], $0x80, s13, s17, $0xb8;
	[tilespmem:$0x1C800] =	vst v63  }
0x52: {  	s10 =	simm.s32 $0x1;
	s11 =	smin.u32 s3, $0x25;
	_ =	swait.ge [sflag:s21], $0x2000  }
0x53: {  	s14 =	sxor.u32 $0x380, s8;
	s12 =	sshll.u32 s11, $0x9;
	[sflag:s21] =	ssyncset.done $0x0  }
0x54: {  	s11 =	simm.s32 $0x0;
	s13 =	rddreg [dreg:$0x3];
	[sflag:s21] =	ssyncadd.s32 $0xFFFFE000  }
0x55: {  	[tilespmem:s24], [sflag:$0x4] =	stream.indirect.gather [hbm4b:s4+s17], $0x80, s14, s17, $0xb8;
	[tilespmem:$0x1C800] =	vst v63  }
.LBB2_2:
0x56: {  	s12 =	sadd.s32 s12, s13  }
0x57: {  	s13 =	sshrl.u32 s12, $0x3  }
0x58: {  	s14 =	sadd.s32 s5, s13  }
0x59: {  	[tilespmem:s8], [sflag:$0x9] =	stream.linear.gather [hbm4b:s14+s3], $0x200, $0x38;
	[tilespmem:$0x1C800] =	vst v63  }
0x5a: {  	s13 =	sadd.s32 s6, s13  }
0x5b: {  	[tilespmem:s9], [sflag:$0x9] =	stream.linear.gather [hbm4b:s13+s3], $0x200, $0x38;
	[tilespmem:$0x1C800] =	vst v63  }
0x5c: {  	s11 =	sadd.s32 $0x200, s11;
	_ =	swait.ge [sflag:s28], $0x2000  }
0x5d: {  	s8 =	sand.u32 $0x200, s11;
	[sflag:s28] =	ssyncset.done $0x0  }
0x5e: {  	s9 =	sor.u32 $0x400, s8;
	[sflag:s28] =	ssyncadd.s32 $0xFFFFE000  }
0x5f: {  	[spmem:s2] =	stream.indirect.scatter.add.f32 [tilespmem:s18], [sflag:$0x5], $0x80, s9, s17, $0xb8;
	[tilespmem:$0x1C800] =	vst v63  }
0x60: {  	_ =	swait.ge [sflag:s29], $0x2000  }
0x61: {  	[sflag:s29] =	ssyncset.done $0x0  }
0x62: {  	s14 =	sor.u32 $0x480, s8;
	[sflag:s29] =	ssyncadd.s32 $0xFFFFE000  }
0x63: {  	[spmem:s2] =	stream.indirect.scatter.add.f32 [tilespmem:s20], [sflag:$0x6], $0x80, s14, s17, $0xb8;
	[tilespmem:$0x1C800] =	vst v63  }
0x64: {  	_ =	swait.ge [sflag:s30], $0x2000  }
0x65: {  	[sflag:s30] =	ssyncset.done $0x0  }
0x66: {  	s14 =	sor.u32 $0x500, s8;
	[sflag:s30] =	ssyncadd.s32 $0xFFFFE000  }
0x67: {  	[spmem:s2] =	stream.indirect.scatter.add.f32 [tilespmem:s22], [sflag:$0x7], $0x80, s14, s17, $0xb8;
	[tilespmem:$0x1C800] =	vst v63  }
0x68: {  	_ =	swait.ge [sflag:s31], $0x2000  }
0x69: {  	[sflag:s31] =	ssyncset.done $0x0  }
0x6a: {  	s14 =	sor.u32 $0x580, s8;
	[sflag:s31] =	ssyncadd.s32 $0xFFFFE000  }
0x6b: {  	[spmem:s2] =	stream.indirect.scatter.add.f32 [tilespmem:s24], [sflag:$0x8], $0x80, s14, s17, $0xb8;
	[tilespmem:$0x1C800] =	vst v63  }
0x6c: {  	_ =	swait.ge [sflag:s0], $0x200  }
0x6d: {  	[sflag:s0] =	ssyncset.done $0x0  }
0x6e: {  	[sflag:s0] =	ssyncadd.s32 $0xFFFFFE00  }
0x6f: {  	_ =	swait.ge [sflag:s0], $0x200  }
0x70: {  	[sflag:s0] =	ssyncset.done $0x0  }
0x71: {  	[sflag:s0] =	ssyncadd.s32 $0xFFFFFE00  }
0x72: {  	_ =	swait.ge [sflag:s1], $0x2000  }
0x73: {  	[sflag:s1] =	ssyncset.done $0x0  }
0x74: {  	s14 =	sxor.u32 $0x200, s8;
	[sflag:s1] =	ssyncadd.s32 $0xFFFFE000  }
0x75: {  	[tilespmem:s18], [sflag:$0x1] =	stream.indirect.gather [hbm4b:s4+s17], $0x80, s14, s17, $0xb8;
	[tilespmem:$0x1C800] =	vst v63  }
0x76: {  	_ =	swait.ge [sflag:s16], $0x2000  }
0x77: {  	[sflag:s16] =	ssyncset.done $0x0  }
0x78: {  	s14 =	sxor.u32 $0x280, s8;
	[sflag:s16] =	ssyncadd.s32 $0xFFFFE000  }
0x79: {  	[tilespmem:s20], [sflag:$0x2] =	stream.indirect.gather [hbm4b:s4+s17], $0x80, s14, s17, $0xb8;
	[tilespmem:$0x1C800] =	vst v63  }
0x7a: {  	_ =	swait.ge [sflag:s19], $0x2000  }
0x7b: {  	[sflag:s19] =	ssyncset.done $0x0  }
0x7c: {  	p0 =	sne.s32 s10, $0x26;
	s14 =	sxor.u32 $0x300, s8;
	[sflag:s19] =	ssyncadd.s32 $0xFFFFE000  }
0x7d: {  	[tilespmem:s22], [sflag:$0x3] =	stream.indirect.gather [hbm4b:s4+s17], $0x80, s14, s17, $0xb8;
	[tilespmem:$0x1C800] =	vst v63  }
.Ltmp0:
0x7e: {  	s12 =	smov.u32 s10;
	(pc) =	sbr.rel @p0 .LBB2_2-.Ltmp0, $4  }
0x7f: {  	s12 =	smin.u32 s12, $0x25;
	_ =	swait.ge [sflag:s21], $0x2000  }
0x80: {  	s10 =	sadd.s32 $0x1, s10;
	s12 =	sshll.u32 s12, $0x9;
	[sflag:s21] =	ssyncset.done $0x0  }
0x81: {  	s14 =	sxor.u32 $0x380, s8;
	s13 =	rddreg [dreg:$0x3];
	[sflag:s21] =	ssyncadd.s32 $0xFFFFE000  }
0x82: {  	[tilespmem:s24], [sflag:$0x4] =	stream.indirect.gather [hbm4b:s4+s17], $0x80, s14, s17, $0xb8;
	[tilespmem:$0x1C800] =	vst v63  }
0x83: {  	s10 =	sadd.s32 s12, s13  }
0x84: {  	s10 =	sshrl.u32 s10, $0x3  }
0x85: {  	s11 =	sadd.s32 s5, s10  }
0x86: {  	[tilespmem:s8], [sflag:$0x9] =	stream.linear.gather [hbm4b:s11+s3], $0x200, $0x38;
	[tilespmem:$0x1C800] =	vst v63  }
0x87: {  	s10 =	sadd.s32 s6, s10  }
0x88: {  	[tilespmem:s9], [sflag:$0x9] =	stream.linear.gather [hbm4b:s10+s3], $0x200, $0x38;
	[tilespmem:$0x1C800] =	vst v63  }
0x89: {  	_ =	swait.ge [sflag:s28], $0x2000  }
0x8a: {  	[sflag:s28] =	ssyncset.done $0x0  }
0x8b: {  	[sflag:s28] =	ssyncadd.s32 $0xFFFFE000  }
0x8c: {  	[spmem:s2] =	stream.indirect.scatter.add.f32 [tilespmem:s18], [sflag:$0x5], $0x80, s26, s17, $0xb8;
	[tilespmem:$0x1C800] =	vst v63  }
0x8d: {  	_ =	swait.ge [sflag:s29], $0x2000  }
0x8e: {  	[sflag:s29] =	ssyncset.done $0x0  }
0x8f: {  	s11 =	simm.s32 $0x680;
	[sflag:s29] =	ssyncadd.s32 $0xFFFFE000  }
0x90: {  	[spmem:s2] =	stream.indirect.scatter.add.f32 [tilespmem:s20], [sflag:$0x6], $0x80, s11, s17, $0xb8;
	[tilespmem:$0x1C800] =	vst v63  }
0x91: {  	_ =	swait.ge [sflag:s30], $0x2000  }
0x92: {  	[sflag:s30] =	ssyncset.done $0x0  }
0x93: {  	s12 =	simm.s32 $0x700;
	[sflag:s30] =	ssyncadd.s32 $0xFFFFE000  }
0x94: {  	[spmem:s2] =	stream.indirect.scatter.add.f32 [tilespmem:s22], [sflag:$0x7], $0x80, s12, s17, $0xb8;
	[tilespmem:$0x1C800] =	vst v63  }
0x95: {  	_ =	swait.ge [sflag:s31], $0x2000  }
0x96: {  	[sflag:s31] =	ssyncset.done $0x0  }
0x97: {  	s13 =	simm.s32 $0x780;
	[sflag:s31] =	ssyncadd.s32 $0xFFFFE000  }
0x98: {  	[spmem:s2] =	stream.indirect.scatter.add.f32 [tilespmem:s24], [sflag:$0x8], $0x80, s13, s17, $0xb8;
	[tilespmem:$0x1C800] =	vst v63  }
0x99: {  	_ =	swait.ge [sflag:s0], $0x200  }
0x9a: {  	[sflag:s0] =	ssyncset.done $0x0  }
0x9b: {  	[sflag:s0] =	ssyncadd.s32 $0xFFFFFE00  }
0x9c: {  	_ =	swait.ge [sflag:s0], $0x200  }
0x9d: {  	[sflag:s0] =	ssyncset.done $0x0  }
0x9e: {  	[sflag:s0] =	ssyncadd.s32 $0xFFFFFE00  }
0x9f: {  	_ =	swait.ge [sflag:s1], $0x2000  }
0xa0: {  	[sflag:s1] =	ssyncset.done $0x0  }
0xa1: {  	[sflag:s1] =	ssyncadd.s32 $0xFFFFE000  }
0xa2: {  	_ =	swait.ge [sflag:s16], $0x2000  }
0xa3: {  	[sflag:s16] =	ssyncset.done $0x0  }
0xa4: {  	[sflag:s16] =	ssyncadd.s32 $0xFFFFE000  }
0xa5: {  	_ =	swait.ge [sflag:s19], $0x2000  }
0xa6: {  	[sflag:s19] =	ssyncset.done $0x0  }
0xa7: {  	[sflag:s19] =	ssyncadd.s32 $0xFFFFE000  }
0xa8: {  	_ =	swait.ge [sflag:s21], $0x2000  }
0xa9: {  	[sflag:s21] =	ssyncset.done $0x0  }
0xaa: {  	[sflag:s21] =	ssyncadd.s32 $0xFFFFE000  }
0xab: {  	[bflag:$0x0] =	sbarrier.arrive $0xFFFF  }
0xac: {  	s14 =	rddreg [dreg:$0xa]  }
0xad: {  	[hbm:s14], [sflag:s23] =	dma.local [spmem:s7], $0x2800  }
0xae: {  	_ =	swait.ge [sflag:s15], $0x2800  }
0xaf: {  	s25 =	sadd.s32 $0x1, s25;
	s23 =	rddreg [dreg:$0xb]  }
0xb0: {  	p0 =	sne.s32 s25, s23  }
.Ltmp1:
0xb1: {  	_ = 	snop;
	(pc) =	sbr.rel @p0 .LBB2_1-.Ltmp1, $3  }
0xb2: {  	_ =	sdelay $0x1  }
0xb3: {  	[sflag:s15] =	ssyncset.done $0x0  }
0xb4: {  	[sflag:s15] =	ssyncadd.s32 $0xFFFFD800  }
0xb5: {  	_ =	sfence.sel $0x180000  }
0xb6: {  	[bflag:$0x0] =	sbarrier.arrive $0xFFFF  }
0xb7: {  	_ =	strace $0x9000004D  }
0xb8: {  	s0 =	stileid.u32;
	[bflag:$0x2] =	sbarrier.arrive $0xFFFF  }
0xb9: {  	p0 =	sne.s32 s0, $0x0;
	s0 =	rddreg [dreg:$0x2]  }
0xba: {  	s0 =	sadd.s32 @!p0 $0x100000, s0  }
0xbb: {  	[sflag:s0] =	ssyncadd.tile.s32 @!p0 $0x1;
	_ =	shalt  }
.Lfunc_end2:
_tile_overlayer_lowered:
.L_overlay_start_2:
0xbc: {  	(tag) =	ssettag $0x2  }
0xbd: {  	s0 =	rddreg [dreg:$0x0];
	s2 =	stileid.u32  }
0xbe: {  	s1 =	rddreg [dreg:$0x1];
	p0 =	sne.s32 s2, $0x0  }
0xbf: {  	s3 =	rddreg [dreg:$0x2];
	[bflag:$0x3] =	sbarrier.arrive $0xFFFF;
	s2 =	simm.s32 @!p0 $0x1C0A  }
0xc0: {  	[timem:s3], [sflag:s2] =	dma.local @!p0 [hbm:s0], s1  }
0xc1: {  	s0 =	simm.s32 @!p0 $0xA  }
0xc2: {  	_ =	swait.ge @!p0 [sflag:s0], s1  }
0xc3: {  	s1 =	ssub.s32 @!p0 $0x0, s1;
	[sflag:s0] =	ssyncset.done @!p0 $0x0  }
0xc4: {  	[sflag:s0] =	ssyncadd.s32 @!p0 s1  }
0xc5: {  	[bflag:$0x3] =	sbarrier.arrive $0xFFFF  }
0xc6: {  	_ =	shalt  }

// kernel: kernel.9.cloned.1.call-start
scs
__scs_entry_jumppad:
0x0: {  	(pc) =	sbr.rel $0x88, $3  }
0x1: {  	(tag) =	ssettag $0x0;
	lr =	simm.s32 $0x1  }
0x2: {  	[smem:$0x3F96] =	sst lr;
	_ =	strace $0xD0000000  }
0x3: {  	_ = 	snop  }
0x4: {  	_ = 	snop  }
0x5: {  	_ = 	snop  }
0x6: {  	_ = 	snop  }
0x7: {  	_ = 	snop  }
__scs_overlays_trampoline_lowered:
0x8: {  	[smem:$0x3FA5] =	sst s0  }
0x9: {  	[smem:$0x3FA6] =	sst s1  }
0xa: {  	[smem:$0x3FA7] =	sst s2  }
0xb: {  	[smem:$0x3FA8] =	sst s3  }
0xc: {  	[smem:$0x3FA9] =	sst s4  }
0xd: {  	[smem:$0x3FAA] =	sst s5  }
0xe: {  	[smem:$0x3FAB] =	sst s6  }
0xf: {  	[smem:$0x3FAC] =	sst s7  }
0x10: {  	[smem:$0x3FAD] =	sst s8  }
0x11: {  	[smem:$0x3FAE] =	sst s9;
	s0 =	simm.s32 @!p0 $0x0  }
0x12: {  	s1 =	sld [smem:$0x3F94];
	s0 =	simm.s32 @p0 $0x1  }
0x13: {  	[smem:$0x3FAF] =	sst s0;
	s0 =	simm.s32 @!p1 $0x0  }
0x14: {  	s2 =	sld [smem:$0x3F93];
	s0 =	simm.s32 @p1 $0x1  }
0x15: {  	[smem:$0x3FB0] =	sst s0;
	s0 =	simm.s32 @!p2 $0x0  }
0x16: {  	s3 =	sld [smem:$0x3FDB];
	s0 =	simm.s32 @p2 $0x1  }
0x17: {  	s4 =	simm.s32 $0x1BF5;
	[smem:$0x3FB2] =	sst s0  }
0x18: {  	s0 =	sld [smem:$0x3F95];
	_ =	swait.ge [sflag:s4], $0x0  }
0x19: {  	s7 =	sld [smem:$0x3F96]  }
0x1a: {  	s8 =	sadd.s32 $0xFFFFE003, lr  }
0x1b: {  	s9 =	sadd.s32 $0xFFFFFEF7, lr;
	s5 =	simm.s32 $0xFFFFFFFF;
	p2 =	slt.u32 s8, $0xFFFFF086  }
0x1c: {  	p1 =	slt.u32 s9, $0xF7A;
	s5 =	simm.s32 @!p2 $0x0  }
0x1d: {  	s5 =	simm.s32 @p1 $0x1;
	p0 =	seq.s32 s7, s2  }
0x1e: {  	s7 =	smul.u32 @!p0 $0xF7A, s2;
	p2 =	seq.s32 @!p0 s5, $0x0  }
0x1f: {  	s9 =	smul.u32 $0xF7A, s1;
	s8 =	simm.s32 @!p0 $0x1BF5;
	p2 =	por !p2, p0  }
0x20: {  	[sflag:s8] =	ssyncset.s32 @!p0 $0xFFFFF086;
	s6 =	sadd.s32 @!p0 s3, s7;
	s7 =	simm.s32 @!p0 $0x108  }
0x21: {  	s3 =	sadd.s32 s3, s9;
	s6 =	sadd.s32 @!p0 $0x88, s6;
	s7 =	simm.s32 @p2 $0x1082  }
0x22: {  	[simem:s7], [sflag:s8] =	dma.local @!p0 [hbm:s6], $0xF7A  }
0x23: {  	s9 =	sor.u32 $0xD0000000, s2;
	s6 =	simm.s32 $0x108;
	_ =	swait.ge @!p0 [sflag:s8], $0x0  }
0x24: {  	s3 =	sadd.s32 $0x88, s3;
	s6 =	simm.s32 @!p1 $0x1082;
	[sflag:s4] =	ssyncset.s32 $0xFFFFF086  }
0x25: {  	[simem:s6], [sflag:s4] =	dma.local [hbm:s3], $0xF7A  }
0x26: {  	[smem:$0x3F96] =	sst s1;
	(tag) =	ssettag s2;
	_ =	strace s9  }
0x27: {  	s1 =	sld [smem:$0x3FA6]  }
0x28: {  	s2 =	sld [smem:$0x3FA7]  }
0x29: {  	s4 =	sld [smem:$0x3FA9]  }
0x2a: {  	p0 =	seq.s32 s5, $0x0;
	s5 =	sld [smem:$0x3FAA]  }
0x2b: {  	s6 =	sld [smem:$0x3FAB]  }
0x2c: {  	s7 =	sld [smem:$0x3FAC]  }
0x2d: {  	s3 =	simm.s32 $0x108;
	s8 =	sld [smem:$0x3FAD]  }
0x2e: {  	s3 =	simm.s32 @!p0 $0x1082;
	s9 =	sld [smem:$0x3FAE]  }
0x2f: {  	lr =	sadd.s32 s0, s3;
	s0 =	sld [smem:$0x3FA5]  }
0x30: {  	s3 =	sld [smem:$0x3FA8]  }
0x31: {  	[smem:$0x3FB1] =	sst s10  }
0x32: {  	s10 =	sld [smem:$0x3FAF];
	_ =	sdelay $0x3  }
0x33: {  	p0 =	seq.s32 s10, $0x1;
	s10 =	sld [smem:$0x3FB1];
	_ =	sdelay $0x3  }
0x34: {  	[smem:$0x3FB1] =	sst s10  }
0x35: {  	s10 =	sld [smem:$0x3FB0];
	_ =	sdelay $0x3  }
0x36: {  	p1 =	seq.s32 s10, $0x1;
	s10 =	sld [smem:$0x3FB1];
	_ =	sdelay $0x3  }
0x37: {  	[smem:$0x3FB1] =	sst s10  }
0x38: {  	s10 =	sld [smem:$0x3FB2]  }
0x39: {  	_ = 	snop;
	(pc) =	sbr.ind lr, $3  }
0x3a: {  	_ = 	snop  }
0x3b: {  	_ = 	snop  }
0x3c: {  	p2 =	seq.s32 s10, $0x1;
	s10 =	sld [smem:$0x3FB1]  }
0x3d: {  	_ =	shalt  }
0x3e: {  	_ =	shalt  }
0x3f: {  	_ =	shalt  }
0x40: {  	_ =	shalt  }
0x41: {  	_ =	shalt  }
0x42: {  	_ =	shalt  }
0x43: {  	_ =	shalt  }
0x44: {  	_ =	shalt  }
0x45: {  	_ =	shalt  }
0x46: {  	_ =	shalt  }
0x47: {  	_ =	shalt  }
0x48: {  	_ =	shalt  }
0x49: {  	_ =	shalt  }
0x4a: {  	_ =	shalt  }
0x4b: {  	_ =	shalt  }
0x4c: {  	_ =	shalt  }
0x4d: {  	_ =	shalt  }
0x4e: {  	_ =	shalt  }
0x4f: {  	_ =	shalt  }
0x50: {  	_ =	shalt  }
0x51: {  	_ =	shalt  }
0x52: {  	_ =	shalt  }
0x53: {  	_ =	shalt  }
0x54: {  	_ =	shalt  }
0x55: {  	_ =	shalt  }
0x56: {  	_ =	shalt  }
0x57: {  	_ =	shalt  }
0x58: {  	_ =	shalt  }
0x59: {  	_ =	shalt  }
0x5a: {  	_ =	shalt  }
0x5b: {  	_ =	shalt  }
0x5c: {  	_ =	shalt  }
0x5d: {  	_ =	shalt  }
0x5e: {  	_ =	shalt  }
0x5f: {  	_ =	shalt  }
0x60: {  	_ =	shalt  }
0x61: {  	_ =	shalt  }
0x62: {  	_ =	shalt  }
0x63: {  	_ =	shalt  }
0x64: {  	_ =	shalt  }
0x65: {  	_ =	shalt  }
0x66: {  	_ =	shalt  }
0x67: {  	_ =	shalt  }
0x68: {  	_ =	shalt  }
0x69: {  	_ =	shalt  }
0x6a: {  	_ =	shalt  }
0x6b: {  	_ =	shalt  }
0x6c: {  	_ =	shalt  }
0x6d: {  	_ =	shalt  }
0x6e: {  	_ =	shalt  }
0x6f: {  	_ =	shalt  }
0x70: {  	_ =	shalt  }
0x71: {  	_ =	shalt  }
0x72: {  	_ =	shalt  }
0x73: {  	_ =	shalt  }
0x74: {  	_ =	shalt  }
0x75: {  	_ =	shalt  }
0x76: {  	_ =	shalt  }
0x77: {  	_ =	shalt  }
0x78: {  	_ =	shalt  }
0x79: {  	_ =	shalt  }
0x7a: {  	_ =	shalt  }
0x7b: {  	_ =	shalt  }
0x7c: {  	_ =	shalt  }
0x7d: {  	_ =	shalt  }
0x7e: {  	_ =	shalt  }
0x7f: {  	_ =	shalt  }
0x80: {  	_ =	shalt  }
0x81: {  	_ =	shalt  }
0x82: {  	_ =	shalt  }
0x83: {  	_ =	shalt  }
0x84: {  	_ =	shalt  }
0x85: {  	_ =	shalt  }
0x86: {  	_ =	shalt  }
0x87: {  	_ =	shalt  }
.Lfunc_end0:
.L_simem_size_0:
called_computation_lowered:
.L_overlay_start_0:
0x88: {  	s2 =	sld [smem:$0x3FD9]  }
0x89: {  	s3 =	sld [smem:$0x3FFE];
	_ =	sdelay $0x1  }
0x8a: {  	s1 =	srdreg.scid  }
0x8b: {  	s0 =	sand.u32 $0x1, s1  }
0x8c: {  	s16 =	sshll.u32 s0, $0xA;
	s2 =	sadd.s32 s3, s2  }
0x8d: {  	s2 =	sadd.s32 s2, s16  }
0x8e: {  	[smem:$0x3FBD] =	sst s2  }
0x8f: {  	_ = 	snop  }
0x90: {  	(tm) =	ssettm $0x1  }
0x91: {  	s17 =	sld [smem:$0x3FFB];
	_ =	sdelay $0x3  }
0x92: {  	_ =	strace s17  }
0x93: {  	s2 =	sld [smem:$0x3FFC];
	_ =	sdelay $0x3  }
0x94: {  	_ =	strace s2  }
0x95: {  	s2 =	sld [smem:$0x3FFD];
	_ =	sdelay $0x3  }
0x96: {  	_ =	strace s2  }
0x97: {  	_ =	strace $0x8FFFFFFF  }
0x98: {  	s18 =	sld [smem:$0x3FDB];
	_ =	sdelay $0x1  }
0x99: {  	s19 =	simm.s32 $_scs_section_size  }
0x9a: {  	s4 =	simm.s32 $_size__tile_overlayer_lowered;
	s5 =	simm.s32 $_tile_overlayer_lowered  }
0x9b: {  	s22 =	simm.s32 $0x1BFF;
	s21 =	sshll.u32 s5, $0x1;
	s2 =	sadd.s32 s19, s18  }
0x9c: {  	s6 =	simm.s32 $0x0;
	s20 =	sshll.u32 s4, $0x1;
	s4 =	sadd.s32 s21, s2  }
0x9d: {  	[timem:s6], [sflag:s22] =	dma.local [hbm:s4], s20  }
0x9e: {  	_ =	swait.ge [sflag:s22], s20  }
0x9f: {  	s3 =	ssub.s32 $0x0, s20;
	[sflag:s22] =	ssyncset.done $0x0  }
0xa0: {  	[sflag:s22] =	ssyncadd.s32 s3;
	_ =	sdelay $0x1  }
0xa1: {  	s23 =	simm.s32 $0x1B8B  }
0xa2: {  	_ =	swait.ge [sflag:s23], $0x1  }
0xa3: {  	[sflag:s23] =	ssyncset.done $0x0  }
0xa4: {  	s25 =	simm.s32 $0x1B8E;
	s24 =	sld [smem:$0x3FFE];
	[sflag:s23] =	ssyncadd.s32 $0xFFFFFFFF  }
0xa5: {  	s26 =	simm.s32 $execute0_lowered;
	[smem:$0x3FD2] =	sst s25  }
0xa6: {  	s4 =	sshll.u32 s26, $0x1;
	_ =	strace $0x80000046;
	[dreg:$0x1] =	wrdreg $0xFFFFFFFF  }
0xa7: {  	s28 =	simm.s32 $_size_execute0_lowered;
	s2 =	sadd.s32 s2, s4;
	[dreg:$0x0] =	wrdreg $0x0  }
0xa8: {  	s4 =	sshll.u32 s28, $0x1;
	[dreg:$0x2] =	wrdreg s2  }
0xa9: {  	[dreg:$0x3] =	wrdreg s4  }
0xaa: {  	[dreg:$0x4] =	wrdreg $0xC0  }
0xab: {  	_ =	task [dreg:s6], $0x5FFFF  }
0xac: {  	[dreg:$0x1] =	wrdreg $0xFFFFFFFF  }
0xad: {  	[dreg:$0x0] =	wrdreg $0x60  }
0xae: {  	[dreg:$0x2] =	wrdreg s24  }
0xaf: {  	[dreg:$0x3] =	wrdreg $0x68000  }
0xb0: {  	[dreg:$0x4] =	wrdreg $0x9  }
0xb1: {  	_ =	task.clear_ibuf [dreg:s6], $0x5FFFF;
	_ =	strace $0x90000046  }
0xb2: {  	s29 =	simm.s32 $0x9;
	_ =	strace $0x80000048  }
0xb3: {  	_ =	swait.ge [sflag:s29], $0x1  }
0xb4: {  	[sflag:s29] =	ssyncadd.s32 $0xFFFFFFFF  }
0xb5: {  	_ =	strace $0x90000048  }
0xb6: {  	_ =	sfence  }
0xb7: {  	s30 =	sld [smem:$0x0];
	_ =	sdelay $0x2  }
0xb8: {  	s31 =	sshll.u32 s1, $0xD;
	s1 =	sshrl.u32 s1, $0x2  }
0xb9: {  	s3 =	sand.u32 $0x4000, s31;
	s1 =	sadd.s32 s1, s30  }
0xba: {  	s0 =	sor.u32 s3, s0;
	s1 =	sshll.u32 s1, $0x11  }
0xbb: {  	s0 =	sor.u32 s1, s0  }
0xbc: {  	s0 =	sadd.s32 $0x8F2B, s0  }
0xbd: {  	[sflag:s0] =	ssyncadd.remote.s32 $0x1  }
0xbe: {  	_ =	sfence.sel $0xFFFF  }
0xbf: {  	[dreg:$0x0] =	wrdreg $0xFFFFFFFF;
	(pc) =	sbr.abs _section_cstart, $3  }
0xc0: {  	[dreg:$0x1] =	wrdreg $0xFFFFFFFF  }
0xc1: {  	_ =	task.clear_ibuf [dreg:s6], $0x2FFFF;
	_ =	strace $0x9FFFFFFF  }
0xc2: {  	(tm) =	ssettm $0x7FFFFFFF  }
0xc3: {  	_ =	shalt  }
tec
execute0_lowered:
.L_overlay_start_1:
0x0: {  	(tag) =	ssettag $0x1  }
0x1: {  	s6 =	rddreg [dreg:$0x0]  }
0x2: {  	s0 =	srdreg.scid;
	s2 =	rddreg [dreg:$0x1]  }
0x3: {  	s3 =	simm.s32 $0x0;
	s14 =	simm.s32 $0x100;
	s15 =	simm.s32 $0x180  }
0x4: {  	s16 =	simm.s32 $0x200;
	s17 =	simm.s32 $0x280;
	s18 =	simm.s32 $0x300  }
0x5: {  	s19 =	simm.s32 $0x380;
	s5 =	sand.u32 $0x1, s0;
	s0 =	stileid.u32  }
0x6: {  	s20 =	simm.s32 $0x1;
	s21 =	simm.s32 $0x0;
	s7 =	smul.u32 $0x14000, s0  }
0x7: {  	[smem:$0x7FF] =	sst s3;
	s1 =	sshll.u32 s5, $0x4;
	s8 =	smul.u32 $0x140000, s5  }
0x8: {  	s5 =	ssub.s32 $0x2, s5;
	s28 =	smul.u32 $0x50000, s0;
	s1 =	sor.u32 s0, s1  }
0x9: {  	s31 =	sshll.u32 s0, $0x6;
	s29 =	sshrl.u32 s5, $0x1;
	s4 =	smul.u32 $0x500, s1  }
0xa: {  	s1 =	rddreg [dreg:$0x2];
	_ =	strace $0x80000047;
	s10 =	sshrl.u32 s7, $0x3  }
0xb: {  	s7 =	sadd.s32 s7, s8;
	s12 =	ssub.s32 s5, s29;
	s30 =	sshrl.u32 s28, $0x2  }
0xc: {  	s7 =	sshrl.u32 s7, $0x3;
	s10 =	sadd.s32 s10, s6;
	s13 =	sadd.s32 s30, s2  }
0xd: {  	s9 =	sadd.s32 s4, s6;
	s4 =	sadd.s32 $0x34800, s6;
	s11 =	sadd.s32 s7, s6  }
0xe: {  	s5 =	sadd.s32 $0xC800, s10;
	s6 =	sor.u32 $0x1C02, s31;
	s10 =	sshrl.u32 s13, $0x3  }
0xf: {  	s13 =	simm.s32 $0x80;
	s7 =	sadd.s32 $0x2800, s9;
	s8 =	sadd.s32 $0x35000, s11  }
0x10: {  	s9 =	smax.u32 s12, $0x1;
	s11 =	simm.s32 $0x2;
	s12 =	simm.s32 $0x2800  }
.LBB2_1:
0x11: {  	[spmem:s10], [sflag:s6] =	dma.local [hbm:s5], $0x2800  }
0x12: {  	_ =	swait.ge [sflag:s11], $0x2800  }
0x13: {  	[sflag:s11] =	ssyncset.done $0x0  }
0x14: {  	[sflag:s11] =	ssyncadd.s32 $0xFFFFD800  }
0x15: {  	[tilespmem:s3], [sflag:$0x2] =	stream.linear.gather [hbm4b:s7+s3], $0x2800, $0x38;
	[tilespmem:$0x1A800] =	vst v63  }
0x16: {  	_ =	swait.ge [sflag:s11], $0x2800  }
0x17: {  	[sflag:s11] =	ssyncset.done $0x0  }
0x18: {  	[sflag:s11] =	ssyncadd.s32 $0xFFFFD800  }
0x19: {  	[tilespmem:s12], [sflag:$0x2] =	stream.linear.gather [hbm4b:s4+s3], $0x4000, $0x38;
	[tilespmem:$0x1A800] =	vst v63  }
0x1a: {  	_ =	swait.ge [sflag:s11], $0x4000  }
0x1b: {  	[sflag:s11] =	ssyncset.done $0x0  }
0x1c: {  	[sflag:s11] =	ssyncadd.s32 $0xFFFFC000  }
0x1d: {  	[bflag:$0x0] =	sbarrier.arrive $0xFFFF  }
0x1e: {  	[spmem:s2] =	stream.indirect.scatter.add.f32 [tilespmem:s12], [sflag:$0x1], $0x80, s3, s13, $0xb8;
	[tilespmem:$0x1A800] =	vst v63  }
0x1f: {  	_ = 	snop  }
0x20: {  	[spmem:s2] =	stream.indirect.scatter.add.f32 [tilespmem:s12], [sflag:$0x1], $0x80, s13, s13, $0xb8;
	[tilespmem:$0x1A800] =	vst v63  }
0x21: {  	_ = 	snop  }
0x22: {  	[spmem:s2] =	stream.indirect.scatter.add.f32 [tilespmem:s12], [sflag:$0x1], $0x80, s14, s13, $0xb8;
	[tilespmem:$0x1A800] =	vst v63  }
0x23: {  	_ = 	snop  }
0x24: {  	[spmem:s2] =	stream.indirect.scatter.add.f32 [tilespmem:s12], [sflag:$0x1], $0x80, s15, s13, $0xb8;
	[tilespmem:$0x1A800] =	vst v63  }
0x25: {  	_ = 	snop  }
0x26: {  	[spmem:s2] =	stream.indirect.scatter.add.f32 [tilespmem:s12], [sflag:$0x1], $0x80, s16, s13, $0xb8;
	[tilespmem:$0x1A800] =	vst v63  }
0x27: {  	_ = 	snop  }
0x28: {  	[spmem:s2] =	stream.indirect.scatter.add.f32 [tilespmem:s12], [sflag:$0x1], $0x80, s17, s13, $0xb8;
	[tilespmem:$0x1A800] =	vst v63  }
0x29: {  	_ = 	snop  }
0x2a: {  	[spmem:s2] =	stream.indirect.scatter.add.f32 [tilespmem:s12], [sflag:$0x1], $0x80, s18, s13, $0xb8;
	[tilespmem:$0x1A800] =	vst v63  }
0x2b: {  	_ = 	snop  }
0x2c: {  	[spmem:s2] =	stream.indirect.scatter.add.f32 [tilespmem:s12], [sflag:$0x1], $0x80, s19, s13, $0xb8;
	[tilespmem:$0x1A800] =	vst v63  }
0x2d: {  	_ =	swait.ge [sflag:s20], $0x4000  }
0x2e: {  	[sflag:s20] =	ssyncset.done $0x0  }
0x2f: {  	s22 =	simm.s32 $0x1200;
	s23 =	simm.s32 $0x400;
	[sflag:s20] =	ssyncadd.s32 $0xFFFFC000  }
.LBB2_2:
0x30: {  	[spmem:s2] =	stream.indirect.scatter.add.f32 [tilespmem:s12], [sflag:$0x1], $0x80, s23, s13, $0xb8;
	[tilespmem:$0x1A800] =	vst v63  }
0x31: {  	s23 =	smov.u32 s22;
	p0 =	sne.s32 s22, $0x9E00  }
.Ltmp0:
0x32: {  	s22 =	sadd.s32 $0x200, s22;
	(pc) =	sbr.rel @p0 .LBB2_2-.Ltmp0, $4  }
0x33: {  	_ = 	snop  }
0x34: {  	_ =	swait.ge [sflag:s20], $0x4000  }
0x35: {  	[sflag:s20] =	ssyncset.done $0x0  }
0x36: {  	s23 =	sshra.s32 s23, $0x2;
	[sflag:s20] =	ssyncadd.s32 $0xFFFFC000  }
0x37: {  	[spmem:s2] =	stream.indirect.scatter.add.f32 [tilespmem:s12], [sflag:$0x1], $0x80, s23, s13, $0xb8;
	[tilespmem:$0x1A800] =	vst v63  }
0x38: {  	_ =	swait.ge [sflag:s20], $0x4000  }
0x39: {  	[sflag:s20] =	ssyncset.done $0x0  }
0x3a: {  	[sflag:s20] =	ssyncadd.s32 $0xFFFFC000  }
0x3b: {  	_ =	swait.ge [sflag:s20], $0x4000  }
0x3c: {  	[sflag:s20] =	ssyncset.done $0x0  }
0x3d: {  	[sflag:s20] =	ssyncadd.s32 $0xFFFFC000  }
0x3e: {  	_ =	swait.ge [sflag:s20], $0x4000  }
0x3f: {  	[sflag:s20] =	ssyncset.done $0x0  }
0x40: {  	[sflag:s20] =	ssyncadd.s32 $0xFFFFC000  }
0x41: {  	_ =	swait.ge [sflag:s20], $0x4000  }
0x42: {  	[sflag:s20] =	ssyncset.done $0x0  }
0x43: {  	[sflag:s20] =	ssyncadd.s32 $0xFFFFC000  }
0x44: {  	_ =	swait.ge [sflag:s20], $0x4000  }
0x45: {  	[sflag:s20] =	ssyncset.done $0x0  }
0x46: {  	[sflag:s20] =	ssyncadd.s32 $0xFFFFC000  }
0x47: {  	_ =	swait.ge [sflag:s20], $0x4000  }
0x48: {  	[sflag:s20] =	ssyncset.done $0x0  }
0x49: {  	[sflag:s20] =	ssyncadd.s32 $0xFFFFC000  }
0x4a: {  	_ =	swait.ge [sflag:s20], $0x4000  }
0x4b: {  	[sflag:s20] =	ssyncset.done $0x0  }
0x4c: {  	[sflag:s20] =	ssyncadd.s32 $0xFFFFC000  }
0x4d: {  	_ =	swait.ge [sflag:s20], $0x4000  }
0x4e: {  	s21 =	sadd.s32 $0x1, s21;
	[sflag:s20] =	ssyncset.done $0x0  }
0x4f: {  	p0 =	sne.s32 s21, s9;
	[sflag:s20] =	ssyncadd.s32 $0xFFFFC000  }
.Ltmp1:
0x50: {  	[bflag:$0x0] =	sbarrier.arrive $0xFFFF;
	(pc) =	sbr.rel @p0 .LBB2_1-.Ltmp1, $4  }
0x51: {  	[hbm:s8], [sflag:s6] =	dma.local [spmem:s10], $0x2800  }
0x52: {  	_ =	swait.ge [sflag:s11], $0x2800  }
0x53: {  	[sflag:s11] =	ssyncset.done $0x0  }
0x54: {  	[sflag:s11] =	ssyncadd.s32 $0xFFFFD800  }
0x55: {  	_ =	sfence.sel $0x180000  }
0x56: {  	[bflag:$0x0] =	sbarrier.arrive $0xFFFF  }
0x57: {  	p0 =	sne.s32 s0, $0x0;
	_ =	strace $0x90000047  }
0x58: {  	s0 =	sadd.s32 @!p0 $0x100000, s1;
	[bflag:$0x2] =	sbarrier.arrive $0xFFFF  }
0x59: {  	[sflag:s0] =	ssyncadd.tile.s32 @!p0 $0x1;
	_ =	shalt  }
.Lfunc_end2:
_tile_overlayer_lowered:
.L_overlay_start_2:
0x5a: {  	(tag) =	ssettag $0x2  }
0x5b: {  	s0 =	rddreg [dreg:$0x0];
	s2 =	stileid.u32  }
0x5c: {  	s1 =	rddreg [dreg:$0x1];
	p0 =	sne.s32 s2, $0x0  }
0x5d: {  	s3 =	rddreg [dreg:$0x2];
	[bflag:$0x3] =	sbarrier.arrive $0xFFFF;
	s2 =	simm.s32 @!p0 $0x1C02  }
0x5e: {  	[timem:s3], [sflag:s2] =	dma.local @!p0 [hbm:s0], s1  }
0x5f: {  	s0 =	simm.s32 @!p0 $0x2  }
0x60: {  	_ =	swait.ge @!p0 [sflag:s0], s1  }
0x61: {  	s1 =	ssub.s32 @!p0 $0x0, s1;
	[sflag:s0] =	ssyncset.done @!p0 $0x0  }
0x62: {  	[sflag:s0] =	ssyncadd.s32 @!p0 s1  }
0x63: {  	[bflag:$0x3] =	sbarrier.arrive $0xFFFF  }
0x64: {  	_ =	shalt  }

</sc_bundles>
